<compile_context>
chip_gen: v7x
topology: tpu7x:2x2x1
jax: 0.10.2.dev20260603
libtpu: 0.0.44.dev20260713+nightly
codegen_flags: <defaults>
</compile_context>

<pallas_src>
import functools

import jax
import jax.numpy as jnp
from jax import lax
from jax.experimental import pallas as pl
from jax.experimental.pallas import tpu as pltpu
from jax.experimental.pallas import tpu_sc as plsc

_N = 10000
_E = 320000
_D = 128
_G = 64

_NS = 16
_EPT = _E // _NS
_CH = 80
_GC = 25
_NG = _EPT // (_CH * _GC)
_NPAD = 10112
_RPW = _NPAD // _NS


def _edge_agg_body(h_hbm, src_hbm, dst_hbm, out_hbm,
                   src_v, dst_v, buf_a, buf_b, buf_c, acc,
                   sem_a, sem_b, sem_c):
    sid = lax.axis_index("s")

    @pl.loop(0, _CH)
    def _zrow(r):
        @pl.loop(0, _D, step=16)
        def _zcol(c):
            buf_a[r, pl.ds(c, 16)] = jnp.zeros((16,), jnp.float32)

    @pl.loop(0, _RPW // _CH)
    def _zcopy(i):
        pltpu.sync_copy(buf_a, acc.at[pl.ds(sid * _RPW + i * _CH, _CH)])

    pltpu.sync_copy(
        buf_a.at[pl.ds(0, _RPW % _CH)],
        acc.at[pl.ds(sid * _RPW + (_RPW // _CH) * _CH, _RPW % _CH)])

    plsc.subcore_barrier()

    def _start(c, buf, sem):
        pltpu.async_copy(h_hbm.at[src_v.at[c]], buf, sem)

    def _wait(buf, sem):
        pltpu.make_async_copy(h_hbm.at[src_v.at[0]], buf, sem).wait()

    def _scat(c, buf):
        pltpu.sync_copy(buf, acc.at[dst_v.at[c]], add=True)

    @pl.loop(0, _NG)
    def _group(g):
        pltpu.sync_copy(src_hbm.at[sid, g], src_v)
        pltpu.sync_copy(dst_hbm.at[sid, g], dst_v)

        _start(0, buf_a, sem_a)
        _start(1, buf_b, sem_b)

        @pl.loop(0, _GC - 6, step=3)
        def _trip(c):
            _start(c + 2, buf_c, sem_c)
            _wait(buf_a, sem_a)
            _scat(c, buf_a)
            _start(c + 3, buf_a, sem_a)
            _wait(buf_b, sem_b)
            _scat(c + 1, buf_b)
            _start(c + 4, buf_b, sem_b)
            _wait(buf_c, sem_c)
            _scat(c + 2, buf_c)

        _start(_GC - 2, buf_c, sem_c)
        _wait(buf_a, sem_a)
        _scat(_GC - 4, buf_a)
        _start(_GC - 1, buf_a, sem_a)
        _wait(buf_b, sem_b)
        _scat(_GC - 3, buf_b)
        _wait(buf_c, sem_c)
        _scat(_GC - 2, buf_c)
        _wait(buf_a, sem_a)
        _scat(_GC - 1, buf_a)

    plsc.subcore_barrier()

    pltpu.sync_copy(acc.at[pl.ds(sid * _RPW, _RPW)],
                    out_hbm.at[pl.ds(sid * _RPW, _RPW)])


@functools.cache
def _edge_agg_kernel():
    mesh = plsc.VectorSubcoreMesh(core_axis_name="c", subcore_axis_name="s",
                                  num_cores=1, num_subcores=_NS)
    return pl.kernel(
        _edge_agg_body,
        out_type=jax.ShapeDtypeStruct((_NPAD, _D), jnp.float32),
        mesh=mesh,
        scratch_types=[
            pltpu.VMEM((_GC, _CH), jnp.int32),
            pltpu.VMEM((_GC, _CH), jnp.int32),
            pltpu.VMEM((_CH, _D), jnp.float32),
            pltpu.VMEM((_CH, _D), jnp.float32),
            pltpu.VMEM((_CH, _D), jnp.float32),
            pltpu.VMEM_SHARED((_NPAD, _D), jnp.float32),
            pltpu.SemaphoreType.DMA,
            pltpu.SemaphoreType.DMA,
            pltpu.SemaphoreType.DMA,
        ],
    )


def _edge_agg(h, src4, dst4):
    return _edge_agg_kernel()(h, src4, dst4)


def _dot(a, b):
    return lax.dot_general(a, b, (((1,), (0,)), ((), ())),
                           precision=lax.Precision.DEFAULT,
                           preferred_element_type=jnp.float32)


def _gin_math(x_ref, agg_ref, wa_ref, ba_ref, g_ref, be_ref, wb_ref, bb_ref):
    h0 = x_ref[...] + agg_ref[:_N, :]
    t = _dot(h0, wa_ref[...]) + ba_ref[...]
    m = jnp.mean(t, axis=0, keepdims=True)
    tc = t - m
    v = jnp.mean(tc * tc, axis=0, keepdims=True)
    t = tc * lax.rsqrt(v + 1e-5) * g_ref[...] + be_ref[...]
    t = jnp.maximum(t, 0.0)
    return _dot(t, wb_ref[...]) + bb_ref[...]


def _gin_dense_body(tanh, x_ref, agg_ref, wa_ref, ba_ref, g_ref, be_ref,
                    wb_ref, bb_ref, o_ref):
    h1 = _gin_math(x_ref, agg_ref, wa_ref, ba_ref, g_ref, be_ref,
                   wb_ref, bb_ref)
    if tanh:
        h1 = jnp.tanh(h1)
    o_ref[...] = jnp.maximum(h1, 0.0)


def _gin_dense(x, agg, wa, ba, g, be, wb, bb, tanh):
    return pl.pallas_call(
        functools.partial(_gin_dense_body, tanh),
        out_shape=jax.ShapeDtypeStruct((_N, _D), jnp.float32),
    )(x, agg, wa, ba, g, be, wb, bb)


def _final_body(x_ref, agg_ref, wa_ref, ba_ref, g_ref, be_ref, wb_ref,
                bb_ref, batch_ref, wh1_ref, bh1_ref, wh2_ref, bh2_ref,
                o_ref):
    h1 = jnp.tanh(_gin_math(x_ref, agg_ref, wa_ref, ba_ref, g_ref, be_ref,
                            wb_ref, bb_ref))
    seg = lax.broadcasted_iota(jnp.int32, (_N, _G), 1)
    onehot = (batch_ref[...] == seg).astype(jnp.float32)
    sums = lax.dot_general(onehot, h1, (((0,), (0,)), ((), ())),
                           precision=lax.Precision.DEFAULT,
                           preferred_element_type=jnp.float32)
    cnt = jnp.sum(onehot, axis=0)
    pooled = sums / jnp.maximum(cnt, 1.0)[:, None]
    p = jnp.maximum(_dot(pooled, wh1_ref[...]) + bh1_ref[...], 0.0)
    o_ref[...] = _dot(p, wh2_ref[...]) + bh2_ref[...]


def _final(x, agg, wa, ba, g, be, wb, bb, batch2d, wh1, bh1, wh2, bh2):
    return pl.pallas_call(
        _final_body,
        out_shape=jax.ShapeDtypeStruct((_G, wh2.shape[1]), jnp.float32),
    )(x, agg, wa, ba, g, be, wb, bb, batch2d, wh1, bh1, wh2, bh2)


def kernel(x, edge_index, batch, W1a, b1a, g1, be1, W1b, b1b, W2a, b2a, g2,
           be2, W2b, b2b, W3a, b3a, g3, be3, W3b, b3b, Wh1, bh1, Wh2, bh2):
    src4 = edge_index[0].reshape(_NS, _NG, _GC, _CH)
    dst4 = edge_index[1].reshape(_NS, _NG, _GC, _CH)
    batch2d = batch.reshape(_N, 1)

    agg = _edge_agg(x, src4, dst4)
    h = _gin_dense(x, agg, W1a, b1a, g1, be1, W1b, b1b, False)
    agg = _edge_agg(h, src4, dst4)
    h = _gin_dense(h, agg, W2a, b2a, g2, be2, W2b, b2b, True)
    agg = _edge_agg(h, src4, dst4)
    return _final(h, agg, W3a, b3a, g3, be3, W3b, b3b, batch2d,
                  Wh1, bh1, Wh2, bh2)

# --- scband reference (transcript-rebuilt; emitter-appended) ---
"""Pipeline reference for scband-graph-encoder-31147102830955 (READ-ONLY COPY).

The authoritative reference and input builder live on the scoring server;
editing this copy changes nothing except your own understanding.
"""

import jax, jax.numpy as jnp
import numpy as np

N = 10000
E = 320000
D = 128
H = 128
NHID = 256
NOUT = 128
G = 64


def _lin_init(key, fan_in, fan_out):
    k1, k2 = jax.random.split(key)
    bound = 1.0 / np.sqrt(fan_in)
    W = jax.random.uniform(k1, (fan_in, fan_out), minval=-bound, maxval=bound, dtype=jnp.float32)
    b = jax.random.uniform(k2, (fan_out,), minval=-bound, maxval=bound, dtype=jnp.float32)
    return W, b


def setup_inputs(seed: int = 0):
    key = jax.random.key(seed)
    ks = jax.random.split(key, 16)
    x = jax.random.normal(ks[0], (N, D), dtype=jnp.float32)
    edge_index = jax.random.randint(ks[1], (2, E), 0, N, dtype=jnp.int32)
    batch = jnp.sort(jax.random.randint(ks[2], (N,), 0, G, dtype=jnp.int32))
    W1a, b1a = _lin_init(ks[3], D, H)
    g1 = jnp.ones((H,), jnp.float32); be1 = jnp.zeros((H,), jnp.float32)
    W1b, b1b = _lin_init(ks[4], H, H)
    W2a, b2a = _lin_init(ks[5], H, H)
    g2 = jnp.ones((H,), jnp.float32); be2 = jnp.zeros((H,), jnp.float32)
    W2b, b2b = _lin_init(ks[6], H, H)
    W3a, b3a = _lin_init(ks[7], H, H)
    g3 = jnp.ones((H,), jnp.float32); be3 = jnp.zeros((H,), jnp.float32)
    W3b, b3b = _lin_init(ks[8], H, H)
    Wh1, bh1 = _lin_init(ks[9], H, NHID)
    Wh2, bh2 = _lin_init(ks[10], NHID, NOUT)
    return {"x": x, "edge_index": edge_index, "batch": batch,
            "W1a": W1a, "b1a": b1a, "g1": g1, "be1": be1, "W1b": W1b, "b1b": b1b,
            "W2a": W2a, "b2a": b2a, "g2": g2, "be2": be2, "W2b": W2b, "b2b": b2b,
            "W3a": W3a, "b3a": b3a, "g3": g3, "be3": be3, "W3b": W3b, "b3b": b3b,
            "Wh1": Wh1, "bh1": bh1, "Wh2": Wh2, "bh2": bh2}


def _bn(h, g, b):
    m = jnp.mean(h, axis=0)
    v = jnp.var(h, axis=0)
    return (h - m) / jnp.sqrt(v + 1e-5) * g + b


def _gin(x, edge_index, Wa, ba, g, be, Wb, bb, tanh):
    src = edge_index[0]
    dst = edge_index[1]
    agg = jnp.zeros(x.shape, x.dtype).at[dst].add(x[src])
    h = x + agg  # GIN with eps=0: (1+eps)*x + sum_j x_j
    h = h @ Wa + ba
    h = _bn(h, g, be)
    h = jnp.maximum(h, 0.0)
    h = h @ Wb + bb
    if tanh:
        h = jnp.tanh(h)
    return h


def reference(x, edge_index, batch, W1a, b1a, g1, be1, W1b, b1b, W2a, b2a, g2, be2, W2b, b2b, W3a, b3a, g3, be3, W3b, b3b, Wh1, bh1, Wh2, bh2):
    h = _gin(x, edge_index, W1a, b1a, g1, be1, W1b, b1b, False)
    h = jnp.maximum(h, 0.0)  # dropout is identity in eval
    h = _gin(h, edge_index, W2a, b2a, g2, be2, W2b, b2b, True)
    h = jnp.maximum(h, 0.0)
    h = _gin(h, edge_index, W3a, b3a, g3, be3, W3b, b3b, True)
    sums = jax.ops.segment_sum(h, batch, num_segments=G)
    cnt = jax.ops.segment_sum(jnp.ones((h.shape[0],), h.dtype), batch, num_segments=G)
    pooled = sums / jnp.maximum(cnt, 1.0)[:, None]
    h = jnp.maximum(pooled @ Wh1 + bh1, 0.0)
    out = h @ Wh2 + bh2
    return out

if __name__ == "__main__":
    import jax
    _d = setup_inputs()
    print(jax.jit(kernel)(*tuple(_d.values())))

</pallas_src>

<mosaic_0001>
#map = affine_map<(d0, d1) -> (0, 0)>
#map1 = affine_map<(d0, d1) -> (0, 0, 0, 0)>
module attributes {stable_mosaic.version = 14 : i64} {
  func.func @_edge_agg_body(%arg0: i32, %arg1: i32, %arg2: memref<10000x128xf32, #tpu.memory_space<hbm>>, %arg3: memref<16x10x25x80xi32, #tpu.memory_space<hbm>>, %arg4: memref<16x10x25x80xi32, #tpu.memory_space<hbm>>, %arg5: memref<10112x128xf32, #tpu.memory_space<hbm>>, %arg6: memref<25x80xi32, #tpu.memory_space<vmem>>, %arg7: memref<25x80xi32, #tpu.memory_space<vmem>>, %arg8: memref<80x128xf32, #tpu.memory_space<vmem>>, %arg9: memref<80x128xf32, #tpu.memory_space<vmem>>, %arg10: memref<80x128xf32, #tpu.memory_space<vmem>>, %arg11: memref<10112x128xf32, #tpu.memory_space<vmem_shared>>, %arg12: memref<!tpu.dma_semaphore, #tpu.memory_space<semaphore_mem>>, %arg13: memref<!tpu.dma_semaphore, #tpu.memory_space<semaphore_mem>>, %arg14: memref<!tpu.dma_semaphore, #tpu.memory_space<semaphore_mem>>) attributes {dimension_semantics = [#tpu.dimension_semantics<core_parallel>, #tpu.dimension_semantics<subcore_parallel>], iteration_bounds = array<i64: 1, 16>, scalar_prefetch = 0 : i64, scratch_operands = 9 : i64, tpu.core_type = #tpu.core_type<sc_vector_subcore>, window_params = [{transform_indices = #map}, {transform_indices = #map1}, {transform_indices = #map1}, {transform_indices = #map}]} {
    %scan3A = arith.constant 0 : i32
    %scan3A_0 = arith.constant 80 : i32
    %scan3A_1 = arith.addi %scan3A, %scan3A_0 : i32
    %scan3A_2 = arith.constant 1 : i32
    scf.for %scan3A_21 = %scan3A to %scan3A_1 step %scan3A_2  : i32 {
      %mul3A_22 = arith.constant 1 : i32
      %mul3A_23 = arith.muli %scan3A_21, %mul3A_22 : i32
      %add3A_24 = arith.constant 0 : i32
      %add3A_25 = arith.addi %add3A_24, %mul3A_23 : i32
      %scan3A_26 = arith.constant 0 : i32
      %scan3A_27 = arith.constant 8 : i32
      %scan3A_28 = arith.addi %scan3A_26, %scan3A_27 : i32
      %scan3A_29 = arith.constant 1 : i32
      scf.for %scan3A_31 = %scan3A_26 to %scan3A_28 step %scan3A_29  : i32 {
        %mul3A_32 = arith.constant 16 : i32
        %mul3A_33 = arith.muli %scan3A_31, %mul3A_32 : i32
        %add3A_34 = arith.constant 0 : i32
        %add3A_35 = arith.addi %add3A_34, %mul3A_33 : i32
        %broadcast_in_dim3A = arith.constant 0.000000e+00 : f32
        %broadcast_in_dim3A_36 = vector.broadcast %broadcast_in_dim3A : f32 to vector<16xf32>
        %swap3A = arith.index_cast %add3A_25 : i32 to index
        %swap3A_37 = arith.index_cast %add3A_35 : i32 to index
        %swap3A_38 = tpu.vector_load %arg8[%swap3A, %swap3A_37] {strides = array<i32>} : memref<80x128xf32, #tpu.memory_space<vmem>>, vector<1x16xf32>,
        %swap3A_39 = vector.shape_cast %swap3A_38 : vector<1x16xf32> to vector<16xf32>
        %swap3A_40 = vector.shape_cast %broadcast_in_dim3A_36 : vector<16xf32> to vector<1x16xf32>
        tpu.vector_store %arg8[%swap3A, %swap3A_37], %swap3A_40 {strides = array<i32>} : memref<80x128xf32, #tpu.memory_space<vmem>>, vector<1x16xf32>,
      }
      %scan3A_30 = arith.constant 8 : i32
    }
    %scan3A_3 = arith.constant 80 : i32
    %scan3A_4 = arith.constant 0 : i32
    %scan3A_5 = arith.constant 7 : i32
    %scan3A_6 = arith.addi %scan3A_4, %scan3A_5 : i32
    %scan3A_7 = arith.constant 1 : i32
    scf.for %scan3A_21 = %scan3A_4 to %scan3A_6 step %scan3A_7  : i32 {
      %mul3A_22 = arith.constant 1 : i32
      %mul3A_23 = arith.muli %scan3A_21, %mul3A_22 : i32
      %add3A_24 = arith.constant 0 : i32
      %add3A_25 = arith.addi %add3A_24, %mul3A_23 : i32
      %mul3A_26 = arith.constant 632 : i32
      %mul3A_27 = arith.muli %arg1, %mul3A_26 : i32
      %mul3A_28 = arith.constant 80 : i32
      %mul3A_29 = arith.muli %add3A_25, %mul3A_28 : i32
      %add3A_30 = arith.addi %mul3A_27, %mul3A_29 : i32
      "tpu.region"() ({
        %run_scoped3A = tpu.sem_alloc : memref<!tpu.dma_semaphore, #tpu.memory_space<semaphore_mem>>
        %dma_start3A = arith.constant 0 : i32
        %dma_start3A_31 = tpu.memref_slice %arg11[%add3A_30, %dma_start3A] : memref<10112x128xf32, #tpu.memory_space<vmem_shared>> -> memref<80x128xf32, #tpu.memory_space<vmem_shared>>
        %dma_start3A_32 = arith.constant 0 : i32
        %dma_start3A_33 = tpu.memref_slice %arg11[%add3A_30, %dma_start3A_32] : memref<10112x128xf32, #tpu.memory_space<vmem_shared>> -> memref<80x128xf32, #tpu.memory_space<vmem_shared>>
        tpu.enqueue_dma source(%arg8 : memref<80x128xf32, #tpu.memory_space<vmem>>) target(%dma_start3A_33 : memref<80x128xf32, #tpu.memory_space<vmem_shared>>) target_semaphore(%run_scoped3A : memref<!tpu.dma_semaphore, #tpu.memory_space<semaphore_mem>>)
        %dma_wait3A = arith.constant 0 : i32
        %dma_wait3A_34 = tpu.memref_slice %arg11[%add3A_30, %dma_wait3A] : memref<10112x128xf32, #tpu.memory_space<vmem_shared>> -> memref<80x128xf32, #tpu.memory_space<vmem_shared>>
        %dma_wait3A_35 = arith.constant 0 : i32
        %dma_wait3A_36 = tpu.memref_slice %arg11[%add3A_30, %dma_wait3A_35] : memref<10112x128xf32, #tpu.memory_space<vmem_shared>> -> memref<80x128xf32, #tpu.memory_space<vmem_shared>>
        tpu.wait_dma2 semaphore(%run_scoped3A : memref<!tpu.dma_semaphore, #tpu.memory_space<semaphore_mem>>) src(%arg8 : memref<80x128xf32, #tpu.memory_space<vmem>>) dst(%dma_wait3A_36 : memref<80x128xf32, #tpu.memory_space<vmem_shared>>)
        tpu.yield
      }) : () -> ()
    }
    %scan3A_8 = arith.constant 7 : i32
    %mul3A = arith.constant 632 : i32
    %mul3A_9 = arith.muli %arg1, %mul3A : i32
    %add3A = arith.constant 560 : i32
    %add3A_10 = arith.addi %mul3A_9, %add3A : i32
    "tpu.region"() ({
      %run_scoped3A = tpu.sem_alloc : memref<!tpu.dma_semaphore, #tpu.memory_space<semaphore_mem>>
      %dma_start3A = arith.constant 0 : i32
      %dma_start3A_21 = arith.constant 0 : i32
      %dma_start3A_22 = tpu.memref_slice %arg8[%dma_start3A, %dma_start3A_21] : memref<80x128xf32, #tpu.memory_space<vmem>> -> memref<72x128xf32, #tpu.memory_space<vmem>>
      %dma_start3A_23 = arith.constant 0 : i32
      %dma_start3A_24 = tpu.memref_slice %arg11[%add3A_10, %dma_start3A_23] : memref<10112x128xf32, #tpu.memory_space<vmem_shared>> -> memref<72x128xf32, #tpu.memory_space<vmem_shared>>
      %dma_start3A_25 = arith.constant 0 : i32
      %dma_start3A_26 = tpu.memref_slice %arg11[%add3A_10, %dma_start3A_25] : memref<10112x128xf32, #tpu.memory_space<vmem_shared>> -> memref<72x128xf32, #tpu.memory_space<vmem_shared>>
      %dma_start3A_27 = arith.constant 0 : i32
      %dma_start3A_28 = arith.constant 0 : i32
      %dma_start3A_29 = tpu.memref_slice %arg8[%dma_start3A_27, %dma_start3A_28] : memref<80x128xf32, #tpu.memory_space<vmem>> -> memref<72x128xf32, #tpu.memory_space<vmem>>
      tpu.enqueue_dma source(%dma_start3A_29 : memref<72x128xf32, #tpu.memory_space<vmem>>) target(%dma_start3A_26 : memref<72x128xf32, #tpu.memory_space<vmem_shared>>) target_semaphore(%run_scoped3A : memref<!tpu.dma_semaphore, #tpu.memory_space<semaphore_mem>>)
      %dma_wait3A = arith.constant 0 : i32
      %dma_wait3A_30 = arith.constant 0 : i32
      %dma_wait3A_31 = tpu.memref_slice %arg8[%dma_wait3A, %dma_wait3A_30] : memref<80x128xf32, #tpu.memory_space<vmem>> -> memref<72x128xf32, #tpu.memory_space<vmem>>
      %dma_wait3A_32 = arith.constant 0 : i32
      %dma_wait3A_33 = tpu.memref_slice %arg11[%add3A_10, %dma_wait3A_32] : memref<10112x128xf32, #tpu.memory_space<vmem_shared>> -> memref<72x128xf32, #tpu.memory_space<vmem_shared>>
      %dma_wait3A_34 = arith.constant 0 : i32
      %dma_wait3A_35 = tpu.memref_slice %arg11[%add3A_10, %dma_wait3A_34] : memref<10112x128xf32, #tpu.memory_space<vmem_shared>> -> memref<72x128xf32, #tpu.memory_space<vmem_shared>>
      %dma_wait3A_36 = arith.constant 0 : i32
      %dma_wait3A_37 = arith.constant 0 : i32
      %dma_wait3A_38 = tpu.memref_slice %arg8[%dma_wait3A_36, %dma_wait3A_37] : memref<80x128xf32, #tpu.memory_space<vmem>> -> memref<72x128xf32, #tpu.memory_space<vmem>>
      tpu.wait_dma2 semaphore(%run_scoped3A : memref<!tpu.dma_semaphore, #tpu.memory_space<semaphore_mem>>) src(%dma_wait3A_38 : memref<72x128xf32, #tpu.memory_space<vmem>>) dst(%dma_wait3A_35 : memref<72x128xf32, #tpu.memory_space<vmem_shared>>)
      tpu.yield
    }) : () -> ()
    %barrier3A = arith.constant 0 : index
    tpu.barrier barrier_id(%barrier3A)
    %scan3A_11 = arith.constant 0 : i32
    %scan3A_12 = arith.constant 10 : i32
    %scan3A_13 = arith.addi %scan3A_11, %scan3A_12 : i32
    %scan3A_14 = arith.constant 1 : i32
    scf.for %scan3A_21 = %scan3A_11 to %scan3A_13 step %scan3A_14  : i32 {
      %mul3A_22 = arith.constant 1 : i32
      %mul3A_23 = arith.muli %scan3A_21, %mul3A_22 : i32
      %add3A_24 = arith.constant 0 : i32
      %add3A_25 = arith.addi %add3A_24, %mul3A_23 : i32
      "tpu.region"() ({
        %run_scoped3A_88 = tpu.sem_alloc : memref<!tpu.dma_semaphore, #tpu.memory_space<semaphore_mem>>
        %dma_start3A_89 = arith.constant 0 : i32
        %dma_start3A_90 = arith.constant 0 : i32
        %dma_start3A_91 = tpu.memref_slice %arg3[%arg1, %add3A_25, %dma_start3A_89, %dma_start3A_90] : memref<16x10x25x80xi32, #tpu.memory_space<hbm>> -> memref<1x1x25x80xi32, #tpu.memory_space<hbm>>
        %dma_start3A_92 = tpu.memref_squeeze %dma_start3A_91 : memref<1x1x25x80xi32, #tpu.memory_space<hbm>> -> memref<25x80xi32, #tpu.memory_space<hbm>>
        %dma_start3A_93 = arith.constant 0 : i32
        %dma_start3A_94 = arith.constant 0 : i32
        %dma_start3A_95 = tpu.memref_slice %arg3[%arg1, %add3A_25, %dma_start3A_93, %dma_start3A_94] : memref<16x10x25x80xi32, #tpu.memory_space<hbm>> -> memref<1x1x25x80xi32, #tpu.memory_space<hbm>>
        %dma_start3A_96 = tpu.memref_squeeze %dma_start3A_95 : memref<1x1x25x80xi32, #tpu.memory_space<hbm>> -> memref<25x80xi32, #tpu.memory_space<hbm>>
        tpu.enqueue_dma source(%dma_start3A_96 : memref<25x80xi32, #tpu.memory_space<hbm>>) target(%arg6 : memref<25x80xi32, #tpu.memory_space<vmem>>) target_semaphore(%run_scoped3A_88 : memref<!tpu.dma_semaphore, #tpu.memory_space<semaphore_mem>>)
        %dma_wait3A_97 = arith.constant 0 : i32
        %dma_wait3A_98 = arith.constant 0 : i32
        %dma_wait3A_99 = tpu.memref_slice %arg3[%arg1, %add3A_25, %dma_wait3A_97, %dma_wait3A_98] : memref<16x10x25x80xi32, #tpu.memory_space<hbm>> -> memref<1x1x25x80xi32, #tpu.memory_space<hbm>>
        %dma_wait3A_100 = tpu.memref_squeeze %dma_wait3A_99 : memref<1x1x25x80xi32, #tpu.memory_space<hbm>> -> memref<25x80xi32, #tpu.memory_space<hbm>>
        %dma_wait3A_101 = arith.constant 0 : i32
        %dma_wait3A_102 = arith.constant 0 : i32
        %dma_wait3A_103 = tpu.memref_slice %arg3[%arg1, %add3A_25, %dma_wait3A_101, %dma_wait3A_102] : memref<16x10x25x80xi32, #tpu.memory_space<hbm>> -> memref<1x1x25x80xi32, #tpu.memory_space<hbm>>
        %dma_wait3A_104 = tpu.memref_squeeze %dma_wait3A_103 : memref<1x1x25x80xi32, #tpu.memory_space<hbm>> -> memref<25x80xi32, #tpu.memory_space<hbm>>
        tpu.wait_dma2 semaphore(%run_scoped3A_88 : memref<!tpu.dma_semaphore, #tpu.memory_space<semaphore_mem>>) src(%dma_wait3A_104 : memref<25x80xi32, #tpu.memory_space<hbm>>) dst(%arg6 : memref<25x80xi32, #tpu.memory_space<vmem>>)
        tpu.yield
      }) : () -> ()
      "tpu.region"() ({
        %run_scoped3A_88 = tpu.sem_alloc : memref<!tpu.dma_semaphore, #tpu.memory_space<semaphore_mem>>
        %dma_start3A_89 = arith.constant 0 : i32
        %dma_start3A_90 = arith.constant 0 : i32
        %dma_start3A_91 = tpu.memref_slice %arg4[%arg1, %add3A_25, %dma_start3A_89, %dma_start3A_90] : memref<16x10x25x80xi32, #tpu.memory_space<hbm>> -> memref<1x1x25x80xi32, #tpu.memory_space<hbm>>
        %dma_start3A_92 = tpu.memref_squeeze %dma_start3A_91 : memref<1x1x25x80xi32, #tpu.memory_space<hbm>> -> memref<25x80xi32, #tpu.memory_space<hbm>>
        %dma_start3A_93 = arith.constant 0 : i32
        %dma_start3A_94 = arith.constant 0 : i32
        %dma_start3A_95 = tpu.memref_slice %arg4[%arg1, %add3A_25, %dma_start3A_93, %dma_start3A_94] : memref<16x10x25x80xi32, #tpu.memory_space<hbm>> -> memref<1x1x25x80xi32, #tpu.memory_space<hbm>>
        %dma_start3A_96 = tpu.memref_squeeze %dma_start3A_95 : memref<1x1x25x80xi32, #tpu.memory_space<hbm>> -> memref<25x80xi32, #tpu.memory_space<hbm>>
        tpu.enqueue_dma source(%dma_start3A_96 : memref<25x80xi32, #tpu.memory_space<hbm>>) target(%arg7 : memref<25x80xi32, #tpu.memory_space<vmem>>) target_semaphore(%run_scoped3A_88 : memref<!tpu.dma_semaphore, #tpu.memory_space<semaphore_mem>>)
        %dma_wait3A_97 = arith.constant 0 : i32
        %dma_wait3A_98 = arith.constant 0 : i32
        %dma_wait3A_99 = tpu.memref_slice %arg4[%arg1, %add3A_25, %dma_wait3A_97, %dma_wait3A_98] : memref<16x10x25x80xi32, #tpu.memory_space<hbm>> -> memref<1x1x25x80xi32, #tpu.memory_space<hbm>>
        %dma_wait3A_100 = tpu.memref_squeeze %dma_wait3A_99 : memref<1x1x25x80xi32, #tpu.memory_space<hbm>> -> memref<25x80xi32, #tpu.memory_space<hbm>>
        %dma_wait3A_101 = arith.constant 0 : i32
        %dma_wait3A_102 = arith.constant 0 : i32
        %dma_wait3A_103 = tpu.memref_slice %arg4[%arg1, %add3A_25, %dma_wait3A_101, %dma_wait3A_102] : memref<16x10x25x80xi32, #tpu.memory_space<hbm>> -> memref<1x1x25x80xi32, #tpu.memory_space<hbm>>
        %dma_wait3A_104 = tpu.memref_squeeze %dma_wait3A_103 : memref<1x1x25x80xi32, #tpu.memory_space<hbm>> -> memref<25x80xi32, #tpu.memory_space<hbm>>
        tpu.wait_dma2 semaphore(%run_scoped3A_88 : memref<!tpu.dma_semaphore, #tpu.memory_space<semaphore_mem>>) src(%dma_wait3A_104 : memref<25x80xi32, #tpu.memory_space<hbm>>) dst(%arg7 : memref<25x80xi32, #tpu.memory_space<vmem>>)
        tpu.yield
      }) : () -> ()
      %dma_start3A = arith.constant 0 : i32
      %dma_start3A_26 = arith.constant 0 : i32
      %dma_start3A_27 = tpu.memref_slice %arg6[%dma_start3A, %dma_start3A_26] : memref<25x80xi32, #tpu.memory_space<vmem>> -> memref<1x80xi32, #tpu.memory_space<vmem>>
      %dma_start3A_28 = tpu.memref_squeeze %dma_start3A_27 : memref<1x80xi32, #tpu.memory_space<vmem>> -> memref<80xi32, #tpu.memory_space<vmem>>
      %dma_start3A_29 = arith.constant 0 : i32
      %dma_start3A_30 = arith.constant 0 : i32
      %dma_start3A_31 = tpu.memref_slice %arg2[%dma_start3A_29, %dma_start3A_30] : memref<10000x128xf32, #tpu.memory_space<hbm>> -> memref<10000x128xf32, #tpu.memory_space<hbm>>
      tpu.enqueue_indirect_dma source(%dma_start3A_31 : memref<10000x128xf32, #tpu.memory_space<hbm>>) target(%arg8 : memref<80x128xf32, #tpu.memory_space<vmem>>) offsets(%dma_start3A_28 : memref<80xi32, #tpu.memory_space<vmem>>) semaphore(%arg12 : memref<!tpu.dma_semaphore, #tpu.memory_space<semaphore_mem>>)
      %dma_start3A_32 = arith.constant 1 : i32
      %dma_start3A_33 = arith.constant 0 : i32
      %dma_start3A_34 = tpu.memref_slice %arg6[%dma_start3A_32, %dma_start3A_33] : memref<25x80xi32, #tpu.memory_space<vmem>> -> memref<1x80xi32, #tpu.memory_space<vmem>>
      %dma_start3A_35 = tpu.memref_squeeze %dma_start3A_34 : memref<1x80xi32, #tpu.memory_space<vmem>> -> memref<80xi32, #tpu.memory_space<vmem>>
      %dma_start3A_36 = arith.constant 0 : i32
      %dma_start3A_37 = arith.constant 0 : i32
      %dma_start3A_38 = tpu.memref_slice %arg2[%dma_start3A_36, %dma_start3A_37] : memref<10000x128xf32, #tpu.memory_space<hbm>> -> memref<10000x128xf32, #tpu.memory_space<hbm>>
      tpu.enqueue_indirect_dma source(%dma_start3A_38 : memref<10000x128xf32, #tpu.memory_space<hbm>>) target(%arg9 : memref<80x128xf32, #tpu.memory_space<vmem>>) offsets(%dma_start3A_35 : memref<80xi32, #tpu.memory_space<vmem>>) semaphore(%arg13 : memref<!tpu.dma_semaphore, #tpu.memory_space<semaphore_mem>>)
      %scan3A_39 = arith.constant 0 : i32
      %scan3A_40 = arith.constant 7 : i32
      %scan3A_41 = arith.addi %scan3A_39, %scan3A_40 : i32
      %scan3A_42 = arith.constant 1 : i32
      scf.for %scan3A_88 = %scan3A_39 to %scan3A_41 step %scan3A_42  : i32 {
        %mul3A_89 = arith.constant 3 : i32
        %mul3A_90 = arith.muli %scan3A_88, %mul3A_89 : i32
        %add3A_91 = arith.constant 0 : i32
        %add3A_92 = arith.addi %add3A_91, %mul3A_90 : i32
        %add3A_93 = arith.constant 2 : i32
        %add3A_94 = arith.addi %add3A_92, %add3A_93 : i32
        %dma_start3A_95 = arith.constant 0 : i32
        %dma_start3A_96 = tpu.memref_slice %arg6[%add3A_94, %dma_start3A_95] : memref<25x80xi32, #tpu.memory_space<vmem>> -> memref<1x80xi32, #tpu.memory_space<vmem>>
        %dma_start3A_97 = tpu.memref_squeeze %dma_start3A_96 : memref<1x80xi32, #tpu.memory_space<vmem>> -> memref<80xi32, #tpu.memory_space<vmem>>
        %dma_start3A_98 = arith.constant 0 : i32
        %dma_start3A_99 = arith.constant 0 : i32
        %dma_start3A_100 = tpu.memref_slice %arg2[%dma_start3A_98, %dma_start3A_99] : memref<10000x128xf32, #tpu.memory_space<hbm>> -> memref<10000x128xf32, #tpu.memory_space<hbm>>
        tpu.enqueue_indirect_dma source(%dma_start3A_100 : memref<10000x128xf32, #tpu.memory_space<hbm>>) target(%arg10 : memref<80x128xf32, #tpu.memory_space<vmem>>) offsets(%dma_start3A_97 : memref<80xi32, #tpu.memory_space<vmem>>) semaphore(%arg14 : memref<!tpu.dma_semaphore, #tpu.memory_space<semaphore_mem>>)
        %dma_wait3A_101 = arith.constant 0 : i32
        %dma_wait3A_102 = arith.constant 0 : i32
        %dma_wait3A_103 = tpu.memref_slice %arg6[%dma_wait3A_101, %dma_wait3A_102] : memref<25x80xi32, #tpu.memory_space<vmem>> -> memref<1x80xi32, #tpu.memory_space<vmem>>
        %dma_wait3A_104 = tpu.memref_squeeze %dma_wait3A_103 : memref<1x80xi32, #tpu.memory_space<vmem>> -> memref<80xi32, #tpu.memory_space<vmem>>
        %dma_wait3A_105 = arith.constant 0 : i32
        %dma_wait3A_106 = arith.constant 0 : i32
        %dma_wait3A_107 = tpu.memref_slice %arg2[%dma_wait3A_105, %dma_wait3A_106] : memref<10000x128xf32, #tpu.memory_space<hbm>> -> memref<10000x128xf32, #tpu.memory_space<hbm>>
        tpu.wait_indirect_dma semaphore(%arg12 : memref<!tpu.dma_semaphore, #tpu.memory_space<semaphore_mem>>) src(%dma_wait3A_107 : memref<10000x128xf32, #tpu.memory_space<hbm>>) dst(%arg8 : memref<80x128xf32, #tpu.memory_space<vmem>>)
        "tpu.region"() ({
          %run_scoped3A_142 = tpu.sem_alloc : memref<!tpu.dma_semaphore, #tpu.memory_space<semaphore_mem>>
          %dma_start3A_143 = arith.constant 0 : i32
          %dma_start3A_144 = tpu.memref_slice %arg7[%add3A_92, %dma_start3A_143] : memref<25x80xi32, #tpu.memory_space<vmem>> -> memref<1x80xi32, #tpu.memory_space<vmem>>
          %dma_start3A_145 = tpu.memref_squeeze %dma_start3A_144 : memref<1x80xi32, #tpu.memory_space<vmem>> -> memref<80xi32, #tpu.memory_space<vmem>>
          %dma_start3A_146 = arith.constant 0 : i32
          %dma_start3A_147 = arith.constant 0 : i32
          %dma_start3A_148 = tpu.memref_slice %arg11[%dma_start3A_146, %dma_start3A_147] : memref<10112x128xf32, #tpu.memory_space<vmem_shared>> -> memref<10112x128xf32, #tpu.memory_space<vmem_shared>>
          tpu.enqueue_indirect_dma source(%arg8 : memref<80x128xf32, #tpu.memory_space<vmem>>) target(%dma_start3A_148 : memref<10112x128xf32, #tpu.memory_space<vmem_shared>>) offsets(%dma_start3A_145 : memref<80xi32, #tpu.memory_space<vmem>>) semaphore(%run_scoped3A_142 : memref<!tpu.dma_semaphore, #tpu.memory_space<semaphore_mem>>) {add = true}
          %dma_wait3A_149 = arith.constant 0 : i32
          %dma_wait3A_150 = tpu.memref_slice %arg7[%add3A_92, %dma_wait3A_149] : memref<25x80xi32, #tpu.memory_space<vmem>> -> memref<1x80xi32, #tpu.memory_space<vmem>>
          %dma_wait3A_151 = tpu.memref_squeeze %dma_wait3A_150 : memref<1x80xi32, #tpu.memory_space<vmem>> -> memref<80xi32, #tpu.memory_space<vmem>>
          %dma_wait3A_152 = arith.constant 0 : i32
          %dma_wait3A_153 = arith.constant 0 : i32
          %dma_wait3A_154 = tpu.memref_slice %arg11[%dma_wait3A_152, %dma_wait3A_153] : memref<10112x128xf32, #tpu.memory_space<vmem_shared>> -> memref<10112x128xf32, #tpu.memory_space<vmem_shared>>
          tpu.wait_indirect_dma semaphore(%run_scoped3A_142 : memref<!tpu.dma_semaphore, #tpu.memory_space<semaphore_mem>>) src(%arg8 : memref<80x128xf32, #tpu.memory_space<vmem>>) dst(%dma_wait3A_154 : memref<10112x128xf32, #tpu.memory_space<vmem_shared>>)
          tpu.yield
        }) : () -> ()
        %add3A_108 = arith.constant 3 : i32
        %add3A_109 = arith.addi %add3A_92, %add3A_108 : i32
        %dma_start3A_110 = arith.constant 0 : i32
        %dma_start3A_111 = tpu.memref_slice %arg6[%add3A_109, %dma_start3A_110] : memref<25x80xi32, #tpu.memory_space<vmem>> -> memref<1x80xi32, #tpu.memory_space<vmem>>
        %dma_start3A_112 = tpu.memref_squeeze %dma_start3A_111 : memref<1x80xi32, #tpu.memory_space<vmem>> -> memref<80xi32, #tpu.memory_space<vmem>>
        %dma_start3A_113 = arith.constant 0 : i32
        %dma_start3A_114 = arith.constant 0 : i32
        %dma_start3A_115 = tpu.memref_slice %arg2[%dma_start3A_113, %dma_start3A_114] : memref<10000x128xf32, #tpu.memory_space<hbm>> -> memref<10000x128xf32, #tpu.memory_space<hbm>>
        tpu.enqueue_indirect_dma source(%dma_start3A_115 : memref<10000x128xf32, #tpu.memory_space<hbm>>) target(%arg8 : memref<80x128xf32, #tpu.memory_space<vmem>>) offsets(%dma_start3A_112 : memref<80xi32, #tpu.memory_space<vmem>>) semaphore(%arg12 : memref<!tpu.dma_semaphore, #tpu.memory_space<semaphore_mem>>)
        %dma_wait3A_116 = arith.constant 0 : i32
        %dma_wait3A_117 = arith.constant 0 : i32
        %dma_wait3A_118 = tpu.memref_slice %arg6[%dma_wait3A_116, %dma_wait3A_117] : memref<25x80xi32, #tpu.memory_space<vmem>> -> memref<1x80xi32, #tpu.memory_space<vmem>>
        %dma_wait3A_119 = tpu.memref_squeeze %dma_wait3A_118 : memref<1x80xi32, #tpu.memory_space<vmem>> -> memref<80xi32, #tpu.memory_space<vmem>>
        %dma_wait3A_120 = arith.constant 0 : i32
        %dma_wait3A_121 = arith.constant 0 : i32
        %dma_wait3A_122 = tpu.memref_slice %arg2[%dma_wait3A_120, %dma_wait3A_121] : memref<10000x128xf32, #tpu.memory_space<hbm>> -> memref<10000x128xf32, #tpu.memory_space<hbm>>
        tpu.wait_indirect_dma semaphore(%arg13 : memref<!tpu.dma_semaphore, #tpu.memory_space<semaphore_mem>>) src(%dma_wait3A_122 : memref<10000x128xf32, #tpu.memory_space<hbm>>) dst(%arg9 : memref<80x128xf32, #tpu.memory_space<vmem>>)
        %add3A_123 = arith.constant 1 : i32
        %add3A_124 = arith.addi %add3A_92, %add3A_123 : i32
        "tpu.region"() ({
          %run_scoped3A_142 = tpu.sem_alloc : memref<!tpu.dma_semaphore, #tpu.memory_space<semaphore_mem>>
          %dma_start3A_143 = arith.constant 0 : i32
          %dma_start3A_144 = tpu.memref_slice %arg7[%add3A_124, %dma_start3A_143] : memref<25x80xi32, #tpu.memory_space<vmem>> -> memref<1x80xi32, #tpu.memory_space<vmem>>
          %dma_start3A_145 = tpu.memref_squeeze %dma_start3A_144 : memref<1x80xi32, #tpu.memory_space<vmem>> -> memref<80xi32, #tpu.memory_space<vmem>>
          %dma_start3A_146 = arith.constant 0 : i32
          %dma_start3A_147 = arith.constant 0 : i32
          %dma_start3A_148 = tpu.memref_slice %arg11[%dma_start3A_146, %dma_start3A_147] : memref<10112x128xf32, #tpu.memory_space<vmem_shared>> -> memref<10112x128xf32, #tpu.memory_space<vmem_shared>>
          tpu.enqueue_indirect_dma source(%arg9 : memref<80x128xf32, #tpu.memory_space<vmem>>) target(%dma_start3A_148 : memref<10112x128xf32, #tpu.memory_space<vmem_shared>>) offsets(%dma_start3A_145 : memref<80xi32, #tpu.memory_space<vmem>>) semaphore(%run_scoped3A_142 : memref<!tpu.dma_semaphore, #tpu.memory_space<semaphore_mem>>) {add = true}
          %dma_wait3A_149 = arith.constant 0 : i32
          %dma_wait3A_150 = tpu.memref_slice %arg7[%add3A_124, %dma_wait3A_149] : memref<25x80xi32, #tpu.memory_space<vmem>> -> memref<1x80xi32, #tpu.memory_space<vmem>>
          %dma_wait3A_151 = tpu.memref_squeeze %dma_wait3A_150 : memref<1x80xi32, #tpu.memory_space<vmem>> -> memref<80xi32, #tpu.memory_space<vmem>>
          %dma_wait3A_152 = arith.constant 0 : i32
          %dma_wait3A_153 = arith.constant 0 : i32
          %dma_wait3A_154 = tpu.memref_slice %arg11[%dma_wait3A_152, %dma_wait3A_153] : memref<10112x128xf32, #tpu.memory_space<vmem_shared>> -> memref<10112x128xf32, #tpu.memory_space<vmem_shared>>
          tpu.wait_indirect_dma semaphore(%run_scoped3A_142 : memref<!tpu.dma_semaphore, #tpu.memory_space<semaphore_mem>>) src(%arg9 : memref<80x128xf32, #tpu.memory_space<vmem>>) dst(%dma_wait3A_154 : memref<10112x128xf32, #tpu.memory_space<vmem_shared>>)
          tpu.yield
        }) : () -> ()
        %add3A_125 = arith.constant 4 : i32
        %add3A_126 = arith.addi %add3A_92, %add3A_125 : i32
        %dma_start3A_127 = arith.constant 0 : i32
        %dma_start3A_128 = tpu.memref_slice %arg6[%add3A_126, %dma_start3A_127] : memref<25x80xi32, #tpu.memory_space<vmem>> -> memref<1x80xi32, #tpu.memory_space<vmem>>
        %dma_start3A_129 = tpu.memref_squeeze %dma_start3A_128 : memref<1x80xi32, #tpu.memory_space<vmem>> -> memref<80xi32, #tpu.memory_space<vmem>>
        %dma_start3A_130 = arith.constant 0 : i32
        %dma_start3A_131 = arith.constant 0 : i32
        %dma_start3A_132 = tpu.memref_slice %arg2[%dma_start3A_130, %dma_start3A_131] : memref<10000x128xf32, #tpu.memory_space<hbm>> -> memref<10000x128xf32, #tpu.memory_space<hbm>>
        tpu.enqueue_indirect_dma source(%dma_start3A_132 : memref<10000x128xf32, #tpu.memory_space<hbm>>) target(%arg9 : memref<80x128xf32, #tpu.memory_space<vmem>>) offsets(%dma_start3A_129 : memref<80xi32, #tpu.memory_space<vmem>>) semaphore(%arg13 : memref<!tpu.dma_semaphore, #tpu.memory_space<semaphore_mem>>)
        %dma_wait3A_133 = arith.constant 0 : i32
        %dma_wait3A_134 = arith.constant 0 : i32
        %dma_wait3A_135 = tpu.memref_slice %arg6[%dma_wait3A_133, %dma_wait3A_134] : memref<25x80xi32, #tpu.memory_space<vmem>> -> memref<1x80xi32, #tpu.memory_space<vmem>>
        %dma_wait3A_136 = tpu.memref_squeeze %dma_wait3A_135 : memref<1x80xi32, #tpu.memory_space<vmem>> -> memref<80xi32, #tpu.memory_space<vmem>>
        %dma_wait3A_137 = arith.constant 0 : i32
        %dma_wait3A_138 = arith.constant 0 : i32
        %dma_wait3A_139 = tpu.memref_slice %arg2[%dma_wait3A_137, %dma_wait3A_138] : memref<10000x128xf32, #tpu.memory_space<hbm>> -> memref<10000x128xf32, #tpu.memory_space<hbm>>
        tpu.wait_indirect_dma semaphore(%arg14 : memref<!tpu.dma_semaphore, #tpu.memory_space<semaphore_mem>>) src(%dma_wait3A_139 : memref<10000x128xf32, #tpu.memory_space<hbm>>) dst(%arg10 : memref<80x128xf32, #tpu.memory_space<vmem>>)
        %add3A_140 = arith.constant 2 : i32
        %add3A_141 = arith.addi %add3A_92, %add3A_140 : i32
        "tpu.region"() ({
          %run_scoped3A_142 = tpu.sem_alloc : memref<!tpu.dma_semaphore, #tpu.memory_space<semaphore_mem>>
          %dma_start3A_143 = arith.constant 0 : i32
          %dma_start3A_144 = tpu.memref_slice %arg7[%add3A_141, %dma_start3A_143] : memref<25x80xi32, #tpu.memory_space<vmem>> -> memref<1x80xi32, #tpu.memory_space<vmem>>
          %dma_start3A_145 = tpu.memref_squeeze %dma_start3A_144 : memref<1x80xi32, #tpu.memory_space<vmem>> -> memref<80xi32, #tpu.memory_space<vmem>>
          %dma_start3A_146 = arith.constant 0 : i32
          %dma_start3A_147 = arith.constant 0 : i32
          %dma_start3A_148 = tpu.memref_slice %arg11[%dma_start3A_146, %dma_start3A_147] : memref<10112x128xf32, #tpu.memory_space<vmem_shared>> -> memref<10112x128xf32, #tpu.memory_space<vmem_shared>>
          tpu.enqueue_indirect_dma source(%arg10 : memref<80x128xf32, #tpu.memory_space<vmem>>) target(%dma_start3A_148 : memref<10112x128xf32, #tpu.memory_space<vmem_shared>>) offsets(%dma_start3A_145 : memref<80xi32, #tpu.memory_space<vmem>>) semaphore(%run_scoped3A_142 : memref<!tpu.dma_semaphore, #tpu.memory_space<semaphore_mem>>) {add = true}
          %dma_wait3A_149 = arith.constant 0 : i32
          %dma_wait3A_150 = tpu.memref_slice %arg7[%add3A_141, %dma_wait3A_149] : memref<25x80xi32, #tpu.memory_space<vmem>> -> memref<1x80xi32, #tpu.memory_space<vmem>>
          %dma_wait3A_151 = tpu.memref_squeeze %dma_wait3A_150 : memref<1x80xi32, #tpu.memory_space<vmem>> -> memref<80xi32, #tpu.memory_space<vmem>>
          %dma_wait3A_152 = arith.constant 0 : i32
          %dma_wait3A_153 = arith.constant 0 : i32
          %dma_wait3A_154 = tpu.memref_slice %arg11[%dma_wait3A_152, %dma_wait3A_153] : memref<10112x128xf32, #tpu.memory_space<vmem_shared>> -> memref<10112x128xf32, #tpu.memory_space<vmem_shared>>
          tpu.wait_indirect_dma semaphore(%run_scoped3A_142 : memref<!tpu.dma_semaphore, #tpu.memory_space<semaphore_mem>>) src(%arg10 : memref<80x128xf32, #tpu.memory_space<vmem>>) dst(%dma_wait3A_154 : memref<10112x128xf32, #tpu.memory_space<vmem_shared>>)
          tpu.yield
        }) : () -> ()
      }
      %scan3A_43 = arith.constant 7 : i32
      %dma_start3A_44 = arith.constant 23 : i32
      %dma_start3A_45 = arith.constant 0 : i32
      %dma_start3A_46 = tpu.memref_slice %arg6[%dma_start3A_44, %dma_start3A_45] : memref<25x80xi32, #tpu.memory_space<vmem>> -> memref<1x80xi32, #tpu.memory_space<vmem>>
      %dma_start3A_47 = tpu.memref_squeeze %dma_start3A_46 : memref<1x80xi32, #tpu.memory_space<vmem>> -> memref<80xi32, #tpu.memory_space<vmem>>
      %dma_start3A_48 = arith.constant 0 : i32
      %dma_start3A_49 = arith.constant 0 : i32
      %dma_start3A_50 = tpu.memref_slice %arg2[%dma_start3A_48, %dma_start3A_49] : memref<10000x128xf32, #tpu.memory_space<hbm>> -> memref<10000x128xf32, #tpu.memory_space<hbm>>
      tpu.enqueue_indirect_dma source(%dma_start3A_50 : memref<10000x128xf32, #tpu.memory_space<hbm>>) target(%arg10 : memref<80x128xf32, #tpu.memory_space<vmem>>) offsets(%dma_start3A_47 : memref<80xi32, #tpu.memory_space<vmem>>) semaphore(%arg14 : memref<!tpu.dma_semaphore, #tpu.memory_space<semaphore_mem>>)
      %dma_wait3A = arith.constant 0 : i32
      %dma_wait3A_51 = arith.constant 0 : i32
      %dma_wait3A_52 = tpu.memref_slice %arg6[%dma_wait3A, %dma_wait3A_51] : memref<25x80xi32, #tpu.memory_space<vmem>> -> memref<1x80xi32, #tpu.memory_space<vmem>>
      %dma_wait3A_53 = tpu.memref_squeeze %dma_wait3A_52 : memref<1x80xi32, #tpu.memory_space<vmem>> -> memref<80xi32, #tpu.memory_space<vmem>>
      %dma_wait3A_54 = arith.constant 0 : i32
      %dma_wait3A_55 = arith.constant 0 : i32
      %dma_wait3A_56 = tpu.memref_slice %arg2[%dma_wait3A_54, %dma_wait3A_55] : memref<10000x128xf32, #tpu.memory_space<hbm>> -> memref<10000x128xf32, #tpu.memory_space<hbm>>
      tpu.wait_indirect_dma semaphore(%arg12 : memref<!tpu.dma_semaphore, #tpu.memory_space<semaphore_mem>>) src(%dma_wait3A_56 : memref<10000x128xf32, #tpu.memory_space<hbm>>) dst(%arg8 : memref<80x128xf32, #tpu.memory_space<vmem>>)
      %run_scoped3A = arith.constant 21 : i32
      "tpu.region"() ({
        %run_scoped3A_88 = tpu.sem_alloc : memref<!tpu.dma_semaphore, #tpu.memory_space<semaphore_mem>>
        %dma_start3A_89 = arith.constant 0 : i32
        %dma_start3A_90 = tpu.memref_slice %arg7[%run_scoped3A, %dma_start3A_89] : memref<25x80xi32, #tpu.memory_space<vmem>> -> memref<1x80xi32, #tpu.memory_space<vmem>>
        %dma_start3A_91 = tpu.memref_squeeze %dma_start3A_90 : memref<1x80xi32, #tpu.memory_space<vmem>> -> memref<80xi32, #tpu.memory_space<vmem>>
        %dma_start3A_92 = arith.constant 0 : i32
        %dma_start3A_93 = arith.constant 0 : i32
        %dma_start3A_94 = tpu.memref_slice %arg11[%dma_start3A_92, %dma_start3A_93] : memref<10112x128xf32, #tpu.memory_space<vmem_shared>> -> memref<10112x128xf32, #tpu.memory_space<vmem_shared>>
        tpu.enqueue_indirect_dma source(%arg8 : memref<80x128xf32, #tpu.memory_space<vmem>>) target(%dma_start3A_94 : memref<10112x128xf32, #tpu.memory_space<vmem_shared>>) offsets(%dma_start3A_91 : memref<80xi32, #tpu.memory_space<vmem>>) semaphore(%run_scoped3A_88 : memref<!tpu.dma_semaphore, #tpu.memory_space<semaphore_mem>>) {add = true}
        %dma_wait3A_95 = arith.constant 0 : i32
        %dma_wait3A_96 = tpu.memref_slice %arg7[%run_scoped3A, %dma_wait3A_95] : memref<25x80xi32, #tpu.memory_space<vmem>> -> memref<1x80xi32, #tpu.memory_space<vmem>>
        %dma_wait3A_97 = tpu.memref_squeeze %dma_wait3A_96 : memref<1x80xi32, #tpu.memory_space<vmem>> -> memref<80xi32, #tpu.memory_space<vmem>>
        %dma_wait3A_98 = arith.constant 0 : i32
        %dma_wait3A_99 = arith.constant 0 : i32
        %dma_wait3A_100 = tpu.memref_slice %arg11[%dma_wait3A_98, %dma_wait3A_99] : memref<10112x128xf32, #tpu.memory_space<vmem_shared>> -> memref<10112x128xf32, #tpu.memory_space<vmem_shared>>
        tpu.wait_indirect_dma semaphore(%run_scoped3A_88 : memref<!tpu.dma_semaphore, #tpu.memory_space<semaphore_mem>>) src(%arg8 : memref<80x128xf32, #tpu.memory_space<vmem>>) dst(%dma_wait3A_100 : memref<10112x128xf32, #tpu.memory_space<vmem_shared>>)
        tpu.yield
      }) : () -> ()
      %dma_start3A_57 = arith.constant 24 : i32
      %dma_start3A_58 = arith.constant 0 : i32
      %dma_start3A_59 = tpu.memref_slice %arg6[%dma_start3A_57, %dma_start3A_58] : memref<25x80xi32, #tpu.memory_space<vmem>> -> memref<1x80xi32, #tpu.memory_space<vmem>>
      %dma_start3A_60 = tpu.memref_squeeze %dma_start3A_59 : memref<1x80xi32, #tpu.memory_space<vmem>> -> memref<80xi32, #tpu.memory_space<vmem>>
      %dma_start3A_61 = arith.constant 0 : i32
      %dma_start3A_62 = arith.constant 0 : i32
      %dma_start3A_63 = tpu.memref_slice %arg2[%dma_start3A_61, %dma_start3A_62] : memref<10000x128xf32, #tpu.memory_space<hbm>> -> memref<10000x128xf32, #tpu.memory_space<hbm>>
      tpu.enqueue_indirect_dma source(%dma_start3A_63 : memref<10000x128xf32, #tpu.memory_space<hbm>>) target(%arg8 : memref<80x128xf32, #tpu.memory_space<vmem>>) offsets(%dma_start3A_60 : memref<80xi32, #tpu.memory_space<vmem>>) semaphore(%arg12 : memref<!tpu.dma_semaphore, #tpu.memory_space<semaphore_mem>>)
      %dma_wait3A_64 = arith.constant 0 : i32
      %dma_wait3A_65 = arith.constant 0 : i32
      %dma_wait3A_66 = tpu.memref_slice %arg6[%dma_wait3A_64, %dma_wait3A_65] : memref<25x80xi32, #tpu.memory_space<vmem>> -> memref<1x80xi32, #tpu.memory_space<vmem>>
      %dma_wait3A_67 = tpu.memref_squeeze %dma_wait3A_66 : memref<1x80xi32, #tpu.memory_space<vmem>> -> memref<80xi32, #tpu.memory_space<vmem>>
      %dma_wait3A_68 = arith.constant 0 : i32
      %dma_wait3A_69 = arith.constant 0 : i32
      %dma_wait3A_70 = tpu.memref_slice %arg2[%dma_wait3A_68, %dma_wait3A_69] : memref<10000x128xf32, #tpu.memory_space<hbm>> -> memref<10000x128xf32, #tpu.memory_space<hbm>>
      tpu.wait_indirect_dma semaphore(%arg13 : memref<!tpu.dma_semaphore, #tpu.memory_space<semaphore_mem>>) src(%dma_wait3A_70 : memref<10000x128xf32, #tpu.memory_space<hbm>>) dst(%arg9 : memref<80x128xf32, #tpu.memory_space<vmem>>)
      %run_scoped3A_71 = arith.constant 22 : i32
      "tpu.region"() ({
        %run_scoped3A_88 = tpu.sem_alloc : memref<!tpu.dma_semaphore, #tpu.memory_space<semaphore_mem>>
        %dma_start3A_89 = arith.constant 0 : i32
        %dma_start3A_90 = tpu.memref_slice %arg7[%run_scoped3A_71, %dma_start3A_89] : memref<25x80xi32, #tpu.memory_space<vmem>> -> memref<1x80xi32, #tpu.memory_space<vmem>>
        %dma_start3A_91 = tpu.memref_squeeze %dma_start3A_90 : memref<1x80xi32, #tpu.memory_space<vmem>> -> memref<80xi32, #tpu.memory_space<vmem>>
        %dma_start3A_92 = arith.constant 0 : i32
        %dma_start3A_93 = arith.constant 0 : i32
        %dma_start3A_94 = tpu.memref_slice %arg11[%dma_start3A_92, %dma_start3A_93] : memref<10112x128xf32, #tpu.memory_space<vmem_shared>> -> memref<10112x128xf32, #tpu.memory_space<vmem_shared>>
        tpu.enqueue_indirect_dma source(%arg9 : memref<80x128xf32, #tpu.memory_space<vmem>>) target(%dma_start3A_94 : memref<10112x128xf32, #tpu.memory_space<vmem_shared>>) offsets(%dma_start3A_91 : memref<80xi32, #tpu.memory_space<vmem>>) semaphore(%run_scoped3A_88 : memref<!tpu.dma_semaphore, #tpu.memory_space<semaphore_mem>>) {add = true}
        %dma_wait3A_95 = arith.constant 0 : i32
        %dma_wait3A_96 = tpu.memref_slice %arg7[%run_scoped3A_71, %dma_wait3A_95] : memref<25x80xi32, #tpu.memory_space<vmem>> -> memref<1x80xi32, #tpu.memory_space<vmem>>
        %dma_wait3A_97 = tpu.memref_squeeze %dma_wait3A_96 : memref<1x80xi32, #tpu.memory_space<vmem>> -> memref<80xi32, #tpu.memory_space<vmem>>
        %dma_wait3A_98 = arith.constant 0 : i32
        %dma_wait3A_99 = arith.constant 0 : i32
        %dma_wait3A_100 = tpu.memref_slice %arg11[%dma_wait3A_98, %dma_wait3A_99] : memref<10112x128xf32, #tpu.memory_space<vmem_shared>> -> memref<10112x128xf32, #tpu.memory_space<vmem_shared>>
        tpu.wait_indirect_dma semaphore(%run_scoped3A_88 : memref<!tpu.dma_semaphore, #tpu.memory_space<semaphore_mem>>) src(%arg9 : memref<80x128xf32, #tpu.memory_space<vmem>>) dst(%dma_wait3A_100 : memref<10112x128xf32, #tpu.memory_space<vmem_shared>>)
        tpu.yield
      }) : () -> ()
      %dma_wait3A_72 = arith.constant 0 : i32
      %dma_wait3A_73 = arith.constant 0 : i32
      %dma_wait3A_74 = tpu.memref_slice %arg6[%dma_wait3A_72, %dma_wait3A_73] : memref<25x80xi32, #tpu.memory_space<vmem>> -> memref<1x80xi32, #tpu.memory_space<vmem>>
      %dma_wait3A_75 = tpu.memref_squeeze %dma_wait3A_74 : memref<1x80xi32, #tpu.memory_space<vmem>> -> memref<80xi32, #tpu.memory_space<vmem>>
      %dma_wait3A_76 = arith.constant 0 : i32
      %dma_wait3A_77 = arith.constant 0 : i32
      %dma_wait3A_78 = tpu.memref_slice %arg2[%dma_wait3A_76, %dma_wait3A_77] : memref<10000x128xf32, #tpu.memory_space<hbm>> -> memref<10000x128xf32, #tpu.memory_space<hbm>>
      tpu.wait_indirect_dma semaphore(%arg14 : memref<!tpu.dma_semaphore, #tpu.memory_space<semaphore_mem>>) src(%dma_wait3A_78 : memref<10000x128xf32, #tpu.memory_space<hbm>>) dst(%arg10 : memref<80x128xf32, #tpu.memory_space<vmem>>)
      %run_scoped3A_79 = arith.constant 23 : i32
      "tpu.region"() ({
        %run_scoped3A_88 = tpu.sem_alloc : memref<!tpu.dma_semaphore, #tpu.memory_space<semaphore_mem>>
        %dma_start3A_89 = arith.constant 0 : i32
        %dma_start3A_90 = tpu.memref_slice %arg7[%run_scoped3A_79, %dma_start3A_89] : memref<25x80xi32, #tpu.memory_space<vmem>> -> memref<1x80xi32, #tpu.memory_space<vmem>>
        %dma_start3A_91 = tpu.memref_squeeze %dma_start3A_90 : memref<1x80xi32, #tpu.memory_space<vmem>> -> memref<80xi32, #tpu.memory_space<vmem>>
        %dma_start3A_92 = arith.constant 0 : i32
        %dma_start3A_93 = arith.constant 0 : i32
        %dma_start3A_94 = tpu.memref_slice %arg11[%dma_start3A_92, %dma_start3A_93] : memref<10112x128xf32, #tpu.memory_space<vmem_shared>> -> memref<10112x128xf32, #tpu.memory_space<vmem_shared>>
        tpu.enqueue_indirect_dma source(%arg10 : memref<80x128xf32, #tpu.memory_space<vmem>>) target(%dma_start3A_94 : memref<10112x128xf32, #tpu.memory_space<vmem_shared>>) offsets(%dma_start3A_91 : memref<80xi32, #tpu.memory_space<vmem>>) semaphore(%run_scoped3A_88 : memref<!tpu.dma_semaphore, #tpu.memory_space<semaphore_mem>>) {add = true}
        %dma_wait3A_95 = arith.constant 0 : i32
        %dma_wait3A_96 = tpu.memref_slice %arg7[%run_scoped3A_79, %dma_wait3A_95] : memref<25x80xi32, #tpu.memory_space<vmem>> -> memref<1x80xi32, #tpu.memory_space<vmem>>
        %dma_wait3A_97 = tpu.memref_squeeze %dma_wait3A_96 : memref<1x80xi32, #tpu.memory_space<vmem>> -> memref<80xi32, #tpu.memory_space<vmem>>
        %dma_wait3A_98 = arith.constant 0 : i32
        %dma_wait3A_99 = arith.constant 0 : i32
        %dma_wait3A_100 = tpu.memref_slice %arg11[%dma_wait3A_98, %dma_wait3A_99] : memref<10112x128xf32, #tpu.memory_space<vmem_shared>> -> memref<10112x128xf32, #tpu.memory_space<vmem_shared>>
        tpu.wait_indirect_dma semaphore(%run_scoped3A_88 : memref<!tpu.dma_semaphore, #tpu.memory_space<semaphore_mem>>) src(%arg10 : memref<80x128xf32, #tpu.memory_space<vmem>>) dst(%dma_wait3A_100 : memref<10112x128xf32, #tpu.memory_space<vmem_shared>>)
        tpu.yield
      }) : () -> ()
      %dma_wait3A_80 = arith.constant 0 : i32
      %dma_wait3A_81 = arith.constant 0 : i32
      %dma_wait3A_82 = tpu.memref_slice %arg6[%dma_wait3A_80, %dma_wait3A_81] : memref<25x80xi32, #tpu.memory_space<vmem>> -> memref<1x80xi32, #tpu.memory_space<vmem>>
      %dma_wait3A_83 = tpu.memref_squeeze %dma_wait3A_82 : memref<1x80xi32, #tpu.memory_space<vmem>> -> memref<80xi32, #tpu.memory_space<vmem>>
      %dma_wait3A_84 = arith.constant 0 : i32
      %dma_wait3A_85 = arith.constant 0 : i32
      %dma_wait3A_86 = tpu.memref_slice %arg2[%dma_wait3A_84, %dma_wait3A_85] : memref<10000x128xf32, #tpu.memory_space<hbm>> -> memref<10000x128xf32, #tpu.memory_space<hbm>>
      tpu.wait_indirect_dma semaphore(%arg12 : memref<!tpu.dma_semaphore, #tpu.memory_space<semaphore_mem>>) src(%dma_wait3A_86 : memref<10000x128xf32, #tpu.memory_space<hbm>>) dst(%arg8 : memref<80x128xf32, #tpu.memory_space<vmem>>)
      %run_scoped3A_87 = arith.constant 24 : i32
      "tpu.region"() ({
        %run_scoped3A_88 = tpu.sem_alloc : memref<!tpu.dma_semaphore, #tpu.memory_space<semaphore_mem>>
        %dma_start3A_89 = arith.constant 0 : i32
        %dma_start3A_90 = tpu.memref_slice %arg7[%run_scoped3A_87, %dma_start3A_89] : memref<25x80xi32, #tpu.memory_space<vmem>> -> memref<1x80xi32, #tpu.memory_space<vmem>>
        %dma_start3A_91 = tpu.memref_squeeze %dma_start3A_90 : memref<1x80xi32, #tpu.memory_space<vmem>> -> memref<80xi32, #tpu.memory_space<vmem>>
        %dma_start3A_92 = arith.constant 0 : i32
        %dma_start3A_93 = arith.constant 0 : i32
        %dma_start3A_94 = tpu.memref_slice %arg11[%dma_start3A_92, %dma_start3A_93] : memref<10112x128xf32, #tpu.memory_space<vmem_shared>> -> memref<10112x128xf32, #tpu.memory_space<vmem_shared>>
        tpu.enqueue_indirect_dma source(%arg8 : memref<80x128xf32, #tpu.memory_space<vmem>>) target(%dma_start3A_94 : memref<10112x128xf32, #tpu.memory_space<vmem_shared>>) offsets(%dma_start3A_91 : memref<80xi32, #tpu.memory_space<vmem>>) semaphore(%run_scoped3A_88 : memref<!tpu.dma_semaphore, #tpu.memory_space<semaphore_mem>>) {add = true}
        %dma_wait3A_95 = arith.constant 0 : i32
        %dma_wait3A_96 = tpu.memref_slice %arg7[%run_scoped3A_87, %dma_wait3A_95] : memref<25x80xi32, #tpu.memory_space<vmem>> -> memref<1x80xi32, #tpu.memory_space<vmem>>
        %dma_wait3A_97 = tpu.memref_squeeze %dma_wait3A_96 : memref<1x80xi32, #tpu.memory_space<vmem>> -> memref<80xi32, #tpu.memory_space<vmem>>
        %dma_wait3A_98 = arith.constant 0 : i32
        %dma_wait3A_99 = arith.constant 0 : i32
        %dma_wait3A_100 = tpu.memref_slice %arg11[%dma_wait3A_98, %dma_wait3A_99] : memref<10112x128xf32, #tpu.memory_space<vmem_shared>> -> memref<10112x128xf32, #tpu.memory_space<vmem_shared>>
        tpu.wait_indirect_dma semaphore(%run_scoped3A_88 : memref<!tpu.dma_semaphore, #tpu.memory_space<semaphore_mem>>) src(%arg8 : memref<80x128xf32, #tpu.memory_space<vmem>>) dst(%dma_wait3A_100 : memref<10112x128xf32, #tpu.memory_space<vmem_shared>>)
        tpu.yield
      }) : () -> ()
    }
    %scan3A_15 = arith.constant 10 : i32
    %barrier3A_16 = arith.constant 0 : index
    tpu.barrier barrier_id(%barrier3A_16)
    %mul3A_17 = arith.constant 632 : i32
    %mul3A_18 = arith.muli %arg1, %mul3A_17 : i32
    %mul3A_19 = arith.constant 632 : i32
    %mul3A_20 = arith.muli %arg1, %mul3A_19 : i32
    "tpu.region"() ({
      %run_scoped3A = tpu.sem_alloc : memref<!tpu.dma_semaphore, #tpu.memory_space<semaphore_mem>>
      %dma_start3A = arith.constant 0 : i32
      %dma_start3A_21 = tpu.memref_slice %arg5[%mul3A_20, %dma_start3A] : memref<10112x128xf32, #tpu.memory_space<hbm>> -> memref<632x128xf32, #tpu.memory_space<hbm>>
      %dma_start3A_22 = arith.constant 0 : i32
      %dma_start3A_23 = tpu.memref_slice %arg11[%mul3A_18, %dma_start3A_22] : memref<10112x128xf32, #tpu.memory_space<vmem_shared>> -> memref<632x128xf32, #tpu.memory_space<vmem_shared>>
      tpu.enqueue_dma source(%dma_start3A_23 : memref<632x128xf32, #tpu.memory_space<vmem_shared>>) target(%dma_start3A_21 : memref<632x128xf32, #tpu.memory_space<hbm>>) target_semaphore(%run_scoped3A : memref<!tpu.dma_semaphore, #tpu.memory_space<semaphore_mem>>)
      %dma_wait3A = arith.constant 0 : i32
      %dma_wait3A_24 = tpu.memref_slice %arg5[%mul3A_20, %dma_wait3A] : memref<10112x128xf32, #tpu.memory_space<hbm>> -> memref<632x128xf32, #tpu.memory_space<hbm>>
      %dma_wait3A_25 = arith.constant 0 : i32
      %dma_wait3A_26 = tpu.memref_slice %arg11[%mul3A_18, %dma_wait3A_25] : memref<10112x128xf32, #tpu.memory_space<vmem_shared>> -> memref<632x128xf32, #tpu.memory_space<vmem_shared>>
      tpu.wait_dma2 semaphore(%run_scoped3A : memref<!tpu.dma_semaphore, #tpu.memory_space<semaphore_mem>>) src(%dma_wait3A_26 : memref<632x128xf32, #tpu.memory_space<vmem_shared>>) dst(%dma_wait3A_24 : memref<632x128xf32, #tpu.memory_space<hbm>>)
      tpu.yield
    }) : () -> ()
    return
  }
}

#map = affine_map<(d0, d1) -> (0, 0)>
#map1 = affine_map<(d0, d1) -> (0, 0, 0, 0)>
module attributes {stable_mosaic.version = 14 : i64} {
  func.func @_edge_agg_body(%arg0: i32, %arg1: i32, %arg2: memref<10000x128xf32, #tpu.memory_space<hbm>>, %arg3: memref<16x10x25x80xi32, #tpu.memory_space<hbm>>, %arg4: memref<16x10x25x80xi32, #tpu.memory_space<hbm>>, %arg5: memref<10112x128xf32, #tpu.memory_space<hbm>>, %arg6: memref<25x80xi32, #tpu.memory_space<vmem>>, %arg7: memref<25x80xi32, #tpu.memory_space<vmem>>, %arg8: memref<80x128xf32, #tpu.memory_space<vmem>>, %arg9: memref<80x128xf32, #tpu.memory_space<vmem>>, %arg10: memref<80x128xf32, #tpu.memory_space<vmem>>, %arg11: memref<10112x128xf32, #tpu.memory_space<vmem_shared>>, %arg12: memref<!tpu.dma_semaphore, #tpu.memory_space<semaphore_mem>>, %arg13: memref<!tpu.dma_semaphore, #tpu.memory_space<semaphore_mem>>, %arg14: memref<!tpu.dma_semaphore, #tpu.memory_space<semaphore_mem>>) attributes {dimension_semantics = [#tpu.dimension_semantics<core_parallel>, #tpu.dimension_semantics<subcore_parallel>], iteration_bounds = array<i64: 1, 16>, scalar_prefetch = 0 : i64, scratch_operands = 9 : i64, tpu.core_type = #tpu.core_type<sc_vector_subcore>, window_params = [{transform_indices = #map}, {transform_indices = #map1}, {transform_indices = #map1}, {transform_indices = #map}]} {
    %scan3A = arith.constant 0 : i32
    %scan3A_0 = arith.constant 80 : i32
    %scan3A_1 = arith.addi %scan3A, %scan3A_0 : i32
    %scan3A_2 = arith.constant 1 : i32
    scf.for %scan3A_21 = %scan3A to %scan3A_1 step %scan3A_2  : i32 {
      %mul3A_22 = arith.constant 1 : i32
      %mul3A_23 = arith.muli %scan3A_21, %mul3A_22 : i32
      %add3A_24 = arith.constant 0 : i32
      %add3A_25 = arith.addi %add3A_24, %mul3A_23 : i32
      %scan3A_26 = arith.constant 0 : i32
      %scan3A_27 = arith.constant 8 : i32
      %scan3A_28 = arith.addi %scan3A_26, %scan3A_27 : i32
      %scan3A_29 = arith.constant 1 : i32
      scf.for %scan3A_31 = %scan3A_26 to %scan3A_28 step %scan3A_29  : i32 {
        %mul3A_32 = arith.constant 16 : i32
        %mul3A_33 = arith.muli %scan3A_31, %mul3A_32 : i32
        %add3A_34 = arith.constant 0 : i32
        %add3A_35 = arith.addi %add3A_34, %mul3A_33 : i32
        %broadcast_in_dim3A = arith.constant 0.000000e+00 : f32
        %broadcast_in_dim3A_36 = vector.broadcast %broadcast_in_dim3A : f32 to vector<16xf32>
        %swap3A = arith.index_cast %add3A_25 : i32 to index
        %swap3A_37 = arith.index_cast %add3A_35 : i32 to index
        %swap3A_38 = tpu.vector_load %arg8[%swap3A, %swap3A_37] {strides = array<i32>} : memref<80x128xf32, #tpu.memory_space<vmem>>, vector<1x16xf32>,
        %swap3A_39 = vector.shape_cast %swap3A_38 : vector<1x16xf32> to vector<16xf32>
        %swap3A_40 = vector.shape_cast %broadcast_in_dim3A_36 : vector<16xf32> to vector<1x16xf32>
        tpu.vector_store %arg8[%swap3A, %swap3A_37], %swap3A_40 {strides = array<i32>} : memref<80x128xf32, #tpu.memory_space<vmem>>, vector<1x16xf32>,
      }
      %scan3A_30 = arith.constant 8 : i32
    }
    %scan3A_3 = arith.constant 80 : i32
    %scan3A_4 = arith.constant 0 : i32
    %scan3A_5 = arith.constant 7 : i32
    %scan3A_6 = arith.addi %scan3A_4, %scan3A_5 : i32
    %scan3A_7 = arith.constant 1 : i32
    scf.for %scan3A_21 = %scan3A_4 to %scan3A_6 step %scan3A_7  : i32 {
      %mul3A_22 = arith.constant 1 : i32
      %mul3A_23 = arith.muli %scan3A_21, %mul3A_22 : i32
      %add3A_24 = arith.constant 0 : i32
      %add3A_25 = arith.addi %add3A_24, %mul3A_23 : i32
      %mul3A_26 = arith.constant 632 : i32
      %mul3A_27 = arith.muli %arg1, %mul3A_26 : i32
      %mul3A_28 = arith.constant 80 : i32
      %mul3A_29 = arith.muli %add3A_25, %mul3A_28 : i32
      %add3A_30 = arith.addi %mul3A_27, %mul3A_29 : i32
      "tpu.region"() ({
        %run_scoped3A = tpu.sem_alloc : memref<!tpu.dma_semaphore, #tpu.memory_space<semaphore_mem>>
        %dma_start3A = arith.constant 0 : i32
        %dma_start3A_31 = tpu.memref_slice %arg11[%add3A_30, %dma_start3A] : memref<10112x128xf32, #tpu.memory_space<vmem_shared>> -> memref<80x128xf32, #tpu.memory_space<vmem_shared>>
        %dma_start3A_32 = arith.constant 0 : i32
        %dma_start3A_33 = tpu.memref_slice %arg11[%add3A_30, %dma_start3A_32] : memref<10112x128xf32, #tpu.memory_space<vmem_shared>> -> memref<80x128xf32, #tpu.memory_space<vmem_shared>>
        tpu.enqueue_dma source(%arg8 : memref<80x128xf32, #tpu.memory_space<vmem>>) target(%dma_start3A_33 : memref<80x128xf32, #tpu.memory_space<vmem_shared>>) target_semaphore(%run_scoped3A : memref<!tpu.dma_semaphore, #tpu.memory_space<semaphore_mem>>)
        %dma_wait3A = arith.constant 0 : i32
        %dma_wait3A_34 = tpu.memref_slice %arg11[%add3A_30, %dma_wait3A] : memref<10112x128xf32, #tpu.memory_space<vmem_shared>> -> memref<80x128xf32, #tpu.memory_space<vmem_shared>>
        %dma_wait3A_35 = arith.constant 0 : i32
        %dma_wait3A_36 = tpu.memref_slice %arg11[%add3A_30, %dma_wait3A_35] : memref<10112x128xf32, #tpu.memory_space<vmem_shared>> -> memref<80x128xf32, #tpu.memory_space<vmem_shared>>
        tpu.wait_dma2 semaphore(%run_scoped3A : memref<!tpu.dma_semaphore, #tpu.memory_space<semaphore_mem>>) src(%arg8 : memref<80x128xf32, #tpu.memory_space<vmem>>) dst(%dma_wait3A_36 : memref<80x128xf32, #tpu.memory_space<vmem_shared>>)
        tpu.yield
      }) : () -> ()
    }
    %scan3A_8 = arith.constant 7 : i32
    %mul3A = arith.constant 632 : i32
    %mul3A_9 = arith.muli %arg1, %mul3A : i32
    %add3A = arith.constant 560 : i32
    %add3A_10 = arith.addi %mul3A_9, %add3A : i32
    "tpu.region"() ({
      %run_scoped3A = tpu.sem_alloc : memref<!tpu.dma_semaphore, #tpu.memory_space<semaphore_mem>>
      %dma_start3A = arith.constant 0 : i32
      %dma_start3A_21 = arith.constant 0 : i32
      %dma_start3A_22 = tpu.memref_slice %arg8[%dma_start3A, %dma_start3A_21] : memref<80x128xf32, #tpu.memory_space<vmem>> -> memref<72x128xf32, #tpu.memory_space<vmem>>
      %dma_start3A_23 = arith.constant 0 : i32
      %dma_start3A_24 = tpu.memref_slice %arg11[%add3A_10, %dma_start3A_23] : memref<10112x128xf32, #tpu.memory_space<vmem_shared>> -> memref<72x128xf32, #tpu.memory_space<vmem_shared>>
      %dma_start3A_25 = arith.constant 0 : i32
      %dma_start3A_26 = tpu.memref_slice %arg11[%add3A_10, %dma_start3A_25] : memref<10112x128xf32, #tpu.memory_space<vmem_shared>> -> memref<72x128xf32, #tpu.memory_space<vmem_shared>>
      %dma_start3A_27 = arith.constant 0 : i32
      %dma_start3A_28 = arith.constant 0 : i32
      %dma_start3A_29 = tpu.memref_slice %arg8[%dma_start3A_27, %dma_start3A_28] : memref<80x128xf32, #tpu.memory_space<vmem>> -> memref<72x128xf32, #tpu.memory_space<vmem>>
      tpu.enqueue_dma source(%dma_start3A_29 : memref<72x128xf32, #tpu.memory_space<vmem>>) target(%dma_start3A_26 : memref<72x128xf32, #tpu.memory_space<vmem_shared>>) target_semaphore(%run_scoped3A : memref<!tpu.dma_semaphore, #tpu.memory_space<semaphore_mem>>)
      %dma_wait3A = arith.constant 0 : i32
      %dma_wait3A_30 = arith.constant 0 : i32
      %dma_wait3A_31 = tpu.memref_slice %arg8[%dma_wait3A, %dma_wait3A_30] : memref<80x128xf32, #tpu.memory_space<vmem>> -> memref<72x128xf32, #tpu.memory_space<vmem>>
      %dma_wait3A_32 = arith.constant 0 : i32
      %dma_wait3A_33 = tpu.memref_slice %arg11[%add3A_10, %dma_wait3A_32] : memref<10112x128xf32, #tpu.memory_space<vmem_shared>> -> memref<72x128xf32, #tpu.memory_space<vmem_shared>>
      %dma_wait3A_34 = arith.constant 0 : i32
      %dma_wait3A_35 = tpu.memref_slice %arg11[%add3A_10, %dma_wait3A_34] : memref<10112x128xf32, #tpu.memory_space<vmem_shared>> -> memref<72x128xf32, #tpu.memory_space<vmem_shared>>
      %dma_wait3A_36 = arith.constant 0 : i32
      %dma_wait3A_37 = arith.constant 0 : i32
      %dma_wait3A_38 = tpu.memref_slice %arg8[%dma_wait3A_36, %dma_wait3A_37] : memref<80x128xf32, #tpu.memory_space<vmem>> -> memref<72x128xf32, #tpu.memory_space<vmem>>
      tpu.wait_dma2 semaphore(%run_scoped3A : memref<!tpu.dma_semaphore, #tpu.memory_space<semaphore_mem>>) src(%dma_wait3A_38 : memref<72x128xf32, #tpu.memory_space<vmem>>) dst(%dma_wait3A_35 : memref<72x128xf32, #tpu.memory_space<vmem_shared>>)
      tpu.yield
    }) : () -> ()
    %barrier3A = arith.constant 0 : index
    tpu.barrier barrier_id(%barrier3A)
    %scan3A_11 = arith.constant 0 : i32
    %scan3A_12 = arith.constant 10 : i32
    %scan3A_13 = arith.addi %scan3A_11, %scan3A_12 : i32
    %scan3A_14 = arith.constant 1 : i32
    scf.for %scan3A_21 = %scan3A_11 to %scan3A_13 step %scan3A_14  : i32 {
      %mul3A_22 = arith.constant 1 : i32
      %mul3A_23 = arith.muli %scan3A_21, %mul3A_22 : i32
      %add3A_24 = arith.constant 0 : i32
      %add3A_25 = arith.addi %add3A_24, %mul3A_23 : i32
      "tpu.region"() ({
        %run_scoped3A_88 = tpu.sem_alloc : memref<!tpu.dma_semaphore, #tpu.memory_space<semaphore_mem>>
        %dma_start3A_89 = arith.constant 0 : i32
        %dma_start3A_90 = arith.constant 0 : i32
        %dma_start3A_91 = tpu.memref_slice %arg3[%arg1, %add3A_25, %dma_start3A_89, %dma_start3A_90] : memref<16x10x25x80xi32, #tpu.memory_space<hbm>> -> memref<1x1x25x80xi32, #tpu.memory_space<hbm>>
        %dma_start3A_92 = tpu.memref_squeeze %dma_start3A_91 : memref<1x1x25x80xi32, #tpu.memory_space<hbm>> -> memref<25x80xi32, #tpu.memory_space<hbm>>
        %dma_start3A_93 = arith.constant 0 : i32
        %dma_start3A_94 = arith.constant 0 : i32
        %dma_start3A_95 = tpu.memref_slice %arg3[%arg1, %add3A_25, %dma_start3A_93, %dma_start3A_94] : memref<16x10x25x80xi32, #tpu.memory_space<hbm>> -> memref<1x1x25x80xi32, #tpu.memory_space<hbm>>
        %dma_start3A_96 = tpu.memref_squeeze %dma_start3A_95 : memref<1x1x25x80xi32, #tpu.memory_space<hbm>> -> memref<25x80xi32, #tpu.memory_space<hbm>>
        tpu.enqueue_dma source(%dma_start3A_96 : memref<25x80xi32, #tpu.memory_space<hbm>>) target(%arg6 : memref<25x80xi32, #tpu.memory_space<vmem>>) target_semaphore(%run_scoped3A_88 : memref<!tpu.dma_semaphore, #tpu.memory_space<semaphore_mem>>)
        %dma_wait3A_97 = arith.constant 0 : i32
        %dma_wait3A_98 = arith.constant 0 : i32
        %dma_wait3A_99 = tpu.memref_slice %arg3[%arg1, %add3A_25, %dma_wait3A_97, %dma_wait3A_98] : memref<16x10x25x80xi32, #tpu.memory_space<hbm>> -> memref<1x1x25x80xi32, #tpu.memory_space<hbm>>
        %dma_wait3A_100 = tpu.memref_squeeze %dma_wait3A_99 : memref<1x1x25x80xi32, #tpu.memory_space<hbm>> -> memref<25x80xi32, #tpu.memory_space<hbm>>
        %dma_wait3A_101 = arith.constant 0 : i32
        %dma_wait3A_102 = arith.constant 0 : i32
        %dma_wait3A_103 = tpu.memref_slice %arg3[%arg1, %add3A_25, %dma_wait3A_101, %dma_wait3A_102] : memref<16x10x25x80xi32, #tpu.memory_space<hbm>> -> memref<1x1x25x80xi32, #tpu.memory_space<hbm>>
        %dma_wait3A_104 = tpu.memref_squeeze %dma_wait3A_103 : memref<1x1x25x80xi32, #tpu.memory_space<hbm>> -> memref<25x80xi32, #tpu.memory_space<hbm>>
        tpu.wait_dma2 semaphore(%run_scoped3A_88 : memref<!tpu.dma_semaphore, #tpu.memory_space<semaphore_mem>>) src(%dma_wait3A_104 : memref<25x80xi32, #tpu.memory_space<hbm>>) dst(%arg6 : memref<25x80xi32, #tpu.memory_space<vmem>>)
        tpu.yield
      }) : () -> ()
      "tpu.region"() ({
        %run_scoped3A_88 = tpu.sem_alloc : memref<!tpu.dma_semaphore, #tpu.memory_space<semaphore_mem>>
        %dma_start3A_89 = arith.constant 0 : i32
        %dma_start3A_90 = arith.constant 0 : i32
        %dma_start3A_91 = tpu.memref_slice %arg4[%arg1, %add3A_25, %dma_start3A_89, %dma_start3A_90] : memref<16x10x25x80xi32, #tpu.memory_space<hbm>> -> memref<1x1x25x80xi32, #tpu.memory_space<hbm>>
        %dma_start3A_92 = tpu.memref_squeeze %dma_start3A_91 : memref<1x1x25x80xi32, #tpu.memory_space<hbm>> -> memref<25x80xi32, #tpu.memory_space<hbm>>
        %dma_start3A_93 = arith.constant 0 : i32
        %dma_start3A_94 = arith.constant 0 : i32
        %dma_start3A_95 = tpu.memref_slice %arg4[%arg1, %add3A_25, %dma_start3A_93, %dma_start3A_94] : memref<16x10x25x80xi32, #tpu.memory_space<hbm>> -> memref<1x1x25x80xi32, #tpu.memory_space<hbm>>
        %dma_start3A_96 = tpu.memref_squeeze %dma_start3A_95 : memref<1x1x25x80xi32, #tpu.memory_space<hbm>> -> memref<25x80xi32, #tpu.memory_space<hbm>>
        tpu.enqueue_dma source(%dma_start3A_96 : memref<25x80xi32, #tpu.memory_space<hbm>>) target(%arg7 : memref<25x80xi32, #tpu.memory_space<vmem>>) target_semaphore(%run_scoped3A_88 : memref<!tpu.dma_semaphore, #tpu.memory_space<semaphore_mem>>)
        %dma_wait3A_97 = arith.constant 0 : i32
        %dma_wait3A_98 = arith.constant 0 : i32
        %dma_wait3A_99 = tpu.memref_slice %arg4[%arg1, %add3A_25, %dma_wait3A_97, %dma_wait3A_98] : memref<16x10x25x80xi32, #tpu.memory_space<hbm>> -> memref<1x1x25x80xi32, #tpu.memory_space<hbm>>
        %dma_wait3A_100 = tpu.memref_squeeze %dma_wait3A_99 : memref<1x1x25x80xi32, #tpu.memory_space<hbm>> -> memref<25x80xi32, #tpu.memory_space<hbm>>
        %dma_wait3A_101 = arith.constant 0 : i32
        %dma_wait3A_102 = arith.constant 0 : i32
        %dma_wait3A_103 = tpu.memref_slice %arg4[%arg1, %add3A_25, %dma_wait3A_101, %dma_wait3A_102] : memref<16x10x25x80xi32, #tpu.memory_space<hbm>> -> memref<1x1x25x80xi32, #tpu.memory_space<hbm>>
        %dma_wait3A_104 = tpu.memref_squeeze %dma_wait3A_103 : memref<1x1x25x80xi32, #tpu.memory_space<hbm>> -> memref<25x80xi32, #tpu.memory_space<hbm>>
        tpu.wait_dma2 semaphore(%run_scoped3A_88 : memref<!tpu.dma_semaphore, #tpu.memory_space<semaphore_mem>>) src(%dma_wait3A_104 : memref<25x80xi32, #tpu.memory_space<hbm>>) dst(%arg7 : memref<25x80xi32, #tpu.memory_space<vmem>>)
        tpu.yield
      }) : () -> ()
      %dma_start3A = arith.constant 0 : i32
      %dma_start3A_26 = arith.constant 0 : i32
      %dma_start3A_27 = tpu.memref_slice %arg6[%dma_start3A, %dma_start3A_26] : memref<25x80xi32, #tpu.memory_space<vmem>> -> memref<1x80xi32, #tpu.memory_space<vmem>>
      %dma_start3A_28 = tpu.memref_squeeze %dma_start3A_27 : memref<1x80xi32, #tpu.memory_space<vmem>> -> memref<80xi32, #tpu.memory_space<vmem>>
      %dma_start3A_29 = arith.constant 0 : i32
      %dma_start3A_30 = arith.constant 0 : i32
      %dma_start3A_31 = tpu.memref_slice %arg2[%dma_start3A_29, %dma_start3A_30] : memref<10000x128xf32, #tpu.memory_space<hbm>> -> memref<10000x128xf32, #tpu.memory_space<hbm>>
      tpu.enqueue_indirect_dma source(%dma_start3A_31 : memref<10000x128xf32, #tpu.memory_space<hbm>>) target(%arg8 : memref<80x128xf32, #tpu.memory_space<vmem>>) offsets(%dma_start3A_28 : memref<80xi32, #tpu.memory_space<vmem>>) semaphore(%arg12 : memref<!tpu.dma_semaphore, #tpu.memory_space<semaphore_mem>>)
      %dma_start3A_32 = arith.constant 1 : i32
      %dma_start3A_33 = arith.constant 0 : i32
      %dma_start3A_34 = tpu.memref_slice %arg6[%dma_start3A_32, %dma_start3A_33] : memref<25x80xi32, #tpu.memory_space<vmem>> -> memref<1x80xi32, #tpu.memory_space<vmem>>
      %dma_start3A_35 = tpu.memref_squeeze %dma_start3A_34 : memref<1x80xi32, #tpu.memory_space<vmem>> -> memref<80xi32, #tpu.memory_space<vmem>>
      %dma_start3A_36 = arith.constant 0 : i32
      %dma_start3A_37 = arith.constant 0 : i32
      %dma_start3A_38 = tpu.memref_slice %arg2[%dma_start3A_36, %dma_start3A_37] : memref<10000x128xf32, #tpu.memory_space<hbm>> -> memref<10000x128xf32, #tpu.memory_space<hbm>>
      tpu.enqueue_indirect_dma source(%dma_start3A_38 : memref<10000x128xf32, #tpu.memory_space<hbm>>) target(%arg9 : memref<80x128xf32, #tpu.memory_space<vmem>>) offsets(%dma_start3A_35 : memref<80xi32, #tpu.memory_space<vmem>>) semaphore(%arg13 : memref<!tpu.dma_semaphore, #tpu.memory_space<semaphore_mem>>)
      %scan3A_39 = arith.constant 0 : i32
      %scan3A_40 = arith.constant 7 : i32
      %scan3A_41 = arith.addi %scan3A_39, %scan3A_40 : i32
      %scan3A_42 = arith.constant 1 : i32
      scf.for %scan3A_88 = %scan3A_39 to %scan3A_41 step %scan3A_42  : i32 {
        %mul3A_89 = arith.constant 3 : i32
        %mul3A_90 = arith.muli %scan3A_88, %mul3A_89 : i32
        %add3A_91 = arith.constant 0 : i32
        %add3A_92 = arith.addi %add3A_91, %mul3A_90 : i32
        %add3A_93 = arith.constant 2 : i32
        %add3A_94 = arith.addi %add3A_92, %add3A_93 : i32
        %dma_start3A_95 = arith.constant 0 : i32
        %dma_start3A_96 = tpu.memref_slice %arg6[%add3A_94, %dma_start3A_95] : memref<25x80xi32, #tpu.memory_space<vmem>> -> memref<1x80xi32, #tpu.memory_space<vmem>>
        %dma_start3A_97 = tpu.memref_squeeze %dma_start3A_96 : memref<1x80xi32, #tpu.memory_space<vmem>> -> memref<80xi32, #tpu.memory_space<vmem>>
        %dma_start3A_98 = arith.constant 0 : i32
        %dma_start3A_99 = arith.constant 0 : i32
        %dma_start3A_100 = tpu.memref_slice %arg2[%dma_start3A_98, %dma_start3A_99] : memref<10000x128xf32, #tpu.memory_space<hbm>> -> memref<10000x128xf32, #tpu.memory_space<hbm>>
        tpu.enqueue_indirect_dma source(%dma_start3A_100 : memref<10000x128xf32, #tpu.memory_space<hbm>>) target(%arg10 : memref<80x128xf32, #tpu.memory_space<vmem>>) offsets(%dma_start3A_97 : memref<80xi32, #tpu.memory_space<vmem>>) semaphore(%arg14 : memref<!tpu.dma_semaphore, #tpu.memory_space<semaphore_mem>>)
        %dma_wait3A_101 = arith.constant 0 : i32
        %dma_wait3A_102 = arith.constant 0 : i32
        %dma_wait3A_103 = tpu.memref_slice %arg6[%dma_wait3A_101, %dma_wait3A_102] : memref<25x80xi32, #tpu.memory_space<vmem>> -> memref<1x80xi32, #tpu.memory_space<vmem>>
        %dma_wait3A_104 = tpu.memref_squeeze %dma_wait3A_103 : memref<1x80xi32, #tpu.memory_space<vmem>> -> memref<80xi32, #tpu.memory_space<vmem>>
        %dma_wait3A_105 = arith.constant 0 : i32
        %dma_wait3A_106 = arith.constant 0 : i32
        %dma_wait3A_107 = tpu.memref_slice %arg2[%dma_wait3A_105, %dma_wait3A_106] : memref<10000x128xf32, #tpu.memory_space<hbm>> -> memref<10000x128xf32, #tpu.memory_space<hbm>>
        tpu.wait_indirect_dma semaphore(%arg12 : memref<!tpu.dma_semaphore, #tpu.memory_space<semaphore_mem>>) src(%dma_wait3A_107 : memref<10000x128xf32, #tpu.memory_space<hbm>>) dst(%arg8 : memref<80x128xf32, #tpu.memory_space<vmem>>)
        "tpu.region"() ({
          %run_scoped3A_142 = tpu.sem_alloc : memref<!tpu.dma_semaphore, #tpu.memory_space<semaphore_mem>>
          %dma_start3A_143 = arith.constant 0 : i32
          %dma_start3A_144 = tpu.memref_slice %arg7[%add3A_92, %dma_start3A_143] : memref<25x80xi32, #tpu.memory_space<vmem>> -> memref<1x80xi32, #tpu.memory_space<vmem>>
          %dma_start3A_145 = tpu.memref_squeeze %dma_start3A_144 : memref<1x80xi32, #tpu.memory_space<vmem>> -> memref<80xi32, #tpu.memory_space<vmem>>
          %dma_start3A_146 = arith.constant 0 : i32
          %dma_start3A_147 = arith.constant 0 : i32
          %dma_start3A_148 = tpu.memref_slice %arg11[%dma_start3A_146, %dma_start3A_147] : memref<10112x128xf32, #tpu.memory_space<vmem_shared>> -> memref<10112x128xf32, #tpu.memory_space<vmem_shared>>
          tpu.enqueue_indirect_dma source(%arg8 : memref<80x128xf32, #tpu.memory_space<vmem>>) target(%dma_start3A_148 : memref<10112x128xf32, #tpu.memory_space<vmem_shared>>) offsets(%dma_start3A_145 : memref<80xi32, #tpu.memory_space<vmem>>) semaphore(%run_scoped3A_142 : memref<!tpu.dma_semaphore, #tpu.memory_space<semaphore_mem>>) {add = true}
          %dma_wait3A_149 = arith.constant 0 : i32
          %dma_wait3A_150 = tpu.memref_slice %arg7[%add3A_92, %dma_wait3A_149] : memref<25x80xi32, #tpu.memory_space<vmem>> -> memref<1x80xi32, #tpu.memory_space<vmem>>
          %dma_wait3A_151 = tpu.memref_squeeze %dma_wait3A_150 : memref<1x80xi32, #tpu.memory_space<vmem>> -> memref<80xi32, #tpu.memory_space<vmem>>
          %dma_wait3A_152 = arith.constant 0 : i32
          %dma_wait3A_153 = arith.constant 0 : i32
          %dma_wait3A_154 = tpu.memref_slice %arg11[%dma_wait3A_152, %dma_wait3A_153] : memref<10112x128xf32, #tpu.memory_space<vmem_shared>> -> memref<10112x128xf32, #tpu.memory_space<vmem_shared>>
          tpu.wait_indirect_dma semaphore(%run_scoped3A_142 : memref<!tpu.dma_semaphore, #tpu.memory_space<semaphore_mem>>) src(%arg8 : memref<80x128xf32, #tpu.memory_space<vmem>>) dst(%dma_wait3A_154 : memref<10112x128xf32, #tpu.memory_space<vmem_shared>>)
          tpu.yield
        }) : () -> ()
        %add3A_108 = arith.constant 3 : i32
        %add3A_109 = arith.addi %add3A_92, %add3A_108 : i32
        %dma_start3A_110 = arith.constant 0 : i32
        %dma_start3A_111 = tpu.memref_slice %arg6[%add3A_109, %dma_start3A_110] : memref<25x80xi32, #tpu.memory_space<vmem>> -> memref<1x80xi32, #tpu.memory_space<vmem>>
        %dma_start3A_112 = tpu.memref_squeeze %dma_start3A_111 : memref<1x80xi32, #tpu.memory_space<vmem>> -> memref<80xi32, #tpu.memory_space<vmem>>
        %dma_start3A_113 = arith.constant 0 : i32
        %dma_start3A_114 = arith.constant 0 : i32
        %dma_start3A_115 = tpu.memref_slice %arg2[%dma_start3A_113, %dma_start3A_114] : memref<10000x128xf32, #tpu.memory_space<hbm>> -> memref<10000x128xf32, #tpu.memory_space<hbm>>
        tpu.enqueue_indirect_dma source(%dma_start3A_115 : memref<10000x128xf32, #tpu.memory_space<hbm>>) target(%arg8 : memref<80x128xf32, #tpu.memory_space<vmem>>) offsets(%dma_start3A_112 : memref<80xi32, #tpu.memory_space<vmem>>) semaphore(%arg12 : memref<!tpu.dma_semaphore, #tpu.memory_space<semaphore_mem>>)
        %dma_wait3A_116 = arith.constant 0 : i32
        %dma_wait3A_117 = arith.constant 0 : i32
        %dma_wait3A_118 = tpu.memref_slice %arg6[%dma_wait3A_116, %dma_wait3A_117] : memref<25x80xi32, #tpu.memory_space<vmem>> -> memref<1x80xi32, #tpu.memory_space<vmem>>
        %dma_wait3A_119 = tpu.memref_squeeze %dma_wait3A_118 : memref<1x80xi32, #tpu.memory_space<vmem>> -> memref<80xi32, #tpu.memory_space<vmem>>
        %dma_wait3A_120 = arith.constant 0 : i32
        %dma_wait3A_121 = arith.constant 0 : i32
        %dma_wait3A_122 = tpu.memref_slice %arg2[%dma_wait3A_120, %dma_wait3A_121] : memref<10000x128xf32, #tpu.memory_space<hbm>> -> memref<10000x128xf32, #tpu.memory_space<hbm>>
        tpu.wait_indirect_dma semaphore(%arg13 : memref<!tpu.dma_semaphore, #tpu.memory_space<semaphore_mem>>) src(%dma_wait3A_122 : memref<10000x128xf32, #tpu.memory_space<hbm>>) dst(%arg9 : memref<80x128xf32, #tpu.memory_space<vmem>>)
        %add3A_123 = arith.constant 1 : i32
        %add3A_124 = arith.addi %add3A_92, %add3A_123 : i32
        "tpu.region"() ({
          %run_scoped3A_142 = tpu.sem_alloc : memref<!tpu.dma_semaphore, #tpu.memory_space<semaphore_mem>>
          %dma_start3A_143 = arith.constant 0 : i32
          %dma_start3A_144 = tpu.memref_slice %arg7[%add3A_124, %dma_start3A_143] : memref<25x80xi32, #tpu.memory_space<vmem>> -> memref<1x80xi32, #tpu.memory_space<vmem>>
          %dma_start3A_145 = tpu.memref_squeeze %dma_start3A_144 : memref<1x80xi32, #tpu.memory_space<vmem>> -> memref<80xi32, #tpu.memory_space<vmem>>
          %dma_start3A_146 = arith.constant 0 : i32
          %dma_start3A_147 = arith.constant 0 : i32
          %dma_start3A_148 = tpu.memref_slice %arg11[%dma_start3A_146, %dma_start3A_147] : memref<10112x128xf32, #tpu.memory_space<vmem_shared>> -> memref<10112x128xf32, #tpu.memory_space<vmem_shared>>
          tpu.enqueue_indirect_dma source(%arg9 : memref<80x128xf32, #tpu.memory_space<vmem>>) target(%dma_start3A_148 : memref<10112x128xf32, #tpu.memory_space<vmem_shared>>) offsets(%dma_start3A_145 : memref<80xi32, #tpu.memory_space<vmem>>) semaphore(%run_scoped3A_142 : memref<!tpu.dma_semaphore, #tpu.memory_space<semaphore_mem>>) {add = true}
          %dma_wait3A_149 = arith.constant 0 : i32
          %dma_wait3A_150 = tpu.memref_slice %arg7[%add3A_124, %dma_wait3A_149] : memref<25x80xi32, #tpu.memory_space<vmem>> -> memref<1x80xi32, #tpu.memory_space<vmem>>
          %dma_wait3A_151 = tpu.memref_squeeze %dma_wait3A_150 : memref<1x80xi32, #tpu.memory_space<vmem>> -> memref<80xi32, #tpu.memory_space<vmem>>
          %dma_wait3A_152 = arith.constant 0 : i32
          %dma_wait3A_153 = arith.constant 0 : i32
          %dma_wait3A_154 = tpu.memref_slice %arg11[%dma_wait3A_152, %dma_wait3A_153] : memref<10112x128xf32, #tpu.memory_space<vmem_shared>> -> memref<10112x128xf32, #tpu.memory_space<vmem_shared>>
          tpu.wait_indirect_dma semaphore(%run_scoped3A_142 : memref<!tpu.dma_semaphore, #tpu.memory_space<semaphore_mem>>) src(%arg9 : memref<80x128xf32, #tpu.memory_space<vmem>>) dst(%dma_wait3A_154 : memref<10112x128xf32, #tpu.memory_space<vmem_shared>>)
          tpu.yield
        }) : () -> ()
        %add3A_125 = arith.constant 4 : i32
        %add3A_126 = arith.addi %add3A_92, %add3A_125 : i32
        %dma_start3A_127 = arith.constant 0 : i32
        %dma_start3A_128 = tpu.memref_slice %arg6[%add3A_126, %dma_start3A_127] : memref<25x80xi32, #tpu.memory_space<vmem>> -> memref<1x80xi32, #tpu.memory_space<vmem>>
        %dma_start3A_129 = tpu.memref_squeeze %dma_start3A_128 : memref<1x80xi32, #tpu.memory_space<vmem>> -> memref<80xi32, #tpu.memory_space<vmem>>
        %dma_start3A_130 = arith.constant 0 : i32
        %dma_start3A_131 = arith.constant 0 : i32
        %dma_start3A_132 = tpu.memref_slice %arg2[%dma_start3A_130, %dma_start3A_131] : memref<10000x128xf32, #tpu.memory_space<hbm>> -> memref<10000x128xf32, #tpu.memory_space<hbm>>
        tpu.enqueue_indirect_dma source(%dma_start3A_132 : memref<10000x128xf32, #tpu.memory_space<hbm>>) target(%arg9 : memref<80x128xf32, #tpu.memory_space<vmem>>) offsets(%dma_start3A_129 : memref<80xi32, #tpu.memory_space<vmem>>) semaphore(%arg13 : memref<!tpu.dma_semaphore, #tpu.memory_space<semaphore_mem>>)
        %dma_wait3A_133 = arith.constant 0 : i32
        %dma_wait3A_134 = arith.constant 0 : i32
        %dma_wait3A_135 = tpu.memref_slice %arg6[%dma_wait3A_133, %dma_wait3A_134] : memref<25x80xi32, #tpu.memory_space<vmem>> -> memref<1x80xi32, #tpu.memory_space<vmem>>
        %dma_wait3A_136 = tpu.memref_squeeze %dma_wait3A_135 : memref<1x80xi32, #tpu.memory_space<vmem>> -> memref<80xi32, #tpu.memory_space<vmem>>
        %dma_wait3A_137 = arith.constant 0 : i32
        %dma_wait3A_138 = arith.constant 0 : i32
        %dma_wait3A_139 = tpu.memref_slice %arg2[%dma_wait3A_137, %dma_wait3A_138] : memref<10000x128xf32, #tpu.memory_space<hbm>> -> memref<10000x128xf32, #tpu.memory_space<hbm>>
        tpu.wait_indirect_dma semaphore(%arg14 : memref<!tpu.dma_semaphore, #tpu.memory_space<semaphore_mem>>) src(%dma_wait3A_139 : memref<10000x128xf32, #tpu.memory_space<hbm>>) dst(%arg10 : memref<80x128xf32, #tpu.memory_space<vmem>>)
        %add3A_140 = arith.constant 2 : i32
        %add3A_141 = arith.addi %add3A_92, %add3A_140 : i32
        "tpu.region"() ({
          %run_scoped3A_142 = tpu.sem_alloc : memref<!tpu.dma_semaphore, #tpu.memory_space<semaphore_mem>>
          %dma_start3A_143 = arith.constant 0 : i32
          %dma_start3A_144 = tpu.memref_slice %arg7[%add3A_141, %dma_start3A_143] : memref<25x80xi32, #tpu.memory_space<vmem>> -> memref<1x80xi32, #tpu.memory_space<vmem>>
          %dma_start3A_145 = tpu.memref_squeeze %dma_start3A_144 : memref<1x80xi32, #tpu.memory_space<vmem>> -> memref<80xi32, #tpu.memory_space<vmem>>
          %dma_start3A_146 = arith.constant 0 : i32
          %dma_start3A_147 = arith.constant 0 : i32
          %dma_start3A_148 = tpu.memref_slice %arg11[%dma_start3A_146, %dma_start3A_147] : memref<10112x128xf32, #tpu.memory_space<vmem_shared>> -> memref<10112x128xf32, #tpu.memory_space<vmem_shared>>
          tpu.enqueue_indirect_dma source(%arg10 : memref<80x128xf32, #tpu.memory_space<vmem>>) target(%dma_start3A_148 : memref<10112x128xf32, #tpu.memory_space<vmem_shared>>) offsets(%dma_start3A_145 : memref<80xi32, #tpu.memory_space<vmem>>) semaphore(%run_scoped3A_142 : memref<!tpu.dma_semaphore, #tpu.memory_space<semaphore_mem>>) {add = true}
          %dma_wait3A_149 = arith.constant 0 : i32
          %dma_wait3A_150 = tpu.memref_slice %arg7[%add3A_141, %dma_wait3A_149] : memref<25x80xi32, #tpu.memory_space<vmem>> -> memref<1x80xi32, #tpu.memory_space<vmem>>
          %dma_wait3A_151 = tpu.memref_squeeze %dma_wait3A_150 : memref<1x80xi32, #tpu.memory_space<vmem>> -> memref<80xi32, #tpu.memory_space<vmem>>
          %dma_wait3A_152 = arith.constant 0 : i32
          %dma_wait3A_153 = arith.constant 0 : i32
          %dma_wait3A_154 = tpu.memref_slice %arg11[%dma_wait3A_152, %dma_wait3A_153] : memref<10112x128xf32, #tpu.memory_space<vmem_shared>> -> memref<10112x128xf32, #tpu.memory_space<vmem_shared>>
          tpu.wait_indirect_dma semaphore(%run_scoped3A_142 : memref<!tpu.dma_semaphore, #tpu.memory_space<semaphore_mem>>) src(%arg10 : memref<80x128xf32, #tpu.memory_space<vmem>>) dst(%dma_wait3A_154 : memref<10112x128xf32, #tpu.memory_space<vmem_shared>>)
          tpu.yield
        }) : () -> ()
      }
      %scan3A_43 = arith.constant 7 : i32
      %dma_start3A_44 = arith.constant 23 : i32
      %dma_start3A_45 = arith.constant 0 : i32
      %dma_start3A_46 = tpu.memref_slice %arg6[%dma_start3A_44, %dma_start3A_45] : memref<25x80xi32, #tpu.memory_space<vmem>> -> memref<1x80xi32, #tpu.memory_space<vmem>>
      %dma_start3A_47 = tpu.memref_squeeze %dma_start3A_46 : memref<1x80xi32, #tpu.memory_space<vmem>> -> memref<80xi32, #tpu.memory_space<vmem>>
      %dma_start3A_48 = arith.constant 0 : i32
      %dma_start3A_49 = arith.constant 0 : i32
      %dma_start3A_50 = tpu.memref_slice %arg2[%dma_start3A_48, %dma_start3A_49] : memref<10000x128xf32, #tpu.memory_space<hbm>> -> memref<10000x128xf32, #tpu.memory_space<hbm>>
      tpu.enqueue_indirect_dma source(%dma_start3A_50 : memref<10000x128xf32, #tpu.memory_space<hbm>>) target(%arg10 : memref<80x128xf32, #tpu.memory_space<vmem>>) offsets(%dma_start3A_47 : memref<80xi32, #tpu.memory_space<vmem>>) semaphore(%arg14 : memref<!tpu.dma_semaphore, #tpu.memory_space<semaphore_mem>>)
      %dma_wait3A = arith.constant 0 : i32
      %dma_wait3A_51 = arith.constant 0 : i32
      %dma_wait3A_52 = tpu.memref_slice %arg6[%dma_wait3A, %dma_wait3A_51] : memref<25x80xi32, #tpu.memory_space<vmem>> -> memref<1x80xi32, #tpu.memory_space<vmem>>
      %dma_wait3A_53 = tpu.memref_squeeze %dma_wait3A_52 : memref<1x80xi32, #tpu.memory_space<vmem>> -> memref<80xi32, #tpu.memory_space<vmem>>
      %dma_wait3A_54 = arith.constant 0 : i32
      %dma_wait3A_55 = arith.constant 0 : i32
      %dma_wait3A_56 = tpu.memref_slice %arg2[%dma_wait3A_54, %dma_wait3A_55] : memref<10000x128xf32, #tpu.memory_space<hbm>> -> memref<10000x128xf32, #tpu.memory_space<hbm>>
      tpu.wait_indirect_dma semaphore(%arg12 : memref<!tpu.dma_semaphore, #tpu.memory_space<semaphore_mem>>) src(%dma_wait3A_56 : memref<10000x128xf32, #tpu.memory_space<hbm>>) dst(%arg8 : memref<80x128xf32, #tpu.memory_space<vmem>>)
      %run_scoped3A = arith.constant 21 : i32
      "tpu.region"() ({
        %run_scoped3A_88 = tpu.sem_alloc : memref<!tpu.dma_semaphore, #tpu.memory_space<semaphore_mem>>
        %dma_start3A_89 = arith.constant 0 : i32
        %dma_start3A_90 = tpu.memref_slice %arg7[%run_scoped3A, %dma_start3A_89] : memref<25x80xi32, #tpu.memory_space<vmem>> -> memref<1x80xi32, #tpu.memory_space<vmem>>
        %dma_start3A_91 = tpu.memref_squeeze %dma_start3A_90 : memref<1x80xi32, #tpu.memory_space<vmem>> -> memref<80xi32, #tpu.memory_space<vmem>>
        %dma_start3A_92 = arith.constant 0 : i32
        %dma_start3A_93 = arith.constant 0 : i32
        %dma_start3A_94 = tpu.memref_slice %arg11[%dma_start3A_92, %dma_start3A_93] : memref<10112x128xf32, #tpu.memory_space<vmem_shared>> -> memref<10112x128xf32, #tpu.memory_space<vmem_shared>>
        tpu.enqueue_indirect_dma source(%arg8 : memref<80x128xf32, #tpu.memory_space<vmem>>) target(%dma_start3A_94 : memref<10112x128xf32, #tpu.memory_space<vmem_shared>>) offsets(%dma_start3A_91 : memref<80xi32, #tpu.memory_space<vmem>>) semaphore(%run_scoped3A_88 : memref<!tpu.dma_semaphore, #tpu.memory_space<semaphore_mem>>) {add = true}
        %dma_wait3A_95 = arith.constant 0 : i32
        %dma_wait3A_96 = tpu.memref_slice %arg7[%run_scoped3A, %dma_wait3A_95] : memref<25x80xi32, #tpu.memory_space<vmem>> -> memref<1x80xi32, #tpu.memory_space<vmem>>
        %dma_wait3A_97 = tpu.memref_squeeze %dma_wait3A_96 : memref<1x80xi32, #tpu.memory_space<vmem>> -> memref<80xi32, #tpu.memory_space<vmem>>
        %dma_wait3A_98 = arith.constant 0 : i32
        %dma_wait3A_99 = arith.constant 0 : i32
        %dma_wait3A_100 = tpu.memref_slice %arg11[%dma_wait3A_98, %dma_wait3A_99] : memref<10112x128xf32, #tpu.memory_space<vmem_shared>> -> memref<10112x128xf32, #tpu.memory_space<vmem_shared>>
        tpu.wait_indirect_dma semaphore(%run_scoped3A_88 : memref<!tpu.dma_semaphore, #tpu.memory_space<semaphore_mem>>) src(%arg8 : memref<80x128xf32, #tpu.memory_space<vmem>>) dst(%dma_wait3A_100 : memref<10112x128xf32, #tpu.memory_space<vmem_shared>>)
        tpu.yield
      }) : () -> ()
      %dma_start3A_57 = arith.constant 24 : i32
      %dma_start3A_58 = arith.constant 0 : i32
      %dma_start3A_59 = tpu.memref_slice %arg6[%dma_start3A_57, %dma_start3A_58] : memref<25x80xi32, #tpu.memory_space<vmem>> -> memref<1x80xi32, #tpu.memory_space<vmem>>
      %dma_start3A_60 = tpu.memref_squeeze %dma_start3A_59 : memref<1x80xi32, #tpu.memory_space<vmem>> -> memref<80xi32, #tpu.memory_space<vmem>>
      %dma_start3A_61 = arith.constant 0 : i32
      %dma_start3A_62 = arith.constant 0 : i32
      %dma_start3A_63 = tpu.memref_slice %arg2[%dma_start3A_61, %dma_start3A_62] : memref<10000x128xf32, #tpu.memory_space<hbm>> -> memref<10000x128xf32, #tpu.memory_space<hbm>>
      tpu.enqueue_indirect_dma source(%dma_start3A_63 : memref<10000x128xf32, #tpu.memory_space<hbm>>) target(%arg8 : memref<80x128xf32, #tpu.memory_space<vmem>>) offsets(%dma_start3A_60 : memref<80xi32, #tpu.memory_space<vmem>>) semaphore(%arg12 : memref<!tpu.dma_semaphore, #tpu.memory_space<semaphore_mem>>)
      %dma_wait3A_64 = arith.constant 0 : i32
      %dma_wait3A_65 = arith.constant 0 : i32
      %dma_wait3A_66 = tpu.memref_slice %arg6[%dma_wait3A_64, %dma_wait3A_65] : memref<25x80xi32, #tpu.memory_space<vmem>> -> memref<1x80xi32, #tpu.memory_space<vmem>>
      %dma_wait3A_67 = tpu.memref_squeeze %dma_wait3A_66 : memref<1x80xi32, #tpu.memory_space<vmem>> -> memref<80xi32, #tpu.memory_space<vmem>>
      %dma_wait3A_68 = arith.constant 0 : i32
      %dma_wait3A_69 = arith.constant 0 : i32
      %dma_wait3A_70 = tpu.memref_slice %arg2[%dma_wait3A_68, %dma_wait3A_69] : memref<10000x128xf32, #tpu.memory_space<hbm>> -> memref<10000x128xf32, #tpu.memory_space<hbm>>
      tpu.wait_indirect_dma semaphore(%arg13 : memref<!tpu.dma_semaphore, #tpu.memory_space<semaphore_mem>>) src(%dma_wait3A_70 : memref<10000x128xf32, #tpu.memory_space<hbm>>) dst(%arg9 : memref<80x128xf32, #tpu.memory_space<vmem>>)
      %run_scoped3A_71 = arith.constant 22 : i32
      "tpu.region"() ({
        %run_scoped3A_88 = tpu.sem_alloc : memref<!tpu.dma_semaphore, #tpu.memory_space<semaphore_mem>>
        %dma_start3A_89 = arith.constant 0 : i32
        %dma_start3A_90 = tpu.memref_slice %arg7[%run_scoped3A_71, %dma_start3A_89] : memref<25x80xi32, #tpu.memory_space<vmem>> -> memref<1x80xi32, #tpu.memory_space<vmem>>
        %dma_start3A_91 = tpu.memref_squeeze %dma_start3A_90 : memref<1x80xi32, #tpu.memory_space<vmem>> -> memref<80xi32, #tpu.memory_space<vmem>>
        %dma_start3A_92 = arith.constant 0 : i32
        %dma_start3A_93 = arith.constant 0 : i32
        %dma_start3A_94 = tpu.memref_slice %arg11[%dma_start3A_92, %dma_start3A_93] : memref<10112x128xf32, #tpu.memory_space<vmem_shared>> -> memref<10112x128xf32, #tpu.memory_space<vmem_shared>>
        tpu.enqueue_indirect_dma source(%arg9 : memref<80x128xf32, #tpu.memory_space<vmem>>) target(%dma_start3A_94 : memref<10112x128xf32, #tpu.memory_space<vmem_shared>>) offsets(%dma_start3A_91 : memref<80xi32, #tpu.memory_space<vmem>>) semaphore(%run_scoped3A_88 : memref<!tpu.dma_semaphore, #tpu.memory_space<semaphore_mem>>) {add = true}
        %dma_wait3A_95 = arith.constant 0 : i32
        %dma_wait3A_96 = tpu.memref_slice %arg7[%run_scoped3A_71, %dma_wait3A_95] : memref<25x80xi32, #tpu.memory_space<vmem>> -> memref<1x80xi32, #tpu.memory_space<vmem>>
        %dma_wait3A_97 = tpu.memref_squeeze %dma_wait3A_96 : memref<1x80xi32, #tpu.memory_space<vmem>> -> memref<80xi32, #tpu.memory_space<vmem>>
        %dma_wait3A_98 = arith.constant 0 : i32
        %dma_wait3A_99 = arith.constant 0 : i32
        %dma_wait3A_100 = tpu.memref_slice %arg11[%dma_wait3A_98, %dma_wait3A_99] : memref<10112x128xf32, #tpu.memory_space<vmem_shared>> -> memref<10112x128xf32, #tpu.memory_space<vmem_shared>>
        tpu.wait_indirect_dma semaphore(%run_scoped3A_88 : memref<!tpu.dma_semaphore, #tpu.memory_space<semaphore_mem>>) src(%arg9 : memref<80x128xf32, #tpu.memory_space<vmem>>) dst(%dma_wait3A_100 : memref<10112x128xf32, #tpu.memory_space<vmem_shared>>)
        tpu.yield
      }) : () -> ()
      %dma_wait3A_72 = arith.constant 0 : i32
      %dma_wait3A_73 = arith.constant 0 : i32
      %dma_wait3A_74 = tpu.memref_slice %arg6[%dma_wait3A_72, %dma_wait3A_73] : memref<25x80xi32, #tpu.memory_space<vmem>> -> memref<1x80xi32, #tpu.memory_space<vmem>>
      %dma_wait3A_75 = tpu.memref_squeeze %dma_wait3A_74 : memref<1x80xi32, #tpu.memory_space<vmem>> -> memref<80xi32, #tpu.memory_space<vmem>>
      %dma_wait3A_76 = arith.constant 0 : i32
      %dma_wait3A_77 = arith.constant 0 : i32
      %dma_wait3A_78 = tpu.memref_slice %arg2[%dma_wait3A_76, %dma_wait3A_77] : memref<10000x128xf32, #tpu.memory_space<hbm>> -> memref<10000x128xf32, #tpu.memory_space<hbm>>
      tpu.wait_indirect_dma semaphore(%arg14 : memref<!tpu.dma_semaphore, #tpu.memory_space<semaphore_mem>>) src(%dma_wait3A_78 : memref<10000x128xf32, #tpu.memory_space<hbm>>) dst(%arg10 : memref<80x128xf32, #tpu.memory_space<vmem>>)
      %run_scoped3A_79 = arith.constant 23 : i32
      "tpu.region"() ({
        %run_scoped3A_88 = tpu.sem_alloc : memref<!tpu.dma_semaphore, #tpu.memory_space<semaphore_mem>>
        %dma_start3A_89 = arith.constant 0 : i32
        %dma_start3A_90 = tpu.memref_slice %arg7[%run_scoped3A_79, %dma_start3A_89] : memref<25x80xi32, #tpu.memory_space<vmem>> -> memref<1x80xi32, #tpu.memory_space<vmem>>
        %dma_start3A_91 = tpu.memref_squeeze %dma_start3A_90 : memref<1x80xi32, #tpu.memory_space<vmem>> -> memref<80xi32, #tpu.memory_space<vmem>>
        %dma_start3A_92 = arith.constant 0 : i32
        %dma_start3A_93 = arith.constant 0 : i32
        %dma_start3A_94 = tpu.memref_slice %arg11[%dma_start3A_92, %dma_start3A_93] : memref<10112x128xf32, #tpu.memory_space<vmem_shared>> -> memref<10112x128xf32, #tpu.memory_space<vmem_shared>>
        tpu.enqueue_indirect_dma source(%arg10 : memref<80x128xf32, #tpu.memory_space<vmem>>) target(%dma_start3A_94 : memref<10112x128xf32, #tpu.memory_space<vmem_shared>>) offsets(%dma_start3A_91 : memref<80xi32, #tpu.memory_space<vmem>>) semaphore(%run_scoped3A_88 : memref<!tpu.dma_semaphore, #tpu.memory_space<semaphore_mem>>) {add = true}
        %dma_wait3A_95 = arith.constant 0 : i32
        %dma_wait3A_96 = tpu.memref_slice %arg7[%run_scoped3A_79, %dma_wait3A_95] : memref<25x80xi32, #tpu.memory_space<vmem>> -> memref<1x80xi32, #tpu.memory_space<vmem>>
        %dma_wait3A_97 = tpu.memref_squeeze %dma_wait3A_96 : memref<1x80xi32, #tpu.memory_space<vmem>> -> memref<80xi32, #tpu.memory_space<vmem>>
        %dma_wait3A_98 = arith.constant 0 : i32
        %dma_wait3A_99 = arith.constant 0 : i32
        %dma_wait3A_100 = tpu.memref_slice %arg11[%dma_wait3A_98, %dma_wait3A_99] : memref<10112x128xf32, #tpu.memory_space<vmem_shared>> -> memref<10112x128xf32, #tpu.memory_space<vmem_shared>>
        tpu.wait_indirect_dma semaphore(%run_scoped3A_88 : memref<!tpu.dma_semaphore, #tpu.memory_space<semaphore_mem>>) src(%arg10 : memref<80x128xf32, #tpu.memory_space<vmem>>) dst(%dma_wait3A_100 : memref<10112x128xf32, #tpu.memory_space<vmem_shared>>)
        tpu.yield
      }) : () -> ()
      %dma_wait3A_80 = arith.constant 0 : i32
      %dma_wait3A_81 = arith.constant 0 : i32
      %dma_wait3A_82 = tpu.memref_slice %arg6[%dma_wait3A_80, %dma_wait3A_81] : memref<25x80xi32, #tpu.memory_space<vmem>> -> memref<1x80xi32, #tpu.memory_space<vmem>>
      %dma_wait3A_83 = tpu.memref_squeeze %dma_wait3A_82 : memref<1x80xi32, #tpu.memory_space<vmem>> -> memref<80xi32, #tpu.memory_space<vmem>>
      %dma_wait3A_84 = arith.constant 0 : i32
      %dma_wait3A_85 = arith.constant 0 : i32
      %dma_wait3A_86 = tpu.memref_slice %arg2[%dma_wait3A_84, %dma_wait3A_85] : memref<10000x128xf32, #tpu.memory_space<hbm>> -> memref<10000x128xf32, #tpu.memory_space<hbm>>
      tpu.wait_indirect_dma semaphore(%arg12 : memref<!tpu.dma_semaphore, #tpu.memory_space<semaphore_mem>>) src(%dma_wait3A_86 : memref<10000x128xf32, #tpu.memory_space<hbm>>) dst(%arg8 : memref<80x128xf32, #tpu.memory_space<vmem>>)
      %run_scoped3A_87 = arith.constant 24 : i32
      "tpu.region"() ({
        %run_scoped3A_88 = tpu.sem_alloc : memref<!tpu.dma_semaphore, #tpu.memory_space<semaphore_mem>>
        %dma_start3A_89 = arith.constant 0 : i32
        %dma_start3A_90 = tpu.memref_slice %arg7[%run_scoped3A_87, %dma_start3A_89] : memref<25x80xi32, #tpu.memory_space<vmem>> -> memref<1x80xi32, #tpu.memory_space<vmem>>
        %dma_start3A_91 = tpu.memref_squeeze %dma_start3A_90 : memref<1x80xi32, #tpu.memory_space<vmem>> -> memref<80xi32, #tpu.memory_space<vmem>>
        %dma_start3A_92 = arith.constant 0 : i32
        %dma_start3A_93 = arith.constant 0 : i32
        %dma_start3A_94 = tpu.memref_slice %arg11[%dma_start3A_92, %dma_start3A_93] : memref<10112x128xf32, #tpu.memory_space<vmem_shared>> -> memref<10112x128xf32, #tpu.memory_space<vmem_shared>>
        tpu.enqueue_indirect_dma source(%arg8 : memref<80x128xf32, #tpu.memory_space<vmem>>) target(%dma_start3A_94 : memref<10112x128xf32, #tpu.memory_space<vmem_shared>>) offsets(%dma_start3A_91 : memref<80xi32, #tpu.memory_space<vmem>>) semaphore(%run_scoped3A_88 : memref<!tpu.dma_semaphore, #tpu.memory_space<semaphore_mem>>) {add = true}
        %dma_wait3A_95 = arith.constant 0 : i32
        %dma_wait3A_96 = tpu.memref_slice %arg7[%run_scoped3A_87, %dma_wait3A_95] : memref<25x80xi32, #tpu.memory_space<vmem>> -> memref<1x80xi32, #tpu.memory_space<vmem>>
        %dma_wait3A_97 = tpu.memref_squeeze %dma_wait3A_96 : memref<1x80xi32, #tpu.memory_space<vmem>> -> memref<80xi32, #tpu.memory_space<vmem>>
        %dma_wait3A_98 = arith.constant 0 : i32
        %dma_wait3A_99 = arith.constant 0 : i32
        %dma_wait3A_100 = tpu.memref_slice %arg11[%dma_wait3A_98, %dma_wait3A_99] : memref<10112x128xf32, #tpu.memory_space<vmem_shared>> -> memref<10112x128xf32, #tpu.memory_space<vmem_shared>>
        tpu.wait_indirect_dma semaphore(%run_scoped3A_88 : memref<!tpu.dma_semaphore, #tpu.memory_space<semaphore_mem>>) src(%arg8 : memref<80x128xf32, #tpu.memory_space<vmem>>) dst(%dma_wait3A_100 : memref<10112x128xf32, #tpu.memory_space<vmem_shared>>)
        tpu.yield
      }) : () -> ()
    }
    %scan3A_15 = arith.constant 10 : i32
    %barrier3A_16 = arith.constant 0 : index
    tpu.barrier barrier_id(%barrier3A_16)
    %mul3A_17 = arith.constant 632 : i32
    %mul3A_18 = arith.muli %arg1, %mul3A_17 : i32
    %mul3A_19 = arith.constant 632 : i32
    %mul3A_20 = arith.muli %arg1, %mul3A_19 : i32
    "tpu.region"() ({
      %run_scoped3A = tpu.sem_alloc : memref<!tpu.dma_semaphore, #tpu.memory_space<semaphore_mem>>
      %dma_start3A = arith.constant 0 : i32
      %dma_start3A_21 = tpu.memref_slice %arg5[%mul3A_20, %dma_start3A] : memref<10112x128xf32, #tpu.memory_space<hbm>> -> memref<632x128xf32, #tpu.memory_space<hbm>>
      %dma_start3A_22 = arith.constant 0 : i32
      %dma_start3A_23 = tpu.memref_slice %arg11[%mul3A_18, %dma_start3A_22] : memref<10112x128xf32, #tpu.memory_space<vmem_shared>> -> memref<632x128xf32, #tpu.memory_space<vmem_shared>>
      tpu.enqueue_dma source(%dma_start3A_23 : memref<632x128xf32, #tpu.memory_space<vmem_shared>>) target(%dma_start3A_21 : memref<632x128xf32, #tpu.memory_space<hbm>>) target_semaphore(%run_scoped3A : memref<!tpu.dma_semaphore, #tpu.memory_space<semaphore_mem>>)
      %dma_wait3A = arith.constant 0 : i32
      %dma_wait3A_24 = tpu.memref_slice %arg5[%mul3A_20, %dma_wait3A] : memref<10112x128xf32, #tpu.memory_space<hbm>> -> memref<632x128xf32, #tpu.memory_space<hbm>>
      %dma_wait3A_25 = arith.constant 0 : i32
      %dma_wait3A_26 = tpu.memref_slice %arg11[%mul3A_18, %dma_wait3A_25] : memref<10112x128xf32, #tpu.memory_space<vmem_shared>> -> memref<632x128xf32, #tpu.memory_space<vmem_shared>>
      tpu.wait_dma2 semaphore(%run_scoped3A : memref<!tpu.dma_semaphore, #tpu.memory_space<semaphore_mem>>) src(%dma_wait3A_26 : memref<632x128xf32, #tpu.memory_space<vmem_shared>>) dst(%dma_wait3A_24 : memref<632x128xf32, #tpu.memory_space<hbm>>)
      tpu.yield
    }) : () -> ()
    return
  }
}

#map = affine_map<(d0, d1) -> (0, 0)>
#map1 = affine_map<(d0, d1) -> (0, 0, 0, 0)>
module attributes {stable_mosaic.version = 14 : i64} {
  func.func @_edge_agg_body(%arg0: i32, %arg1: i32, %arg2: memref<10000x128xf32, #tpu.memory_space<hbm>>, %arg3: memref<16x10x25x80xi32, #tpu.memory_space<hbm>>, %arg4: memref<16x10x25x80xi32, #tpu.memory_space<hbm>>, %arg5: memref<10112x128xf32, #tpu.memory_space<hbm>>, %arg6: memref<25x80xi32, #tpu.memory_space<vmem>>, %arg7: memref<25x80xi32, #tpu.memory_space<vmem>>, %arg8: memref<80x128xf32, #tpu.memory_space<vmem>>, %arg9: memref<80x128xf32, #tpu.memory_space<vmem>>, %arg10: memref<80x128xf32, #tpu.memory_space<vmem>>, %arg11: memref<10112x128xf32, #tpu.memory_space<vmem_shared>>, %arg12: memref<!tpu.dma_semaphore, #tpu.memory_space<semaphore_mem>>, %arg13: memref<!tpu.dma_semaphore, #tpu.memory_space<semaphore_mem>>, %arg14: memref<!tpu.dma_semaphore, #tpu.memory_space<semaphore_mem>>) attributes {dimension_semantics = [#tpu.dimension_semantics<core_parallel>, #tpu.dimension_semantics<subcore_parallel>], iteration_bounds = array<i64: 1, 16>, scalar_prefetch = 0 : i64, scratch_operands = 9 : i64, tpu.core_type = #tpu.core_type<sc_vector_subcore>, window_params = [{transform_indices = #map}, {transform_indices = #map1}, {transform_indices = #map1}, {transform_indices = #map}]} {
    %scan3A = arith.constant 0 : i32
    %scan3A_0 = arith.constant 80 : i32
    %scan3A_1 = arith.addi %scan3A, %scan3A_0 : i32
    %scan3A_2 = arith.constant 1 : i32
    scf.for %scan3A_21 = %scan3A to %scan3A_1 step %scan3A_2  : i32 {
      %mul3A_22 = arith.constant 1 : i32
      %mul3A_23 = arith.muli %scan3A_21, %mul3A_22 : i32
      %add3A_24 = arith.constant 0 : i32
      %add3A_25 = arith.addi %add3A_24, %mul3A_23 : i32
      %scan3A_26 = arith.constant 0 : i32
      %scan3A_27 = arith.constant 8 : i32
      %scan3A_28 = arith.addi %scan3A_26, %scan3A_27 : i32
      %scan3A_29 = arith.constant 1 : i32
      scf.for %scan3A_31 = %scan3A_26 to %scan3A_28 step %scan3A_29  : i32 {
        %mul3A_32 = arith.constant 16 : i32
        %mul3A_33 = arith.muli %scan3A_31, %mul3A_32 : i32
        %add3A_34 = arith.constant 0 : i32
        %add3A_35 = arith.addi %add3A_34, %mul3A_33 : i32
        %broadcast_in_dim3A = arith.constant 0.000000e+00 : f32
        %broadcast_in_dim3A_36 = vector.broadcast %broadcast_in_dim3A : f32 to vector<16xf32>
        %swap3A = arith.index_cast %add3A_25 : i32 to index
        %swap3A_37 = arith.index_cast %add3A_35 : i32 to index
        %swap3A_38 = tpu.vector_load %arg8[%swap3A, %swap3A_37] {strides = array<i32>} : memref<80x128xf32, #tpu.memory_space<vmem>>, vector<1x16xf32>,
        %swap3A_39 = vector.shape_cast %swap3A_38 : vector<1x16xf32> to vector<16xf32>
        %swap3A_40 = vector.shape_cast %broadcast_in_dim3A_36 : vector<16xf32> to vector<1x16xf32>
        tpu.vector_store %arg8[%swap3A, %swap3A_37], %swap3A_40 {strides = array<i32>} : memref<80x128xf32, #tpu.memory_space<vmem>>, vector<1x16xf32>,
      }
      %scan3A_30 = arith.constant 8 : i32
    }
    %scan3A_3 = arith.constant 80 : i32
    %scan3A_4 = arith.constant 0 : i32
    %scan3A_5 = arith.constant 7 : i32
    %scan3A_6 = arith.addi %scan3A_4, %scan3A_5 : i32
    %scan3A_7 = arith.constant 1 : i32
    scf.for %scan3A_21 = %scan3A_4 to %scan3A_6 step %scan3A_7  : i32 {
      %mul3A_22 = arith.constant 1 : i32
      %mul3A_23 = arith.muli %scan3A_21, %mul3A_22 : i32
      %add3A_24 = arith.constant 0 : i32
      %add3A_25 = arith.addi %add3A_24, %mul3A_23 : i32
      %mul3A_26 = arith.constant 632 : i32
      %mul3A_27 = arith.muli %arg1, %mul3A_26 : i32
      %mul3A_28 = arith.constant 80 : i32
      %mul3A_29 = arith.muli %add3A_25, %mul3A_28 : i32
      %add3A_30 = arith.addi %mul3A_27, %mul3A_29 : i32
      "tpu.region"() ({
        %run_scoped3A = tpu.sem_alloc : memref<!tpu.dma_semaphore, #tpu.memory_space<semaphore_mem>>
        %dma_start3A = arith.constant 0 : i32
        %dma_start3A_31 = tpu.memref_slice %arg11[%add3A_30, %dma_start3A] : memref<10112x128xf32, #tpu.memory_space<vmem_shared>> -> memref<80x128xf32, #tpu.memory_space<vmem_shared>>
        %dma_start3A_32 = arith.constant 0 : i32
        %dma_start3A_33 = tpu.memref_slice %arg11[%add3A_30, %dma_start3A_32] : memref<10112x128xf32, #tpu.memory_space<vmem_shared>> -> memref<80x128xf32, #tpu.memory_space<vmem_shared>>
        tpu.enqueue_dma source(%arg8 : memref<80x128xf32, #tpu.memory_space<vmem>>) target(%dma_start3A_33 : memref<80x128xf32, #tpu.memory_space<vmem_shared>>) target_semaphore(%run_scoped3A : memref<!tpu.dma_semaphore, #tpu.memory_space<semaphore_mem>>)
        %dma_wait3A = arith.constant 0 : i32
        %dma_wait3A_34 = tpu.memref_slice %arg11[%add3A_30, %dma_wait3A] : memref<10112x128xf32, #tpu.memory_space<vmem_shared>> -> memref<80x128xf32, #tpu.memory_space<vmem_shared>>
        %dma_wait3A_35 = arith.constant 0 : i32
        %dma_wait3A_36 = tpu.memref_slice %arg11[%add3A_30, %dma_wait3A_35] : memref<10112x128xf32, #tpu.memory_space<vmem_shared>> -> memref<80x128xf32, #tpu.memory_space<vmem_shared>>
        tpu.wait_dma2 semaphore(%run_scoped3A : memref<!tpu.dma_semaphore, #tpu.memory_space<semaphore_mem>>) src(%arg8 : memref<80x128xf32, #tpu.memory_space<vmem>>) dst(%dma_wait3A_36 : memref<80x128xf32, #tpu.memory_space<vmem_shared>>)
        tpu.yield
      }) : () -> ()
    }
    %scan3A_8 = arith.constant 7 : i32
    %mul3A = arith.constant 632 : i32
    %mul3A_9 = arith.muli %arg1, %mul3A : i32
    %add3A = arith.constant 560 : i32
    %add3A_10 = arith.addi %mul3A_9, %add3A : i32
    "tpu.region"() ({
      %run_scoped3A = tpu.sem_alloc : memref<!tpu.dma_semaphore, #tpu.memory_space<semaphore_mem>>
      %dma_start3A = arith.constant 0 : i32
      %dma_start3A_21 = arith.constant 0 : i32
      %dma_start3A_22 = tpu.memref_slice %arg8[%dma_start3A, %dma_start3A_21] : memref<80x128xf32, #tpu.memory_space<vmem>> -> memref<72x128xf32, #tpu.memory_space<vmem>>
      %dma_start3A_23 = arith.constant 0 : i32
      %dma_start3A_24 = tpu.memref_slice %arg11[%add3A_10, %dma_start3A_23] : memref<10112x128xf32, #tpu.memory_space<vmem_shared>> -> memref<72x128xf32, #tpu.memory_space<vmem_shared>>
      %dma_start3A_25 = arith.constant 0 : i32
      %dma_start3A_26 = tpu.memref_slice %arg11[%add3A_10, %dma_start3A_25] : memref<10112x128xf32, #tpu.memory_space<vmem_shared>> -> memref<72x128xf32, #tpu.memory_space<vmem_shared>>
      %dma_start3A_27 = arith.constant 0 : i32
      %dma_start3A_28 = arith.constant 0 : i32
      %dma_start3A_29 = tpu.memref_slice %arg8[%dma_start3A_27, %dma_start3A_28] : memref<80x128xf32, #tpu.memory_space<vmem>> -> memref<72x128xf32, #tpu.memory_space<vmem>>
      tpu.enqueue_dma source(%dma_start3A_29 : memref<72x128xf32, #tpu.memory_space<vmem>>) target(%dma_start3A_26 : memref<72x128xf32, #tpu.memory_space<vmem_shared>>) target_semaphore(%run_scoped3A : memref<!tpu.dma_semaphore, #tpu.memory_space<semaphore_mem>>)
      %dma_wait3A = arith.constant 0 : i32
      %dma_wait3A_30 = arith.constant 0 : i32
      %dma_wait3A_31 = tpu.memref_slice %arg8[%dma_wait3A, %dma_wait3A_30] : memref<80x128xf32, #tpu.memory_space<vmem>> -> memref<72x128xf32, #tpu.memory_space<vmem>>
      %dma_wait3A_32 = arith.constant 0 : i32
      %dma_wait3A_33 = tpu.memref_slice %arg11[%add3A_10, %dma_wait3A_32] : memref<10112x128xf32, #tpu.memory_space<vmem_shared>> -> memref<72x128xf32, #tpu.memory_space<vmem_shared>>
      %dma_wait3A_34 = arith.constant 0 : i32
      %dma_wait3A_35 = tpu.memref_slice %arg11[%add3A_10, %dma_wait3A_34] : memref<10112x128xf32, #tpu.memory_space<vmem_shared>> -> memref<72x128xf32, #tpu.memory_space<vmem_shared>>
      %dma_wait3A_36 = arith.constant 0 : i32
      %dma_wait3A_37 = arith.constant 0 : i32
      %dma_wait3A_38 = tpu.memref_slice %arg8[%dma_wait3A_36, %dma_wait3A_37] : memref<80x128xf32, #tpu.memory_space<vmem>> -> memref<72x128xf32, #tpu.memory_space<vmem>>
      tpu.wait_dma2 semaphore(%run_scoped3A : memref<!tpu.dma_semaphore, #tpu.memory_space<semaphore_mem>>) src(%dma_wait3A_38 : memref<72x128xf32, #tpu.memory_space<vmem>>) dst(%dma_wait3A_35 : memref<72x128xf32, #tpu.memory_space<vmem_shared>>)
      tpu.yield
    }) : () -> ()
    %barrier3A = arith.constant 0 : index
    tpu.barrier barrier_id(%barrier3A)
    %scan3A_11 = arith.constant 0 : i32
    %scan3A_12 = arith.constant 10 : i32
    %scan3A_13 = arith.addi %scan3A_11, %scan3A_12 : i32
    %scan3A_14 = arith.constant 1 : i32
    scf.for %scan3A_21 = %scan3A_11 to %scan3A_13 step %scan3A_14  : i32 {
      %mul3A_22 = arith.constant 1 : i32
      %mul3A_23 = arith.muli %scan3A_21, %mul3A_22 : i32
      %add3A_24 = arith.constant 0 : i32
      %add3A_25 = arith.addi %add3A_24, %mul3A_23 : i32
      "tpu.region"() ({
        %run_scoped3A_88 = tpu.sem_alloc : memref<!tpu.dma_semaphore, #tpu.memory_space<semaphore_mem>>
        %dma_start3A_89 = arith.constant 0 : i32
        %dma_start3A_90 = arith.constant 0 : i32
        %dma_start3A_91 = tpu.memref_slice %arg3[%arg1, %add3A_25, %dma_start3A_89, %dma_start3A_90] : memref<16x10x25x80xi32, #tpu.memory_space<hbm>> -> memref<1x1x25x80xi32, #tpu.memory_space<hbm>>
        %dma_start3A_92 = tpu.memref_squeeze %dma_start3A_91 : memref<1x1x25x80xi32, #tpu.memory_space<hbm>> -> memref<25x80xi32, #tpu.memory_space<hbm>>
        %dma_start3A_93 = arith.constant 0 : i32
        %dma_start3A_94 = arith.constant 0 : i32
        %dma_start3A_95 = tpu.memref_slice %arg3[%arg1, %add3A_25, %dma_start3A_93, %dma_start3A_94] : memref<16x10x25x80xi32, #tpu.memory_space<hbm>> -> memref<1x1x25x80xi32, #tpu.memory_space<hbm>>
        %dma_start3A_96 = tpu.memref_squeeze %dma_start3A_95 : memref<1x1x25x80xi32, #tpu.memory_space<hbm>> -> memref<25x80xi32, #tpu.memory_space<hbm>>
        tpu.enqueue_dma source(%dma_start3A_96 : memref<25x80xi32, #tpu.memory_space<hbm>>) target(%arg6 : memref<25x80xi32, #tpu.memory_space<vmem>>) target_semaphore(%run_scoped3A_88 : memref<!tpu.dma_semaphore, #tpu.memory_space<semaphore_mem>>)
        %dma_wait3A_97 = arith.constant 0 : i32
        %dma_wait3A_98 = arith.constant 0 : i32
        %dma_wait3A_99 = tpu.memref_slice %arg3[%arg1, %add3A_25, %dma_wait3A_97, %dma_wait3A_98] : memref<16x10x25x80xi32, #tpu.memory_space<hbm>> -> memref<1x1x25x80xi32, #tpu.memory_space<hbm>>
        %dma_wait3A_100 = tpu.memref_squeeze %dma_wait3A_99 : memref<1x1x25x80xi32, #tpu.memory_space<hbm>> -> memref<25x80xi32, #tpu.memory_space<hbm>>
        %dma_wait3A_101 = arith.constant 0 : i32
        %dma_wait3A_102 = arith.constant 0 : i32
        %dma_wait3A_103 = tpu.memref_slice %arg3[%arg1, %add3A_25, %dma_wait3A_101, %dma_wait3A_102] : memref<16x10x25x80xi32, #tpu.memory_space<hbm>> -> memref<1x1x25x80xi32, #tpu.memory_space<hbm>>
        %dma_wait3A_104 = tpu.memref_squeeze %dma_wait3A_103 : memref<1x1x25x80xi32, #tpu.memory_space<hbm>> -> memref<25x80xi32, #tpu.memory_space<hbm>>
        tpu.wait_dma2 semaphore(%run_scoped3A_88 : memref<!tpu.dma_semaphore, #tpu.memory_space<semaphore_mem>>) src(%dma_wait3A_104 : memref<25x80xi32, #tpu.memory_space<hbm>>) dst(%arg6 : memref<25x80xi32, #tpu.memory_space<vmem>>)
        tpu.yield
      }) : () -> ()
      "tpu.region"() ({
        %run_scoped3A_88 = tpu.sem_alloc : memref<!tpu.dma_semaphore, #tpu.memory_space<semaphore_mem>>
        %dma_start3A_89 = arith.constant 0 : i32
        %dma_start3A_90 = arith.constant 0 : i32
        %dma_start3A_91 = tpu.memref_slice %arg4[%arg1, %add3A_25, %dma_start3A_89, %dma_start3A_90] : memref<16x10x25x80xi32, #tpu.memory_space<hbm>> -> memref<1x1x25x80xi32, #tpu.memory_space<hbm>>
        %dma_start3A_92 = tpu.memref_squeeze %dma_start3A_91 : memref<1x1x25x80xi32, #tpu.memory_space<hbm>> -> memref<25x80xi32, #tpu.memory_space<hbm>>
        %dma_start3A_93 = arith.constant 0 : i32
        %dma_start3A_94 = arith.constant 0 : i32
        %dma_start3A_95 = tpu.memref_slice %arg4[%arg1, %add3A_25, %dma_start3A_93, %dma_start3A_94] : memref<16x10x25x80xi32, #tpu.memory_space<hbm>> -> memref<1x1x25x80xi32, #tpu.memory_space<hbm>>
        %dma_start3A_96 = tpu.memref_squeeze %dma_start3A_95 : memref<1x1x25x80xi32, #tpu.memory_space<hbm>> -> memref<25x80xi32, #tpu.memory_space<hbm>>
        tpu.enqueue_dma source(%dma_start3A_96 : memref<25x80xi32, #tpu.memory_space<hbm>>) target(%arg7 : memref<25x80xi32, #tpu.memory_space<vmem>>) target_semaphore(%run_scoped3A_88 : memref<!tpu.dma_semaphore, #tpu.memory_space<semaphore_mem>>)
        %dma_wait3A_97 = arith.constant 0 : i32
        %dma_wait3A_98 = arith.constant 0 : i32
        %dma_wait3A_99 = tpu.memref_slice %arg4[%arg1, %add3A_25, %dma_wait3A_97, %dma_wait3A_98] : memref<16x10x25x80xi32, #tpu.memory_space<hbm>> -> memref<1x1x25x80xi32, #tpu.memory_space<hbm>>
        %dma_wait3A_100 = tpu.memref_squeeze %dma_wait3A_99 : memref<1x1x25x80xi32, #tpu.memory_space<hbm>> -> memref<25x80xi32, #tpu.memory_space<hbm>>
        %dma_wait3A_101 = arith.constant 0 : i32
        %dma_wait3A_102 = arith.constant 0 : i32
        %dma_wait3A_103 = tpu.memref_slice %arg4[%arg1, %add3A_25, %dma_wait3A_101, %dma_wait3A_102] : memref<16x10x25x80xi32, #tpu.memory_space<hbm>> -> memref<1x1x25x80xi32, #tpu.memory_space<hbm>>
        %dma_wait3A_104 = tpu.memref_squeeze %dma_wait3A_103 : memref<1x1x25x80xi32, #tpu.memory_space<hbm>> -> memref<25x80xi32, #tpu.memory_space<hbm>>
        tpu.wait_dma2 semaphore(%run_scoped3A_88 : memref<!tpu.dma_semaphore, #tpu.memory_space<semaphore_mem>>) src(%dma_wait3A_104 : memref<25x80xi32, #tpu.memory_space<hbm>>) dst(%arg7 : memref<25x80xi32, #tpu.memory_space<vmem>>)
        tpu.yield
      }) : () -> ()
      %dma_start3A = arith.constant 0 : i32
      %dma_start3A_26 = arith.constant 0 : i32
      %dma_start3A_27 = tpu.memref_slice %arg6[%dma_start3A, %dma_start3A_26] : memref<25x80xi32, #tpu.memory_space<vmem>> -> memref<1x80xi32, #tpu.memory_space<vmem>>
      %dma_start3A_28 = tpu.memref_squeeze %dma_start3A_27 : memref<1x80xi32, #tpu.memory_space<vmem>> -> memref<80xi32, #tpu.memory_space<vmem>>
      %dma_start3A_29 = arith.constant 0 : i32
      %dma_start3A_30 = arith.constant 0 : i32
      %dma_start3A_31 = tpu.memref_slice %arg2[%dma_start3A_29, %dma_start3A_30] : memref<10000x128xf32, #tpu.memory_space<hbm>> -> memref<10000x128xf32, #tpu.memory_space<hbm>>
      tpu.enqueue_indirect_dma source(%dma_start3A_31 : memref<10000x128xf32, #tpu.memory_space<hbm>>) target(%arg8 : memref<80x128xf32, #tpu.memory_space<vmem>>) offsets(%dma_start3A_28 : memref<80xi32, #tpu.memory_space<vmem>>) semaphore(%arg12 : memref<!tpu.dma_semaphore, #tpu.memory_space<semaphore_mem>>)
      %dma_start3A_32 = arith.constant 1 : i32
      %dma_start3A_33 = arith.constant 0 : i32
      %dma_start3A_34 = tpu.memref_slice %arg6[%dma_start3A_32, %dma_start3A_33] : memref<25x80xi32, #tpu.memory_space<vmem>> -> memref<1x80xi32, #tpu.memory_space<vmem>>
      %dma_start3A_35 = tpu.memref_squeeze %dma_start3A_34 : memref<1x80xi32, #tpu.memory_space<vmem>> -> memref<80xi32, #tpu.memory_space<vmem>>
      %dma_start3A_36 = arith.constant 0 : i32
      %dma_start3A_37 = arith.constant 0 : i32
      %dma_start3A_38 = tpu.memref_slice %arg2[%dma_start3A_36, %dma_start3A_37] : memref<10000x128xf32, #tpu.memory_space<hbm>> -> memref<10000x128xf32, #tpu.memory_space<hbm>>
      tpu.enqueue_indirect_dma source(%dma_start3A_38 : memref<10000x128xf32, #tpu.memory_space<hbm>>) target(%arg9 : memref<80x128xf32, #tpu.memory_space<vmem>>) offsets(%dma_start3A_35 : memref<80xi32, #tpu.memory_space<vmem>>) semaphore(%arg13 : memref<!tpu.dma_semaphore, #tpu.memory_space<semaphore_mem>>)
      %scan3A_39 = arith.constant 0 : i32
      %scan3A_40 = arith.constant 7 : i32
      %scan3A_41 = arith.addi %scan3A_39, %scan3A_40 : i32
      %scan3A_42 = arith.constant 1 : i32
      scf.for %scan3A_88 = %scan3A_39 to %scan3A_41 step %scan3A_42  : i32 {
        %mul3A_89 = arith.constant 3 : i32
        %mul3A_90 = arith.muli %scan3A_88, %mul3A_89 : i32
        %add3A_91 = arith.constant 0 : i32
        %add3A_92 = arith.addi %add3A_91, %mul3A_90 : i32
        %add3A_93 = arith.constant 2 : i32
        %add3A_94 = arith.addi %add3A_92, %add3A_93 : i32
        %dma_start3A_95 = arith.constant 0 : i32
        %dma_start3A_96 = tpu.memref_slice %arg6[%add3A_94, %dma_start3A_95] : memref<25x80xi32, #tpu.memory_space<vmem>> -> memref<1x80xi32, #tpu.memory_space<vmem>>
        %dma_start3A_97 = tpu.memref_squeeze %dma_start3A_96 : memref<1x80xi32, #tpu.memory_space<vmem>> -> memref<80xi32, #tpu.memory_space<vmem>>
        %dma_start3A_98 = arith.constant 0 : i32
        %dma_start3A_99 = arith.constant 0 : i32
        %dma_start3A_100 = tpu.memref_slice %arg2[%dma_start3A_98, %dma_start3A_99] : memref<10000x128xf32, #tpu.memory_space<hbm>> -> memref<10000x128xf32, #tpu.memory_space<hbm>>
        tpu.enqueue_indirect_dma source(%dma_start3A_100 : memref<10000x128xf32, #tpu.memory_space<hbm>>) target(%arg10 : memref<80x128xf32, #tpu.memory_space<vmem>>) offsets(%dma_start3A_97 : memref<80xi32, #tpu.memory_space<vmem>>) semaphore(%arg14 : memref<!tpu.dma_semaphore, #tpu.memory_space<semaphore_mem>>)
        %dma_wait3A_101 = arith.constant 0 : i32
        %dma_wait3A_102 = arith.constant 0 : i32
        %dma_wait3A_103 = tpu.memref_slice %arg6[%dma_wait3A_101, %dma_wait3A_102] : memref<25x80xi32, #tpu.memory_space<vmem>> -> memref<1x80xi32, #tpu.memory_space<vmem>>
        %dma_wait3A_104 = tpu.memref_squeeze %dma_wait3A_103 : memref<1x80xi32, #tpu.memory_space<vmem>> -> memref<80xi32, #tpu.memory_space<vmem>>
        %dma_wait3A_105 = arith.constant 0 : i32
        %dma_wait3A_106 = arith.constant 0 : i32
        %dma_wait3A_107 = tpu.memref_slice %arg2[%dma_wait3A_105, %dma_wait3A_106] : memref<10000x128xf32, #tpu.memory_space<hbm>> -> memref<10000x128xf32, #tpu.memory_space<hbm>>
        tpu.wait_indirect_dma semaphore(%arg12 : memref<!tpu.dma_semaphore, #tpu.memory_space<semaphore_mem>>) src(%dma_wait3A_107 : memref<10000x128xf32, #tpu.memory_space<hbm>>) dst(%arg8 : memref<80x128xf32, #tpu.memory_space<vmem>>)
        "tpu.region"() ({
          %run_scoped3A_142 = tpu.sem_alloc : memref<!tpu.dma_semaphore, #tpu.memory_space<semaphore_mem>>
          %dma_start3A_143 = arith.constant 0 : i32
          %dma_start3A_144 = tpu.memref_slice %arg7[%add3A_92, %dma_start3A_143] : memref<25x80xi32, #tpu.memory_space<vmem>> -> memref<1x80xi32, #tpu.memory_space<vmem>>
          %dma_start3A_145 = tpu.memref_squeeze %dma_start3A_144 : memref<1x80xi32, #tpu.memory_space<vmem>> -> memref<80xi32, #tpu.memory_space<vmem>>
          %dma_start3A_146 = arith.constant 0 : i32
          %dma_start3A_147 = arith.constant 0 : i32
          %dma_start3A_148 = tpu.memref_slice %arg11[%dma_start3A_146, %dma_start3A_147] : memref<10112x128xf32, #tpu.memory_space<vmem_shared>> -> memref<10112x128xf32, #tpu.memory_space<vmem_shared>>
          tpu.enqueue_indirect_dma source(%arg8 : memref<80x128xf32, #tpu.memory_space<vmem>>) target(%dma_start3A_148 : memref<10112x128xf32, #tpu.memory_space<vmem_shared>>) offsets(%dma_start3A_145 : memref<80xi32, #tpu.memory_space<vmem>>) semaphore(%run_scoped3A_142 : memref<!tpu.dma_semaphore, #tpu.memory_space<semaphore_mem>>) {add = true}
          %dma_wait3A_149 = arith.constant 0 : i32
          %dma_wait3A_150 = tpu.memref_slice %arg7[%add3A_92, %dma_wait3A_149] : memref<25x80xi32, #tpu.memory_space<vmem>> -> memref<1x80xi32, #tpu.memory_space<vmem>>
          %dma_wait3A_151 = tpu.memref_squeeze %dma_wait3A_150 : memref<1x80xi32, #tpu.memory_space<vmem>> -> memref<80xi32, #tpu.memory_space<vmem>>
          %dma_wait3A_152 = arith.constant 0 : i32
          %dma_wait3A_153 = arith.constant 0 : i32
          %dma_wait3A_154 = tpu.memref_slice %arg11[%dma_wait3A_152, %dma_wait3A_153] : memref<10112x128xf32, #tpu.memory_space<vmem_shared>> -> memref<10112x128xf32, #tpu.memory_space<vmem_shared>>
          tpu.wait_indirect_dma semaphore(%run_scoped3A_142 : memref<!tpu.dma_semaphore, #tpu.memory_space<semaphore_mem>>) src(%arg8 : memref<80x128xf32, #tpu.memory_space<vmem>>) dst(%dma_wait3A_154 : memref<10112x128xf32, #tpu.memory_space<vmem_shared>>)
          tpu.yield
        }) : () -> ()
        %add3A_108 = arith.constant 3 : i32
        %add3A_109 = arith.addi %add3A_92, %add3A_108 : i32
        %dma_start3A_110 = arith.constant 0 : i32
        %dma_start3A_111 = tpu.memref_slice %arg6[%add3A_109, %dma_start3A_110] : memref<25x80xi32, #tpu.memory_space<vmem>> -> memref<1x80xi32, #tpu.memory_space<vmem>>
        %dma_start3A_112 = tpu.memref_squeeze %dma_start3A_111 : memref<1x80xi32, #tpu.memory_space<vmem>> -> memref<80xi32, #tpu.memory_space<vmem>>
        %dma_start3A_113 = arith.constant 0 : i32
        %dma_start3A_114 = arith.constant 0 : i32
        %dma_start3A_115 = tpu.memref_slice %arg2[%dma_start3A_113, %dma_start3A_114] : memref<10000x128xf32, #tpu.memory_space<hbm>> -> memref<10000x128xf32, #tpu.memory_space<hbm>>
        tpu.enqueue_indirect_dma source(%dma_start3A_115 : memref<10000x128xf32, #tpu.memory_space<hbm>>) target(%arg8 : memref<80x128xf32, #tpu.memory_space<vmem>>) offsets(%dma_start3A_112 : memref<80xi32, #tpu.memory_space<vmem>>) semaphore(%arg12 : memref<!tpu.dma_semaphore, #tpu.memory_space<semaphore_mem>>)
        %dma_wait3A_116 = arith.constant 0 : i32
        %dma_wait3A_117 = arith.constant 0 : i32
        %dma_wait3A_118 = tpu.memref_slice %arg6[%dma_wait3A_116, %dma_wait3A_117] : memref<25x80xi32, #tpu.memory_space<vmem>> -> memref<1x80xi32, #tpu.memory_space<vmem>>
        %dma_wait3A_119 = tpu.memref_squeeze %dma_wait3A_118 : memref<1x80xi32, #tpu.memory_space<vmem>> -> memref<80xi32, #tpu.memory_space<vmem>>
        %dma_wait3A_120 = arith.constant 0 : i32
        %dma_wait3A_121 = arith.constant 0 : i32
        %dma_wait3A_122 = tpu.memref_slice %arg2[%dma_wait3A_120, %dma_wait3A_121] : memref<10000x128xf32, #tpu.memory_space<hbm>> -> memref<10000x128xf32, #tpu.memory_space<hbm>>
        tpu.wait_indirect_dma semaphore(%arg13 : memref<!tpu.dma_semaphore, #tpu.memory_space<semaphore_mem>>) src(%dma_wait3A_122 : memref<10000x128xf32, #tpu.memory_space<hbm>>) dst(%arg9 : memref<80x128xf32, #tpu.memory_space<vmem>>)
        %add3A_123 = arith.constant 1 : i32
        %add3A_124 = arith.addi %add3A_92, %add3A_123 : i32
        "tpu.region"() ({
          %run_scoped3A_142 = tpu.sem_alloc : memref<!tpu.dma_semaphore, #tpu.memory_space<semaphore_mem>>
          %dma_start3A_143 = arith.constant 0 : i32
          %dma_start3A_144 = tpu.memref_slice %arg7[%add3A_124, %dma_start3A_143] : memref<25x80xi32, #tpu.memory_space<vmem>> -> memref<1x80xi32, #tpu.memory_space<vmem>>
          %dma_start3A_145 = tpu.memref_squeeze %dma_start3A_144 : memref<1x80xi32, #tpu.memory_space<vmem>> -> memref<80xi32, #tpu.memory_space<vmem>>
          %dma_start3A_146 = arith.constant 0 : i32
          %dma_start3A_147 = arith.constant 0 : i32
          %dma_start3A_148 = tpu.memref_slice %arg11[%dma_start3A_146, %dma_start3A_147] : memref<10112x128xf32, #tpu.memory_space<vmem_shared>> -> memref<10112x128xf32, #tpu.memory_space<vmem_shared>>
          tpu.enqueue_indirect_dma source(%arg9 : memref<80x128xf32, #tpu.memory_space<vmem>>) target(%dma_start3A_148 : memref<10112x128xf32, #tpu.memory_space<vmem_shared>>) offsets(%dma_start3A_145 : memref<80xi32, #tpu.memory_space<vmem>>) semaphore(%run_scoped3A_142 : memref<!tpu.dma_semaphore, #tpu.memory_space<semaphore_mem>>) {add = true}
          %dma_wait3A_149 = arith.constant 0 : i32
          %dma_wait3A_150 = tpu.memref_slice %arg7[%add3A_124, %dma_wait3A_149] : memref<25x80xi32, #tpu.memory_space<vmem>> -> memref<1x80xi32, #tpu.memory_space<vmem>>
          %dma_wait3A_151 = tpu.memref_squeeze %dma_wait3A_150 : memref<1x80xi32, #tpu.memory_space<vmem>> -> memref<80xi32, #tpu.memory_space<vmem>>
          %dma_wait3A_152 = arith.constant 0 : i32
          %dma_wait3A_153 = arith.constant 0 : i32
          %dma_wait3A_154 = tpu.memref_slice %arg11[%dma_wait3A_152, %dma_wait3A_153] : memref<10112x128xf32, #tpu.memory_space<vmem_shared>> -> memref<10112x128xf32, #tpu.memory_space<vmem_shared>>
          tpu.wait_indirect_dma semaphore(%run_scoped3A_142 : memref<!tpu.dma_semaphore, #tpu.memory_space<semaphore_mem>>) src(%arg9 : memref<80x128xf32, #tpu.memory_space<vmem>>) dst(%dma_wait3A_154 : memref<10112x128xf32, #tpu.memory_space<vmem_shared>>)
          tpu.yield
        }) : () -> ()
        %add3A_125 = arith.constant 4 : i32
        %add3A_126 = arith.addi %add3A_92, %add3A_125 : i32
        %dma_start3A_127 = arith.constant 0 : i32
        %dma_start3A_128 = tpu.memref_slice %arg6[%add3A_126, %dma_start3A_127] : memref<25x80xi32, #tpu.memory_space<vmem>> -> memref<1x80xi32, #tpu.memory_space<vmem>>
        %dma_start3A_129 = tpu.memref_squeeze %dma_start3A_128 : memref<1x80xi32, #tpu.memory_space<vmem>> -> memref<80xi32, #tpu.memory_space<vmem>>
        %dma_start3A_130 = arith.constant 0 : i32
        %dma_start3A_131 = arith.constant 0 : i32
        %dma_start3A_132 = tpu.memref_slice %arg2[%dma_start3A_130, %dma_start3A_131] : memref<10000x128xf32, #tpu.memory_space<hbm>> -> memref<10000x128xf32, #tpu.memory_space<hbm>>
        tpu.enqueue_indirect_dma source(%dma_start3A_132 : memref<10000x128xf32, #tpu.memory_space<hbm>>) target(%arg9 : memref<80x128xf32, #tpu.memory_space<vmem>>) offsets(%dma_start3A_129 : memref<80xi32, #tpu.memory_space<vmem>>) semaphore(%arg13 : memref<!tpu.dma_semaphore, #tpu.memory_space<semaphore_mem>>)
        %dma_wait3A_133 = arith.constant 0 : i32
        %dma_wait3A_134 = arith.constant 0 : i32
        %dma_wait3A_135 = tpu.memref_slice %arg6[%dma_wait3A_133, %dma_wait3A_134] : memref<25x80xi32, #tpu.memory_space<vmem>> -> memref<1x80xi32, #tpu.memory_space<vmem>>
        %dma_wait3A_136 = tpu.memref_squeeze %dma_wait3A_135 : memref<1x80xi32, #tpu.memory_space<vmem>> -> memref<80xi32, #tpu.memory_space<vmem>>
        %dma_wait3A_137 = arith.constant 0 : i32
        %dma_wait3A_138 = arith.constant 0 : i32
        %dma_wait3A_139 = tpu.memref_slice %arg2[%dma_wait3A_137, %dma_wait3A_138] : memref<10000x128xf32, #tpu.memory_space<hbm>> -> memref<10000x128xf32, #tpu.memory_space<hbm>>
        tpu.wait_indirect_dma semaphore(%arg14 : memref<!tpu.dma_semaphore, #tpu.memory_space<semaphore_mem>>) src(%dma_wait3A_139 : memref<10000x128xf32, #tpu.memory_space<hbm>>) dst(%arg10 : memref<80x128xf32, #tpu.memory_space<vmem>>)
        %add3A_140 = arith.constant 2 : i32
        %add3A_141 = arith.addi %add3A_92, %add3A_140 : i32
        "tpu.region"() ({
          %run_scoped3A_142 = tpu.sem_alloc : memref<!tpu.dma_semaphore, #tpu.memory_space<semaphore_mem>>
          %dma_start3A_143 = arith.constant 0 : i32
          %dma_start3A_144 = tpu.memref_slice %arg7[%add3A_141, %dma_start3A_143] : memref<25x80xi32, #tpu.memory_space<vmem>> -> memref<1x80xi32, #tpu.memory_space<vmem>>
          %dma_start3A_145 = tpu.memref_squeeze %dma_start3A_144 : memref<1x80xi32, #tpu.memory_space<vmem>> -> memref<80xi32, #tpu.memory_space<vmem>>
          %dma_start3A_146 = arith.constant 0 : i32
          %dma_start3A_147 = arith.constant 0 : i32
          %dma_start3A_148 = tpu.memref_slice %arg11[%dma_start3A_146, %dma_start3A_147] : memref<10112x128xf32, #tpu.memory_space<vmem_shared>> -> memref<10112x128xf32, #tpu.memory_space<vmem_shared>>
          tpu.enqueue_indirect_dma source(%arg10 : memref<80x128xf32, #tpu.memory_space<vmem>>) target(%dma_start3A_148 : memref<10112x128xf32, #tpu.memory_space<vmem_shared>>) offsets(%dma_start3A_145 : memref<80xi32, #tpu.memory_space<vmem>>) semaphore(%run_scoped3A_142 : memref<!tpu.dma_semaphore, #tpu.memory_space<semaphore_mem>>) {add = true}
          %dma_wait3A_149 = arith.constant 0 : i32
          %dma_wait3A_150 = tpu.memref_slice %arg7[%add3A_141, %dma_wait3A_149] : memref<25x80xi32, #tpu.memory_space<vmem>> -> memref<1x80xi32, #tpu.memory_space<vmem>>
          %dma_wait3A_151 = tpu.memref_squeeze %dma_wait3A_150 : memref<1x80xi32, #tpu.memory_space<vmem>> -> memref<80xi32, #tpu.memory_space<vmem>>
          %dma_wait3A_152 = arith.constant 0 : i32
          %dma_wait3A_153 = arith.constant 0 : i32
          %dma_wait3A_154 = tpu.memref_slice %arg11[%dma_wait3A_152, %dma_wait3A_153] : memref<10112x128xf32, #tpu.memory_space<vmem_shared>> -> memref<10112x128xf32, #tpu.memory_space<vmem_shared>>
          tpu.wait_indirect_dma semaphore(%run_scoped3A_142 : memref<!tpu.dma_semaphore, #tpu.memory_space<semaphore_mem>>) src(%arg10 : memref<80x128xf32, #tpu.memory_space<vmem>>) dst(%dma_wait3A_154 : memref<10112x128xf32, #tpu.memory_space<vmem_shared>>)
          tpu.yield
        }) : () -> ()
      }
      %scan3A_43 = arith.constant 7 : i32
      %dma_start3A_44 = arith.constant 23 : i32
      %dma_start3A_45 = arith.constant 0 : i32
      %dma_start3A_46 = tpu.memref_slice %arg6[%dma_start3A_44, %dma_start3A_45] : memref<25x80xi32, #tpu.memory_space<vmem>> -> memref<1x80xi32, #tpu.memory_space<vmem>>
      %dma_start3A_47 = tpu.memref_squeeze %dma_start3A_46 : memref<1x80xi32, #tpu.memory_space<vmem>> -> memref<80xi32, #tpu.memory_space<vmem>>
      %dma_start3A_48 = arith.constant 0 : i32
      %dma_start3A_49 = arith.constant 0 : i32
      %dma_start3A_50 = tpu.memref_slice %arg2[%dma_start3A_48, %dma_start3A_49] : memref<10000x128xf32, #tpu.memory_space<hbm>> -> memref<10000x128xf32, #tpu.memory_space<hbm>>
      tpu.enqueue_indirect_dma source(%dma_start3A_50 : memref<10000x128xf32, #tpu.memory_space<hbm>>) target(%arg10 : memref<80x128xf32, #tpu.memory_space<vmem>>) offsets(%dma_start3A_47 : memref<80xi32, #tpu.memory_space<vmem>>) semaphore(%arg14 : memref<!tpu.dma_semaphore, #tpu.memory_space<semaphore_mem>>)
      %dma_wait3A = arith.constant 0 : i32
      %dma_wait3A_51 = arith.constant 0 : i32
      %dma_wait3A_52 = tpu.memref_slice %arg6[%dma_wait3A, %dma_wait3A_51] : memref<25x80xi32, #tpu.memory_space<vmem>> -> memref<1x80xi32, #tpu.memory_space<vmem>>
      %dma_wait3A_53 = tpu.memref_squeeze %dma_wait3A_52 : memref<1x80xi32, #tpu.memory_space<vmem>> -> memref<80xi32, #tpu.memory_space<vmem>>
      %dma_wait3A_54 = arith.constant 0 : i32
      %dma_wait3A_55 = arith.constant 0 : i32
      %dma_wait3A_56 = tpu.memref_slice %arg2[%dma_wait3A_54, %dma_wait3A_55] : memref<10000x128xf32, #tpu.memory_space<hbm>> -> memref<10000x128xf32, #tpu.memory_space<hbm>>
      tpu.wait_indirect_dma semaphore(%arg12 : memref<!tpu.dma_semaphore, #tpu.memory_space<semaphore_mem>>) src(%dma_wait3A_56 : memref<10000x128xf32, #tpu.memory_space<hbm>>) dst(%arg8 : memref<80x128xf32, #tpu.memory_space<vmem>>)
      %run_scoped3A = arith.constant 21 : i32
      "tpu.region"() ({
        %run_scoped3A_88 = tpu.sem_alloc : memref<!tpu.dma_semaphore, #tpu.memory_space<semaphore_mem>>
        %dma_start3A_89 = arith.constant 0 : i32
        %dma_start3A_90 = tpu.memref_slice %arg7[%run_scoped3A, %dma_start3A_89] : memref<25x80xi32, #tpu.memory_space<vmem>> -> memref<1x80xi32, #tpu.memory_space<vmem>>
        %dma_start3A_91 = tpu.memref_squeeze %dma_start3A_90 : memref<1x80xi32, #tpu.memory_space<vmem>> -> memref<80xi32, #tpu.memory_space<vmem>>
        %dma_start3A_92 = arith.constant 0 : i32
        %dma_start3A_93 = arith.constant 0 : i32
        %dma_start3A_94 = tpu.memref_slice %arg11[%dma_start3A_92, %dma_start3A_93] : memref<10112x128xf32, #tpu.memory_space<vmem_shared>> -> memref<10112x128xf32, #tpu.memory_space<vmem_shared>>
        tpu.enqueue_indirect_dma source(%arg8 : memref<80x128xf32, #tpu.memory_space<vmem>>) target(%dma_start3A_94 : memref<10112x128xf32, #tpu.memory_space<vmem_shared>>) offsets(%dma_start3A_91 : memref<80xi32, #tpu.memory_space<vmem>>) semaphore(%run_scoped3A_88 : memref<!tpu.dma_semaphore, #tpu.memory_space<semaphore_mem>>) {add = true}
        %dma_wait3A_95 = arith.constant 0 : i32
        %dma_wait3A_96 = tpu.memref_slice %arg7[%run_scoped3A, %dma_wait3A_95] : memref<25x80xi32, #tpu.memory_space<vmem>> -> memref<1x80xi32, #tpu.memory_space<vmem>>
        %dma_wait3A_97 = tpu.memref_squeeze %dma_wait3A_96 : memref<1x80xi32, #tpu.memory_space<vmem>> -> memref<80xi32, #tpu.memory_space<vmem>>
        %dma_wait3A_98 = arith.constant 0 : i32
        %dma_wait3A_99 = arith.constant 0 : i32
        %dma_wait3A_100 = tpu.memref_slice %arg11[%dma_wait3A_98, %dma_wait3A_99] : memref<10112x128xf32, #tpu.memory_space<vmem_shared>> -> memref<10112x128xf32, #tpu.memory_space<vmem_shared>>
        tpu.wait_indirect_dma semaphore(%run_scoped3A_88 : memref<!tpu.dma_semaphore, #tpu.memory_space<semaphore_mem>>) src(%arg8 : memref<80x128xf32, #tpu.memory_space<vmem>>) dst(%dma_wait3A_100 : memref<10112x128xf32, #tpu.memory_space<vmem_shared>>)
        tpu.yield
      }) : () -> ()
      %dma_start3A_57 = arith.constant 24 : i32
      %dma_start3A_58 = arith.constant 0 : i32
      %dma_start3A_59 = tpu.memref_slice %arg6[%dma_start3A_57, %dma_start3A_58] : memref<25x80xi32, #tpu.memory_space<vmem>> -> memref<1x80xi32, #tpu.memory_space<vmem>>
      %dma_start3A_60 = tpu.memref_squeeze %dma_start3A_59 : memref<1x80xi32, #tpu.memory_space<vmem>> -> memref<80xi32, #tpu.memory_space<vmem>>
      %dma_start3A_61 = arith.constant 0 : i32
      %dma_start3A_62 = arith.constant 0 : i32
      %dma_start3A_63 = tpu.memref_slice %arg2[%dma_start3A_61, %dma_start3A_62] : memref<10000x128xf32, #tpu.memory_space<hbm>> -> memref<10000x128xf32, #tpu.memory_space<hbm>>
      tpu.enqueue_indirect_dma source(%dma_start3A_63 : memref<10000x128xf32, #tpu.memory_space<hbm>>) target(%arg8 : memref<80x128xf32, #tpu.memory_space<vmem>>) offsets(%dma_start3A_60 : memref<80xi32, #tpu.memory_space<vmem>>) semaphore(%arg12 : memref<!tpu.dma_semaphore, #tpu.memory_space<semaphore_mem>>)
      %dma_wait3A_64 = arith.constant 0 : i32
      %dma_wait3A_65 = arith.constant 0 : i32
      %dma_wait3A_66 = tpu.memref_slice %arg6[%dma_wait3A_64, %dma_wait3A_65] : memref<25x80xi32, #tpu.memory_space<vmem>> -> memref<1x80xi32, #tpu.memory_space<vmem>>
      %dma_wait3A_67 = tpu.memref_squeeze %dma_wait3A_66 : memref<1x80xi32, #tpu.memory_space<vmem>> -> memref<80xi32, #tpu.memory_space<vmem>>
      %dma_wait3A_68 = arith.constant 0 : i32
      %dma_wait3A_69 = arith.constant 0 : i32
      %dma_wait3A_70 = tpu.memref_slice %arg2[%dma_wait3A_68, %dma_wait3A_69] : memref<10000x128xf32, #tpu.memory_space<hbm>> -> memref<10000x128xf32, #tpu.memory_space<hbm>>
      tpu.wait_indirect_dma semaphore(%arg13 : memref<!tpu.dma_semaphore, #tpu.memory_space<semaphore_mem>>) src(%dma_wait3A_70 : memref<10000x128xf32, #tpu.memory_space<hbm>>) dst(%arg9 : memref<80x128xf32, #tpu.memory_space<vmem>>)
      %run_scoped3A_71 = arith.constant 22 : i32
      "tpu.region"() ({
        %run_scoped3A_88 = tpu.sem_alloc : memref<!tpu.dma_semaphore, #tpu.memory_space<semaphore_mem>>
        %dma_start3A_89 = arith.constant 0 : i32
        %dma_start3A_90 = tpu.memref_slice %arg7[%run_scoped3A_71, %dma_start3A_89] : memref<25x80xi32, #tpu.memory_space<vmem>> -> memref<1x80xi32, #tpu.memory_space<vmem>>
        %dma_start3A_91 = tpu.memref_squeeze %dma_start3A_90 : memref<1x80xi32, #tpu.memory_space<vmem>> -> memref<80xi32, #tpu.memory_space<vmem>>
        %dma_start3A_92 = arith.constant 0 : i32
        %dma_start3A_93 = arith.constant 0 : i32
        %dma_start3A_94 = tpu.memref_slice %arg11[%dma_start3A_92, %dma_start3A_93] : memref<10112x128xf32, #tpu.memory_space<vmem_shared>> -> memref<10112x128xf32, #tpu.memory_space<vmem_shared>>
        tpu.enqueue_indirect_dma source(%arg9 : memref<80x128xf32, #tpu.memory_space<vmem>>) target(%dma_start3A_94 : memref<10112x128xf32, #tpu.memory_space<vmem_shared>>) offsets(%dma_start3A_91 : memref<80xi32, #tpu.memory_space<vmem>>) semaphore(%run_scoped3A_88 : memref<!tpu.dma_semaphore, #tpu.memory_space<semaphore_mem>>) {add = true}
        %dma_wait3A_95 = arith.constant 0 : i32
        %dma_wait3A_96 = tpu.memref_slice %arg7[%run_scoped3A_71, %dma_wait3A_95] : memref<25x80xi32, #tpu.memory_space<vmem>> -> memref<1x80xi32, #tpu.memory_space<vmem>>
        %dma_wait3A_97 = tpu.memref_squeeze %dma_wait3A_96 : memref<1x80xi32, #tpu.memory_space<vmem>> -> memref<80xi32, #tpu.memory_space<vmem>>
        %dma_wait3A_98 = arith.constant 0 : i32
        %dma_wait3A_99 = arith.constant 0 : i32
        %dma_wait3A_100 = tpu.memref_slice %arg11[%dma_wait3A_98, %dma_wait3A_99] : memref<10112x128xf32, #tpu.memory_space<vmem_shared>> -> memref<10112x128xf32, #tpu.memory_space<vmem_shared>>
        tpu.wait_indirect_dma semaphore(%run_scoped3A_88 : memref<!tpu.dma_semaphore, #tpu.memory_space<semaphore_mem>>) src(%arg9 : memref<80x128xf32, #tpu.memory_space<vmem>>) dst(%dma_wait3A_100 : memref<10112x128xf32, #tpu.memory_space<vmem_shared>>)
        tpu.yield
      }) : () -> ()
      %dma_wait3A_72 = arith.constant 0 : i32
      %dma_wait3A_73 = arith.constant 0 : i32
      %dma_wait3A_74 = tpu.memref_slice %arg6[%dma_wait3A_72, %dma_wait3A_73] : memref<25x80xi32, #tpu.memory_space<vmem>> -> memref<1x80xi32, #tpu.memory_space<vmem>>
      %dma_wait3A_75 = tpu.memref_squeeze %dma_wait3A_74 : memref<1x80xi32, #tpu.memory_space<vmem>> -> memref<80xi32, #tpu.memory_space<vmem>>
      %dma_wait3A_76 = arith.constant 0 : i32
      %dma_wait3A_77 = arith.constant 0 : i32
      %dma_wait3A_78 = tpu.memref_slice %arg2[%dma_wait3A_76, %dma_wait3A_77] : memref<10000x128xf32, #tpu.memory_space<hbm>> -> memref<10000x128xf32, #tpu.memory_space<hbm>>
      tpu.wait_indirect_dma semaphore(%arg14 : memref<!tpu.dma_semaphore, #tpu.memory_space<semaphore_mem>>) src(%dma_wait3A_78 : memref<10000x128xf32, #tpu.memory_space<hbm>>) dst(%arg10 : memref<80x128xf32, #tpu.memory_space<vmem>>)
      %run_scoped3A_79 = arith.constant 23 : i32
      "tpu.region"() ({
        %run_scoped3A_88 = tpu.sem_alloc : memref<!tpu.dma_semaphore, #tpu.memory_space<semaphore_mem>>
        %dma_start3A_89 = arith.constant 0 : i32
        %dma_start3A_90 = tpu.memref_slice %arg7[%run_scoped3A_79, %dma_start3A_89] : memref<25x80xi32, #tpu.memory_space<vmem>> -> memref<1x80xi32, #tpu.memory_space<vmem>>
        %dma_start3A_91 = tpu.memref_squeeze %dma_start3A_90 : memref<1x80xi32, #tpu.memory_space<vmem>> -> memref<80xi32, #tpu.memory_space<vmem>>
        %dma_start3A_92 = arith.constant 0 : i32
        %dma_start3A_93 = arith.constant 0 : i32
        %dma_start3A_94 = tpu.memref_slice %arg11[%dma_start3A_92, %dma_start3A_93] : memref<10112x128xf32, #tpu.memory_space<vmem_shared>> -> memref<10112x128xf32, #tpu.memory_space<vmem_shared>>
        tpu.enqueue_indirect_dma source(%arg10 : memref<80x128xf32, #tpu.memory_space<vmem>>) target(%dma_start3A_94 : memref<10112x128xf32, #tpu.memory_space<vmem_shared>>) offsets(%dma_start3A_91 : memref<80xi32, #tpu.memory_space<vmem>>) semaphore(%run_scoped3A_88 : memref<!tpu.dma_semaphore, #tpu.memory_space<semaphore_mem>>) {add = true}
        %dma_wait3A_95 = arith.constant 0 : i32
        %dma_wait3A_96 = tpu.memref_slice %arg7[%run_scoped3A_79, %dma_wait3A_95] : memref<25x80xi32, #tpu.memory_space<vmem>> -> memref<1x80xi32, #tpu.memory_space<vmem>>
        %dma_wait3A_97 = tpu.memref_squeeze %dma_wait3A_96 : memref<1x80xi32, #tpu.memory_space<vmem>> -> memref<80xi32, #tpu.memory_space<vmem>>
        %dma_wait3A_98 = arith.constant 0 : i32
        %dma_wait3A_99 = arith.constant 0 : i32
        %dma_wait3A_100 = tpu.memref_slice %arg11[%dma_wait3A_98, %dma_wait3A_99] : memref<10112x128xf32, #tpu.memory_space<vmem_shared>> -> memref<10112x128xf32, #tpu.memory_space<vmem_shared>>
        tpu.wait_indirect_dma semaphore(%run_scoped3A_88 : memref<!tpu.dma_semaphore, #tpu.memory_space<semaphore_mem>>) src(%arg10 : memref<80x128xf32, #tpu.memory_space<vmem>>) dst(%dma_wait3A_100 : memref<10112x128xf32, #tpu.memory_space<vmem_shared>>)
        tpu.yield
      }) : () -> ()
      %dma_wait3A_80 = arith.constant 0 : i32
      %dma_wait3A_81 = arith.constant 0 : i32
      %dma_wait3A_82 = tpu.memref_slice %arg6[%dma_wait3A_80, %dma_wait3A_81] : memref<25x80xi32, #tpu.memory_space<vmem>> -> memref<1x80xi32, #tpu.memory_space<vmem>>
      %dma_wait3A_83 = tpu.memref_squeeze %dma_wait3A_82 : memref<1x80xi32, #tpu.memory_space<vmem>> -> memref<80xi32, #tpu.memory_space<vmem>>
      %dma_wait3A_84 = arith.constant 0 : i32
      %dma_wait3A_85 = arith.constant 0 : i32
      %dma_wait3A_86 = tpu.memref_slice %arg2[%dma_wait3A_84, %dma_wait3A_85] : memref<10000x128xf32, #tpu.memory_space<hbm>> -> memref<10000x128xf32, #tpu.memory_space<hbm>>
      tpu.wait_indirect_dma semaphore(%arg12 : memref<!tpu.dma_semaphore, #tpu.memory_space<semaphore_mem>>) src(%dma_wait3A_86 : memref<10000x128xf32, #tpu.memory_space<hbm>>) dst(%arg8 : memref<80x128xf32, #tpu.memory_space<vmem>>)
      %run_scoped3A_87 = arith.constant 24 : i32
      "tpu.region"() ({
        %run_scoped3A_88 = tpu.sem_alloc : memref<!tpu.dma_semaphore, #tpu.memory_space<semaphore_mem>>
        %dma_start3A_89 = arith.constant 0 : i32
        %dma_start3A_90 = tpu.memref_slice %arg7[%run_scoped3A_87, %dma_start3A_89] : memref<25x80xi32, #tpu.memory_space<vmem>> -> memref<1x80xi32, #tpu.memory_space<vmem>>
        %dma_start3A_91 = tpu.memref_squeeze %dma_start3A_90 : memref<1x80xi32, #tpu.memory_space<vmem>> -> memref<80xi32, #tpu.memory_space<vmem>>
        %dma_start3A_92 = arith.constant 0 : i32
        %dma_start3A_93 = arith.constant 0 : i32
        %dma_start3A_94 = tpu.memref_slice %arg11[%dma_start3A_92, %dma_start3A_93] : memref<10112x128xf32, #tpu.memory_space<vmem_shared>> -> memref<10112x128xf32, #tpu.memory_space<vmem_shared>>
        tpu.enqueue_indirect_dma source(%arg8 : memref<80x128xf32, #tpu.memory_space<vmem>>) target(%dma_start3A_94 : memref<10112x128xf32, #tpu.memory_space<vmem_shared>>) offsets(%dma_start3A_91 : memref<80xi32, #tpu.memory_space<vmem>>) semaphore(%run_scoped3A_88 : memref<!tpu.dma_semaphore, #tpu.memory_space<semaphore_mem>>) {add = true}
        %dma_wait3A_95 = arith.constant 0 : i32
        %dma_wait3A_96 = tpu.memref_slice %arg7[%run_scoped3A_87, %dma_wait3A_95] : memref<25x80xi32, #tpu.memory_space<vmem>> -> memref<1x80xi32, #tpu.memory_space<vmem>>
        %dma_wait3A_97 = tpu.memref_squeeze %dma_wait3A_96 : memref<1x80xi32, #tpu.memory_space<vmem>> -> memref<80xi32, #tpu.memory_space<vmem>>
        %dma_wait3A_98 = arith.constant 0 : i32
        %dma_wait3A_99 = arith.constant 0 : i32
        %dma_wait3A_100 = tpu.memref_slice %arg11[%dma_wait3A_98, %dma_wait3A_99] : memref<10112x128xf32, #tpu.memory_space<vmem_shared>> -> memref<10112x128xf32, #tpu.memory_space<vmem_shared>>
        tpu.wait_indirect_dma semaphore(%run_scoped3A_88 : memref<!tpu.dma_semaphore, #tpu.memory_space<semaphore_mem>>) src(%arg8 : memref<80x128xf32, #tpu.memory_space<vmem>>) dst(%dma_wait3A_100 : memref<10112x128xf32, #tpu.memory_space<vmem_shared>>)
        tpu.yield
      }) : () -> ()
    }
    %scan3A_15 = arith.constant 10 : i32
    %barrier3A_16 = arith.constant 0 : index
    tpu.barrier barrier_id(%barrier3A_16)
    %mul3A_17 = arith.constant 632 : i32
    %mul3A_18 = arith.muli %arg1, %mul3A_17 : i32
    %mul3A_19 = arith.constant 632 : i32
    %mul3A_20 = arith.muli %arg1, %mul3A_19 : i32
    "tpu.region"() ({
      %run_scoped3A = tpu.sem_alloc : memref<!tpu.dma_semaphore, #tpu.memory_space<semaphore_mem>>
      %dma_start3A = arith.constant 0 : i32
      %dma_start3A_21 = tpu.memref_slice %arg5[%mul3A_20, %dma_start3A] : memref<10112x128xf32, #tpu.memory_space<hbm>> -> memref<632x128xf32, #tpu.memory_space<hbm>>
      %dma_start3A_22 = arith.constant 0 : i32
      %dma_start3A_23 = tpu.memref_slice %arg11[%mul3A_18, %dma_start3A_22] : memref<10112x128xf32, #tpu.memory_space<vmem_shared>> -> memref<632x128xf32, #tpu.memory_space<vmem_shared>>
      tpu.enqueue_dma source(%dma_start3A_23 : memref<632x128xf32, #tpu.memory_space<vmem_shared>>) target(%dma_start3A_21 : memref<632x128xf32, #tpu.memory_space<hbm>>) target_semaphore(%run_scoped3A : memref<!tpu.dma_semaphore, #tpu.memory_space<semaphore_mem>>)
      %dma_wait3A = arith.constant 0 : i32
      %dma_wait3A_24 = tpu.memref_slice %arg5[%mul3A_20, %dma_wait3A] : memref<10112x128xf32, #tpu.memory_space<hbm>> -> memref<632x128xf32, #tpu.memory_space<hbm>>
      %dma_wait3A_25 = arith.constant 0 : i32
      %dma_wait3A_26 = tpu.memref_slice %arg11[%mul3A_18, %dma_wait3A_25] : memref<10112x128xf32, #tpu.memory_space<vmem_shared>> -> memref<632x128xf32, #tpu.memory_space<vmem_shared>>
      tpu.wait_dma2 semaphore(%run_scoped3A : memref<!tpu.dma_semaphore, #tpu.memory_space<semaphore_mem>>) src(%dma_wait3A_26 : memref<632x128xf32, #tpu.memory_space<vmem_shared>>) dst(%dma_wait3A_24 : memref<632x128xf32, #tpu.memory_space<hbm>>)
      tpu.yield
    }) : () -> ()
    return
  }
}

module attributes {stable_mosaic.version = 14 : i64} {
  func.func @_gin_dense_body(%arg0: memref<10000x128xf32, #tpu.memory_space<vmem>>, %arg1: memref<10112x128xf32, #tpu.memory_space<vmem>>, %arg2: memref<128x128xf32, #tpu.memory_space<vmem>>, %arg3: memref<128xf32, #tpu.memory_space<vmem>>, %arg4: memref<128xf32, #tpu.memory_space<vmem>>, %arg5: memref<128xf32, #tpu.memory_space<vmem>>, %arg6: memref<128x128xf32, #tpu.memory_space<vmem>>, %arg7: memref<128xf32, #tpu.memory_space<vmem>>, %arg8: memref<10000x128xf32, #tpu.memory_space<vmem>>) attributes {dimension_semantics = [], scalar_prefetch = 0 : i64, scratch_operands = 0 : i64, tpu.core_type = #tpu.core_type<tc>} {
    %get3A = arith.constant 0 : index
    %get3A_0 = arith.constant 0 : index
    %get3A_1 = vector.load %arg0[%get3A, %get3A_0] : memref<10000x128xf32, #tpu.memory_space<vmem>>, vector<10000x128xf32>
    %get3A_2 = arith.constant 0 : index
    %get3A_3 = arith.constant 0 : index
    %get3A_4 = vector.load %arg1[%get3A_2, %get3A_3] : memref<10112x128xf32, #tpu.memory_space<vmem>>, vector<10000x128xf32>
    %add3A = arith.addf %get3A_1, %get3A_4 : vector<10000x128xf32>
    %get3A_5 = arith.constant 0 : index
    %get3A_6 = arith.constant 0 : index
    %get3A_7 = vector.load %arg2[%get3A_5, %get3A_6] : memref<128x128xf32, #tpu.memory_space<vmem>>, vector<128x128xf32>
    %dot_general3A = arith.constant dense<0.000000e+00> : vector<10000x128xf32>
    %dot_general3A_8 = tpu.matmul %add3A, %get3A_7, %dot_general3A {dimension_numbers = #tpu.dot_dimension_numbers<[1], [0], [0], [1], [0, 0, 1, 1], [], []>, transpose_lhs_hint = false} : vector<10000x128xf32>, vector<128x128xf32>, vector<10000x128xf32> -> vector<10000x128xf32>
    %get3A_9 = arith.constant 0 : index
    %get3A_10 = vector.load %arg3[%get3A_9] : memref<128xf32, #tpu.memory_space<vmem>>, vector<128xf32>
    %broadcast_in_dim3A = vector.shape_cast %get3A_10 : vector<128xf32> to vector<1x128xf32>
    %add3A_11 = vector.broadcast %broadcast_in_dim3A : vector<1x128xf32> to vector<10000x128xf32>
    %add3A_12 = arith.addf %dot_general3A_8, %add3A_11 : vector<10000x128xf32>
    %reduce_sum3A = arith.constant dense<0.000000e+00> : vector<128xf32>
    %reduce_sum3A_13 = vector.multi_reduction <add>, %add3A_12, %reduce_sum3A [0] : vector<10000x128xf32> to vector<128xf32>
    %broadcast_in_dim3A_14 = vector.shape_cast %reduce_sum3A_13 : vector<128xf32> to vector<1x128xf32>
    %div3A = arith.constant 1.000000e+04 : f32
    %div3A_15 = vector.broadcast %div3A : f32 to vector<1x128xf32>
    %div3A_16 = arith.divf %broadcast_in_dim3A_14, %div3A_15 : vector<1x128xf32>
    %sub3A = vector.broadcast %div3A_16 : vector<1x128xf32> to vector<10000x128xf32>
    %sub3A_17 = arith.subf %add3A_12, %sub3A : vector<10000x128xf32>
    %mul3A = arith.mulf %sub3A_17, %sub3A_17 : vector<10000x128xf32>
    %reduce_sum3A_18 = arith.constant dense<0.000000e+00> : vector<128xf32>
    %reduce_sum3A_19 = vector.multi_reduction <add>, %mul3A, %reduce_sum3A_18 [0] : vector<10000x128xf32> to vector<128xf32>
    %broadcast_in_dim3A_20 = vector.shape_cast %reduce_sum3A_19 : vector<128xf32> to vector<1x128xf32>
    %div3A_21 = arith.constant 1.000000e+04 : f32
    %div3A_22 = vector.broadcast %div3A_21 : f32 to vector<1x128xf32>
    %div3A_23 = arith.divf %broadcast_in_dim3A_20, %div3A_22 : vector<1x128xf32>
    %add3A_24 = arith.constant 9.99999974E-6 : f32
    %add3A_25 = vector.broadcast %add3A_24 : f32 to vector<1x128xf32>
    %add3A_26 = arith.addf %div3A_23, %add3A_25 : vector<1x128xf32>
    %rsqrt3A = math.rsqrt %add3A_26 : vector<1x128xf32>
    %mul3A_27 = vector.broadcast %rsqrt3A : vector<1x128xf32> to vector<10000x128xf32>
    %mul3A_28 = arith.mulf %sub3A_17, %mul3A_27 : vector<10000x128xf32>
    %get3A_29 = arith.constant 0 : index
    %get3A_30 = vector.load %arg4[%get3A_29] : memref<128xf32, #tpu.memory_space<vmem>>, vector<128xf32>
    %broadcast_in_dim3A_31 = vector.shape_cast %get3A_30 : vector<128xf32> to vector<1x128xf32>
    %mul3A_32 = vector.broadcast %broadcast_in_dim3A_31 : vector<1x128xf32> to vector<10000x128xf32>
    %mul3A_33 = arith.mulf %mul3A_28, %mul3A_32 : vector<10000x128xf32>
    %get3A_34 = arith.constant 0 : index
    %get3A_35 = vector.load %arg5[%get3A_34] : memref<128xf32, #tpu.memory_space<vmem>>, vector<128xf32>
    %broadcast_in_dim3A_36 = vector.shape_cast %get3A_35 : vector<128xf32> to vector<1x128xf32>
    %add3A_37 = vector.broadcast %broadcast_in_dim3A_36 : vector<1x128xf32> to vector<10000x128xf32>
    %add3A_38 = arith.addf %mul3A_33, %add3A_37 : vector<10000x128xf32>
    %max3A = arith.constant 0.000000e+00 : f32
    %max3A_39 = vector.broadcast %max3A : f32 to vector<10000x128xf32>
    %max3A_40 = arith.maximumf %add3A_38, %max3A_39 : vector<10000x128xf32>
    %get3A_41 = arith.constant 0 : index
    %get3A_42 = arith.constant 0 : index
    %get3A_43 = vector.load %arg6[%get3A_41, %get3A_42] : memref<128x128xf32, #tpu.memory_space<vmem>>, vector<128x128xf32>
    %dot_general3A_44 = arith.constant dense<0.000000e+00> : vector<10000x128xf32>
    %dot_general3A_45 = tpu.matmul %max3A_40, %get3A_43, %dot_general3A_44 {dimension_numbers = #tpu.dot_dimension_numbers<[1], [0], [0], [1], [0, 0, 1, 1], [], []>, transpose_lhs_hint = false} : vector<10000x128xf32>, vector<128x128xf32>, vector<10000x128xf32> -> vector<10000x128xf32>
    %get3A_46 = arith.constant 0 : index
    %get3A_47 = vector.load %arg7[%get3A_46] : memref<128xf32, #tpu.memory_space<vmem>>, vector<128xf32>
    %broadcast_in_dim3A_48 = vector.shape_cast %get3A_47 : vector<128xf32> to vector<1x128xf32>
    %add3A_49 = vector.broadcast %broadcast_in_dim3A_48 : vector<1x128xf32> to vector<10000x128xf32>
    %add3A_50 = arith.addf %dot_general3A_45, %add3A_49 : vector<10000x128xf32>
    %tanh3A = math.tanh %add3A_50 : vector<10000x128xf32>
    %max3A_51 = arith.constant 0.000000e+00 : f32
    %max3A_52 = vector.broadcast %max3A_51 : f32 to vector<10000x128xf32>
    %max3A_53 = arith.maximumf %tanh3A, %max3A_52 : vector<10000x128xf32>
    %swap3A = arith.constant 0 : index
    %swap3A_54 = arith.constant 0 : index
    %swap3A_55 = vector.load %arg8[%swap3A, %swap3A_54] : memref<10000x128xf32, #tpu.memory_space<vmem>>, vector<10000x128xf32>
    tpu.vector_store %arg8[%swap3A, %swap3A_54], %max3A_53 {strides = array<i32>} : memref<10000x128xf32, #tpu.memory_space<vmem>>, vector<10000x128xf32>,
    return
  }
}

module attributes {stable_mosaic.version = 14 : i64} {
  func.func @_gin_dense_body(%arg0: memref<10000x128xf32, #tpu.memory_space<vmem>>, %arg1: memref<10112x128xf32, #tpu.memory_space<vmem>>, %arg2: memref<128x128xf32, #tpu.memory_space<vmem>>, %arg3: memref<128xf32, #tpu.memory_space<vmem>>, %arg4: memref<128xf32, #tpu.memory_space<vmem>>, %arg5: memref<128xf32, #tpu.memory_space<vmem>>, %arg6: memref<128x128xf32, #tpu.memory_space<vmem>>, %arg7: memref<128xf32, #tpu.memory_space<vmem>>, %arg8: memref<10000x128xf32, #tpu.memory_space<vmem>>) attributes {dimension_semantics = [], scalar_prefetch = 0 : i64, scratch_operands = 0 : i64, tpu.core_type = #tpu.core_type<tc>} {
    %get3A = arith.constant 0 : index
    %get3A_0 = arith.constant 0 : index
    %get3A_1 = vector.load %arg0[%get3A, %get3A_0] : memref<10000x128xf32, #tpu.memory_space<vmem>>, vector<10000x128xf32>
    %get3A_2 = arith.constant 0 : index
    %get3A_3 = arith.constant 0 : index
    %get3A_4 = vector.load %arg1[%get3A_2, %get3A_3] : memref<10112x128xf32, #tpu.memory_space<vmem>>, vector<10000x128xf32>
    %add3A = arith.addf %get3A_1, %get3A_4 : vector<10000x128xf32>
    %get3A_5 = arith.constant 0 : index
    %get3A_6 = arith.constant 0 : index
    %get3A_7 = vector.load %arg2[%get3A_5, %get3A_6] : memref<128x128xf32, #tpu.memory_space<vmem>>, vector<128x128xf32>
    %dot_general3A = arith.constant dense<0.000000e+00> : vector<10000x128xf32>
    %dot_general3A_8 = tpu.matmul %add3A, %get3A_7, %dot_general3A {dimension_numbers = #tpu.dot_dimension_numbers<[1], [0], [0], [1], [0, 0, 1, 1], [], []>, transpose_lhs_hint = false} : vector<10000x128xf32>, vector<128x128xf32>, vector<10000x128xf32> -> vector<10000x128xf32>
    %get3A_9 = arith.constant 0 : index
    %get3A_10 = vector.load %arg3[%get3A_9] : memref<128xf32, #tpu.memory_space<vmem>>, vector<128xf32>
    %broadcast_in_dim3A = vector.shape_cast %get3A_10 : vector<128xf32> to vector<1x128xf32>
    %add3A_11 = vector.broadcast %broadcast_in_dim3A : vector<1x128xf32> to vector<10000x128xf32>
    %add3A_12 = arith.addf %dot_general3A_8, %add3A_11 : vector<10000x128xf32>
    %reduce_sum3A = arith.constant dense<0.000000e+00> : vector<128xf32>
    %reduce_sum3A_13 = vector.multi_reduction <add>, %add3A_12, %reduce_sum3A [0] : vector<10000x128xf32> to vector<128xf32>
    %broadcast_in_dim3A_14 = vector.shape_cast %reduce_sum3A_13 : vector<128xf32> to vector<1x128xf32>
    %div3A = arith.constant 1.000000e+04 : f32
    %div3A_15 = vector.broadcast %div3A : f32 to vector<1x128xf32>
    %div3A_16 = arith.divf %broadcast_in_dim3A_14, %div3A_15 : vector<1x128xf32>
    %sub3A = vector.broadcast %div3A_16 : vector<1x128xf32> to vector<10000x128xf32>
    %sub3A_17 = arith.subf %add3A_12, %sub3A : vector<10000x128xf32>
    %mul3A = arith.mulf %sub3A_17, %sub3A_17 : vector<10000x128xf32>
    %reduce_sum3A_18 = arith.constant dense<0.000000e+00> : vector<128xf32>
    %reduce_sum3A_19 = vector.multi_reduction <add>, %mul3A, %reduce_sum3A_18 [0] : vector<10000x128xf32> to vector<128xf32>
    %broadcast_in_dim3A_20 = vector.shape_cast %reduce_sum3A_19 : vector<128xf32> to vector<1x128xf32>
    %div3A_21 = arith.constant 1.000000e+04 : f32
    %div3A_22 = vector.broadcast %div3A_21 : f32 to vector<1x128xf32>
    %div3A_23 = arith.divf %broadcast_in_dim3A_20, %div3A_22 : vector<1x128xf32>
    %add3A_24 = arith.constant 9.99999974E-6 : f32
    %add3A_25 = vector.broadcast %add3A_24 : f32 to vector<1x128xf32>
    %add3A_26 = arith.addf %div3A_23, %add3A_25 : vector<1x128xf32>
    %rsqrt3A = math.rsqrt %add3A_26 : vector<1x128xf32>
    %mul3A_27 = vector.broadcast %rsqrt3A : vector<1x128xf32> to vector<10000x128xf32>
    %mul3A_28 = arith.mulf %sub3A_17, %mul3A_27 : vector<10000x128xf32>
    %get3A_29 = arith.constant 0 : index
    %get3A_30 = vector.load %arg4[%get3A_29] : memref<128xf32, #tpu.memory_space<vmem>>, vector<128xf32>
    %broadcast_in_dim3A_31 = vector.shape_cast %get3A_30 : vector<128xf32> to vector<1x128xf32>
    %mul3A_32 = vector.broadcast %broadcast_in_dim3A_31 : vector<1x128xf32> to vector<10000x128xf32>
    %mul3A_33 = arith.mulf %mul3A_28, %mul3A_32 : vector<10000x128xf32>
    %get3A_34 = arith.constant 0 : index
    %get3A_35 = vector.load %arg5[%get3A_34] : memref<128xf32, #tpu.memory_space<vmem>>, vector<128xf32>
    %broadcast_in_dim3A_36 = vector.shape_cast %get3A_35 : vector<128xf32> to vector<1x128xf32>
    %add3A_37 = vector.broadcast %broadcast_in_dim3A_36 : vector<1x128xf32> to vector<10000x128xf32>
    %add3A_38 = arith.addf %mul3A_33, %add3A_37 : vector<10000x128xf32>
    %max3A = arith.constant 0.000000e+00 : f32
    %max3A_39 = vector.broadcast %max3A : f32 to vector<10000x128xf32>
    %max3A_40 = arith.maximumf %add3A_38, %max3A_39 : vector<10000x128xf32>
    %get3A_41 = arith.constant 0 : index
    %get3A_42 = arith.constant 0 : index
    %get3A_43 = vector.load %arg6[%get3A_41, %get3A_42] : memref<128x128xf32, #tpu.memory_space<vmem>>, vector<128x128xf32>
    %dot_general3A_44 = arith.constant dense<0.000000e+00> : vector<10000x128xf32>
    %dot_general3A_45 = tpu.matmul %max3A_40, %get3A_43, %dot_general3A_44 {dimension_numbers = #tpu.dot_dimension_numbers<[1], [0], [0], [1], [0, 0, 1, 1], [], []>, transpose_lhs_hint = false} : vector<10000x128xf32>, vector<128x128xf32>, vector<10000x128xf32> -> vector<10000x128xf32>
    %get3A_46 = arith.constant 0 : index
    %get3A_47 = vector.load %arg7[%get3A_46] : memref<128xf32, #tpu.memory_space<vmem>>, vector<128xf32>
    %broadcast_in_dim3A_48 = vector.shape_cast %get3A_47 : vector<128xf32> to vector<1x128xf32>
    %add3A_49 = vector.broadcast %broadcast_in_dim3A_48 : vector<1x128xf32> to vector<10000x128xf32>
    %add3A_50 = arith.addf %dot_general3A_45, %add3A_49 : vector<10000x128xf32>
    %max3A_51 = arith.constant 0.000000e+00 : f32
    %max3A_52 = vector.broadcast %max3A_51 : f32 to vector<10000x128xf32>
    %max3A_53 = arith.maximumf %add3A_50, %max3A_52 : vector<10000x128xf32>
    %swap3A = arith.constant 0 : index
    %swap3A_54 = arith.constant 0 : index
    %swap3A_55 = vector.load %arg8[%swap3A, %swap3A_54] : memref<10000x128xf32, #tpu.memory_space<vmem>>, vector<10000x128xf32>
    tpu.vector_store %arg8[%swap3A, %swap3A_54], %max3A_53 {strides = array<i32>} : memref<10000x128xf32, #tpu.memory_space<vmem>>, vector<10000x128xf32>,
    return
  }
}

module attributes {stable_mosaic.version = 14 : i64} {
  func.func @_final_body(%arg0: memref<10000x128xf32, #tpu.memory_space<vmem>>, %arg1: memref<10112x128xf32, #tpu.memory_space<vmem>>, %arg2: memref<128x128xf32, #tpu.memory_space<vmem>>, %arg3: memref<128xf32, #tpu.memory_space<vmem>>, %arg4: memref<128xf32, #tpu.memory_space<vmem>>, %arg5: memref<128xf32, #tpu.memory_space<vmem>>, %arg6: memref<128x128xf32, #tpu.memory_space<vmem>>, %arg7: memref<128xf32, #tpu.memory_space<vmem>>, %arg8: memref<10000x1xi32, #tpu.memory_space<vmem>>, %arg9: memref<128x256xf32, #tpu.memory_space<vmem>>, %arg10: memref<256xf32, #tpu.memory_space<vmem>>, %arg11: memref<256x128xf32, #tpu.memory_space<vmem>>, %arg12: memref<128xf32, #tpu.memory_space<vmem>>, %arg13: memref<64x128xf32, #tpu.memory_space<vmem>>) attributes {dimension_semantics = [], scalar_prefetch = 0 : i64, scratch_operands = 0 : i64, tpu.core_type = #tpu.core_type<tc>} {
    %get3A = arith.constant 0 : index
    %get3A_0 = arith.constant 0 : index
    %get3A_1 = vector.load %arg0[%get3A, %get3A_0] : memref<10000x128xf32, #tpu.memory_space<vmem>>, vector<10000x128xf32>
    %get3A_2 = arith.constant 0 : index
    %get3A_3 = arith.constant 0 : index
    %get3A_4 = vector.load %arg1[%get3A_2, %get3A_3] : memref<10112x128xf32, #tpu.memory_space<vmem>>, vector<10000x128xf32>
    %add3A = arith.addf %get3A_1, %get3A_4 : vector<10000x128xf32>
    %get3A_5 = arith.constant 0 : index
    %get3A_6 = arith.constant 0 : index
    %get3A_7 = vector.load %arg2[%get3A_5, %get3A_6] : memref<128x128xf32, #tpu.memory_space<vmem>>, vector<128x128xf32>
    %dot_general3A = arith.constant dense<0.000000e+00> : vector<10000x128xf32>
    %dot_general3A_8 = tpu.matmul %add3A, %get3A_7, %dot_general3A {dimension_numbers = #tpu.dot_dimension_numbers<[1], [0], [0], [1], [0, 0, 1, 1], [], []>, transpose_lhs_hint = false} : vector<10000x128xf32>, vector<128x128xf32>, vector<10000x128xf32> -> vector<10000x128xf32>
    %get3A_9 = arith.constant 0 : index
    %get3A_10 = vector.load %arg3[%get3A_9] : memref<128xf32, #tpu.memory_space<vmem>>, vector<128xf32>
    %broadcast_in_dim3A = vector.shape_cast %get3A_10 : vector<128xf32> to vector<1x128xf32>
    %add3A_11 = vector.broadcast %broadcast_in_dim3A : vector<1x128xf32> to vector<10000x128xf32>
    %add3A_12 = arith.addf %dot_general3A_8, %add3A_11 : vector<10000x128xf32>
    %reduce_sum3A = arith.constant dense<0.000000e+00> : vector<128xf32>
    %reduce_sum3A_13 = vector.multi_reduction <add>, %add3A_12, %reduce_sum3A [0] : vector<10000x128xf32> to vector<128xf32>
    %broadcast_in_dim3A_14 = vector.shape_cast %reduce_sum3A_13 : vector<128xf32> to vector<1x128xf32>
    %div3A = arith.constant 1.000000e+04 : f32
    %div3A_15 = vector.broadcast %div3A : f32 to vector<1x128xf32>
    %div3A_16 = arith.divf %broadcast_in_dim3A_14, %div3A_15 : vector<1x128xf32>
    %sub3A = vector.broadcast %div3A_16 : vector<1x128xf32> to vector<10000x128xf32>
    %sub3A_17 = arith.subf %add3A_12, %sub3A : vector<10000x128xf32>
    %mul3A = arith.mulf %sub3A_17, %sub3A_17 : vector<10000x128xf32>
    %reduce_sum3A_18 = arith.constant dense<0.000000e+00> : vector<128xf32>
    %reduce_sum3A_19 = vector.multi_reduction <add>, %mul3A, %reduce_sum3A_18 [0] : vector<10000x128xf32> to vector<128xf32>
    %broadcast_in_dim3A_20 = vector.shape_cast %reduce_sum3A_19 : vector<128xf32> to vector<1x128xf32>
    %div3A_21 = arith.constant 1.000000e+04 : f32
    %div3A_22 = vector.broadcast %div3A_21 : f32 to vector<1x128xf32>
    %div3A_23 = arith.divf %broadcast_in_dim3A_20, %div3A_22 : vector<1x128xf32>
    %add3A_24 = arith.constant 9.99999974E-6 : f32
    %add3A_25 = vector.broadcast %add3A_24 : f32 to vector<1x128xf32>
    %add3A_26 = arith.addf %div3A_23, %add3A_25 : vector<1x128xf32>
    %rsqrt3A = math.rsqrt %add3A_26 : vector<1x128xf32>
    %mul3A_27 = vector.broadcast %rsqrt3A : vector<1x128xf32> to vector<10000x128xf32>
    %mul3A_28 = arith.mulf %sub3A_17, %mul3A_27 : vector<10000x128xf32>
    %get3A_29 = arith.constant 0 : index
    %get3A_30 = vector.load %arg4[%get3A_29] : memref<128xf32, #tpu.memory_space<vmem>>, vector<128xf32>
    %broadcast_in_dim3A_31 = vector.shape_cast %get3A_30 : vector<128xf32> to vector<1x128xf32>
    %mul3A_32 = vector.broadcast %broadcast_in_dim3A_31 : vector<1x128xf32> to vector<10000x128xf32>
    %mul3A_33 = arith.mulf %mul3A_28, %mul3A_32 : vector<10000x128xf32>
    %get3A_34 = arith.constant 0 : index
    %get3A_35 = vector.load %arg5[%get3A_34] : memref<128xf32, #tpu.memory_space<vmem>>, vector<128xf32>
    %broadcast_in_dim3A_36 = vector.shape_cast %get3A_35 : vector<128xf32> to vector<1x128xf32>
    %add3A_37 = vector.broadcast %broadcast_in_dim3A_36 : vector<1x128xf32> to vector<10000x128xf32>
    %add3A_38 = arith.addf %mul3A_33, %add3A_37 : vector<10000x128xf32>
    %max3A = arith.constant 0.000000e+00 : f32
    %max3A_39 = vector.broadcast %max3A : f32 to vector<10000x128xf32>
    %max3A_40 = arith.maximumf %add3A_38, %max3A_39 : vector<10000x128xf32>
    %get3A_41 = arith.constant 0 : index
    %get3A_42 = arith.constant 0 : index
    %get3A_43 = vector.load %arg6[%get3A_41, %get3A_42] : memref<128x128xf32, #tpu.memory_space<vmem>>, vector<128x128xf32>
    %dot_general3A_44 = arith.constant dense<0.000000e+00> : vector<10000x128xf32>
    %dot_general3A_45 = tpu.matmul %max3A_40, %get3A_43, %dot_general3A_44 {dimension_numbers = #tpu.dot_dimension_numbers<[1], [0], [0], [1], [0, 0, 1, 1], [], []>, transpose_lhs_hint = false} : vector<10000x128xf32>, vector<128x128xf32>, vector<10000x128xf32> -> vector<10000x128xf32>
    %get3A_46 = arith.constant 0 : index
    %get3A_47 = vector.load %arg7[%get3A_46] : memref<128xf32, #tpu.memory_space<vmem>>, vector<128xf32>
    %broadcast_in_dim3A_48 = vector.shape_cast %get3A_47 : vector<128xf32> to vector<1x128xf32>
    %add3A_49 = vector.broadcast %broadcast_in_dim3A_48 : vector<1x128xf32> to vector<10000x128xf32>
    %add3A_50 = arith.addf %dot_general3A_45, %add3A_49 : vector<10000x128xf32>
    %tanh3A = math.tanh %add3A_50 : vector<10000x128xf32>
    %iota3A = tpu.iota {dimensions = array<i32: 1>} : vector<10000x64xi32>
    %get3A_51 = arith.constant 0 : index
    %get3A_52 = arith.constant 0 : index
    %get3A_53 = vector.load %arg8[%get3A_51, %get3A_52] : memref<10000x1xi32, #tpu.memory_space<vmem>>, vector<10000x1xi32>
    %eq3A = vector.broadcast %get3A_53 : vector<10000x1xi32> to vector<10000x64xi32>
    %eq3A_54 = arith.cmpi eq, %eq3A, %iota3A : vector<10000x64xi32>
    %convert_element_type3A = arith.extui %eq3A_54 : vector<10000x64xi1> to vector<10000x64xi32>
    %convert_element_type3A_55 = arith.sitofp %convert_element_type3A : vector<10000x64xi32> to vector<10000x64xf32>
    %dot_general3A_56 = arith.constant dense<0.000000e+00> : vector<64x128xf32>
    %dot_general3A_57 = tpu.matmul %convert_element_type3A_55, %tanh3A, %dot_general3A_56 {dimension_numbers = #tpu.dot_dimension_numbers<[0], [0], [1], [1], [0, 1, 1, 1], [], []>, transpose_lhs_hint = false} : vector<10000x64xf32>, vector<10000x128xf32>, vector<64x128xf32> -> vector<64x128xf32>
    %reduce_sum3A_58 = arith.constant dense<0.000000e+00> : vector<64xf32>
    %reduce_sum3A_59 = vector.multi_reduction <add>, %convert_element_type3A_55, %reduce_sum3A_58 [0] : vector<10000x64xf32> to vector<64xf32>
    %max3A_60 = arith.constant 1.000000e+00 : f32
    %max3A_61 = vector.broadcast %max3A_60 : f32 to vector<64xf32>
    %max3A_62 = arith.maximumf %reduce_sum3A_59, %max3A_61 : vector<64xf32>
    %broadcast_in_dim3A_63 = vector.shape_cast %max3A_62 : vector<64xf32> to vector<64x1xf32>
    %div3A_64 = vector.broadcast %broadcast_in_dim3A_63 : vector<64x1xf32> to vector<64x128xf32>
    %div3A_65 = arith.divf %dot_general3A_57, %div3A_64 : vector<64x128xf32>
    %get3A_66 = arith.constant 0 : index
    %get3A_67 = arith.constant 0 : index
    %get3A_68 = vector.load %arg9[%get3A_66, %get3A_67] : memref<128x256xf32, #tpu.memory_space<vmem>>, vector<128x256xf32>
    %dot_general3A_69 = arith.constant dense<0.000000e+00> : vector<64x256xf32>
    %dot_general3A_70 = tpu.matmul %div3A_65, %get3A_68, %dot_general3A_69 {dimension_numbers = #tpu.dot_dimension_numbers<[1], [0], [0], [1], [0, 0, 1, 1], [], []>, transpose_lhs_hint = false} : vector<64x128xf32>, vector<128x256xf32>, vector<64x256xf32> -> vector<64x256xf32>
    %get3A_71 = arith.constant 0 : index
    %get3A_72 = vector.load %arg10[%get3A_71] : memref<256xf32, #tpu.memory_space<vmem>>, vector<256xf32>
    %broadcast_in_dim3A_73 = vector.shape_cast %get3A_72 : vector<256xf32> to vector<1x256xf32>
    %add3A_74 = vector.broadcast %broadcast_in_dim3A_73 : vector<1x256xf32> to vector<64x256xf32>
    %add3A_75 = arith.addf %dot_general3A_70, %add3A_74 : vector<64x256xf32>
    %max3A_76 = arith.constant 0.000000e+00 : f32
    %max3A_77 = vector.broadcast %max3A_76 : f32 to vector<64x256xf32>
    %max3A_78 = arith.maximumf %add3A_75, %max3A_77 : vector<64x256xf32>
    %get3A_79 = arith.constant 0 : index
    %get3A_80 = arith.constant 0 : index
    %get3A_81 = vector.load %arg11[%get3A_79, %get3A_80] : memref<256x128xf32, #tpu.memory_space<vmem>>, vector<256x128xf32>
    %dot_general3A_82 = arith.constant dense<0.000000e+00> : vector<64x128xf32>
    %dot_general3A_83 = tpu.matmul %max3A_78, %get3A_81, %dot_general3A_82 {dimension_numbers = #tpu.dot_dimension_numbers<[1], [0], [0], [1], [0, 0, 1, 1], [], []>, transpose_lhs_hint = false} : vector<64x256xf32>, vector<256x128xf32>, vector<64x128xf32> -> vector<64x128xf32>
    %get3A_84 = arith.constant 0 : index
    %get3A_85 = vector.load %arg12[%get3A_84] : memref<128xf32, #tpu.memory_space<vmem>>, vector<128xf32>
    %broadcast_in_dim3A_86 = vector.shape_cast %get3A_85 : vector<128xf32> to vector<1x128xf32>
    %add3A_87 = vector.broadcast %broadcast_in_dim3A_86 : vector<1x128xf32> to vector<64x128xf32>
    %add3A_88 = arith.addf %dot_general3A_83, %add3A_87 : vector<64x128xf32>
    %swap3A = arith.constant 0 : index
    %swap3A_89 = arith.constant 0 : index
    %swap3A_90 = vector.load %arg13[%swap3A, %swap3A_89] : memref<64x128xf32, #tpu.memory_space<vmem>>, vector<64x128xf32>
    tpu.vector_store %arg13[%swap3A, %swap3A_89], %add3A_88 {strides = array<i32>} : memref<64x128xf32, #tpu.memory_space<vmem>>, vector<64x128xf32>,
    return
  }
}

</mosaic_0001>

<sc_bundles>
// kernel: kernel.11.cloned.1.call-start
scs
__scs_entry_jumppad:
0x0: {  	(pc) =	sbr.rel $0x88, $3  }
0x1: {  	(tag) =	ssettag $0x0;
	lr =	simm.s32 $0x1  }
0x2: {  	[smem:$0x3F88] =	sst lr;
	_ =	strace $0xD0000000  }
0x3: {  	_ = 	snop  }
0x4: {  	_ = 	snop  }
0x5: {  	_ = 	snop  }
0x6: {  	_ = 	snop  }
0x7: {  	_ = 	snop  }
__scs_overlays_trampoline_lowered:
0x8: {  	[smem:$0x3F97] =	sst s0  }
0x9: {  	[smem:$0x3F98] =	sst s1  }
0xa: {  	[smem:$0x3F99] =	sst s2  }
0xb: {  	[smem:$0x3F9A] =	sst s3  }
0xc: {  	[smem:$0x3F9B] =	sst s4  }
0xd: {  	[smem:$0x3F9C] =	sst s5  }
0xe: {  	[smem:$0x3F9D] =	sst s6  }
0xf: {  	[smem:$0x3F9E] =	sst s7  }
0x10: {  	[smem:$0x3F9F] =	sst s8  }
0x11: {  	[smem:$0x3FA0] =	sst s9;
	s0 =	simm.s32 @!p0 $0x0  }
0x12: {  	s1 =	sld [smem:$0x3F86];
	s0 =	simm.s32 @p0 $0x1  }
0x13: {  	[smem:$0x3FA1] =	sst s0;
	s0 =	simm.s32 @!p1 $0x0  }
0x14: {  	s2 =	sld [smem:$0x3F85];
	s0 =	simm.s32 @p1 $0x1  }
0x15: {  	[smem:$0x3FA2] =	sst s0;
	s0 =	simm.s32 @!p2 $0x0  }
0x16: {  	s3 =	sld [smem:$0x3FDB];
	s0 =	simm.s32 @p2 $0x1  }
0x17: {  	s4 =	simm.s32 $0x1BF5;
	[smem:$0x3FA4] =	sst s0  }
0x18: {  	s0 =	sld [smem:$0x3F87];
	_ =	swait.ge [sflag:s4], $0x0  }
0x19: {  	s7 =	sld [smem:$0x3F88]  }
0x1a: {  	s8 =	sadd.s32 $0xFFFFE003, lr  }
0x1b: {  	s9 =	sadd.s32 $0xFFFFFEF7, lr;
	s5 =	simm.s32 $0xFFFFFFFF;
	p2 =	slt.u32 s8, $0xFFFFF086  }
0x1c: {  	p1 =	slt.u32 s9, $0xF7A;
	s5 =	simm.s32 @!p2 $0x0  }
0x1d: {  	s5 =	simm.s32 @p1 $0x1;
	p0 =	seq.s32 s7, s2  }
0x1e: {  	s7 =	smul.u32 @!p0 $0xF7A, s2;
	p2 =	seq.s32 @!p0 s5, $0x0  }
0x1f: {  	s9 =	smul.u32 $0xF7A, s1;
	s8 =	simm.s32 @!p0 $0x1BF5;
	p2 =	por !p2, p0  }
0x20: {  	[sflag:s8] =	ssyncset.s32 @!p0 $0xFFFFF086;
	s6 =	sadd.s32 @!p0 s3, s7;
	s7 =	simm.s32 @!p0 $0x108  }
0x21: {  	s3 =	sadd.s32 s3, s9;
	s6 =	sadd.s32 @!p0 $0x88, s6;
	s7 =	simm.s32 @p2 $0x1082  }
0x22: {  	[simem:s7], [sflag:s8] =	dma.local @!p0 [hbm:s6], $0xF7A  }
0x23: {  	s9 =	sor.u32 $0xD0000000, s2;
	s6 =	simm.s32 $0x108;
	_ =	swait.ge @!p0 [sflag:s8], $0x0  }
0x24: {  	s3 =	sadd.s32 $0x88, s3;
	s6 =	simm.s32 @!p1 $0x1082;
	[sflag:s4] =	ssyncset.s32 $0xFFFFF086  }
0x25: {  	[simem:s6], [sflag:s4] =	dma.local [hbm:s3], $0xF7A  }
0x26: {  	[smem:$0x3F88] =	sst s1;
	(tag) =	ssettag s2;
	_ =	strace s9  }
0x27: {  	s1 =	sld [smem:$0x3F98]  }
0x28: {  	s2 =	sld [smem:$0x3F99]  }
0x29: {  	s4 =	sld [smem:$0x3F9B]  }
0x2a: {  	p0 =	seq.s32 s5, $0x0;
	s5 =	sld [smem:$0x3F9C]  }
0x2b: {  	s6 =	sld [smem:$0x3F9D]  }
0x2c: {  	s7 =	sld [smem:$0x3F9E]  }
0x2d: {  	s3 =	simm.s32 $0x108;
	s8 =	sld [smem:$0x3F9F]  }
0x2e: {  	s3 =	simm.s32 @!p0 $0x1082;
	s9 =	sld [smem:$0x3FA0]  }
0x2f: {  	lr =	sadd.s32 s0, s3;
	s0 =	sld [smem:$0x3F97]  }
0x30: {  	s3 =	sld [smem:$0x3F9A]  }
0x31: {  	[smem:$0x3FA3] =	sst s10  }
0x32: {  	s10 =	sld [smem:$0x3FA1];
	_ =	sdelay $0x3  }
0x33: {  	p0 =	seq.s32 s10, $0x1;
	s10 =	sld [smem:$0x3FA3];
	_ =	sdelay $0x3  }
0x34: {  	[smem:$0x3FA3] =	sst s10  }
0x35: {  	s10 =	sld [smem:$0x3FA2];
	_ =	sdelay $0x3  }
0x36: {  	p1 =	seq.s32 s10, $0x1;
	s10 =	sld [smem:$0x3FA3];
	_ =	sdelay $0x3  }
0x37: {  	[smem:$0x3FA3] =	sst s10  }
0x38: {  	s10 =	sld [smem:$0x3FA4]  }
0x39: {  	_ = 	snop;
	(pc) =	sbr.ind lr, $3  }
0x3a: {  	_ = 	snop  }
0x3b: {  	_ = 	snop  }
0x3c: {  	p2 =	seq.s32 s10, $0x1;
	s10 =	sld [smem:$0x3FA3]  }
0x3d: {  	_ =	shalt  }
0x3e: {  	_ =	shalt  }
0x3f: {  	_ =	shalt  }
0x40: {  	_ =	shalt  }
0x41: {  	_ =	shalt  }
0x42: {  	_ =	shalt  }
0x43: {  	_ =	shalt  }
0x44: {  	_ =	shalt  }
0x45: {  	_ =	shalt  }
0x46: {  	_ =	shalt  }
0x47: {  	_ =	shalt  }
0x48: {  	_ =	shalt  }
0x49: {  	_ =	shalt  }
0x4a: {  	_ =	shalt  }
0x4b: {  	_ =	shalt  }
0x4c: {  	_ =	shalt  }
0x4d: {  	_ =	shalt  }
0x4e: {  	_ =	shalt  }
0x4f: {  	_ =	shalt  }
0x50: {  	_ =	shalt  }
0x51: {  	_ =	shalt  }
0x52: {  	_ =	shalt  }
0x53: {  	_ =	shalt  }
0x54: {  	_ =	shalt  }
0x55: {  	_ =	shalt  }
0x56: {  	_ =	shalt  }
0x57: {  	_ =	shalt  }
0x58: {  	_ =	shalt  }
0x59: {  	_ =	shalt  }
0x5a: {  	_ =	shalt  }
0x5b: {  	_ =	shalt  }
0x5c: {  	_ =	shalt  }
0x5d: {  	_ =	shalt  }
0x5e: {  	_ =	shalt  }
0x5f: {  	_ =	shalt  }
0x60: {  	_ =	shalt  }
0x61: {  	_ =	shalt  }
0x62: {  	_ =	shalt  }
0x63: {  	_ =	shalt  }
0x64: {  	_ =	shalt  }
0x65: {  	_ =	shalt  }
0x66: {  	_ =	shalt  }
0x67: {  	_ =	shalt  }
0x68: {  	_ =	shalt  }
0x69: {  	_ =	shalt  }
0x6a: {  	_ =	shalt  }
0x6b: {  	_ =	shalt  }
0x6c: {  	_ =	shalt  }
0x6d: {  	_ =	shalt  }
0x6e: {  	_ =	shalt  }
0x6f: {  	_ =	shalt  }
0x70: {  	_ =	shalt  }
0x71: {  	_ =	shalt  }
0x72: {  	_ =	shalt  }
0x73: {  	_ =	shalt  }
0x74: {  	_ =	shalt  }
0x75: {  	_ =	shalt  }
0x76: {  	_ =	shalt  }
0x77: {  	_ =	shalt  }
0x78: {  	_ =	shalt  }
0x79: {  	_ =	shalt  }
0x7a: {  	_ =	shalt  }
0x7b: {  	_ =	shalt  }
0x7c: {  	_ =	shalt  }
0x7d: {  	_ =	shalt  }
0x7e: {  	_ =	shalt  }
0x7f: {  	_ =	shalt  }
0x80: {  	_ =	shalt  }
0x81: {  	_ =	shalt  }
0x82: {  	_ =	shalt  }
0x83: {  	_ =	shalt  }
0x84: {  	_ =	shalt  }
0x85: {  	_ =	shalt  }
0x86: {  	_ =	shalt  }
0x87: {  	_ =	shalt  }
.Lfunc_end0:
.L_simem_size_0:
called_computation.1_lowered:
.L_overlay_start_0:
0x88: {  	s0 =	sld [smem:$0x3FD9]  }
0x89: {  	s1 =	sld [smem:$0x3FFE];
	_ =	sdelay $0x3  }
0x8a: {  	s0 =	sadd.s32 s1, s0  }
0x8b: {  	[smem:$0x3FAF] =	sst s0  }
0x8c: {  	_ = 	snop  }
0x8d: {  	(tm) =	ssettm $0x1  }
0x8e: {  	s15 =	sld [smem:$0x3FFB];
	_ =	sdelay $0x3  }
0x8f: {  	_ =	strace s15  }
0x90: {  	s0 =	sld [smem:$0x3FFC];
	_ =	sdelay $0x3  }
0x91: {  	_ =	strace s0  }
0x92: {  	s0 =	sld [smem:$0x3FFD];
	_ =	sdelay $0x3  }
0x93: {  	_ =	strace s0  }
0x94: {  	_ =	strace $0x8FFFFFFF  }
0x95: {  	s16 =	sld [smem:$0x3FDB];
	_ =	sdelay $0x1  }
0x96: {  	s17 =	simm.s32 $_scs_section_size  }
0x97: {  	s2 =	simm.s32 $_size__tile_overlayer_lowered;
	s3 =	simm.s32 $_tile_overlayer_lowered  }
0x98: {  	s20 =	simm.s32 $0x1BFF;
	s19 =	sshll.u32 s3, $0x1;
	s0 =	sadd.s32 s17, s16  }
0x99: {  	s4 =	simm.s32 $0x0;
	s18 =	sshll.u32 s2, $0x1;
	s2 =	sadd.s32 s19, s0  }
0x9a: {  	[timem:s4], [sflag:s20] =	dma.local [hbm:s2], s18  }
0x9b: {  	_ =	swait.ge [sflag:s20], s18  }
0x9c: {  	s1 =	ssub.s32 $0x0, s18;
	[sflag:s20] =	ssyncset.done $0x0  }
0x9d: {  	[sflag:s20] =	ssyncadd.s32 s1;
	_ =	sdelay $0x1  }
0x9e: {  	s21 =	simm.s32 $0x1B8B  }
0x9f: {  	_ =	swait.ge [sflag:s21], $0x1  }
0xa0: {  	[sflag:s21] =	ssyncset.done $0x0  }
0xa1: {  	s23 =	simm.s32 $0x1B8E;
	s22 =	sld [smem:$0x3FFE];
	[sflag:s21] =	ssyncadd.s32 $0xFFFFFFFF  }
0xa2: {  	s24 =	simm.s32 $execute0_lowered;
	[smem:$0x3FD2] =	sst s23  }
0xa3: {  	s2 =	sshll.u32 s24, $0x1;
	_ =	strace $0x80000049;
	[dreg:$0x1] =	wrdreg $0xFFFFFFFF  }
0xa4: {  	s25 =	simm.s32 $_size_execute0_lowered;
	s0 =	sadd.s32 s0, s2;
	[dreg:$0x0] =	wrdreg $0x0  }
0xa5: {  	s2 =	sshll.u32 s25, $0x1;
	[dreg:$0x2] =	wrdreg s0  }
0xa6: {  	[dreg:$0x3] =	wrdreg s2  }
0xa7: {  	[dreg:$0x4] =	wrdreg $0xC0  }
0xa8: {  	_ =	task [dreg:s4], $0x5FFFF  }
0xa9: {  	[dreg:$0x1] =	wrdreg $0xFFFFFFFF  }
0xaa: {  	[dreg:$0x0] =	wrdreg $0x60  }
0xab: {  	[dreg:$0x2] =	wrdreg s22  }
0xac: {  	[dreg:$0x3] =	wrdreg $0x98000  }
0xad: {  	[dreg:$0x4] =	wrdreg $0x9  }
0xae: {  	_ =	task.clear_ibuf [dreg:s4], $0x5FFFF;
	_ =	strace $0x90000049  }
0xaf: {  	s26 =	simm.s32 $0x9;
	_ =	strace $0x8000004B  }
0xb0: {  	_ =	swait.ge [sflag:s26], $0x1  }
0xb1: {  	[sflag:s26] =	ssyncadd.s32 $0xFFFFFFFF  }
0xb2: {  	_ =	strace $0x9000004B  }
0xb3: {  	_ =	sfence  }
0xb4: {  	s28 =	sld [smem:$0x0];
	_ =	sdelay $0x1  }
0xb5: {  	s29 =	srdreg.scid  }
0xb6: {  	s30 =	sshll.u32 s29, $0xD;
	s31 =	sshrl.u32 s29, $0x2  }
0xb7: {  	s1 =	sand.u32 $0x1, s29;
	s2 =	sand.u32 $0x4000, s30;
	s0 =	sadd.s32 s31, s28  }
0xb8: {  	s1 =	sor.u32 s2, s1;
	s0 =	sshll.u32 s0, $0x11  }
0xb9: {  	s0 =	sor.u32 s0, s1  }
0xba: {  	s0 =	sadd.s32 $0x8F2B, s0  }
0xbb: {  	[sflag:s0] =	ssyncadd.remote.s32 $0x1  }
0xbc: {  	_ =	sfence.sel $0xFFFF  }
0xbd: {  	[dreg:$0x0] =	wrdreg $0xFFFFFFFF;
	(pc) =	sbr.abs _section_cstart, $3  }
0xbe: {  	[dreg:$0x1] =	wrdreg $0xFFFFFFFF  }
0xbf: {  	_ =	task.clear_ibuf [dreg:s4], $0x2FFFF;
	_ =	strace $0x9FFFFFFF  }
0xc0: {  	(tm) =	ssettm $0x7FFFFFFF  }
0xc1: {  	_ =	shalt  }
tec
execute0_lowered:
.L_overlay_start_1:
0x0: {  	(tag) =	ssettag $0x1  }
0x1: {  	s1 =	rddreg [dreg:$0x0]  }
0x2: {  	s2 =	rddreg [dreg:$0x1];
	s0 =	simm.s32 $0x0;
	s8 =	stileid.u32  }
0x3: {  	s5 =	simm.s32 $0x70;
	[smem:$0x7FF] =	sst s0;
	s4 =	sadd.s32 $0x2C800, s1  }
0x4: {  	s0 =	sadd.s32 $0x4800, s1;
	s3 =	sadd.s32 $0x18800, s1;
	s1 =	sadd.s32 $0x53A00, s1  }
0x5: {  	v0 =	vimm.f32 $0.0e+00;
	s6 =	simm.s32 $0x3C0;
	_ =	strace $0x8000004A;
	[smem:$0x7FD] =	sst s1  }
.LBB2_1:
0x6: {  	p0 =	sne.s32 s6, $0x9FC0;
	[tilespmem:s5+$0x2000] =	vst v0  }
0x7: {  	[tilespmem:s5+$0x1F90] =	vst v0  }
0x8: {  	[tilespmem:s5+$0x1FA0] =	vst v0  }
.Ltmp0:
0x9: {  	[tilespmem:s5+$0x1FB0] =	vst v0;
	(pc) =	sbr.rel @p0 .LBB2_1-.Ltmp0, $4  }
0xa: {  	[tilespmem:s5+$0x1FC0] =	vst v0  }
0xb: {  	[tilespmem:s5+$0x1FD0] =	vst v0  }
0xc: {  	[tilespmem:s5+$0x1FE0] =	vst v0  }
0xd: {  	[tilespmem:s5+$0x1FF0] =	vst v0;
	s5 =	sshra.s32 s6, $0x2;
	s6 =	sadd.s32 $0x200, s6  }
0xe: {  	[tilespmem:s5+$0x2000] =	vst v0  }
0xf: {  	[tilespmem:s5+$0x1F90] =	vst v0  }
0x10: {  	[tilespmem:s5+$0x1FA0] =	vst v0  }
0x11: {  	[tilespmem:s5+$0x1FB0] =	vst v0  }
0x12: {  	[tilespmem:s5+$0x1FC0] =	vst v0;
	s1 =	smul.u32 $0x4F000, s8  }
0x13: {  	[tilespmem:s5+$0x1FD0] =	vst v0  }
0x14: {  	[tilespmem:s5+$0x1FE0] =	vst v0;
	s1 =	sshrl.u32 s1, $0x2  }
0x15: {  	[tilespmem:s5+$0x1FF0] =	vst v0;
	s7 =	simm.s32 $0x2000;
	s6 =	simm.s32 $0x4;
	s20 =	sadd.s32 s1, s2  }
0x16: {  	[spmem:s20] =	stream.linear.scatter [tilespmem:s7], [sflag:$0x4], $0x2800, $0x38;
	[tilespmem:$0x1D400] =	vst v63  }
0x17: {  	_ =	swait.ge [sflag:s6], $0x2800  }
0x18: {  	[sflag:s6] =	ssyncset.done $0x0  }
0x19: {  	s1 =	sadd.s32 $0x2800, s20;
	[sflag:s6] =	ssyncadd.s32 $0xFFFFD800  }
0x1a: {  	[spmem:s1] =	stream.linear.scatter [tilespmem:s7], [sflag:$0x4], $0x2800, $0x38;
	[tilespmem:$0x1D400] =	vst v63  }
0x1b: {  	_ =	swait.ge [sflag:s6], $0x2800  }
0x1c: {  	[sflag:s6] =	ssyncset.done $0x0  }
0x1d: {  	s21 =	sadd.s32 $0x5000, s20;
	[sflag:s6] =	ssyncadd.s32 $0xFFFFD800  }
0x1e: {  	[spmem:s21] =	stream.linear.scatter [tilespmem:s7], [sflag:$0x4], $0x2800, $0x38;
	[tilespmem:$0x1D400] =	vst v63  }
0x1f: {  	_ =	swait.ge [sflag:s6], $0x2800  }
0x20: {  	[sflag:s6] =	ssyncset.done $0x0  }
0x21: {  	s22 =	sadd.s32 $0x7800, s20;
	[sflag:s6] =	ssyncadd.s32 $0xFFFFD800  }
0x22: {  	[spmem:s22] =	stream.linear.scatter [tilespmem:s7], [sflag:$0x4], $0x2800, $0x38;
	[tilespmem:$0x1D400] =	vst v63  }
0x23: {  	_ =	swait.ge [sflag:s6], $0x2800  }
0x24: {  	[sflag:s6] =	ssyncset.done $0x0  }
0x25: {  	s23 =	sadd.s32 $0xA000, s20;
	[sflag:s6] =	ssyncadd.s32 $0xFFFFD800  }
0x26: {  	[spmem:s23] =	stream.linear.scatter [tilespmem:s7], [sflag:$0x4], $0x2800, $0x38;
	[tilespmem:$0x1D400] =	vst v63  }
0x27: {  	_ =	swait.ge [sflag:s6], $0x2800  }
0x28: {  	[sflag:s6] =	ssyncset.done $0x0  }
0x29: {  	s24 =	sadd.s32 $0xC800, s20;
	[sflag:s6] =	ssyncadd.s32 $0xFFFFD800  }
0x2a: {  	[spmem:s24] =	stream.linear.scatter [tilespmem:s7], [sflag:$0x4], $0x2800, $0x38;
	[tilespmem:$0x1D400] =	vst v63  }
0x2b: {  	_ =	swait.ge [sflag:s6], $0x2800  }
0x2c: {  	[sflag:s6] =	ssyncset.done $0x0  }
0x2d: {  	s25 =	sadd.s32 $0xF000, s20;
	[sflag:s6] =	ssyncadd.s32 $0xFFFFD800  }
0x2e: {  	[spmem:s25] =	stream.linear.scatter [tilespmem:s7], [sflag:$0x4], $0x2800, $0x38;
	[tilespmem:$0x1D400] =	vst v63  }
0x2f: {  	_ =	swait.ge [sflag:s6], $0x2800  }
0x30: {  	[sflag:s6] =	ssyncset.done $0x0  }
0x31: {  	s26 =	sadd.s32 $0x11800, s20;
	[smem:$0x7F6] =	sst s20;
	[sflag:s6] =	ssyncadd.s32 $0xFFFFD800  }
0x32: {  	[spmem:s26] =	stream.linear.scatter [tilespmem:s7], [sflag:$0x4], $0x2400, $0x38;
	[tilespmem:$0x1D400] =	vst v63  }
0x33: {  	_ =	swait.ge [sflag:s6], $0x2400  }
0x34: {  	s5 =	smul.u32 $0x1400, s8;
	[sflag:s6] =	ssyncset.done $0x0  }
0x35: {  	[sflag:s6] =	ssyncadd.s32 $0xFFFFDC00  }
0x36: {  	s3 =	sadd.s32 s5, s3;
	[bflag:$0x0] =	sbarrier.arrive $0xFFFF  }
0x37: {  	s0 =	sadd.s32 s5, s0;
	[dreg:$0x3] =	wrdreg s3  }
0x38: {  	s8 =	simm.s32 $0x80;
	[dreg:$0x4] =	wrdreg s0  }
0x39: {  	s9 =	simm.s32 $0x100;
	[dreg:$0x5] =	wrdreg s8  }
0x3a: {  	s10 =	simm.s32 $0x180;
	[dreg:$0x6] =	wrdreg s9  }
0x3b: {  	s11 =	simm.s32 $0x1080;
	[dreg:$0x7] =	wrdreg s10  }
0x3c: {  	s12 =	simm.s32 $0x200;
	[dreg:$0x8] =	wrdreg s11  }
0x3d: {  	s13 =	simm.s32 $0x1100;
	[dreg:$0x9] =	wrdreg s12  }
0x3e: {  	s14 =	simm.s32 $0x280;
	[dreg:$0xa] =	wrdreg s13  }
0x3f: {  	s15 =	simm.s32 $0x1180;
	[dreg:$0xb] =	wrdreg s14  }
0x40: {  	s16 =	simm.s32 $0x300;
	[dreg:$0xc] =	wrdreg s15  }
0x41: {  	s17 =	simm.s32 $0x1200;
	[dreg:$0xd] =	wrdreg s16  }
0x42: {  	s18 =	simm.s32 $0x380;
	[dreg:$0xe] =	wrdreg s17  }
0x43: {  	s19 =	simm.s32 $0x1280;
	[dreg:$0xf] =	wrdreg s18  }
0x44: {  	s20 =	simm.s32 $0x400;
	[dreg:$0x10] =	wrdreg s19  }
0x45: {  	s21 =	simm.s32 $0x1300;
	[dreg:$0x11] =	wrdreg s20  }
0x46: {  	s22 =	simm.s32 $0x480;
	[dreg:$0x12] =	wrdreg s21  }
0x47: {  	s23 =	simm.s32 $0x1380;
	[dreg:$0x13] =	wrdreg s22  }
0x48: {  	s24 =	simm.s32 $0x500;
	[dreg:$0x14] =	wrdreg s23  }
0x49: {  	s25 =	simm.s32 $0x1400;
	[dreg:$0x15] =	wrdreg s24  }
0x4a: {  	s26 =	simm.s32 $0x580;
	[dreg:$0x16] =	wrdreg s25  }
0x4b: {  	s1 =	simm.s32 $0x1480;
	[dreg:$0x17] =	wrdreg s26  }
0x4c: {  	s5 =	simm.s32 $0x1500;
	[dreg:$0x18] =	wrdreg s1  }
0x4d: {  	s3 =	simm.s32 $0x600;
	[dreg:$0x1a] =	wrdreg s5  }
0x4e: {  	s8 =	simm.s32 $0x680;
	[dreg:$0x19] =	wrdreg s3  }
0x4f: {  	s9 =	simm.s32 $0x1580;
	[dreg:$0x1b] =	wrdreg s8  }
0x50: {  	s10 =	simm.s32 $0x700;
	[dreg:$0x1c] =	wrdreg s9  }
0x51: {  	s11 =	simm.s32 $0x1600;
	[dreg:$0x1d] =	wrdreg s10  }
0x52: {  	s12 =	simm.s32 $0x780;
	[dreg:$0x1e] =	wrdreg s11  }
0x53: {  	s13 =	simm.s32 $0x1680;
	[dreg:$0x1f] =	wrdreg s12  }
0x54: {  	s14 =	simm.s32 $0x800;
	[smem:$0x7F7] =	sst s13  }
0x55: {  	s15 =	simm.s32 $0x1700;
	[smem:$0x7F8] =	sst s14  }
0x56: {  	[smem:$0x7F9] =	sst s15  }
0x57: {  	s16 =	simm.s32 $0x880;
	s17 =	rddreg [dreg:$0x4]  }
0x58: {  	s18 =	simm.s32 $0x1780;
	[smem:$0x7FA] =	sst s16  }
0x59: {  	s19 =	simm.s32 $0x900;
	[smem:$0x7FB] =	sst s18  }
0x5a: {  	s14 =	simm.s32 $0x0;
	[smem:$0x7FC] =	sst s19;
	s20 =	sadd.s32 $0x0, s17  }
0x5b: {  	[tilespmem:s14], [sflag:$0x4] =	stream.linear.gather [hbm4b:s20+s14], $0xC80, $0x38;
	[tilespmem:$0x1D400] =	vst v63  }
0x5c: {  	_ =	swait.ge [sflag:s6], $0xC80  }
0x5d: {  	s21 =	rddreg [dreg:$0x3];
	[sflag:s6] =	ssyncset.done $0x0  }
0x5e: {  	s15 =	simm.s32 $0x1000;
	[sflag:s6] =	ssyncadd.s32 $0xFFFFF380;
	s0 =	sadd.s32 $0x0, s21  }
0x5f: {  	[tilespmem:s15], [sflag:$0x4] =	stream.linear.gather [hbm4b:s0+s14], $0xC80, $0x38;
	[tilespmem:$0x1D400] =	vst v63  }
0x60: {  	_ =	swait.ge [sflag:s6], $0xC80  }
0x61: {  	[sflag:s6] =	ssyncset.done $0x0  }
0x62: {  	s8 =	simm.s32 $0x50;
	[sflag:s6] =	ssyncadd.s32 $0xFFFFF380  }
0x63: {  	[tilespmem:s7], [sflag:$0x1] =	stream.indirect.gather [hbm4b:s4+s8], $0x80, s14, s8, $0xb8;
	[tilespmem:$0x1D400] =	vst v63  }
0x64: {  	s11 =	simm.s32 $0x4800;
	s22 =	rddreg [dreg:$0x5]  }
0x65: {  	[tilespmem:s11], [sflag:$0x2] =	stream.indirect.gather [hbm4b:s4+s8], $0x80, s22, s8, $0xb8;
	[tilespmem:$0x1D400] =	vst v63  }
0x66: {  	s10 =	simm.s32 $0x7000;
	s9 =	simm.s32 $0x1;
	s23 =	rddreg [dreg:$0x6]  }
0x67: {  	[tilespmem:s10], [sflag:$0x3] =	stream.indirect.gather [hbm4b:s4+s8], $0x80, s23, s8, $0xb8;
	[tilespmem:$0x1D400] =	vst v63  }
0x68: {  	_ =	swait.ge [sflag:s9], $0x2800  }
0x69: {  	[sflag:s9] =	ssyncset.done $0x0  }
0x6a: {  	[sflag:s9] =	ssyncadd.s32 $0xFFFFD800  }
0x6b: {  	[spmem:s2] =	stream.indirect.scatter.add.f32 [tilespmem:s7], [sflag:$0x4], $0x80, s15, s8, $0xb8;
	[tilespmem:$0x1D400] =	vst v63  }
0x6c: {  	_ =	swait.ge [sflag:s6], $0x2800  }
0x6d: {  	[sflag:s6] =	ssyncset.done $0x0  }
0x6e: {  	s12 =	simm.s32 $0x2;
	s24 =	rddreg [dreg:$0x7];
	[sflag:s6] =	ssyncadd.s32 $0xFFFFD800  }
0x6f: {  	[tilespmem:s7], [sflag:$0x1] =	stream.indirect.gather [hbm4b:s4+s8], $0x80, s24, s8, $0xb8;
	[tilespmem:$0x1D400] =	vst v63  }
0x70: {  	_ =	swait.ge [sflag:s12], $0x2800  }
0x71: {  	[sflag:s12] =	ssyncset.done $0x0  }
0x72: {  	s25 =	rddreg [dreg:$0x8];
	[sflag:s12] =	ssyncadd.s32 $0xFFFFD800  }
0x73: {  	[spmem:s2] =	stream.indirect.scatter.add.f32 [tilespmem:s11], [sflag:$0x4], $0x80, s25, s8, $0xb8;
	[tilespmem:$0x1D400] =	vst v63  }
0x74: {  	_ =	swait.ge [sflag:s6], $0x2800  }
0x75: {  	[sflag:s6] =	ssyncset.done $0x0  }
0x76: {  	s13 =	simm.s32 $0x3;
	s26 =	rddreg [dreg:$0x9];
	[sflag:s6] =	ssyncadd.s32 $0xFFFFD800  }
0x77: {  	[tilespmem:s11], [sflag:$0x2] =	stream.indirect.gather [hbm4b:s4+s8], $0x80, s26, s8, $0xb8;
	[tilespmem:$0x1D400] =	vst v63  }
0x78: {  	_ =	swait.ge [sflag:s13], $0x2800  }
0x79: {  	[sflag:s13] =	ssyncset.done $0x0  }
0x7a: {  	s1 =	rddreg [dreg:$0xa];
	[sflag:s13] =	ssyncadd.s32 $0xFFFFD800  }
0x7b: {  	[spmem:s2] =	stream.indirect.scatter.add.f32 [tilespmem:s10], [sflag:$0x4], $0x80, s1, s8, $0xb8;
	[tilespmem:$0x1D400] =	vst v63  }
0x7c: {  	_ =	swait.ge [sflag:s6], $0x2800  }
0x7d: {  	[sflag:s6] =	ssyncset.done $0x0  }
0x7e: {  	s3 =	rddreg [dreg:$0xb];
	[sflag:s6] =	ssyncadd.s32 $0xFFFFD800  }
0x7f: {  	[tilespmem:s10], [sflag:$0x3] =	stream.indirect.gather [hbm4b:s4+s8], $0x80, s3, s8, $0xb8;
	[tilespmem:$0x1D400] =	vst v63  }
0x80: {  	_ =	swait.ge [sflag:s9], $0x2800  }
0x81: {  	[sflag:s9] =	ssyncset.done $0x0  }
0x82: {  	s5 =	rddreg [dreg:$0xc];
	[sflag:s9] =	ssyncadd.s32 $0xFFFFD800  }
0x83: {  	[spmem:s2] =	stream.indirect.scatter.add.f32 [tilespmem:s7], [sflag:$0x4], $0x80, s5, s8, $0xb8;
	[tilespmem:$0x1D400] =	vst v63  }
0x84: {  	_ =	swait.ge [sflag:s6], $0x2800  }
0x85: {  	[sflag:s6] =	ssyncset.done $0x0  }
0x86: {  	s16 =	rddreg [dreg:$0xd];
	[sflag:s6] =	ssyncadd.s32 $0xFFFFD800  }
0x87: {  	[tilespmem:s7], [sflag:$0x1] =	stream.indirect.gather [hbm4b:s4+s8], $0x80, s16, s8, $0xb8;
	[tilespmem:$0x1D400] =	vst v63  }
0x88: {  	_ =	swait.ge [sflag:s12], $0x2800  }
0x89: {  	[sflag:s12] =	ssyncset.done $0x0  }
0x8a: {  	s17 =	rddreg [dreg:$0xe];
	[sflag:s12] =	ssyncadd.s32 $0xFFFFD800  }
0x8b: {  	[spmem:s2] =	stream.indirect.scatter.add.f32 [tilespmem:s11], [sflag:$0x4], $0x80, s17, s8, $0xb8;
	[tilespmem:$0x1D400] =	vst v63  }
0x8c: {  	_ =	swait.ge [sflag:s6], $0x2800  }
0x8d: {  	[sflag:s6] =	ssyncset.done $0x0  }
0x8e: {  	s18 =	rddreg [dreg:$0xf];
	[sflag:s6] =	ssyncadd.s32 $0xFFFFD800  }
0x8f: {  	[tilespmem:s11], [sflag:$0x2] =	stream.indirect.gather [hbm4b:s4+s8], $0x80, s18, s8, $0xb8;
	[tilespmem:$0x1D400] =	vst v63  }
0x90: {  	_ =	swait.ge [sflag:s13], $0x2800  }
0x91: {  	[sflag:s13] =	ssyncset.done $0x0  }
0x92: {  	s19 =	rddreg [dreg:$0x10];
	[sflag:s13] =	ssyncadd.s32 $0xFFFFD800  }
0x93: {  	[spmem:s2] =	stream.indirect.scatter.add.f32 [tilespmem:s10], [sflag:$0x4], $0x80, s19, s8, $0xb8;
	[tilespmem:$0x1D400] =	vst v63  }
0x94: {  	_ =	swait.ge [sflag:s6], $0x2800  }
0x95: {  	[sflag:s6] =	ssyncset.done $0x0  }
0x96: {  	s20 =	rddreg [dreg:$0x11];
	[sflag:s6] =	ssyncadd.s32 $0xFFFFD800  }
0x97: {  	[tilespmem:s10], [sflag:$0x3] =	stream.indirect.gather [hbm4b:s4+s8], $0x80, s20, s8, $0xb8;
	[tilespmem:$0x1D400] =	vst v63  }
0x98: {  	_ =	swait.ge [sflag:s9], $0x2800  }
0x99: {  	[sflag:s9] =	ssyncset.done $0x0  }
0x9a: {  	s21 =	rddreg [dreg:$0x12];
	[sflag:s9] =	ssyncadd.s32 $0xFFFFD800  }
0x9b: {  	[spmem:s2] =	stream.indirect.scatter.add.f32 [tilespmem:s7], [sflag:$0x4], $0x80, s21, s8, $0xb8;
	[tilespmem:$0x1D400] =	vst v63  }
0x9c: {  	_ =	swait.ge [sflag:s6], $0x2800  }
0x9d: {  	[sflag:s6] =	ssyncset.done $0x0  }
0x9e: {  	s22 =	rddreg [dreg:$0x13];
	[sflag:s6] =	ssyncadd.s32 $0xFFFFD800  }
0x9f: {  	[tilespmem:s7], [sflag:$0x1] =	stream.indirect.gather [hbm4b:s4+s8], $0x80, s22, s8, $0xb8;
	[tilespmem:$0x1D400] =	vst v63  }
0xa0: {  	_ =	swait.ge [sflag:s12], $0x2800  }
0xa1: {  	[sflag:s12] =	ssyncset.done $0x0  }
0xa2: {  	s23 =	rddreg [dreg:$0x14];
	[sflag:s12] =	ssyncadd.s32 $0xFFFFD800  }
0xa3: {  	[spmem:s2] =	stream.indirect.scatter.add.f32 [tilespmem:s11], [sflag:$0x4], $0x80, s23, s8, $0xb8;
	[tilespmem:$0x1D400] =	vst v63  }
0xa4: {  	_ =	swait.ge [sflag:s6], $0x2800  }
0xa5: {  	[sflag:s6] =	ssyncset.done $0x0  }
0xa6: {  	s24 =	rddreg [dreg:$0x15];
	[sflag:s6] =	ssyncadd.s32 $0xFFFFD800  }
0xa7: {  	[tilespmem:s11], [sflag:$0x2] =	stream.indirect.gather [hbm4b:s4+s8], $0x80, s24, s8, $0xb8;
	[tilespmem:$0x1D400] =	vst v63  }
0xa8: {  	_ =	swait.ge [sflag:s13], $0x2800  }
0xa9: {  	[sflag:s13] =	ssyncset.done $0x0  }
0xaa: {  	s25 =	rddreg [dreg:$0x16];
	[sflag:s13] =	ssyncadd.s32 $0xFFFFD800  }
0xab: {  	[spmem:s2] =	stream.indirect.scatter.add.f32 [tilespmem:s10], [sflag:$0x4], $0x80, s25, s8, $0xb8;
	[tilespmem:$0x1D400] =	vst v63  }
0xac: {  	_ =	swait.ge [sflag:s6], $0x2800  }
0xad: {  	[sflag:s6] =	ssyncset.done $0x0  }
0xae: {  	s26 =	rddreg [dreg:$0x17];
	[sflag:s6] =	ssyncadd.s32 $0xFFFFD800  }
0xaf: {  	[tilespmem:s10], [sflag:$0x3] =	stream.indirect.gather [hbm4b:s4+s8], $0x80, s26, s8, $0xb8;
	[tilespmem:$0x1D400] =	vst v63  }
0xb0: {  	_ =	swait.ge [sflag:s9], $0x2800  }
0xb1: {  	[sflag:s9] =	ssyncset.done $0x0  }
0xb2: {  	s1 =	rddreg [dreg:$0x18];
	[sflag:s9] =	ssyncadd.s32 $0xFFFFD800  }
0xb3: {  	[spmem:s2] =	stream.indirect.scatter.add.f32 [tilespmem:s7], [sflag:$0x4], $0x80, s1, s8, $0xb8;
	[tilespmem:$0x1D400] =	vst v63  }
0xb4: {  	_ =	swait.ge [sflag:s6], $0x2800  }
0xb5: {  	[sflag:s6] =	ssyncset.done $0x0  }
0xb6: {  	s3 =	rddreg [dreg:$0x19];
	[sflag:s6] =	ssyncadd.s32 $0xFFFFD800  }
0xb7: {  	[tilespmem:s7], [sflag:$0x1] =	stream.indirect.gather [hbm4b:s4+s8], $0x80, s3, s8, $0xb8;
	[tilespmem:$0x1D400] =	vst v63  }
0xb8: {  	_ =	swait.ge [sflag:s12], $0x2800  }
0xb9: {  	[sflag:s12] =	ssyncset.done $0x0  }
0xba: {  	s5 =	rddreg [dreg:$0x1a];
	[sflag:s12] =	ssyncadd.s32 $0xFFFFD800  }
0xbb: {  	[spmem:s2] =	stream.indirect.scatter.add.f32 [tilespmem:s11], [sflag:$0x4], $0x80, s5, s8, $0xb8;
	[tilespmem:$0x1D400] =	vst v63  }
0xbc: {  	_ =	swait.ge [sflag:s6], $0x2800  }
0xbd: {  	[sflag:s6] =	ssyncset.done $0x0  }
0xbe: {  	s16 =	rddreg [dreg:$0x1b];
	[sflag:s6] =	ssyncadd.s32 $0xFFFFD800  }
0xbf: {  	[tilespmem:s11], [sflag:$0x2] =	stream.indirect.gather [hbm4b:s4+s8], $0x80, s16, s8, $0xb8;
	[tilespmem:$0x1D400] =	vst v63  }
0xc0: {  	_ =	swait.ge [sflag:s13], $0x2800  }
0xc1: {  	[sflag:s13] =	ssyncset.done $0x0  }
0xc2: {  	s17 =	rddreg [dreg:$0x1c];
	[sflag:s13] =	ssyncadd.s32 $0xFFFFD800  }
0xc3: {  	[spmem:s2] =	stream.indirect.scatter.add.f32 [tilespmem:s10], [sflag:$0x4], $0x80, s17, s8, $0xb8;
	[tilespmem:$0x1D400] =	vst v63  }
0xc4: {  	_ =	swait.ge [sflag:s6], $0x2800  }
0xc5: {  	[sflag:s6] =	ssyncset.done $0x0  }
0xc6: {  	s18 =	rddreg [dreg:$0x1d];
	[sflag:s6] =	ssyncadd.s32 $0xFFFFD800  }
0xc7: {  	[tilespmem:s10], [sflag:$0x3] =	stream.indirect.gather [hbm4b:s4+s8], $0x80, s18, s8, $0xb8;
	[tilespmem:$0x1D400] =	vst v63  }
0xc8: {  	_ =	swait.ge [sflag:s9], $0x2800  }
0xc9: {  	[sflag:s9] =	ssyncset.done $0x0  }
0xca: {  	s19 =	rddreg [dreg:$0x1e];
	[sflag:s9] =	ssyncadd.s32 $0xFFFFD800  }
0xcb: {  	[spmem:s2] =	stream.indirect.scatter.add.f32 [tilespmem:s7], [sflag:$0x4], $0x80, s19, s8, $0xb8;
	[tilespmem:$0x1D400] =	vst v63  }
0xcc: {  	_ =	swait.ge [sflag:s6], $0x2800  }
0xcd: {  	[sflag:s6] =	ssyncset.done $0x0  }
0xce: {  	s20 =	rddreg [dreg:$0x1f];
	[sflag:s6] =	ssyncadd.s32 $0xFFFFD800  }
0xcf: {  	[tilespmem:s7], [sflag:$0x1] =	stream.indirect.gather [hbm4b:s4+s8], $0x80, s20, s8, $0xb8;
	[tilespmem:$0x1D400] =	vst v63  }
0xd0: {  	_ =	swait.ge [sflag:s12], $0x2800  }
0xd1: {  	s21 =	sld [smem:$0x7F7]  }
0xd2: {  	[sflag:s12] =	ssyncset.done $0x0  }
0xd3: {  	[sflag:s12] =	ssyncadd.s32 $0xFFFFD800  }
0xd4: {  	[spmem:s2] =	stream.indirect.scatter.add.f32 [tilespmem:s11], [sflag:$0x4], $0x80, s21, s8, $0xb8;
	[tilespmem:$0x1D400] =	vst v63  }
0xd5: {  	_ =	swait.ge [sflag:s6], $0x2800  }
0xd6: {  	s22 =	sld [smem:$0x7F8]  }
0xd7: {  	[sflag:s6] =	ssyncset.done $0x0  }
0xd8: {  	[sflag:s6] =	ssyncadd.s32 $0xFFFFD800  }
0xd9: {  	[tilespmem:s11], [sflag:$0x2] =	stream.indirect.gather [hbm4b:s4+s8], $0x80, s22, s8, $0xb8;
	[tilespmem:$0x1D400] =	vst v63  }
0xda: {  	_ =	swait.ge [sflag:s13], $0x2800  }
0xdb: {  	s23 =	sld [smem:$0x7F9]  }
0xdc: {  	[sflag:s13] =	ssyncset.done $0x0  }
0xdd: {  	[sflag:s13] =	ssyncadd.s32 $0xFFFFD800  }
0xde: {  	[spmem:s2] =	stream.indirect.scatter.add.f32 [tilespmem:s10], [sflag:$0x4], $0x80, s23, s8, $0xb8;
	[tilespmem:$0x1D400] =	vst v63  }
0xdf: {  	_ =	swait.ge [sflag:s6], $0x2800  }
0xe0: {  	s24 =	sld [smem:$0x7FA]  }
0xe1: {  	[sflag:s6] =	ssyncset.done $0x0  }
0xe2: {  	[sflag:s6] =	ssyncadd.s32 $0xFFFFD800  }
0xe3: {  	[tilespmem:s10], [sflag:$0x3] =	stream.indirect.gather [hbm4b:s4+s8], $0x80, s24, s8, $0xb8;
	[tilespmem:$0x1D400] =	vst v63  }
0xe4: {  	_ =	swait.ge [sflag:s9], $0x2800  }
0xe5: {  	s25 =	sld [smem:$0x7FB]  }
0xe6: {  	[sflag:s9] =	ssyncset.done $0x0  }
0xe7: {  	[sflag:s9] =	ssyncadd.s32 $0xFFFFD800  }
0xe8: {  	[spmem:s2] =	stream.indirect.scatter.add.f32 [tilespmem:s7], [sflag:$0x4], $0x80, s25, s8, $0xb8;
	[tilespmem:$0x1D400] =	vst v63  }
0xe9: {  	_ =	swait.ge [sflag:s6], $0x2800  }
0xea: {  	s26 =	sld [smem:$0x7FC]  }
0xeb: {  	[sflag:s6] =	ssyncset.done $0x0  }
0xec: {  	[sflag:s6] =	ssyncadd.s32 $0xFFFFD800  }
0xed: {  	[tilespmem:s7], [sflag:$0x1] =	stream.indirect.gather [hbm4b:s4+s8], $0x80, s26, s8, $0xb8;
	[tilespmem:$0x1D400] =	vst v63  }
0xee: {  	_ =	swait.ge [sflag:s12], $0x2800  }
0xef: {  	[sflag:s12] =	ssyncset.done $0x0  }
0xf0: {  	s16 =	simm.s32 $0x1800;
	[sflag:s12] =	ssyncadd.s32 $0xFFFFD800  }
0xf1: {  	[spmem:s2] =	stream.indirect.scatter.add.f32 [tilespmem:s11], [sflag:$0x4], $0x80, s16, s8, $0xb8;
	[tilespmem:$0x1D400] =	vst v63  }
0xf2: {  	_ =	swait.ge [sflag:s6], $0x2800  }
0xf3: {  	[sflag:s6] =	ssyncset.done $0x0  }
0xf4: {  	s17 =	simm.s32 $0x980;
	[sflag:s6] =	ssyncadd.s32 $0xFFFFD800  }
0xf5: {  	[tilespmem:s11], [sflag:$0x2] =	stream.indirect.gather [hbm4b:s4+s8], $0x80, s17, s8, $0xb8;
	[tilespmem:$0x1D400] =	vst v63  }
0xf6: {  	_ =	swait.ge [sflag:s13], $0x2800  }
0xf7: {  	[sflag:s13] =	ssyncset.done $0x0  }
0xf8: {  	s18 =	simm.s32 $0x1880;
	[sflag:s13] =	ssyncadd.s32 $0xFFFFD800  }
0xf9: {  	[spmem:s2] =	stream.indirect.scatter.add.f32 [tilespmem:s10], [sflag:$0x4], $0x80, s18, s8, $0xb8;
	[tilespmem:$0x1D400] =	vst v63  }
0xfa: {  	_ =	swait.ge [sflag:s6], $0x2800  }
0xfb: {  	[sflag:s6] =	ssyncset.done $0x0  }
0xfc: {  	s19 =	simm.s32 $0xA00;
	[sflag:s6] =	ssyncadd.s32 $0xFFFFD800  }
0xfd: {  	[tilespmem:s10], [sflag:$0x3] =	stream.indirect.gather [hbm4b:s4+s8], $0x80, s19, s8, $0xb8;
	[tilespmem:$0x1D400] =	vst v63  }
0xfe: {  	_ =	swait.ge [sflag:s9], $0x2800  }
0xff: {  	[sflag:s9] =	ssyncset.done $0x0  }
0x100: {  	s20 =	simm.s32 $0x1900;
	[sflag:s9] =	ssyncadd.s32 $0xFFFFD800  }
0x101: {  	[spmem:s2] =	stream.indirect.scatter.add.f32 [tilespmem:s7], [sflag:$0x4], $0x80, s20, s8, $0xb8;
	[tilespmem:$0x1D400] =	vst v63  }
0x102: {  	_ =	swait.ge [sflag:s6], $0x2800  }
0x103: {  	[sflag:s6] =	ssyncset.done $0x0  }
0x104: {  	s21 =	simm.s32 $0xA80;
	[sflag:s6] =	ssyncadd.s32 $0xFFFFD800  }
0x105: {  	[tilespmem:s7], [sflag:$0x1] =	stream.indirect.gather [hbm4b:s4+s8], $0x80, s21, s8, $0xb8;
	[tilespmem:$0x1D400] =	vst v63  }
0x106: {  	_ =	swait.ge [sflag:s12], $0x2800  }
0x107: {  	[sflag:s12] =	ssyncset.done $0x0  }
0x108: {  	s22 =	simm.s32 $0x1980;
	[sflag:s12] =	ssyncadd.s32 $0xFFFFD800  }
0x109: {  	[spmem:s2] =	stream.indirect.scatter.add.f32 [tilespmem:s11], [sflag:$0x4], $0x80, s22, s8, $0xb8;
	[tilespmem:$0x1D400] =	vst v63  }
0x10a: {  	_ =	swait.ge [sflag:s6], $0x2800  }
0x10b: {  	[sflag:s6] =	ssyncset.done $0x0  }
0x10c: {  	s23 =	simm.s32 $0xB00;
	[sflag:s6] =	ssyncadd.s32 $0xFFFFD800  }
0x10d: {  	[tilespmem:s11], [sflag:$0x2] =	stream.indirect.gather [hbm4b:s4+s8], $0x80, s23, s8, $0xb8;
	[tilespmem:$0x1D400] =	vst v63  }
0x10e: {  	_ =	swait.ge [sflag:s13], $0x2800  }
0x10f: {  	[sflag:s13] =	ssyncset.done $0x0  }
0x110: {  	s24 =	simm.s32 $0x1A00;
	[sflag:s13] =	ssyncadd.s32 $0xFFFFD800  }
0x111: {  	[spmem:s2] =	stream.indirect.scatter.add.f32 [tilespmem:s10], [sflag:$0x4], $0x80, s24, s8, $0xb8;
	[tilespmem:$0x1D400] =	vst v63  }
0x112: {  	_ =	swait.ge [sflag:s6], $0x2800  }
0x113: {  	[sflag:s6] =	ssyncset.done $0x0  }
0x114: {  	s25 =	simm.s32 $0xB80;
	[sflag:s6] =	ssyncadd.s32 $0xFFFFD800  }
0x115: {  	[tilespmem:s10], [sflag:$0x3] =	stream.indirect.gather [hbm4b:s4+s8], $0x80, s25, s8, $0xb8;
	[tilespmem:$0x1D400] =	vst v63  }
0x116: {  	_ =	swait.ge [sflag:s9], $0x2800  }
0x117: {  	[sflag:s9] =	ssyncset.done $0x0  }
0x118: {  	s26 =	simm.s32 $0x1A80;
	[sflag:s9] =	ssyncadd.s32 $0xFFFFD800  }
0x119: {  	[spmem:s2] =	stream.indirect.scatter.add.f32 [tilespmem:s7], [sflag:$0x4], $0x80, s26, s8, $0xb8;
	[tilespmem:$0x1D400] =	vst v63  }
0x11a: {  	_ =	swait.ge [sflag:s6], $0x2800  }
0x11b: {  	[sflag:s6] =	ssyncset.done $0x0  }
0x11c: {  	s28 =	simm.s32 $0xC00;
	[sflag:s6] =	ssyncadd.s32 $0xFFFFD800  }
0x11d: {  	[tilespmem:s7], [sflag:$0x1] =	stream.indirect.gather [hbm4b:s4+s8], $0x80, s28, s8, $0xb8;
	[tilespmem:$0x1D400] =	vst v63  }
0x11e: {  	_ =	swait.ge [sflag:s12], $0x2800  }
0x11f: {  	[sflag:s12] =	ssyncset.done $0x0  }
0x120: {  	s29 =	simm.s32 $0x1B00;
	[sflag:s12] =	ssyncadd.s32 $0xFFFFD800  }
0x121: {  	[spmem:s2] =	stream.indirect.scatter.add.f32 [tilespmem:s11], [sflag:$0x4], $0x80, s29, s8, $0xb8;
	[tilespmem:$0x1D400] =	vst v63  }
0x122: {  	_ =	swait.ge [sflag:s6], $0x2800  }
0x123: {  	[sflag:s6] =	ssyncset.done $0x0  }
0x124: {  	[sflag:s6] =	ssyncadd.s32 $0xFFFFD800  }
0x125: {  	_ =	swait.ge [sflag:s13], $0x2800  }
0x126: {  	[sflag:s13] =	ssyncset.done $0x0  }
0x127: {  	s30 =	simm.s32 $0x1B80;
	[sflag:s13] =	ssyncadd.s32 $0xFFFFD800  }
0x128: {  	[spmem:s2] =	stream.indirect.scatter.add.f32 [tilespmem:s10], [sflag:$0x4], $0x80, s30, s8, $0xb8;
	[tilespmem:$0x1D400] =	vst v63  }
0x129: {  	_ =	swait.ge [sflag:s6], $0x2800  }
0x12a: {  	[sflag:s6] =	ssyncset.done $0x0  }
0x12b: {  	[sflag:s6] =	ssyncadd.s32 $0xFFFFD800  }
0x12c: {  	_ =	swait.ge [sflag:s9], $0x2800  }
0x12d: {  	[sflag:s9] =	ssyncset.done $0x0  }
0x12e: {  	s31 =	simm.s32 $0x1C00;
	[sflag:s9] =	ssyncadd.s32 $0xFFFFD800  }
0x12f: {  	[spmem:s2] =	stream.indirect.scatter.add.f32 [tilespmem:s7], [sflag:$0x4], $0x80, s31, s8, $0xb8;
	[tilespmem:$0x1D400] =	vst v63  }
0x130: {  	s0 =	simm.s32 $0x200;
	_ =	swait.ge [sflag:s6], $0x2800  }
0x131: {  	s3 =	simm.s32 $0x400;
	[sflag:s6] =	ssyncset.done $0x0;
	s1 =	rddreg [dreg:$0x4]  }
.LBB2_3:
0x132: {  	[sflag:s6] =	ssyncadd.s32 $0xFFFFD800;
	s1 =	sadd.s32 s0, s1  }
0x133: {  	[tilespmem:s14], [sflag:$0x4] =	stream.linear.gather [hbm4b:s1+s14], $0xC80, $0x38;
	[tilespmem:$0x1D400] =	vst v63  }
0x134: {  	_ =	swait.ge [sflag:s6], $0xC80  }
0x135: {  	s1 =	rddreg [dreg:$0x3];
	[sflag:s6] =	ssyncset.done $0x0  }
0x136: {  	[sflag:s6] =	ssyncadd.s32 $0xFFFFF380;
	s1 =	sadd.s32 s0, s1  }
0x137: {  	[tilespmem:s15], [sflag:$0x4] =	stream.linear.gather [hbm4b:s1+s14], $0xC80, $0x38;
	[tilespmem:$0x1D400] =	vst v63  }
0x138: {  	_ =	swait.ge [sflag:s6], $0xC80  }
0x139: {  	[sflag:s6] =	ssyncset.done $0x0  }
0x13a: {  	[sflag:s6] =	ssyncadd.s32 $0xFFFFF380  }
0x13b: {  	[tilespmem:s7], [sflag:$0x1] =	stream.indirect.gather [hbm4b:s4+s8], $0x80, s14, s8, $0xb8;
	[tilespmem:$0x1D400] =	vst v63  }
0x13c: {  	s5 =	smov.u32 s3;
	s1 =	rddreg [dreg:$0x5]  }
0x13d: {  	[tilespmem:s11], [sflag:$0x2] =	stream.indirect.gather [hbm4b:s4+s8], $0x80, s1, s8, $0xb8;
	[tilespmem:$0x1D400] =	vst v63  }
0x13e: {  	s0 =	smov.u32 s5;
	s5 =	rddreg [dreg:$0x6]  }
0x13f: {  	[tilespmem:s10], [sflag:$0x3] =	stream.indirect.gather [hbm4b:s4+s8], $0x80, s5, s8, $0xb8;
	[tilespmem:$0x1D400] =	vst v63  }
0x140: {  	_ =	swait.ge [sflag:s9], $0x2800  }
0x141: {  	[sflag:s9] =	ssyncset.done $0x0  }
0x142: {  	[sflag:s9] =	ssyncadd.s32 $0xFFFFD800  }
0x143: {  	[spmem:s2] =	stream.indirect.scatter.add.f32 [tilespmem:s7], [sflag:$0x4], $0x80, s15, s8, $0xb8;
	[tilespmem:$0x1D400] =	vst v63  }
0x144: {  	_ =	swait.ge [sflag:s6], $0x2800  }
0x145: {  	[sflag:s6] =	ssyncset.done $0x0  }
0x146: {  	s5 =	rddreg [dreg:$0x7];
	[sflag:s6] =	ssyncadd.s32 $0xFFFFD800  }
0x147: {  	[tilespmem:s7], [sflag:$0x1] =	stream.indirect.gather [hbm4b:s4+s8], $0x80, s5, s8, $0xb8;
	[tilespmem:$0x1D400] =	vst v63  }
0x148: {  	_ =	swait.ge [sflag:s12], $0x2800  }
0x149: {  	[sflag:s12] =	ssyncset.done $0x0  }
0x14a: {  	s5 =	rddreg [dreg:$0x8];
	[sflag:s12] =	ssyncadd.s32 $0xFFFFD800  }
0x14b: {  	[spmem:s2] =	stream.indirect.scatter.add.f32 [tilespmem:s11], [sflag:$0x4], $0x80, s5, s8, $0xb8;
	[tilespmem:$0x1D400] =	vst v63  }
0x14c: {  	_ =	swait.ge [sflag:s6], $0x2800  }
0x14d: {  	[sflag:s6] =	ssyncset.done $0x0  }
0x14e: {  	s5 =	rddreg [dreg:$0x9];
	[sflag:s6] =	ssyncadd.s32 $0xFFFFD800  }
0x14f: {  	[tilespmem:s11], [sflag:$0x2] =	stream.indirect.gather [hbm4b:s4+s8], $0x80, s5, s8, $0xb8;
	[tilespmem:$0x1D400] =	vst v63  }
0x150: {  	_ =	swait.ge [sflag:s13], $0x2800  }
0x151: {  	[sflag:s13] =	ssyncset.done $0x0  }
0x152: {  	s5 =	rddreg [dreg:$0xa];
	[sflag:s13] =	ssyncadd.s32 $0xFFFFD800  }
0x153: {  	[spmem:s2] =	stream.indirect.scatter.add.f32 [tilespmem:s10], [sflag:$0x4], $0x80, s5, s8, $0xb8;
	[tilespmem:$0x1D400] =	vst v63  }
0x154: {  	_ =	swait.ge [sflag:s6], $0x2800  }
0x155: {  	[sflag:s6] =	ssyncset.done $0x0  }
0x156: {  	s5 =	rddreg [dreg:$0xb];
	[sflag:s6] =	ssyncadd.s32 $0xFFFFD800  }
0x157: {  	[tilespmem:s10], [sflag:$0x3] =	stream.indirect.gather [hbm4b:s4+s8], $0x80, s5, s8, $0xb8;
	[tilespmem:$0x1D400] =	vst v63  }
0x158: {  	_ =	swait.ge [sflag:s9], $0x2800  }
0x159: {  	[sflag:s9] =	ssyncset.done $0x0  }
0x15a: {  	s5 =	rddreg [dreg:$0xc];
	[sflag:s9] =	ssyncadd.s32 $0xFFFFD800  }
0x15b: {  	[spmem:s2] =	stream.indirect.scatter.add.f32 [tilespmem:s7], [sflag:$0x4], $0x80, s5, s8, $0xb8;
	[tilespmem:$0x1D400] =	vst v63  }
0x15c: {  	_ =	swait.ge [sflag:s6], $0x2800  }
0x15d: {  	[sflag:s6] =	ssyncset.done $0x0  }
0x15e: {  	s5 =	rddreg [dreg:$0xd];
	[sflag:s6] =	ssyncadd.s32 $0xFFFFD800  }
0x15f: {  	[tilespmem:s7], [sflag:$0x1] =	stream.indirect.gather [hbm4b:s4+s8], $0x80, s5, s8, $0xb8;
	[tilespmem:$0x1D400] =	vst v63  }
0x160: {  	_ =	swait.ge [sflag:s12], $0x2800  }
0x161: {  	[sflag:s12] =	ssyncset.done $0x0  }
0x162: {  	s5 =	rddreg [dreg:$0xe];
	[sflag:s12] =	ssyncadd.s32 $0xFFFFD800  }
0x163: {  	[spmem:s2] =	stream.indirect.scatter.add.f32 [tilespmem:s11], [sflag:$0x4], $0x80, s5, s8, $0xb8;
	[tilespmem:$0x1D400] =	vst v63  }
0x164: {  	_ =	swait.ge [sflag:s6], $0x2800  }
0x165: {  	[sflag:s6] =	ssyncset.done $0x0  }
0x166: {  	s5 =	rddreg [dreg:$0xf];
	[sflag:s6] =	ssyncadd.s32 $0xFFFFD800  }
0x167: {  	[tilespmem:s11], [sflag:$0x2] =	stream.indirect.gather [hbm4b:s4+s8], $0x80, s5, s8, $0xb8;
	[tilespmem:$0x1D400] =	vst v63  }
0x168: {  	_ =	swait.ge [sflag:s13], $0x2800  }
0x169: {  	[sflag:s13] =	ssyncset.done $0x0  }
0x16a: {  	s5 =	rddreg [dreg:$0x10];
	[sflag:s13] =	ssyncadd.s32 $0xFFFFD800  }
0x16b: {  	[spmem:s2] =	stream.indirect.scatter.add.f32 [tilespmem:s10], [sflag:$0x4], $0x80, s5, s8, $0xb8;
	[tilespmem:$0x1D400] =	vst v63  }
0x16c: {  	_ =	swait.ge [sflag:s6], $0x2800  }
0x16d: {  	[sflag:s6] =	ssyncset.done $0x0  }
0x16e: {  	s5 =	rddreg [dreg:$0x11];
	[sflag:s6] =	ssyncadd.s32 $0xFFFFD800  }
0x16f: {  	[tilespmem:s10], [sflag:$0x3] =	stream.indirect.gather [hbm4b:s4+s8], $0x80, s5, s8, $0xb8;
	[tilespmem:$0x1D400] =	vst v63  }
0x170: {  	_ =	swait.ge [sflag:s9], $0x2800  }
0x171: {  	[sflag:s9] =	ssyncset.done $0x0  }
0x172: {  	s5 =	rddreg [dreg:$0x12];
	[sflag:s9] =	ssyncadd.s32 $0xFFFFD800  }
0x173: {  	[spmem:s2] =	stream.indirect.scatter.add.f32 [tilespmem:s7], [sflag:$0x4], $0x80, s5, s8, $0xb8;
	[tilespmem:$0x1D400] =	vst v63  }
0x174: {  	_ =	swait.ge [sflag:s6], $0x2800  }
0x175: {  	[sflag:s6] =	ssyncset.done $0x0  }
0x176: {  	s5 =	rddreg [dreg:$0x13];
	[sflag:s6] =	ssyncadd.s32 $0xFFFFD800  }
0x177: {  	[tilespmem:s7], [sflag:$0x1] =	stream.indirect.gather [hbm4b:s4+s8], $0x80, s5, s8, $0xb8;
	[tilespmem:$0x1D400] =	vst v63  }
0x178: {  	_ =	swait.ge [sflag:s12], $0x2800  }
0x179: {  	[sflag:s12] =	ssyncset.done $0x0  }
0x17a: {  	s5 =	rddreg [dreg:$0x14];
	[sflag:s12] =	ssyncadd.s32 $0xFFFFD800  }
0x17b: {  	[spmem:s2] =	stream.indirect.scatter.add.f32 [tilespmem:s11], [sflag:$0x4], $0x80, s5, s8, $0xb8;
	[tilespmem:$0x1D400] =	vst v63  }
0x17c: {  	_ =	swait.ge [sflag:s6], $0x2800  }
0x17d: {  	[sflag:s6] =	ssyncset.done $0x0  }
0x17e: {  	s5 =	rddreg [dreg:$0x15];
	[sflag:s6] =	ssyncadd.s32 $0xFFFFD800  }
0x17f: {  	[tilespmem:s11], [sflag:$0x2] =	stream.indirect.gather [hbm4b:s4+s8], $0x80, s5, s8, $0xb8;
	[tilespmem:$0x1D400] =	vst v63  }
0x180: {  	_ =	swait.ge [sflag:s13], $0x2800  }
0x181: {  	[sflag:s13] =	ssyncset.done $0x0  }
0x182: {  	s5 =	rddreg [dreg:$0x16];
	[sflag:s13] =	ssyncadd.s32 $0xFFFFD800  }
0x183: {  	[spmem:s2] =	stream.indirect.scatter.add.f32 [tilespmem:s10], [sflag:$0x4], $0x80, s5, s8, $0xb8;
	[tilespmem:$0x1D400] =	vst v63  }
0x184: {  	_ =	swait.ge [sflag:s6], $0x2800  }
0x185: {  	[sflag:s6] =	ssyncset.done $0x0  }
0x186: {  	s5 =	rddreg [dreg:$0x17];
	[sflag:s6] =	ssyncadd.s32 $0xFFFFD800  }
0x187: {  	[tilespmem:s10], [sflag:$0x3] =	stream.indirect.gather [hbm4b:s4+s8], $0x80, s5, s8, $0xb8;
	[tilespmem:$0x1D400] =	vst v63  }
0x188: {  	_ =	swait.ge [sflag:s9], $0x2800  }
0x189: {  	[sflag:s9] =	ssyncset.done $0x0  }
0x18a: {  	s5 =	rddreg [dreg:$0x18];
	[sflag:s9] =	ssyncadd.s32 $0xFFFFD800  }
0x18b: {  	[spmem:s2] =	stream.indirect.scatter.add.f32 [tilespmem:s7], [sflag:$0x4], $0x80, s5, s8, $0xb8;
	[tilespmem:$0x1D400] =	vst v63  }
0x18c: {  	_ =	swait.ge [sflag:s6], $0x2800  }
0x18d: {  	[sflag:s6] =	ssyncset.done $0x0  }
0x18e: {  	s5 =	rddreg [dreg:$0x19];
	[sflag:s6] =	ssyncadd.s32 $0xFFFFD800  }
0x18f: {  	[tilespmem:s7], [sflag:$0x1] =	stream.indirect.gather [hbm4b:s4+s8], $0x80, s5, s8, $0xb8;
	[tilespmem:$0x1D400] =	vst v63  }
0x190: {  	_ =	swait.ge [sflag:s12], $0x2800  }
0x191: {  	[sflag:s12] =	ssyncset.done $0x0  }
0x192: {  	s5 =	rddreg [dreg:$0x1a];
	[sflag:s12] =	ssyncadd.s32 $0xFFFFD800  }
0x193: {  	[spmem:s2] =	stream.indirect.scatter.add.f32 [tilespmem:s11], [sflag:$0x4], $0x80, s5, s8, $0xb8;
	[tilespmem:$0x1D400] =	vst v63  }
0x194: {  	_ =	swait.ge [sflag:s6], $0x2800  }
0x195: {  	[sflag:s6] =	ssyncset.done $0x0  }
0x196: {  	s5 =	rddreg [dreg:$0x1b];
	[sflag:s6] =	ssyncadd.s32 $0xFFFFD800  }
0x197: {  	[tilespmem:s11], [sflag:$0x2] =	stream.indirect.gather [hbm4b:s4+s8], $0x80, s5, s8, $0xb8;
	[tilespmem:$0x1D400] =	vst v63  }
0x198: {  	_ =	swait.ge [sflag:s13], $0x2800  }
0x199: {  	[sflag:s13] =	ssyncset.done $0x0  }
0x19a: {  	s5 =	rddreg [dreg:$0x1c];
	[sflag:s13] =	ssyncadd.s32 $0xFFFFD800  }
0x19b: {  	[spmem:s2] =	stream.indirect.scatter.add.f32 [tilespmem:s10], [sflag:$0x4], $0x80, s5, s8, $0xb8;
	[tilespmem:$0x1D400] =	vst v63  }
0x19c: {  	_ =	swait.ge [sflag:s6], $0x2800  }
0x19d: {  	[sflag:s6] =	ssyncset.done $0x0  }
0x19e: {  	s5 =	rddreg [dreg:$0x1d];
	[sflag:s6] =	ssyncadd.s32 $0xFFFFD800  }
0x19f: {  	[tilespmem:s10], [sflag:$0x3] =	stream.indirect.gather [hbm4b:s4+s8], $0x80, s5, s8, $0xb8;
	[tilespmem:$0x1D400] =	vst v63  }
0x1a0: {  	_ =	swait.ge [sflag:s9], $0x2800  }
0x1a1: {  	[sflag:s9] =	ssyncset.done $0x0  }
0x1a2: {  	s5 =	rddreg [dreg:$0x1e];
	[sflag:s9] =	ssyncadd.s32 $0xFFFFD800  }
0x1a3: {  	[spmem:s2] =	stream.indirect.scatter.add.f32 [tilespmem:s7], [sflag:$0x4], $0x80, s5, s8, $0xb8;
	[tilespmem:$0x1D400] =	vst v63  }
0x1a4: {  	_ =	swait.ge [sflag:s6], $0x2800  }
0x1a5: {  	[sflag:s6] =	ssyncset.done $0x0  }
0x1a6: {  	s5 =	rddreg [dreg:$0x1f];
	[sflag:s6] =	ssyncadd.s32 $0xFFFFD800  }
0x1a7: {  	[tilespmem:s7], [sflag:$0x1] =	stream.indirect.gather [hbm4b:s4+s8], $0x80, s5, s8, $0xb8;
	[tilespmem:$0x1D400] =	vst v63  }
0x1a8: {  	_ =	swait.ge [sflag:s12], $0x2800  }
0x1a9: {  	s5 =	sld [smem:$0x7F7]  }
0x1aa: {  	[sflag:s12] =	ssyncset.done $0x0  }
0x1ab: {  	[sflag:s12] =	ssyncadd.s32 $0xFFFFD800  }
0x1ac: {  	[spmem:s2] =	stream.indirect.scatter.add.f32 [tilespmem:s11], [sflag:$0x4], $0x80, s5, s8, $0xb8;
	[tilespmem:$0x1D400] =	vst v63  }
0x1ad: {  	_ =	swait.ge [sflag:s6], $0x2800  }
0x1ae: {  	s5 =	sld [smem:$0x7F8]  }
0x1af: {  	[sflag:s6] =	ssyncset.done $0x0  }
0x1b0: {  	[sflag:s6] =	ssyncadd.s32 $0xFFFFD800  }
0x1b1: {  	[tilespmem:s11], [sflag:$0x2] =	stream.indirect.gather [hbm4b:s4+s8], $0x80, s5, s8, $0xb8;
	[tilespmem:$0x1D400] =	vst v63  }
0x1b2: {  	_ =	swait.ge [sflag:s13], $0x2800  }
0x1b3: {  	s5 =	sld [smem:$0x7F9]  }
0x1b4: {  	[sflag:s13] =	ssyncset.done $0x0  }
0x1b5: {  	[sflag:s13] =	ssyncadd.s32 $0xFFFFD800  }
0x1b6: {  	[spmem:s2] =	stream.indirect.scatter.add.f32 [tilespmem:s10], [sflag:$0x4], $0x80, s5, s8, $0xb8;
	[tilespmem:$0x1D400] =	vst v63  }
0x1b7: {  	_ =	swait.ge [sflag:s6], $0x2800  }
0x1b8: {  	s5 =	sld [smem:$0x7FA]  }
0x1b9: {  	[sflag:s6] =	ssyncset.done $0x0  }
0x1ba: {  	[sflag:s6] =	ssyncadd.s32 $0xFFFFD800  }
0x1bb: {  	[tilespmem:s10], [sflag:$0x3] =	stream.indirect.gather [hbm4b:s4+s8], $0x80, s5, s8, $0xb8;
	[tilespmem:$0x1D400] =	vst v63  }
0x1bc: {  	_ =	swait.ge [sflag:s9], $0x2800  }
0x1bd: {  	s5 =	sld [smem:$0x7FB]  }
0x1be: {  	[sflag:s9] =	ssyncset.done $0x0  }
0x1bf: {  	[sflag:s9] =	ssyncadd.s32 $0xFFFFD800  }
0x1c0: {  	[spmem:s2] =	stream.indirect.scatter.add.f32 [tilespmem:s7], [sflag:$0x4], $0x80, s5, s8, $0xb8;
	[tilespmem:$0x1D400] =	vst v63  }
0x1c1: {  	_ =	swait.ge [sflag:s6], $0x2800  }
0x1c2: {  	s5 =	sld [smem:$0x7FC]  }
0x1c3: {  	[sflag:s6] =	ssyncset.done $0x0  }
0x1c4: {  	[sflag:s6] =	ssyncadd.s32 $0xFFFFD800  }
0x1c5: {  	[tilespmem:s7], [sflag:$0x1] =	stream.indirect.gather [hbm4b:s4+s8], $0x80, s5, s8, $0xb8;
	[tilespmem:$0x1D400] =	vst v63  }
0x1c6: {  	_ =	swait.ge [sflag:s12], $0x2800  }
0x1c7: {  	[sflag:s12] =	ssyncset.done $0x0  }
0x1c8: {  	[sflag:s12] =	ssyncadd.s32 $0xFFFFD800  }
0x1c9: {  	[spmem:s2] =	stream.indirect.scatter.add.f32 [tilespmem:s11], [sflag:$0x4], $0x80, s16, s8, $0xb8;
	[tilespmem:$0x1D400] =	vst v63  }
0x1ca: {  	_ =	swait.ge [sflag:s6], $0x2800  }
0x1cb: {  	[sflag:s6] =	ssyncset.done $0x0  }
0x1cc: {  	[sflag:s6] =	ssyncadd.s32 $0xFFFFD800  }
0x1cd: {  	[tilespmem:s11], [sflag:$0x2] =	stream.indirect.gather [hbm4b:s4+s8], $0x80, s17, s8, $0xb8;
	[tilespmem:$0x1D400] =	vst v63  }
0x1ce: {  	_ =	swait.ge [sflag:s13], $0x2800  }
0x1cf: {  	[sflag:s13] =	ssyncset.done $0x0  }
0x1d0: {  	[sflag:s13] =	ssyncadd.s32 $0xFFFFD800  }
0x1d1: {  	[spmem:s2] =	stream.indirect.scatter.add.f32 [tilespmem:s10], [sflag:$0x4], $0x80, s18, s8, $0xb8;
	[tilespmem:$0x1D400] =	vst v63  }
0x1d2: {  	_ =	swait.ge [sflag:s6], $0x2800  }
0x1d3: {  	[sflag:s6] =	ssyncset.done $0x0  }
0x1d4: {  	[sflag:s6] =	ssyncadd.s32 $0xFFFFD800  }
0x1d5: {  	[tilespmem:s10], [sflag:$0x3] =	stream.indirect.gather [hbm4b:s4+s8], $0x80, s19, s8, $0xb8;
	[tilespmem:$0x1D400] =	vst v63  }
0x1d6: {  	_ =	swait.ge [sflag:s9], $0x2800  }
0x1d7: {  	[sflag:s9] =	ssyncset.done $0x0  }
0x1d8: {  	[sflag:s9] =	ssyncadd.s32 $0xFFFFD800  }
0x1d9: {  	[spmem:s2] =	stream.indirect.scatter.add.f32 [tilespmem:s7], [sflag:$0x4], $0x80, s20, s8, $0xb8;
	[tilespmem:$0x1D400] =	vst v63  }
0x1da: {  	_ =	swait.ge [sflag:s6], $0x2800  }
0x1db: {  	[sflag:s6] =	ssyncset.done $0x0  }
0x1dc: {  	[sflag:s6] =	ssyncadd.s32 $0xFFFFD800  }
0x1dd: {  	[tilespmem:s7], [sflag:$0x1] =	stream.indirect.gather [hbm4b:s4+s8], $0x80, s21, s8, $0xb8;
	[tilespmem:$0x1D400] =	vst v63  }
0x1de: {  	_ =	swait.ge [sflag:s12], $0x2800  }
0x1df: {  	[sflag:s12] =	ssyncset.done $0x0  }
0x1e0: {  	[sflag:s12] =	ssyncadd.s32 $0xFFFFD800  }
0x1e1: {  	[spmem:s2] =	stream.indirect.scatter.add.f32 [tilespmem:s11], [sflag:$0x4], $0x80, s22, s8, $0xb8;
	[tilespmem:$0x1D400] =	vst v63  }
0x1e2: {  	_ =	swait.ge [sflag:s6], $0x2800  }
0x1e3: {  	[sflag:s6] =	ssyncset.done $0x0  }
0x1e4: {  	[sflag:s6] =	ssyncadd.s32 $0xFFFFD800  }
0x1e5: {  	[tilespmem:s11], [sflag:$0x2] =	stream.indirect.gather [hbm4b:s4+s8], $0x80, s23, s8, $0xb8;
	[tilespmem:$0x1D400] =	vst v63  }
0x1e6: {  	_ =	swait.ge [sflag:s13], $0x2800  }
0x1e7: {  	[sflag:s13] =	ssyncset.done $0x0  }
0x1e8: {  	[sflag:s13] =	ssyncadd.s32 $0xFFFFD800  }
0x1e9: {  	[spmem:s2] =	stream.indirect.scatter.add.f32 [tilespmem:s10], [sflag:$0x4], $0x80, s24, s8, $0xb8;
	[tilespmem:$0x1D400] =	vst v63  }
0x1ea: {  	_ =	swait.ge [sflag:s6], $0x2800  }
0x1eb: {  	[sflag:s6] =	ssyncset.done $0x0  }
0x1ec: {  	[sflag:s6] =	ssyncadd.s32 $0xFFFFD800  }
0x1ed: {  	[tilespmem:s10], [sflag:$0x3] =	stream.indirect.gather [hbm4b:s4+s8], $0x80, s25, s8, $0xb8;
	[tilespmem:$0x1D400] =	vst v63  }
0x1ee: {  	_ =	swait.ge [sflag:s9], $0x2800  }
0x1ef: {  	[sflag:s9] =	ssyncset.done $0x0  }
0x1f0: {  	[sflag:s9] =	ssyncadd.s32 $0xFFFFD800  }
0x1f1: {  	[spmem:s2] =	stream.indirect.scatter.add.f32 [tilespmem:s7], [sflag:$0x4], $0x80, s26, s8, $0xb8;
	[tilespmem:$0x1D400] =	vst v63  }
0x1f2: {  	_ =	swait.ge [sflag:s6], $0x2800  }
0x1f3: {  	[sflag:s6] =	ssyncset.done $0x0  }
0x1f4: {  	[sflag:s6] =	ssyncadd.s32 $0xFFFFD800  }
0x1f5: {  	[tilespmem:s7], [sflag:$0x1] =	stream.indirect.gather [hbm4b:s4+s8], $0x80, s28, s8, $0xb8;
	[tilespmem:$0x1D400] =	vst v63  }
0x1f6: {  	_ =	swait.ge [sflag:s12], $0x2800  }
0x1f7: {  	[sflag:s12] =	ssyncset.done $0x0  }
0x1f8: {  	[sflag:s12] =	ssyncadd.s32 $0xFFFFD800  }
0x1f9: {  	[spmem:s2] =	stream.indirect.scatter.add.f32 [tilespmem:s11], [sflag:$0x4], $0x80, s29, s8, $0xb8;
	[tilespmem:$0x1D400] =	vst v63  }
0x1fa: {  	_ =	swait.ge [sflag:s6], $0x2800  }
0x1fb: {  	[sflag:s6] =	ssyncset.done $0x0  }
0x1fc: {  	[sflag:s6] =	ssyncadd.s32 $0xFFFFD800  }
0x1fd: {  	_ =	swait.ge [sflag:s13], $0x2800  }
0x1fe: {  	[sflag:s13] =	ssyncset.done $0x0  }
0x1ff: {  	[sflag:s13] =	ssyncadd.s32 $0xFFFFD800  }
0x200: {  	[spmem:s2] =	stream.indirect.scatter.add.f32 [tilespmem:s10], [sflag:$0x4], $0x80, s30, s8, $0xb8;
	[tilespmem:$0x1D400] =	vst v63  }
0x201: {  	_ =	swait.ge [sflag:s6], $0x2800  }
0x202: {  	[sflag:s6] =	ssyncset.done $0x0  }
0x203: {  	[sflag:s6] =	ssyncadd.s32 $0xFFFFD800  }
0x204: {  	p0 =	sne.s32 s3, $0x1200;
	_ =	swait.ge [sflag:s9], $0x2800  }
.Ltmp1:
0x205: {  	[sflag:s9] =	ssyncset.done $0x0;
	(pc) =	sbr.rel @p0 .LBB2_3-.Ltmp1, $4  }
0x206: {  	[sflag:s9] =	ssyncadd.s32 $0xFFFFD800  }
0x207: {  	[spmem:s2] =	stream.indirect.scatter.add.f32 [tilespmem:s7], [sflag:$0x4], $0x80, s31, s8, $0xb8;
	[tilespmem:$0x1D400] =	vst v63  }
0x208: {  	_ =	swait.ge [sflag:s6], $0x2800  }
0x209: {  	s3 =	sadd.s32 $0x200, s3;
	s1 =	rddreg [dreg:$0x4];
	[sflag:s6] =	ssyncset.done $0x0  }
0x20a: {  	[sflag:s6] =	ssyncadd.s32 $0xFFFFD800;
	s1 =	sadd.s32 s0, s1  }
0x20b: {  	[tilespmem:s14], [sflag:$0x4] =	stream.linear.gather [hbm4b:s1+s14], $0xC80, $0x38;
	[tilespmem:$0x1D400] =	vst v63  }
0x20c: {  	_ =	swait.ge [sflag:s6], $0xC80  }
0x20d: {  	s5 =	rddreg [dreg:$0x3];
	[sflag:s6] =	ssyncset.done $0x0  }
0x20e: {  	s3 =	sadd.s32 s0, s5;
	[sflag:s6] =	ssyncadd.s32 $0xFFFFF380  }
0x20f: {  	[tilespmem:s15], [sflag:$0x4] =	stream.linear.gather [hbm4b:s3+s14], $0xC80, $0x38;
	[tilespmem:$0x1D400] =	vst v63  }
0x210: {  	_ =	swait.ge [sflag:s6], $0xC80  }
0x211: {  	[sflag:s6] =	ssyncset.done $0x0  }
0x212: {  	[sflag:s6] =	ssyncadd.s32 $0xFFFFF380  }
0x213: {  	[tilespmem:s7], [sflag:$0x1] =	stream.indirect.gather [hbm4b:s4+s8], $0x80, s14, s8, $0xb8;
	[tilespmem:$0x1D400] =	vst v63  }
0x214: {  	s5 =	rddreg [dreg:$0x5]  }
0x215: {  	[tilespmem:s11], [sflag:$0x2] =	stream.indirect.gather [hbm4b:s4+s8], $0x80, s5, s8, $0xb8;
	[tilespmem:$0x1D400] =	vst v63  }
0x216: {  	s14 =	rddreg [dreg:$0x6]  }
0x217: {  	[tilespmem:s10], [sflag:$0x3] =	stream.indirect.gather [hbm4b:s4+s8], $0x80, s14, s8, $0xb8;
	[tilespmem:$0x1D400] =	vst v63  }
0x218: {  	_ =	swait.ge [sflag:s9], $0x2800  }
0x219: {  	[sflag:s9] =	ssyncset.done $0x0  }
0x21a: {  	[sflag:s9] =	ssyncadd.s32 $0xFFFFD800  }
0x21b: {  	[spmem:s2] =	stream.indirect.scatter.add.f32 [tilespmem:s7], [sflag:$0x4], $0x80, s15, s8, $0xb8;
	[tilespmem:$0x1D400] =	vst v63  }
0x21c: {  	_ =	swait.ge [sflag:s6], $0x2800  }
0x21d: {  	[sflag:s6] =	ssyncset.done $0x0  }
0x21e: {  	s15 =	rddreg [dreg:$0x7];
	[sflag:s6] =	ssyncadd.s32 $0xFFFFD800  }
0x21f: {  	[tilespmem:s7], [sflag:$0x1] =	stream.indirect.gather [hbm4b:s4+s8], $0x80, s15, s8, $0xb8;
	[tilespmem:$0x1D400] =	vst v63  }
0x220: {  	_ =	swait.ge [sflag:s12], $0x2800  }
0x221: {  	[sflag:s12] =	ssyncset.done $0x0  }
0x222: {  	s1 =	rddreg [dreg:$0x8];
	[sflag:s12] =	ssyncadd.s32 $0xFFFFD800  }
0x223: {  	[spmem:s2] =	stream.indirect.scatter.add.f32 [tilespmem:s11], [sflag:$0x4], $0x80, s1, s8, $0xb8;
	[tilespmem:$0x1D400] =	vst v63  }
0x224: {  	_ =	swait.ge [sflag:s6], $0x2800  }
0x225: {  	[sflag:s6] =	ssyncset.done $0x0  }
0x226: {  	s3 =	rddreg [dreg:$0x9];
	[sflag:s6] =	ssyncadd.s32 $0xFFFFD800  }
0x227: {  	[tilespmem:s11], [sflag:$0x2] =	stream.indirect.gather [hbm4b:s4+s8], $0x80, s3, s8, $0xb8;
	[tilespmem:$0x1D400] =	vst v63  }
0x228: {  	_ =	swait.ge [sflag:s13], $0x2800  }
0x229: {  	[sflag:s13] =	ssyncset.done $0x0  }
0x22a: {  	s5 =	rddreg [dreg:$0xa];
	[sflag:s13] =	ssyncadd.s32 $0xFFFFD800  }
0x22b: {  	[spmem:s2] =	stream.indirect.scatter.add.f32 [tilespmem:s10], [sflag:$0x4], $0x80, s5, s8, $0xb8;
	[tilespmem:$0x1D400] =	vst v63  }
0x22c: {  	_ =	swait.ge [sflag:s6], $0x2800  }
0x22d: {  	[sflag:s6] =	ssyncset.done $0x0  }
0x22e: {  	s14 =	rddreg [dreg:$0xb];
	[sflag:s6] =	ssyncadd.s32 $0xFFFFD800  }
0x22f: {  	[tilespmem:s10], [sflag:$0x3] =	stream.indirect.gather [hbm4b:s4+s8], $0x80, s14, s8, $0xb8;
	[tilespmem:$0x1D400] =	vst v63  }
0x230: {  	_ =	swait.ge [sflag:s9], $0x2800  }
0x231: {  	[sflag:s9] =	ssyncset.done $0x0  }
0x232: {  	s15 =	rddreg [dreg:$0xc];
	[sflag:s9] =	ssyncadd.s32 $0xFFFFD800  }
0x233: {  	[spmem:s2] =	stream.indirect.scatter.add.f32 [tilespmem:s7], [sflag:$0x4], $0x80, s15, s8, $0xb8;
	[tilespmem:$0x1D400] =	vst v63  }
0x234: {  	_ =	swait.ge [sflag:s6], $0x2800  }
0x235: {  	[sflag:s6] =	ssyncset.done $0x0  }
0x236: {  	s1 =	rddreg [dreg:$0xd];
	[sflag:s6] =	ssyncadd.s32 $0xFFFFD800  }
0x237: {  	[tilespmem:s7], [sflag:$0x1] =	stream.indirect.gather [hbm4b:s4+s8], $0x80, s1, s8, $0xb8;
	[tilespmem:$0x1D400] =	vst v63  }
0x238: {  	_ =	swait.ge [sflag:s12], $0x2800  }
0x239: {  	[sflag:s12] =	ssyncset.done $0x0  }
0x23a: {  	s3 =	rddreg [dreg:$0xe];
	[sflag:s12] =	ssyncadd.s32 $0xFFFFD800  }
0x23b: {  	[spmem:s2] =	stream.indirect.scatter.add.f32 [tilespmem:s11], [sflag:$0x4], $0x80, s3, s8, $0xb8;
	[tilespmem:$0x1D400] =	vst v63  }
0x23c: {  	_ =	swait.ge [sflag:s6], $0x2800  }
0x23d: {  	[sflag:s6] =	ssyncset.done $0x0  }
0x23e: {  	s5 =	rddreg [dreg:$0xf];
	[sflag:s6] =	ssyncadd.s32 $0xFFFFD800  }
0x23f: {  	[tilespmem:s11], [sflag:$0x2] =	stream.indirect.gather [hbm4b:s4+s8], $0x80, s5, s8, $0xb8;
	[tilespmem:$0x1D400] =	vst v63  }
0x240: {  	_ =	swait.ge [sflag:s13], $0x2800  }
0x241: {  	[sflag:s13] =	ssyncset.done $0x0  }
0x242: {  	s14 =	rddreg [dreg:$0x10];
	[sflag:s13] =	ssyncadd.s32 $0xFFFFD800  }
0x243: {  	[spmem:s2] =	stream.indirect.scatter.add.f32 [tilespmem:s10], [sflag:$0x4], $0x80, s14, s8, $0xb8;
	[tilespmem:$0x1D400] =	vst v63  }
0x244: {  	_ =	swait.ge [sflag:s6], $0x2800  }
0x245: {  	[sflag:s6] =	ssyncset.done $0x0  }
0x246: {  	s15 =	rddreg [dreg:$0x11];
	[sflag:s6] =	ssyncadd.s32 $0xFFFFD800  }
0x247: {  	[tilespmem:s10], [sflag:$0x3] =	stream.indirect.gather [hbm4b:s4+s8], $0x80, s15, s8, $0xb8;
	[tilespmem:$0x1D400] =	vst v63  }
0x248: {  	_ =	swait.ge [sflag:s9], $0x2800  }
0x249: {  	[sflag:s9] =	ssyncset.done $0x0  }
0x24a: {  	s1 =	rddreg [dreg:$0x12];
	[sflag:s9] =	ssyncadd.s32 $0xFFFFD800  }
0x24b: {  	[spmem:s2] =	stream.indirect.scatter.add.f32 [tilespmem:s7], [sflag:$0x4], $0x80, s1, s8, $0xb8;
	[tilespmem:$0x1D400] =	vst v63  }
0x24c: {  	_ =	swait.ge [sflag:s6], $0x2800  }
0x24d: {  	[sflag:s6] =	ssyncset.done $0x0  }
0x24e: {  	s3 =	rddreg [dreg:$0x13];
	[sflag:s6] =	ssyncadd.s32 $0xFFFFD800  }
0x24f: {  	[tilespmem:s7], [sflag:$0x1] =	stream.indirect.gather [hbm4b:s4+s8], $0x80, s3, s8, $0xb8;
	[tilespmem:$0x1D400] =	vst v63  }
0x250: {  	_ =	swait.ge [sflag:s12], $0x2800  }
0x251: {  	[sflag:s12] =	ssyncset.done $0x0  }
0x252: {  	s5 =	rddreg [dreg:$0x14];
	[sflag:s12] =	ssyncadd.s32 $0xFFFFD800  }
0x253: {  	[spmem:s2] =	stream.indirect.scatter.add.f32 [tilespmem:s11], [sflag:$0x4], $0x80, s5, s8, $0xb8;
	[tilespmem:$0x1D400] =	vst v63  }
0x254: {  	_ =	swait.ge [sflag:s6], $0x2800  }
0x255: {  	[sflag:s6] =	ssyncset.done $0x0  }
0x256: {  	s14 =	rddreg [dreg:$0x15];
	[sflag:s6] =	ssyncadd.s32 $0xFFFFD800  }
0x257: {  	[tilespmem:s11], [sflag:$0x2] =	stream.indirect.gather [hbm4b:s4+s8], $0x80, s14, s8, $0xb8;
	[tilespmem:$0x1D400] =	vst v63  }
0x258: {  	_ =	swait.ge [sflag:s13], $0x2800  }
0x259: {  	[sflag:s13] =	ssyncset.done $0x0  }
0x25a: {  	s15 =	rddreg [dreg:$0x16];
	[sflag:s13] =	ssyncadd.s32 $0xFFFFD800  }
0x25b: {  	[spmem:s2] =	stream.indirect.scatter.add.f32 [tilespmem:s10], [sflag:$0x4], $0x80, s15, s8, $0xb8;
	[tilespmem:$0x1D400] =	vst v63  }
0x25c: {  	_ =	swait.ge [sflag:s6], $0x2800  }
0x25d: {  	[sflag:s6] =	ssyncset.done $0x0  }
0x25e: {  	s1 =	rddreg [dreg:$0x17];
	[sflag:s6] =	ssyncadd.s32 $0xFFFFD800  }
0x25f: {  	[tilespmem:s10], [sflag:$0x3] =	stream.indirect.gather [hbm4b:s4+s8], $0x80, s1, s8, $0xb8;
	[tilespmem:$0x1D400] =	vst v63  }
0x260: {  	_ =	swait.ge [sflag:s9], $0x2800  }
0x261: {  	[sflag:s9] =	ssyncset.done $0x0  }
0x262: {  	s3 =	rddreg [dreg:$0x18];
	[sflag:s9] =	ssyncadd.s32 $0xFFFFD800  }
0x263: {  	[spmem:s2] =	stream.indirect.scatter.add.f32 [tilespmem:s7], [sflag:$0x4], $0x80, s3, s8, $0xb8;
	[tilespmem:$0x1D400] =	vst v63  }
0x264: {  	_ =	swait.ge [sflag:s6], $0x2800  }
0x265: {  	[sflag:s6] =	ssyncset.done $0x0  }
0x266: {  	s5 =	rddreg [dreg:$0x19];
	[sflag:s6] =	ssyncadd.s32 $0xFFFFD800  }
0x267: {  	[tilespmem:s7], [sflag:$0x1] =	stream.indirect.gather [hbm4b:s4+s8], $0x80, s5, s8, $0xb8;
	[tilespmem:$0x1D400] =	vst v63  }
0x268: {  	_ =	swait.ge [sflag:s12], $0x2800  }
0x269: {  	[sflag:s12] =	ssyncset.done $0x0  }
0x26a: {  	s14 =	rddreg [dreg:$0x1a];
	[sflag:s12] =	ssyncadd.s32 $0xFFFFD800  }
0x26b: {  	[spmem:s2] =	stream.indirect.scatter.add.f32 [tilespmem:s11], [sflag:$0x4], $0x80, s14, s8, $0xb8;
	[tilespmem:$0x1D400] =	vst v63  }
0x26c: {  	_ =	swait.ge [sflag:s6], $0x2800  }
0x26d: {  	[sflag:s6] =	ssyncset.done $0x0  }
0x26e: {  	s15 =	rddreg [dreg:$0x1b];
	[sflag:s6] =	ssyncadd.s32 $0xFFFFD800  }
0x26f: {  	[tilespmem:s11], [sflag:$0x2] =	stream.indirect.gather [hbm4b:s4+s8], $0x80, s15, s8, $0xb8;
	[tilespmem:$0x1D400] =	vst v63  }
0x270: {  	_ =	swait.ge [sflag:s13], $0x2800  }
0x271: {  	[sflag:s13] =	ssyncset.done $0x0  }
0x272: {  	s1 =	rddreg [dreg:$0x1c];
	[sflag:s13] =	ssyncadd.s32 $0xFFFFD800  }
0x273: {  	[spmem:s2] =	stream.indirect.scatter.add.f32 [tilespmem:s10], [sflag:$0x4], $0x80, s1, s8, $0xb8;
	[tilespmem:$0x1D400] =	vst v63  }
0x274: {  	_ =	swait.ge [sflag:s6], $0x2800  }
0x275: {  	[sflag:s6] =	ssyncset.done $0x0  }
0x276: {  	s3 =	rddreg [dreg:$0x1d];
	[sflag:s6] =	ssyncadd.s32 $0xFFFFD800  }
0x277: {  	[tilespmem:s10], [sflag:$0x3] =	stream.indirect.gather [hbm4b:s4+s8], $0x80, s3, s8, $0xb8;
	[tilespmem:$0x1D400] =	vst v63  }
0x278: {  	_ =	swait.ge [sflag:s9], $0x2800  }
0x279: {  	[sflag:s9] =	ssyncset.done $0x0  }
0x27a: {  	s5 =	rddreg [dreg:$0x1e];
	[sflag:s9] =	ssyncadd.s32 $0xFFFFD800  }
0x27b: {  	[spmem:s2] =	stream.indirect.scatter.add.f32 [tilespmem:s7], [sflag:$0x4], $0x80, s5, s8, $0xb8;
	[tilespmem:$0x1D400] =	vst v63  }
0x27c: {  	_ =	swait.ge [sflag:s6], $0x2800  }
0x27d: {  	[sflag:s6] =	ssyncset.done $0x0  }
0x27e: {  	s14 =	rddreg [dreg:$0x1f];
	[sflag:s6] =	ssyncadd.s32 $0xFFFFD800  }
0x27f: {  	[tilespmem:s7], [sflag:$0x1] =	stream.indirect.gather [hbm4b:s4+s8], $0x80, s14, s8, $0xb8;
	[tilespmem:$0x1D400] =	vst v63  }
0x280: {  	_ =	swait.ge [sflag:s12], $0x2800  }
0x281: {  	s15 =	sld [smem:$0x7F7]  }
0x282: {  	[sflag:s12] =	ssyncset.done $0x0  }
0x283: {  	[sflag:s12] =	ssyncadd.s32 $0xFFFFD800  }
0x284: {  	[spmem:s2] =	stream.indirect.scatter.add.f32 [tilespmem:s11], [sflag:$0x4], $0x80, s15, s8, $0xb8;
	[tilespmem:$0x1D400] =	vst v63  }
0x285: {  	_ =	swait.ge [sflag:s6], $0x2800  }
0x286: {  	s1 =	sld [smem:$0x7F8]  }
0x287: {  	[sflag:s6] =	ssyncset.done $0x0  }
0x288: {  	[sflag:s6] =	ssyncadd.s32 $0xFFFFD800  }
0x289: {  	[tilespmem:s11], [sflag:$0x2] =	stream.indirect.gather [hbm4b:s4+s8], $0x80, s1, s8, $0xb8;
	[tilespmem:$0x1D400] =	vst v63  }
0x28a: {  	_ =	swait.ge [sflag:s13], $0x2800  }
0x28b: {  	s3 =	sld [smem:$0x7F9]  }
0x28c: {  	[sflag:s13] =	ssyncset.done $0x0  }
0x28d: {  	[sflag:s13] =	ssyncadd.s32 $0xFFFFD800  }
0x28e: {  	[spmem:s2] =	stream.indirect.scatter.add.f32 [tilespmem:s10], [sflag:$0x4], $0x80, s3, s8, $0xb8;
	[tilespmem:$0x1D400] =	vst v63  }
0x28f: {  	_ =	swait.ge [sflag:s6], $0x2800  }
0x290: {  	s5 =	sld [smem:$0x7FA]  }
0x291: {  	[sflag:s6] =	ssyncset.done $0x0  }
0x292: {  	[sflag:s6] =	ssyncadd.s32 $0xFFFFD800  }
0x293: {  	[tilespmem:s10], [sflag:$0x3] =	stream.indirect.gather [hbm4b:s4+s8], $0x80, s5, s8, $0xb8;
	[tilespmem:$0x1D400] =	vst v63  }
0x294: {  	_ =	swait.ge [sflag:s9], $0x2800  }
0x295: {  	s14 =	sld [smem:$0x7FB]  }
0x296: {  	[sflag:s9] =	ssyncset.done $0x0  }
0x297: {  	[sflag:s9] =	ssyncadd.s32 $0xFFFFD800  }
0x298: {  	[spmem:s2] =	stream.indirect.scatter.add.f32 [tilespmem:s7], [sflag:$0x4], $0x80, s14, s8, $0xb8;
	[tilespmem:$0x1D400] =	vst v63  }
0x299: {  	_ =	swait.ge [sflag:s6], $0x2800  }
0x29a: {  	s15 =	sld [smem:$0x7FC]  }
0x29b: {  	[sflag:s6] =	ssyncset.done $0x0  }
0x29c: {  	[sflag:s6] =	ssyncadd.s32 $0xFFFFD800  }
0x29d: {  	[tilespmem:s7], [sflag:$0x1] =	stream.indirect.gather [hbm4b:s4+s8], $0x80, s15, s8, $0xb8;
	[tilespmem:$0x1D400] =	vst v63  }
0x29e: {  	_ =	swait.ge [sflag:s12], $0x2800  }
0x29f: {  	[sflag:s12] =	ssyncset.done $0x0  }
0x2a0: {  	[sflag:s12] =	ssyncadd.s32 $0xFFFFD800  }
0x2a1: {  	[spmem:s2] =	stream.indirect.scatter.add.f32 [tilespmem:s11], [sflag:$0x4], $0x80, s16, s8, $0xb8;
	[tilespmem:$0x1D400] =	vst v63  }
0x2a2: {  	_ =	swait.ge [sflag:s6], $0x2800  }
0x2a3: {  	[sflag:s6] =	ssyncset.done $0x0  }
0x2a4: {  	[sflag:s6] =	ssyncadd.s32 $0xFFFFD800  }
0x2a5: {  	[tilespmem:s11], [sflag:$0x2] =	stream.indirect.gather [hbm4b:s4+s8], $0x80, s17, s8, $0xb8;
	[tilespmem:$0x1D400] =	vst v63  }
0x2a6: {  	_ =	swait.ge [sflag:s13], $0x2800  }
0x2a7: {  	[sflag:s13] =	ssyncset.done $0x0  }
0x2a8: {  	[sflag:s13] =	ssyncadd.s32 $0xFFFFD800  }
0x2a9: {  	[spmem:s2] =	stream.indirect.scatter.add.f32 [tilespmem:s10], [sflag:$0x4], $0x80, s18, s8, $0xb8;
	[tilespmem:$0x1D400] =	vst v63  }
0x2aa: {  	_ =	swait.ge [sflag:s6], $0x2800  }
0x2ab: {  	[sflag:s6] =	ssyncset.done $0x0  }
0x2ac: {  	[sflag:s6] =	ssyncadd.s32 $0xFFFFD800  }
0x2ad: {  	[tilespmem:s10], [sflag:$0x3] =	stream.indirect.gather [hbm4b:s4+s8], $0x80, s19, s8, $0xb8;
	[tilespmem:$0x1D400] =	vst v63  }
0x2ae: {  	_ =	swait.ge [sflag:s9], $0x2800  }
0x2af: {  	[sflag:s9] =	ssyncset.done $0x0  }
0x2b0: {  	[sflag:s9] =	ssyncadd.s32 $0xFFFFD800  }
0x2b1: {  	[spmem:s2] =	stream.indirect.scatter.add.f32 [tilespmem:s7], [sflag:$0x4], $0x80, s20, s8, $0xb8;
	[tilespmem:$0x1D400] =	vst v63  }
0x2b2: {  	_ =	swait.ge [sflag:s6], $0x2800  }
0x2b3: {  	[sflag:s6] =	ssyncset.done $0x0  }
0x2b4: {  	[sflag:s6] =	ssyncadd.s32 $0xFFFFD800  }
0x2b5: {  	[tilespmem:s7], [sflag:$0x1] =	stream.indirect.gather [hbm4b:s4+s8], $0x80, s21, s8, $0xb8;
	[tilespmem:$0x1D400] =	vst v63  }
0x2b6: {  	_ =	swait.ge [sflag:s12], $0x2800  }
0x2b7: {  	[sflag:s12] =	ssyncset.done $0x0  }
0x2b8: {  	[sflag:s12] =	ssyncadd.s32 $0xFFFFD800  }
0x2b9: {  	[spmem:s2] =	stream.indirect.scatter.add.f32 [tilespmem:s11], [sflag:$0x4], $0x80, s22, s8, $0xb8;
	[tilespmem:$0x1D400] =	vst v63  }
0x2ba: {  	_ =	swait.ge [sflag:s6], $0x2800  }
0x2bb: {  	[sflag:s6] =	ssyncset.done $0x0  }
0x2bc: {  	[sflag:s6] =	ssyncadd.s32 $0xFFFFD800  }
0x2bd: {  	[tilespmem:s11], [sflag:$0x2] =	stream.indirect.gather [hbm4b:s4+s8], $0x80, s23, s8, $0xb8;
	[tilespmem:$0x1D400] =	vst v63  }
0x2be: {  	_ =	swait.ge [sflag:s13], $0x2800  }
0x2bf: {  	[sflag:s13] =	ssyncset.done $0x0  }
0x2c0: {  	[sflag:s13] =	ssyncadd.s32 $0xFFFFD800  }
0x2c1: {  	[spmem:s2] =	stream.indirect.scatter.add.f32 [tilespmem:s10], [sflag:$0x4], $0x80, s24, s8, $0xb8;
	[tilespmem:$0x1D400] =	vst v63  }
0x2c2: {  	_ =	swait.ge [sflag:s6], $0x2800  }
0x2c3: {  	[sflag:s6] =	ssyncset.done $0x0  }
0x2c4: {  	[sflag:s6] =	ssyncadd.s32 $0xFFFFD800  }
0x2c5: {  	[tilespmem:s10], [sflag:$0x3] =	stream.indirect.gather [hbm4b:s4+s8], $0x80, s25, s8, $0xb8;
	[tilespmem:$0x1D400] =	vst v63  }
0x2c6: {  	_ =	swait.ge [sflag:s9], $0x2800  }
0x2c7: {  	[sflag:s9] =	ssyncset.done $0x0  }
0x2c8: {  	[sflag:s9] =	ssyncadd.s32 $0xFFFFD800  }
0x2c9: {  	[spmem:s2] =	stream.indirect.scatter.add.f32 [tilespmem:s7], [sflag:$0x4], $0x80, s26, s8, $0xb8;
	[tilespmem:$0x1D400] =	vst v63  }
0x2ca: {  	_ =	swait.ge [sflag:s6], $0x2800  }
0x2cb: {  	[sflag:s6] =	ssyncset.done $0x0  }
0x2cc: {  	[sflag:s6] =	ssyncadd.s32 $0xFFFFD800  }
0x2cd: {  	[tilespmem:s7], [sflag:$0x1] =	stream.indirect.gather [hbm4b:s4+s8], $0x80, s28, s8, $0xb8;
	[tilespmem:$0x1D400] =	vst v63  }
0x2ce: {  	_ =	swait.ge [sflag:s12], $0x2800  }
0x2cf: {  	[sflag:s12] =	ssyncset.done $0x0  }
0x2d0: {  	[sflag:s12] =	ssyncadd.s32 $0xFFFFD800  }
0x2d1: {  	[spmem:s2] =	stream.indirect.scatter.add.f32 [tilespmem:s11], [sflag:$0x4], $0x80, s29, s8, $0xb8;
	[tilespmem:$0x1D400] =	vst v63  }
0x2d2: {  	_ =	swait.ge [sflag:s6], $0x2800  }
0x2d3: {  	[sflag:s6] =	ssyncset.done $0x0  }
0x2d4: {  	[sflag:s6] =	ssyncadd.s32 $0xFFFFD800  }
0x2d5: {  	_ =	swait.ge [sflag:s13], $0x2800  }
0x2d6: {  	[sflag:s13] =	ssyncset.done $0x0  }
0x2d7: {  	[sflag:s13] =	ssyncadd.s32 $0xFFFFD800  }
0x2d8: {  	[spmem:s2] =	stream.indirect.scatter.add.f32 [tilespmem:s10], [sflag:$0x4], $0x80, s30, s8, $0xb8;
	[tilespmem:$0x1D400] =	vst v63  }
0x2d9: {  	_ =	swait.ge [sflag:s6], $0x2800  }
0x2da: {  	[sflag:s6] =	ssyncset.done $0x0  }
0x2db: {  	[sflag:s6] =	ssyncadd.s32 $0xFFFFD800  }
0x2dc: {  	_ =	swait.ge [sflag:s9], $0x2800  }
0x2dd: {  	[sflag:s9] =	ssyncset.done $0x0  }
0x2de: {  	[sflag:s9] =	ssyncadd.s32 $0xFFFFD800  }
0x2df: {  	[spmem:s2] =	stream.indirect.scatter.add.f32 [tilespmem:s7], [sflag:$0x4], $0x80, s31, s8, $0xb8;
	[tilespmem:$0x1D400] =	vst v63  }
0x2e0: {  	_ =	swait.ge [sflag:s6], $0x2800  }
0x2e1: {  	[sflag:s6] =	ssyncset.done $0x0  }
0x2e2: {  	[sflag:s6] =	ssyncadd.s32 $0xFFFFD800  }
0x2e3: {  	s28 =	sld [smem:$0x7FD];
	[bflag:$0x0] =	sbarrier.arrive $0xFFFF  }
0x2e4: {  	s3 =	stileid.u32;
	s30 =	sld [smem:$0x7F6]  }
0x2e5: {  	s26 =	smul.u32 $0x2780, s3;
	s29 =	sshll.u32 s3, $0x6  }
0x2e6: {  	s1 =	sor.u32 $0x1C04, s29  }
0x2e7: {  	s31 =	simm.s32 $0x4;
	s0 =	sadd.s32 s28, s26;
	s2 =	sshrl.u32 s30, $0x3  }
0x2e8: {  	[hbm:s0], [sflag:s1] =	dma.local [spmem:s2], $0x2780  }
0x2e9: {  	_ =	swait.ge [sflag:s31], $0x2780  }
0x2ea: {  	[sflag:s31] =	ssyncset.done $0x0  }
0x2eb: {  	[sflag:s31] =	ssyncadd.s32 $0xFFFFD880  }
0x2ec: {  	_ =	sfence.sel $0x180000  }
0x2ed: {  	[bflag:$0x0] =	sbarrier.arrive $0xFFFF  }
0x2ee: {  	_ =	strace $0x9000004A  }
0x2ef: {  	[bflag:$0x2] =	sbarrier.arrive $0xFFFF  }
0x2f0: {  	p0 =	sne.s32 s3, $0x0;
	s0 =	rddreg [dreg:$0x2]  }
0x2f1: {  	s0 =	sadd.s32 @!p0 $0x100000, s0  }
0x2f2: {  	[sflag:s0] =	ssyncadd.tile.s32 @!p0 $0x1;
	_ =	shalt  }
.Lfunc_end2:
_tile_overlayer_lowered:
.L_overlay_start_2:
0x2f3: {  	(tag) =	ssettag $0x2  }
0x2f4: {  	s0 =	rddreg [dreg:$0x0];
	s2 =	stileid.u32  }
0x2f5: {  	s1 =	rddreg [dreg:$0x1];
	p0 =	sne.s32 s2, $0x0  }
0x2f6: {  	s3 =	rddreg [dreg:$0x2];
	[bflag:$0x3] =	sbarrier.arrive $0xFFFF;
	s2 =	simm.s32 @!p0 $0x1C04  }
0x2f7: {  	[timem:s3], [sflag:s2] =	dma.local @!p0 [hbm:s0], s1  }
0x2f8: {  	s0 =	simm.s32 @!p0 $0x4  }
0x2f9: {  	_ =	swait.ge @!p0 [sflag:s0], s1  }
0x2fa: {  	s1 =	ssub.s32 @!p0 $0x0, s1;
	[sflag:s0] =	ssyncset.done @!p0 $0x0  }
0x2fb: {  	[sflag:s0] =	ssyncadd.s32 @!p0 s1  }
0x2fc: {  	[bflag:$0x3] =	sbarrier.arrive $0xFFFF  }
0x2fd: {  	_ =	shalt  }

// kernel: kernel.14.cloned.1.call-start
scs
__scs_entry_jumppad:
0x0: {  	(pc) =	sbr.rel $0x88, $3  }
0x1: {  	(tag) =	ssettag $0x0;
	lr =	simm.s32 $0x1  }
0x2: {  	[smem:$0x3F88] =	sst lr;
	_ =	strace $0xD0000000  }
0x3: {  	_ = 	snop  }
0x4: {  	_ = 	snop  }
0x5: {  	_ = 	snop  }
0x6: {  	_ = 	snop  }
0x7: {  	_ = 	snop  }
__scs_overlays_trampoline_lowered:
0x8: {  	[smem:$0x3F97] =	sst s0  }
0x9: {  	[smem:$0x3F98] =	sst s1  }
0xa: {  	[smem:$0x3F99] =	sst s2  }
0xb: {  	[smem:$0x3F9A] =	sst s3  }
0xc: {  	[smem:$0x3F9B] =	sst s4  }
0xd: {  	[smem:$0x3F9C] =	sst s5  }
0xe: {  	[smem:$0x3F9D] =	sst s6  }
0xf: {  	[smem:$0x3F9E] =	sst s7  }
0x10: {  	[smem:$0x3F9F] =	sst s8  }
0x11: {  	[smem:$0x3FA0] =	sst s9;
	s0 =	simm.s32 @!p0 $0x0  }
0x12: {  	s1 =	sld [smem:$0x3F86];
	s0 =	simm.s32 @p0 $0x1  }
0x13: {  	[smem:$0x3FA1] =	sst s0;
	s0 =	simm.s32 @!p1 $0x0  }
0x14: {  	s2 =	sld [smem:$0x3F85];
	s0 =	simm.s32 @p1 $0x1  }
0x15: {  	[smem:$0x3FA2] =	sst s0;
	s0 =	simm.s32 @!p2 $0x0  }
0x16: {  	s3 =	sld [smem:$0x3FDB];
	s0 =	simm.s32 @p2 $0x1  }
0x17: {  	s4 =	simm.s32 $0x1BF5;
	[smem:$0x3FA4] =	sst s0  }
0x18: {  	s0 =	sld [smem:$0x3F87];
	_ =	swait.ge [sflag:s4], $0x0  }
0x19: {  	s7 =	sld [smem:$0x3F88]  }
0x1a: {  	s8 =	sadd.s32 $0xFFFFE003, lr  }
0x1b: {  	s9 =	sadd.s32 $0xFFFFFEF7, lr;
	s5 =	simm.s32 $0xFFFFFFFF;
	p2 =	slt.u32 s8, $0xFFFFF086  }
0x1c: {  	p1 =	slt.u32 s9, $0xF7A;
	s5 =	simm.s32 @!p2 $0x0  }
0x1d: {  	s5 =	simm.s32 @p1 $0x1;
	p0 =	seq.s32 s7, s2  }
0x1e: {  	s7 =	smul.u32 @!p0 $0xF7A, s2;
	p2 =	seq.s32 @!p0 s5, $0x0  }
0x1f: {  	s9 =	smul.u32 $0xF7A, s1;
	s8 =	simm.s32 @!p0 $0x1BF5;
	p2 =	por !p2, p0  }
0x20: {  	[sflag:s8] =	ssyncset.s32 @!p0 $0xFFFFF086;
	s6 =	sadd.s32 @!p0 s3, s7;
	s7 =	simm.s32 @!p0 $0x108  }
0x21: {  	s3 =	sadd.s32 s3, s9;
	s6 =	sadd.s32 @!p0 $0x88, s6;
	s7 =	simm.s32 @p2 $0x1082  }
0x22: {  	[simem:s7], [sflag:s8] =	dma.local @!p0 [hbm:s6], $0xF7A  }
0x23: {  	s9 =	sor.u32 $0xD0000000, s2;
	s6 =	simm.s32 $0x108;
	_ =	swait.ge @!p0 [sflag:s8], $0x0  }
0x24: {  	s3 =	sadd.s32 $0x88, s3;
	s6 =	simm.s32 @!p1 $0x1082;
	[sflag:s4] =	ssyncset.s32 $0xFFFFF086  }
0x25: {  	[simem:s6], [sflag:s4] =	dma.local [hbm:s3], $0xF7A  }
0x26: {  	[smem:$0x3F88] =	sst s1;
	(tag) =	ssettag s2;
	_ =	strace s9  }
0x27: {  	s1 =	sld [smem:$0x3F98]  }
0x28: {  	s2 =	sld [smem:$0x3F99]  }
0x29: {  	s4 =	sld [smem:$0x3F9B]  }
0x2a: {  	p0 =	seq.s32 s5, $0x0;
	s5 =	sld [smem:$0x3F9C]  }
0x2b: {  	s6 =	sld [smem:$0x3F9D]  }
0x2c: {  	s7 =	sld [smem:$0x3F9E]  }
0x2d: {  	s3 =	simm.s32 $0x108;
	s8 =	sld [smem:$0x3F9F]  }
0x2e: {  	s3 =	simm.s32 @!p0 $0x1082;
	s9 =	sld [smem:$0x3FA0]  }
0x2f: {  	lr =	sadd.s32 s0, s3;
	s0 =	sld [smem:$0x3F97]  }
0x30: {  	s3 =	sld [smem:$0x3F9A]  }
0x31: {  	[smem:$0x3FA3] =	sst s10  }
0x32: {  	s10 =	sld [smem:$0x3FA1];
	_ =	sdelay $0x3  }
0x33: {  	p0 =	seq.s32 s10, $0x1;
	s10 =	sld [smem:$0x3FA3];
	_ =	sdelay $0x3  }
0x34: {  	[smem:$0x3FA3] =	sst s10  }
0x35: {  	s10 =	sld [smem:$0x3FA2];
	_ =	sdelay $0x3  }
0x36: {  	p1 =	seq.s32 s10, $0x1;
	s10 =	sld [smem:$0x3FA3];
	_ =	sdelay $0x3  }
0x37: {  	[smem:$0x3FA3] =	sst s10  }
0x38: {  	s10 =	sld [smem:$0x3FA4]  }
0x39: {  	_ = 	snop;
	(pc) =	sbr.ind lr, $3  }
0x3a: {  	_ = 	snop  }
0x3b: {  	_ = 	snop  }
0x3c: {  	p2 =	seq.s32 s10, $0x1;
	s10 =	sld [smem:$0x3FA3]  }
0x3d: {  	_ =	shalt  }
0x3e: {  	_ =	shalt  }
0x3f: {  	_ =	shalt  }
0x40: {  	_ =	shalt  }
0x41: {  	_ =	shalt  }
0x42: {  	_ =	shalt  }
0x43: {  	_ =	shalt  }
0x44: {  	_ =	shalt  }
0x45: {  	_ =	shalt  }
0x46: {  	_ =	shalt  }
0x47: {  	_ =	shalt  }
0x48: {  	_ =	shalt  }
0x49: {  	_ =	shalt  }
0x4a: {  	_ =	shalt  }
0x4b: {  	_ =	shalt  }
0x4c: {  	_ =	shalt  }
0x4d: {  	_ =	shalt  }
0x4e: {  	_ =	shalt  }
0x4f: {  	_ =	shalt  }
0x50: {  	_ =	shalt  }
0x51: {  	_ =	shalt  }
0x52: {  	_ =	shalt  }
0x53: {  	_ =	shalt  }
0x54: {  	_ =	shalt  }
0x55: {  	_ =	shalt  }
0x56: {  	_ =	shalt  }
0x57: {  	_ =	shalt  }
0x58: {  	_ =	shalt  }
0x59: {  	_ =	shalt  }
0x5a: {  	_ =	shalt  }
0x5b: {  	_ =	shalt  }
0x5c: {  	_ =	shalt  }
0x5d: {  	_ =	shalt  }
0x5e: {  	_ =	shalt  }
0x5f: {  	_ =	shalt  }
0x60: {  	_ =	shalt  }
0x61: {  	_ =	shalt  }
0x62: {  	_ =	shalt  }
0x63: {  	_ =	shalt  }
0x64: {  	_ =	shalt  }
0x65: {  	_ =	shalt  }
0x66: {  	_ =	shalt  }
0x67: {  	_ =	shalt  }
0x68: {  	_ =	shalt  }
0x69: {  	_ =	shalt  }
0x6a: {  	_ =	shalt  }
0x6b: {  	_ =	shalt  }
0x6c: {  	_ =	shalt  }
0x6d: {  	_ =	shalt  }
0x6e: {  	_ =	shalt  }
0x6f: {  	_ =	shalt  }
0x70: {  	_ =	shalt  }
0x71: {  	_ =	shalt  }
0x72: {  	_ =	shalt  }
0x73: {  	_ =	shalt  }
0x74: {  	_ =	shalt  }
0x75: {  	_ =	shalt  }
0x76: {  	_ =	shalt  }
0x77: {  	_ =	shalt  }
0x78: {  	_ =	shalt  }
0x79: {  	_ =	shalt  }
0x7a: {  	_ =	shalt  }
0x7b: {  	_ =	shalt  }
0x7c: {  	_ =	shalt  }
0x7d: {  	_ =	shalt  }
0x7e: {  	_ =	shalt  }
0x7f: {  	_ =	shalt  }
0x80: {  	_ =	shalt  }
0x81: {  	_ =	shalt  }
0x82: {  	_ =	shalt  }
0x83: {  	_ =	shalt  }
0x84: {  	_ =	shalt  }
0x85: {  	_ =	shalt  }
0x86: {  	_ =	shalt  }
0x87: {  	_ =	shalt  }
.Lfunc_end0:
.L_simem_size_0:
called_computation.2_lowered:
.L_overlay_start_0:
0x88: {  	s0 =	sld [smem:$0x3FD9]  }
0x89: {  	s1 =	sld [smem:$0x3FFE];
	_ =	sdelay $0x3  }
0x8a: {  	s0 =	sadd.s32 s1, s0  }
0x8b: {  	[smem:$0x3FAF] =	sst s0  }
0x8c: {  	_ = 	snop  }
0x8d: {  	(tm) =	ssettm $0x1  }
0x8e: {  	s15 =	sld [smem:$0x3FFB];
	_ =	sdelay $0x3  }
0x8f: {  	_ =	strace s15  }
0x90: {  	s0 =	sld [smem:$0x3FFC];
	_ =	sdelay $0x3  }
0x91: {  	_ =	strace s0  }
0x92: {  	s0 =	sld [smem:$0x3FFD];
	_ =	sdelay $0x3  }
0x93: {  	_ =	strace s0  }
0x94: {  	_ =	strace $0x8FFFFFFF  }
0x95: {  	s16 =	sld [smem:$0x3FDB];
	_ =	sdelay $0x1  }
0x96: {  	s17 =	simm.s32 $_scs_section_size  }
0x97: {  	s2 =	simm.s32 $_size__tile_overlayer_lowered;
	s3 =	simm.s32 $_tile_overlayer_lowered  }
0x98: {  	s20 =	simm.s32 $0x1BFF;
	s19 =	sshll.u32 s3, $0x1;
	s0 =	sadd.s32 s17, s16  }
0x99: {  	s4 =	simm.s32 $0x0;
	s18 =	sshll.u32 s2, $0x1;
	s2 =	sadd.s32 s19, s0  }
0x9a: {  	[timem:s4], [sflag:s20] =	dma.local [hbm:s2], s18  }
0x9b: {  	_ =	swait.ge [sflag:s20], s18  }
0x9c: {  	s1 =	ssub.s32 $0x0, s18;
	[sflag:s20] =	ssyncset.done $0x0  }
0x9d: {  	[sflag:s20] =	ssyncadd.s32 s1;
	_ =	sdelay $0x1  }
0x9e: {  	s21 =	simm.s32 $0x1B8B  }
0x9f: {  	_ =	swait.ge [sflag:s21], $0x1  }
0xa0: {  	[sflag:s21] =	ssyncset.done $0x0  }
0xa1: {  	s23 =	simm.s32 $0x1B8E;
	s22 =	sld [smem:$0x3FFE];
	[sflag:s21] =	ssyncadd.s32 $0xFFFFFFFF  }
0xa2: {  	s24 =	simm.s32 $execute0_lowered;
	[smem:$0x3FD2] =	sst s23  }
0xa3: {  	s2 =	sshll.u32 s24, $0x1;
	_ =	strace $0x8000004C;
	[dreg:$0x1] =	wrdreg $0xFFFFFFFF  }
0xa4: {  	s25 =	simm.s32 $_size_execute0_lowered;
	s0 =	sadd.s32 s0, s2;
	[dreg:$0x0] =	wrdreg $0x0  }
0xa5: {  	s2 =	sshll.u32 s25, $0x1;
	[dreg:$0x2] =	wrdreg s0  }
0xa6: {  	[dreg:$0x3] =	wrdreg s2  }
0xa7: {  	[dreg:$0x4] =	wrdreg $0xC0  }
0xa8: {  	_ =	task [dreg:s4], $0x5FFFF  }
0xa9: {  	[dreg:$0x1] =	wrdreg $0xFFFFFFFF  }
0xaa: {  	[dreg:$0x0] =	wrdreg $0x60  }
0xab: {  	[dreg:$0x2] =	wrdreg s22  }
0xac: {  	[dreg:$0x3] =	wrdreg $0x98000  }
0xad: {  	[dreg:$0x4] =	wrdreg $0x9  }
0xae: {  	_ =	task.clear_ibuf [dreg:s4], $0x5FFFF;
	_ =	strace $0x9000004C  }
0xaf: {  	s26 =	simm.s32 $0x9;
	_ =	strace $0x8000004E  }
0xb0: {  	_ =	swait.ge [sflag:s26], $0x1  }
0xb1: {  	[sflag:s26] =	ssyncadd.s32 $0xFFFFFFFF  }
0xb2: {  	_ =	strace $0x9000004E  }
0xb3: {  	_ =	sfence  }
0xb4: {  	s28 =	sld [smem:$0x0];
	_ =	sdelay $0x1  }
0xb5: {  	s29 =	srdreg.scid  }
0xb6: {  	s30 =	sshll.u32 s29, $0xD;
	s31 =	sshrl.u32 s29, $0x2  }
0xb7: {  	s1 =	sand.u32 $0x1, s29;
	s2 =	sand.u32 $0x4000, s30;
	s0 =	sadd.s32 s31, s28  }
0xb8: {  	s1 =	sor.u32 s2, s1;
	s0 =	sshll.u32 s0, $0x11  }
0xb9: {  	s0 =	sor.u32 s0, s1  }
0xba: {  	s0 =	sadd.s32 $0x8F2B, s0  }
0xbb: {  	[sflag:s0] =	ssyncadd.remote.s32 $0x1  }
0xbc: {  	_ =	sfence.sel $0xFFFF  }
0xbd: {  	[dreg:$0x0] =	wrdreg $0xFFFFFFFF;
	(pc) =	sbr.abs _section_cstart, $3  }
0xbe: {  	[dreg:$0x1] =	wrdreg $0xFFFFFFFF  }
0xbf: {  	_ =	task.clear_ibuf [dreg:s4], $0x2FFFF;
	_ =	strace $0x9FFFFFFF  }
0xc0: {  	(tm) =	ssettm $0x7FFFFFFF  }
0xc1: {  	_ =	shalt  }
tec
execute0_lowered:
.L_overlay_start_1:
0x0: {  	(tag) =	ssettag $0x1  }
0x1: {  	s1 =	rddreg [dreg:$0x0]  }
0x2: {  	s2 =	rddreg [dreg:$0x1];
	s0 =	simm.s32 $0x0;
	s8 =	stileid.u32  }
0x3: {  	s5 =	simm.s32 $0x70;
	[smem:$0x7FF] =	sst s0;
	s4 =	sadd.s32 $0x2C800, s1  }
0x4: {  	s0 =	sadd.s32 $0x4800, s1;
	s3 =	sadd.s32 $0x18800, s1;
	s1 =	sadd.s32 $0x53A00, s1  }
0x5: {  	v0 =	vimm.f32 $0.0e+00;
	s6 =	simm.s32 $0x3C0;
	_ =	strace $0x8000004D;
	[smem:$0x7FD] =	sst s1  }
.LBB2_1:
0x6: {  	p0 =	sne.s32 s6, $0x9FC0;
	[tilespmem:s5+$0x2000] =	vst v0  }
0x7: {  	[tilespmem:s5+$0x1F90] =	vst v0  }
0x8: {  	[tilespmem:s5+$0x1FA0] =	vst v0  }
.Ltmp0:
0x9: {  	[tilespmem:s5+$0x1FB0] =	vst v0;
	(pc) =	sbr.rel @p0 .LBB2_1-.Ltmp0, $4  }
0xa: {  	[tilespmem:s5+$0x1FC0] =	vst v0  }
0xb: {  	[tilespmem:s5+$0x1FD0] =	vst v0  }
0xc: {  	[tilespmem:s5+$0x1FE0] =	vst v0  }
0xd: {  	[tilespmem:s5+$0x1FF0] =	vst v0;
	s5 =	sshra.s32 s6, $0x2;
	s6 =	sadd.s32 $0x200, s6  }
0xe: {  	[tilespmem:s5+$0x2000] =	vst v0  }
0xf: {  	[tilespmem:s5+$0x1F90] =	vst v0  }
0x10: {  	[tilespmem:s5+$0x1FA0] =	vst v0  }
0x11: {  	[tilespmem:s5+$0x1FB0] =	vst v0  }
0x12: {  	[tilespmem:s5+$0x1FC0] =	vst v0;
	s1 =	smul.u32 $0x4F000, s8  }
0x13: {  	[tilespmem:s5+$0x1FD0] =	vst v0  }
0x14: {  	[tilespmem:s5+$0x1FE0] =	vst v0;
	s1 =	sshrl.u32 s1, $0x2  }
0x15: {  	[tilespmem:s5+$0x1FF0] =	vst v0;
	s7 =	simm.s32 $0x2000;
	s6 =	simm.s32 $0x4;
	s20 =	sadd.s32 s1, s2  }
0x16: {  	[spmem:s20] =	stream.linear.scatter [tilespmem:s7], [sflag:$0x4], $0x2800, $0x38;
	[tilespmem:$0x1D400] =	vst v63  }
0x17: {  	_ =	swait.ge [sflag:s6], $0x2800  }
0x18: {  	[sflag:s6] =	ssyncset.done $0x0  }
0x19: {  	s1 =	sadd.s32 $0x2800, s20;
	[sflag:s6] =	ssyncadd.s32 $0xFFFFD800  }
0x1a: {  	[spmem:s1] =	stream.linear.scatter [tilespmem:s7], [sflag:$0x4], $0x2800, $0x38;
	[tilespmem:$0x1D400] =	vst v63  }
0x1b: {  	_ =	swait.ge [sflag:s6], $0x2800  }
0x1c: {  	[sflag:s6] =	ssyncset.done $0x0  }
0x1d: {  	s21 =	sadd.s32 $0x5000, s20;
	[sflag:s6] =	ssyncadd.s32 $0xFFFFD800  }
0x1e: {  	[spmem:s21] =	stream.linear.scatter [tilespmem:s7], [sflag:$0x4], $0x2800, $0x38;
	[tilespmem:$0x1D400] =	vst v63  }
0x1f: {  	_ =	swait.ge [sflag:s6], $0x2800  }
0x20: {  	[sflag:s6] =	ssyncset.done $0x0  }
0x21: {  	s22 =	sadd.s32 $0x7800, s20;
	[sflag:s6] =	ssyncadd.s32 $0xFFFFD800  }
0x22: {  	[spmem:s22] =	stream.linear.scatter [tilespmem:s7], [sflag:$0x4], $0x2800, $0x38;
	[tilespmem:$0x1D400] =	vst v63  }
0x23: {  	_ =	swait.ge [sflag:s6], $0x2800  }
0x24: {  	[sflag:s6] =	ssyncset.done $0x0  }
0x25: {  	s23 =	sadd.s32 $0xA000, s20;
	[sflag:s6] =	ssyncadd.s32 $0xFFFFD800  }
0x26: {  	[spmem:s23] =	stream.linear.scatter [tilespmem:s7], [sflag:$0x4], $0x2800, $0x38;
	[tilespmem:$0x1D400] =	vst v63  }
0x27: {  	_ =	swait.ge [sflag:s6], $0x2800  }
0x28: {  	[sflag:s6] =	ssyncset.done $0x0  }
0x29: {  	s24 =	sadd.s32 $0xC800, s20;
	[sflag:s6] =	ssyncadd.s32 $0xFFFFD800  }
0x2a: {  	[spmem:s24] =	stream.linear.scatter [tilespmem:s7], [sflag:$0x4], $0x2800, $0x38;
	[tilespmem:$0x1D400] =	vst v63  }
0x2b: {  	_ =	swait.ge [sflag:s6], $0x2800  }
0x2c: {  	[sflag:s6] =	ssyncset.done $0x0  }
0x2d: {  	s25 =	sadd.s32 $0xF000, s20;
	[sflag:s6] =	ssyncadd.s32 $0xFFFFD800  }
0x2e: {  	[spmem:s25] =	stream.linear.scatter [tilespmem:s7], [sflag:$0x4], $0x2800, $0x38;
	[tilespmem:$0x1D400] =	vst v63  }
0x2f: {  	_ =	swait.ge [sflag:s6], $0x2800  }
0x30: {  	[sflag:s6] =	ssyncset.done $0x0  }
0x31: {  	s26 =	sadd.s32 $0x11800, s20;
	[smem:$0x7F6] =	sst s20;
	[sflag:s6] =	ssyncadd.s32 $0xFFFFD800  }
0x32: {  	[spmem:s26] =	stream.linear.scatter [tilespmem:s7], [sflag:$0x4], $0x2400, $0x38;
	[tilespmem:$0x1D400] =	vst v63  }
0x33: {  	_ =	swait.ge [sflag:s6], $0x2400  }
0x34: {  	s5 =	smul.u32 $0x1400, s8;
	[sflag:s6] =	ssyncset.done $0x0  }
0x35: {  	[sflag:s6] =	ssyncadd.s32 $0xFFFFDC00  }
0x36: {  	s3 =	sadd.s32 s5, s3;
	[bflag:$0x0] =	sbarrier.arrive $0xFFFF  }
0x37: {  	s0 =	sadd.s32 s5, s0;
	[dreg:$0x3] =	wrdreg s3  }
0x38: {  	s8 =	simm.s32 $0x80;
	[dreg:$0x4] =	wrdreg s0  }
0x39: {  	s9 =	simm.s32 $0x100;
	[dreg:$0x5] =	wrdreg s8  }
0x3a: {  	s10 =	simm.s32 $0x180;
	[dreg:$0x6] =	wrdreg s9  }
0x3b: {  	s11 =	simm.s32 $0x1080;
	[dreg:$0x7] =	wrdreg s10  }
0x3c: {  	s12 =	simm.s32 $0x200;
	[dreg:$0x8] =	wrdreg s11  }
0x3d: {  	s13 =	simm.s32 $0x1100;
	[dreg:$0x9] =	wrdreg s12  }
0x3e: {  	s14 =	simm.s32 $0x280;
	[dreg:$0xa] =	wrdreg s13  }
0x3f: {  	s15 =	simm.s32 $0x1180;
	[dreg:$0xb] =	wrdreg s14  }
0x40: {  	s16 =	simm.s32 $0x300;
	[dreg:$0xc] =	wrdreg s15  }
0x41: {  	s17 =	simm.s32 $0x1200;
	[dreg:$0xd] =	wrdreg s16  }
0x42: {  	s18 =	simm.s32 $0x380;
	[dreg:$0xe] =	wrdreg s17  }
0x43: {  	s19 =	simm.s32 $0x1280;
	[dreg:$0xf] =	wrdreg s18  }
0x44: {  	s20 =	simm.s32 $0x400;
	[dreg:$0x10] =	wrdreg s19  }
0x45: {  	s21 =	simm.s32 $0x1300;
	[dreg:$0x11] =	wrdreg s20  }
0x46: {  	s22 =	simm.s32 $0x480;
	[dreg:$0x12] =	wrdreg s21  }
0x47: {  	s23 =	simm.s32 $0x1380;
	[dreg:$0x13] =	wrdreg s22  }
0x48: {  	s24 =	simm.s32 $0x500;
	[dreg:$0x14] =	wrdreg s23  }
0x49: {  	s25 =	simm.s32 $0x1400;
	[dreg:$0x15] =	wrdreg s24  }
0x4a: {  	s26 =	simm.s32 $0x580;
	[dreg:$0x16] =	wrdreg s25  }
0x4b: {  	s1 =	simm.s32 $0x1480;
	[dreg:$0x17] =	wrdreg s26  }
0x4c: {  	s5 =	simm.s32 $0x1500;
	[dreg:$0x18] =	wrdreg s1  }
0x4d: {  	s3 =	simm.s32 $0x600;
	[dreg:$0x1a] =	wrdreg s5  }
0x4e: {  	s8 =	simm.s32 $0x680;
	[dreg:$0x19] =	wrdreg s3  }
0x4f: {  	s9 =	simm.s32 $0x1580;
	[dreg:$0x1b] =	wrdreg s8  }
0x50: {  	s10 =	simm.s32 $0x700;
	[dreg:$0x1c] =	wrdreg s9  }
0x51: {  	s11 =	simm.s32 $0x1600;
	[dreg:$0x1d] =	wrdreg s10  }
0x52: {  	s12 =	simm.s32 $0x780;
	[dreg:$0x1e] =	wrdreg s11  }
0x53: {  	s13 =	simm.s32 $0x1680;
	[dreg:$0x1f] =	wrdreg s12  }
0x54: {  	s14 =	simm.s32 $0x800;
	[smem:$0x7F7] =	sst s13  }
0x55: {  	s15 =	simm.s32 $0x1700;
	[smem:$0x7F8] =	sst s14  }
0x56: {  	[smem:$0x7F9] =	sst s15  }
0x57: {  	s16 =	simm.s32 $0x880;
	s17 =	rddreg [dreg:$0x4]  }
0x58: {  	s18 =	simm.s32 $0x1780;
	[smem:$0x7FA] =	sst s16  }
0x59: {  	s19 =	simm.s32 $0x900;
	[smem:$0x7FB] =	sst s18  }
0x5a: {  	s14 =	simm.s32 $0x0;
	[smem:$0x7FC] =	sst s19;
	s20 =	sadd.s32 $0x0, s17  }
0x5b: {  	[tilespmem:s14], [sflag:$0x4] =	stream.linear.gather [hbm4b:s20+s14], $0xC80, $0x38;
	[tilespmem:$0x1D400] =	vst v63  }
0x5c: {  	_ =	swait.ge [sflag:s6], $0xC80  }
0x5d: {  	s21 =	rddreg [dreg:$0x3];
	[sflag:s6] =	ssyncset.done $0x0  }
0x5e: {  	s15 =	simm.s32 $0x1000;
	[sflag:s6] =	ssyncadd.s32 $0xFFFFF380;
	s0 =	sadd.s32 $0x0, s21  }
0x5f: {  	[tilespmem:s15], [sflag:$0x4] =	stream.linear.gather [hbm4b:s0+s14], $0xC80, $0x38;
	[tilespmem:$0x1D400] =	vst v63  }
0x60: {  	_ =	swait.ge [sflag:s6], $0xC80  }
0x61: {  	[sflag:s6] =	ssyncset.done $0x0  }
0x62: {  	s8 =	simm.s32 $0x50;
	[sflag:s6] =	ssyncadd.s32 $0xFFFFF380  }
0x63: {  	[tilespmem:s7], [sflag:$0x1] =	stream.indirect.gather [hbm4b:s4+s8], $0x80, s14, s8, $0xb8;
	[tilespmem:$0x1D400] =	vst v63  }
0x64: {  	s11 =	simm.s32 $0x4800;
	s22 =	rddreg [dreg:$0x5]  }
0x65: {  	[tilespmem:s11], [sflag:$0x2] =	stream.indirect.gather [hbm4b:s4+s8], $0x80, s22, s8, $0xb8;
	[tilespmem:$0x1D400] =	vst v63  }
0x66: {  	s10 =	simm.s32 $0x7000;
	s9 =	simm.s32 $0x1;
	s23 =	rddreg [dreg:$0x6]  }
0x67: {  	[tilespmem:s10], [sflag:$0x3] =	stream.indirect.gather [hbm4b:s4+s8], $0x80, s23, s8, $0xb8;
	[tilespmem:$0x1D400] =	vst v63  }
0x68: {  	_ =	swait.ge [sflag:s9], $0x2800  }
0x69: {  	[sflag:s9] =	ssyncset.done $0x0  }
0x6a: {  	[sflag:s9] =	ssyncadd.s32 $0xFFFFD800  }
0x6b: {  	[spmem:s2] =	stream.indirect.scatter.add.f32 [tilespmem:s7], [sflag:$0x4], $0x80, s15, s8, $0xb8;
	[tilespmem:$0x1D400] =	vst v63  }
0x6c: {  	_ =	swait.ge [sflag:s6], $0x2800  }
0x6d: {  	[sflag:s6] =	ssyncset.done $0x0  }
0x6e: {  	s12 =	simm.s32 $0x2;
	s24 =	rddreg [dreg:$0x7];
	[sflag:s6] =	ssyncadd.s32 $0xFFFFD800  }
0x6f: {  	[tilespmem:s7], [sflag:$0x1] =	stream.indirect.gather [hbm4b:s4+s8], $0x80, s24, s8, $0xb8;
	[tilespmem:$0x1D400] =	vst v63  }
0x70: {  	_ =	swait.ge [sflag:s12], $0x2800  }
0x71: {  	[sflag:s12] =	ssyncset.done $0x0  }
0x72: {  	s25 =	rddreg [dreg:$0x8];
	[sflag:s12] =	ssyncadd.s32 $0xFFFFD800  }
0x73: {  	[spmem:s2] =	stream.indirect.scatter.add.f32 [tilespmem:s11], [sflag:$0x4], $0x80, s25, s8, $0xb8;
	[tilespmem:$0x1D400] =	vst v63  }
0x74: {  	_ =	swait.ge [sflag:s6], $0x2800  }
0x75: {  	[sflag:s6] =	ssyncset.done $0x0  }
0x76: {  	s13 =	simm.s32 $0x3;
	s26 =	rddreg [dreg:$0x9];
	[sflag:s6] =	ssyncadd.s32 $0xFFFFD800  }
0x77: {  	[tilespmem:s11], [sflag:$0x2] =	stream.indirect.gather [hbm4b:s4+s8], $0x80, s26, s8, $0xb8;
	[tilespmem:$0x1D400] =	vst v63  }
0x78: {  	_ =	swait.ge [sflag:s13], $0x2800  }
0x79: {  	[sflag:s13] =	ssyncset.done $0x0  }
0x7a: {  	s1 =	rddreg [dreg:$0xa];
	[sflag:s13] =	ssyncadd.s32 $0xFFFFD800  }
0x7b: {  	[spmem:s2] =	stream.indirect.scatter.add.f32 [tilespmem:s10], [sflag:$0x4], $0x80, s1, s8, $0xb8;
	[tilespmem:$0x1D400] =	vst v63  }
0x7c: {  	_ =	swait.ge [sflag:s6], $0x2800  }
0x7d: {  	[sflag:s6] =	ssyncset.done $0x0  }
0x7e: {  	s3 =	rddreg [dreg:$0xb];
	[sflag:s6] =	ssyncadd.s32 $0xFFFFD800  }
0x7f: {  	[tilespmem:s10], [sflag:$0x3] =	stream.indirect.gather [hbm4b:s4+s8], $0x80, s3, s8, $0xb8;
	[tilespmem:$0x1D400] =	vst v63  }
0x80: {  	_ =	swait.ge [sflag:s9], $0x2800  }
0x81: {  	[sflag:s9] =	ssyncset.done $0x0  }
0x82: {  	s5 =	rddreg [dreg:$0xc];
	[sflag:s9] =	ssyncadd.s32 $0xFFFFD800  }
0x83: {  	[spmem:s2] =	stream.indirect.scatter.add.f32 [tilespmem:s7], [sflag:$0x4], $0x80, s5, s8, $0xb8;
	[tilespmem:$0x1D400] =	vst v63  }
0x84: {  	_ =	swait.ge [sflag:s6], $0x2800  }
0x85: {  	[sflag:s6] =	ssyncset.done $0x0  }
0x86: {  	s16 =	rddreg [dreg:$0xd];
	[sflag:s6] =	ssyncadd.s32 $0xFFFFD800  }
0x87: {  	[tilespmem:s7], [sflag:$0x1] =	stream.indirect.gather [hbm4b:s4+s8], $0x80, s16, s8, $0xb8;
	[tilespmem:$0x1D400] =	vst v63  }
0x88: {  	_ =	swait.ge [sflag:s12], $0x2800  }
0x89: {  	[sflag:s12] =	ssyncset.done $0x0  }
0x8a: {  	s17 =	rddreg [dreg:$0xe];
	[sflag:s12] =	ssyncadd.s32 $0xFFFFD800  }
0x8b: {  	[spmem:s2] =	stream.indirect.scatter.add.f32 [tilespmem:s11], [sflag:$0x4], $0x80, s17, s8, $0xb8;
	[tilespmem:$0x1D400] =	vst v63  }
0x8c: {  	_ =	swait.ge [sflag:s6], $0x2800  }
0x8d: {  	[sflag:s6] =	ssyncset.done $0x0  }
0x8e: {  	s18 =	rddreg [dreg:$0xf];
	[sflag:s6] =	ssyncadd.s32 $0xFFFFD800  }
0x8f: {  	[tilespmem:s11], [sflag:$0x2] =	stream.indirect.gather [hbm4b:s4+s8], $0x80, s18, s8, $0xb8;
	[tilespmem:$0x1D400] =	vst v63  }
0x90: {  	_ =	swait.ge [sflag:s13], $0x2800  }
0x91: {  	[sflag:s13] =	ssyncset.done $0x0  }
0x92: {  	s19 =	rddreg [dreg:$0x10];
	[sflag:s13] =	ssyncadd.s32 $0xFFFFD800  }
0x93: {  	[spmem:s2] =	stream.indirect.scatter.add.f32 [tilespmem:s10], [sflag:$0x4], $0x80, s19, s8, $0xb8;
	[tilespmem:$0x1D400] =	vst v63  }
0x94: {  	_ =	swait.ge [sflag:s6], $0x2800  }
0x95: {  	[sflag:s6] =	ssyncset.done $0x0  }
0x96: {  	s20 =	rddreg [dreg:$0x11];
	[sflag:s6] =	ssyncadd.s32 $0xFFFFD800  }
0x97: {  	[tilespmem:s10], [sflag:$0x3] =	stream.indirect.gather [hbm4b:s4+s8], $0x80, s20, s8, $0xb8;
	[tilespmem:$0x1D400] =	vst v63  }
0x98: {  	_ =	swait.ge [sflag:s9], $0x2800  }
0x99: {  	[sflag:s9] =	ssyncset.done $0x0  }
0x9a: {  	s21 =	rddreg [dreg:$0x12];
	[sflag:s9] =	ssyncadd.s32 $0xFFFFD800  }
0x9b: {  	[spmem:s2] =	stream.indirect.scatter.add.f32 [tilespmem:s7], [sflag:$0x4], $0x80, s21, s8, $0xb8;
	[tilespmem:$0x1D400] =	vst v63  }
0x9c: {  	_ =	swait.ge [sflag:s6], $0x2800  }
0x9d: {  	[sflag:s6] =	ssyncset.done $0x0  }
0x9e: {  	s22 =	rddreg [dreg:$0x13];
	[sflag:s6] =	ssyncadd.s32 $0xFFFFD800  }
0x9f: {  	[tilespmem:s7], [sflag:$0x1] =	stream.indirect.gather [hbm4b:s4+s8], $0x80, s22, s8, $0xb8;
	[tilespmem:$0x1D400] =	vst v63  }
0xa0: {  	_ =	swait.ge [sflag:s12], $0x2800  }
0xa1: {  	[sflag:s12] =	ssyncset.done $0x0  }
0xa2: {  	s23 =	rddreg [dreg:$0x14];
	[sflag:s12] =	ssyncadd.s32 $0xFFFFD800  }
0xa3: {  	[spmem:s2] =	stream.indirect.scatter.add.f32 [tilespmem:s11], [sflag:$0x4], $0x80, s23, s8, $0xb8;
	[tilespmem:$0x1D400] =	vst v63  }
0xa4: {  	_ =	swait.ge [sflag:s6], $0x2800  }
0xa5: {  	[sflag:s6] =	ssyncset.done $0x0  }
0xa6: {  	s24 =	rddreg [dreg:$0x15];
	[sflag:s6] =	ssyncadd.s32 $0xFFFFD800  }
0xa7: {  	[tilespmem:s11], [sflag:$0x2] =	stream.indirect.gather [hbm4b:s4+s8], $0x80, s24, s8, $0xb8;
	[tilespmem:$0x1D400] =	vst v63  }
0xa8: {  	_ =	swait.ge [sflag:s13], $0x2800  }
0xa9: {  	[sflag:s13] =	ssyncset.done $0x0  }
0xaa: {  	s25 =	rddreg [dreg:$0x16];
	[sflag:s13] =	ssyncadd.s32 $0xFFFFD800  }
0xab: {  	[spmem:s2] =	stream.indirect.scatter.add.f32 [tilespmem:s10], [sflag:$0x4], $0x80, s25, s8, $0xb8;
	[tilespmem:$0x1D400] =	vst v63  }
0xac: {  	_ =	swait.ge [sflag:s6], $0x2800  }
0xad: {  	[sflag:s6] =	ssyncset.done $0x0  }
0xae: {  	s26 =	rddreg [dreg:$0x17];
	[sflag:s6] =	ssyncadd.s32 $0xFFFFD800  }
0xaf: {  	[tilespmem:s10], [sflag:$0x3] =	stream.indirect.gather [hbm4b:s4+s8], $0x80, s26, s8, $0xb8;
	[tilespmem:$0x1D400] =	vst v63  }
0xb0: {  	_ =	swait.ge [sflag:s9], $0x2800  }
0xb1: {  	[sflag:s9] =	ssyncset.done $0x0  }
0xb2: {  	s1 =	rddreg [dreg:$0x18];
	[sflag:s9] =	ssyncadd.s32 $0xFFFFD800  }
0xb3: {  	[spmem:s2] =	stream.indirect.scatter.add.f32 [tilespmem:s7], [sflag:$0x4], $0x80, s1, s8, $0xb8;
	[tilespmem:$0x1D400] =	vst v63  }
0xb4: {  	_ =	swait.ge [sflag:s6], $0x2800  }
0xb5: {  	[sflag:s6] =	ssyncset.done $0x0  }
0xb6: {  	s3 =	rddreg [dreg:$0x19];
	[sflag:s6] =	ssyncadd.s32 $0xFFFFD800  }
0xb7: {  	[tilespmem:s7], [sflag:$0x1] =	stream.indirect.gather [hbm4b:s4+s8], $0x80, s3, s8, $0xb8;
	[tilespmem:$0x1D400] =	vst v63  }
0xb8: {  	_ =	swait.ge [sflag:s12], $0x2800  }
0xb9: {  	[sflag:s12] =	ssyncset.done $0x0  }
0xba: {  	s5 =	rddreg [dreg:$0x1a];
	[sflag:s12] =	ssyncadd.s32 $0xFFFFD800  }
0xbb: {  	[spmem:s2] =	stream.indirect.scatter.add.f32 [tilespmem:s11], [sflag:$0x4], $0x80, s5, s8, $0xb8;
	[tilespmem:$0x1D400] =	vst v63  }
0xbc: {  	_ =	swait.ge [sflag:s6], $0x2800  }
0xbd: {  	[sflag:s6] =	ssyncset.done $0x0  }
0xbe: {  	s16 =	rddreg [dreg:$0x1b];
	[sflag:s6] =	ssyncadd.s32 $0xFFFFD800  }
0xbf: {  	[tilespmem:s11], [sflag:$0x2] =	stream.indirect.gather [hbm4b:s4+s8], $0x80, s16, s8, $0xb8;
	[tilespmem:$0x1D400] =	vst v63  }
0xc0: {  	_ =	swait.ge [sflag:s13], $0x2800  }
0xc1: {  	[sflag:s13] =	ssyncset.done $0x0  }
0xc2: {  	s17 =	rddreg [dreg:$0x1c];
	[sflag:s13] =	ssyncadd.s32 $0xFFFFD800  }
0xc3: {  	[spmem:s2] =	stream.indirect.scatter.add.f32 [tilespmem:s10], [sflag:$0x4], $0x80, s17, s8, $0xb8;
	[tilespmem:$0x1D400] =	vst v63  }
0xc4: {  	_ =	swait.ge [sflag:s6], $0x2800  }
0xc5: {  	[sflag:s6] =	ssyncset.done $0x0  }
0xc6: {  	s18 =	rddreg [dreg:$0x1d];
	[sflag:s6] =	ssyncadd.s32 $0xFFFFD800  }
0xc7: {  	[tilespmem:s10], [sflag:$0x3] =	stream.indirect.gather [hbm4b:s4+s8], $0x80, s18, s8, $0xb8;
	[tilespmem:$0x1D400] =	vst v63  }
0xc8: {  	_ =	swait.ge [sflag:s9], $0x2800  }
0xc9: {  	[sflag:s9] =	ssyncset.done $0x0  }
0xca: {  	s19 =	rddreg [dreg:$0x1e];
	[sflag:s9] =	ssyncadd.s32 $0xFFFFD800  }
0xcb: {  	[spmem:s2] =	stream.indirect.scatter.add.f32 [tilespmem:s7], [sflag:$0x4], $0x80, s19, s8, $0xb8;
	[tilespmem:$0x1D400] =	vst v63  }
0xcc: {  	_ =	swait.ge [sflag:s6], $0x2800  }
0xcd: {  	[sflag:s6] =	ssyncset.done $0x0  }
0xce: {  	s20 =	rddreg [dreg:$0x1f];
	[sflag:s6] =	ssyncadd.s32 $0xFFFFD800  }
0xcf: {  	[tilespmem:s7], [sflag:$0x1] =	stream.indirect.gather [hbm4b:s4+s8], $0x80, s20, s8, $0xb8;
	[tilespmem:$0x1D400] =	vst v63  }
0xd0: {  	_ =	swait.ge [sflag:s12], $0x2800  }
0xd1: {  	s21 =	sld [smem:$0x7F7]  }
0xd2: {  	[sflag:s12] =	ssyncset.done $0x0  }
0xd3: {  	[sflag:s12] =	ssyncadd.s32 $0xFFFFD800  }
0xd4: {  	[spmem:s2] =	stream.indirect.scatter.add.f32 [tilespmem:s11], [sflag:$0x4], $0x80, s21, s8, $0xb8;
	[tilespmem:$0x1D400] =	vst v63  }
0xd5: {  	_ =	swait.ge [sflag:s6], $0x2800  }
0xd6: {  	s22 =	sld [smem:$0x7F8]  }
0xd7: {  	[sflag:s6] =	ssyncset.done $0x0  }
0xd8: {  	[sflag:s6] =	ssyncadd.s32 $0xFFFFD800  }
0xd9: {  	[tilespmem:s11], [sflag:$0x2] =	stream.indirect.gather [hbm4b:s4+s8], $0x80, s22, s8, $0xb8;
	[tilespmem:$0x1D400] =	vst v63  }
0xda: {  	_ =	swait.ge [sflag:s13], $0x2800  }
0xdb: {  	s23 =	sld [smem:$0x7F9]  }
0xdc: {  	[sflag:s13] =	ssyncset.done $0x0  }
0xdd: {  	[sflag:s13] =	ssyncadd.s32 $0xFFFFD800  }
0xde: {  	[spmem:s2] =	stream.indirect.scatter.add.f32 [tilespmem:s10], [sflag:$0x4], $0x80, s23, s8, $0xb8;
	[tilespmem:$0x1D400] =	vst v63  }
0xdf: {  	_ =	swait.ge [sflag:s6], $0x2800  }
0xe0: {  	s24 =	sld [smem:$0x7FA]  }
0xe1: {  	[sflag:s6] =	ssyncset.done $0x0  }
0xe2: {  	[sflag:s6] =	ssyncadd.s32 $0xFFFFD800  }
0xe3: {  	[tilespmem:s10], [sflag:$0x3] =	stream.indirect.gather [hbm4b:s4+s8], $0x80, s24, s8, $0xb8;
	[tilespmem:$0x1D400] =	vst v63  }
0xe4: {  	_ =	swait.ge [sflag:s9], $0x2800  }
0xe5: {  	s25 =	sld [smem:$0x7FB]  }
0xe6: {  	[sflag:s9] =	ssyncset.done $0x0  }
0xe7: {  	[sflag:s9] =	ssyncadd.s32 $0xFFFFD800  }
0xe8: {  	[spmem:s2] =	stream.indirect.scatter.add.f32 [tilespmem:s7], [sflag:$0x4], $0x80, s25, s8, $0xb8;
	[tilespmem:$0x1D400] =	vst v63  }
0xe9: {  	_ =	swait.ge [sflag:s6], $0x2800  }
0xea: {  	s26 =	sld [smem:$0x7FC]  }
0xeb: {  	[sflag:s6] =	ssyncset.done $0x0  }
0xec: {  	[sflag:s6] =	ssyncadd.s32 $0xFFFFD800  }
0xed: {  	[tilespmem:s7], [sflag:$0x1] =	stream.indirect.gather [hbm4b:s4+s8], $0x80, s26, s8, $0xb8;
	[tilespmem:$0x1D400] =	vst v63  }
0xee: {  	_ =	swait.ge [sflag:s12], $0x2800  }
0xef: {  	[sflag:s12] =	ssyncset.done $0x0  }
0xf0: {  	s16 =	simm.s32 $0x1800;
	[sflag:s12] =	ssyncadd.s32 $0xFFFFD800  }
0xf1: {  	[spmem:s2] =	stream.indirect.scatter.add.f32 [tilespmem:s11], [sflag:$0x4], $0x80, s16, s8, $0xb8;
	[tilespmem:$0x1D400] =	vst v63  }
0xf2: {  	_ =	swait.ge [sflag:s6], $0x2800  }
0xf3: {  	[sflag:s6] =	ssyncset.done $0x0  }
0xf4: {  	s17 =	simm.s32 $0x980;
	[sflag:s6] =	ssyncadd.s32 $0xFFFFD800  }
0xf5: {  	[tilespmem:s11], [sflag:$0x2] =	stream.indirect.gather [hbm4b:s4+s8], $0x80, s17, s8, $0xb8;
	[tilespmem:$0x1D400] =	vst v63  }
0xf6: {  	_ =	swait.ge [sflag:s13], $0x2800  }
0xf7: {  	[sflag:s13] =	ssyncset.done $0x0  }
0xf8: {  	s18 =	simm.s32 $0x1880;
	[sflag:s13] =	ssyncadd.s32 $0xFFFFD800  }
0xf9: {  	[spmem:s2] =	stream.indirect.scatter.add.f32 [tilespmem:s10], [sflag:$0x4], $0x80, s18, s8, $0xb8;
	[tilespmem:$0x1D400] =	vst v63  }
0xfa: {  	_ =	swait.ge [sflag:s6], $0x2800  }
0xfb: {  	[sflag:s6] =	ssyncset.done $0x0  }
0xfc: {  	s19 =	simm.s32 $0xA00;
	[sflag:s6] =	ssyncadd.s32 $0xFFFFD800  }
0xfd: {  	[tilespmem:s10], [sflag:$0x3] =	stream.indirect.gather [hbm4b:s4+s8], $0x80, s19, s8, $0xb8;
	[tilespmem:$0x1D400] =	vst v63  }
0xfe: {  	_ =	swait.ge [sflag:s9], $0x2800  }
0xff: {  	[sflag:s9] =	ssyncset.done $0x0  }
0x100: {  	s20 =	simm.s32 $0x1900;
	[sflag:s9] =	ssyncadd.s32 $0xFFFFD800  }
0x101: {  	[spmem:s2] =	stream.indirect.scatter.add.f32 [tilespmem:s7], [sflag:$0x4], $0x80, s20, s8, $0xb8;
	[tilespmem:$0x1D400] =	vst v63  }
0x102: {  	_ =	swait.ge [sflag:s6], $0x2800  }
0x103: {  	[sflag:s6] =	ssyncset.done $0x0  }
0x104: {  	s21 =	simm.s32 $0xA80;
	[sflag:s6] =	ssyncadd.s32 $0xFFFFD800  }
0x105: {  	[tilespmem:s7], [sflag:$0x1] =	stream.indirect.gather [hbm4b:s4+s8], $0x80, s21, s8, $0xb8;
	[tilespmem:$0x1D400] =	vst v63  }
0x106: {  	_ =	swait.ge [sflag:s12], $0x2800  }
0x107: {  	[sflag:s12] =	ssyncset.done $0x0  }
0x108: {  	s22 =	simm.s32 $0x1980;
	[sflag:s12] =	ssyncadd.s32 $0xFFFFD800  }
0x109: {  	[spmem:s2] =	stream.indirect.scatter.add.f32 [tilespmem:s11], [sflag:$0x4], $0x80, s22, s8, $0xb8;
	[tilespmem:$0x1D400] =	vst v63  }
0x10a: {  	_ =	swait.ge [sflag:s6], $0x2800  }
0x10b: {  	[sflag:s6] =	ssyncset.done $0x0  }
0x10c: {  	s23 =	simm.s32 $0xB00;
	[sflag:s6] =	ssyncadd.s32 $0xFFFFD800  }
0x10d: {  	[tilespmem:s11], [sflag:$0x2] =	stream.indirect.gather [hbm4b:s4+s8], $0x80, s23, s8, $0xb8;
	[tilespmem:$0x1D400] =	vst v63  }
0x10e: {  	_ =	swait.ge [sflag:s13], $0x2800  }
0x10f: {  	[sflag:s13] =	ssyncset.done $0x0  }
0x110: {  	s24 =	simm.s32 $0x1A00;
	[sflag:s13] =	ssyncadd.s32 $0xFFFFD800  }
0x111: {  	[spmem:s2] =	stream.indirect.scatter.add.f32 [tilespmem:s10], [sflag:$0x4], $0x80, s24, s8, $0xb8;
	[tilespmem:$0x1D400] =	vst v63  }
0x112: {  	_ =	swait.ge [sflag:s6], $0x2800  }
0x113: {  	[sflag:s6] =	ssyncset.done $0x0  }
0x114: {  	s25 =	simm.s32 $0xB80;
	[sflag:s6] =	ssyncadd.s32 $0xFFFFD800  }
0x115: {  	[tilespmem:s10], [sflag:$0x3] =	stream.indirect.gather [hbm4b:s4+s8], $0x80, s25, s8, $0xb8;
	[tilespmem:$0x1D400] =	vst v63  }
0x116: {  	_ =	swait.ge [sflag:s9], $0x2800  }
0x117: {  	[sflag:s9] =	ssyncset.done $0x0  }
0x118: {  	s26 =	simm.s32 $0x1A80;
	[sflag:s9] =	ssyncadd.s32 $0xFFFFD800  }
0x119: {  	[spmem:s2] =	stream.indirect.scatter.add.f32 [tilespmem:s7], [sflag:$0x4], $0x80, s26, s8, $0xb8;
	[tilespmem:$0x1D400] =	vst v63  }
0x11a: {  	_ =	swait.ge [sflag:s6], $0x2800  }
0x11b: {  	[sflag:s6] =	ssyncset.done $0x0  }
0x11c: {  	s28 =	simm.s32 $0xC00;
	[sflag:s6] =	ssyncadd.s32 $0xFFFFD800  }
0x11d: {  	[tilespmem:s7], [sflag:$0x1] =	stream.indirect.gather [hbm4b:s4+s8], $0x80, s28, s8, $0xb8;
	[tilespmem:$0x1D400] =	vst v63  }
0x11e: {  	_ =	swait.ge [sflag:s12], $0x2800  }
0x11f: {  	[sflag:s12] =	ssyncset.done $0x0  }
0x120: {  	s29 =	simm.s32 $0x1B00;
	[sflag:s12] =	ssyncadd.s32 $0xFFFFD800  }
0x121: {  	[spmem:s2] =	stream.indirect.scatter.add.f32 [tilespmem:s11], [sflag:$0x4], $0x80, s29, s8, $0xb8;
	[tilespmem:$0x1D400] =	vst v63  }
0x122: {  	_ =	swait.ge [sflag:s6], $0x2800  }
0x123: {  	[sflag:s6] =	ssyncset.done $0x0  }
0x124: {  	[sflag:s6] =	ssyncadd.s32 $0xFFFFD800  }
0x125: {  	_ =	swait.ge [sflag:s13], $0x2800  }
0x126: {  	[sflag:s13] =	ssyncset.done $0x0  }
0x127: {  	s30 =	simm.s32 $0x1B80;
	[sflag:s13] =	ssyncadd.s32 $0xFFFFD800  }
0x128: {  	[spmem:s2] =	stream.indirect.scatter.add.f32 [tilespmem:s10], [sflag:$0x4], $0x80, s30, s8, $0xb8;
	[tilespmem:$0x1D400] =	vst v63  }
0x129: {  	_ =	swait.ge [sflag:s6], $0x2800  }
0x12a: {  	[sflag:s6] =	ssyncset.done $0x0  }
0x12b: {  	[sflag:s6] =	ssyncadd.s32 $0xFFFFD800  }
0x12c: {  	_ =	swait.ge [sflag:s9], $0x2800  }
0x12d: {  	[sflag:s9] =	ssyncset.done $0x0  }
0x12e: {  	s31 =	simm.s32 $0x1C00;
	[sflag:s9] =	ssyncadd.s32 $0xFFFFD800  }
0x12f: {  	[spmem:s2] =	stream.indirect.scatter.add.f32 [tilespmem:s7], [sflag:$0x4], $0x80, s31, s8, $0xb8;
	[tilespmem:$0x1D400] =	vst v63  }
0x130: {  	s0 =	simm.s32 $0x200;
	_ =	swait.ge [sflag:s6], $0x2800  }
0x131: {  	s3 =	simm.s32 $0x400;
	[sflag:s6] =	ssyncset.done $0x0;
	s1 =	rddreg [dreg:$0x4]  }
.LBB2_3:
0x132: {  	[sflag:s6] =	ssyncadd.s32 $0xFFFFD800;
	s1 =	sadd.s32 s0, s1  }
0x133: {  	[tilespmem:s14], [sflag:$0x4] =	stream.linear.gather [hbm4b:s1+s14], $0xC80, $0x38;
	[tilespmem:$0x1D400] =	vst v63  }
0x134: {  	_ =	swait.ge [sflag:s6], $0xC80  }
0x135: {  	s1 =	rddreg [dreg:$0x3];
	[sflag:s6] =	ssyncset.done $0x0  }
0x136: {  	[sflag:s6] =	ssyncadd.s32 $0xFFFFF380;
	s1 =	sadd.s32 s0, s1  }
0x137: {  	[tilespmem:s15], [sflag:$0x4] =	stream.linear.gather [hbm4b:s1+s14], $0xC80, $0x38;
	[tilespmem:$0x1D400] =	vst v63  }
0x138: {  	_ =	swait.ge [sflag:s6], $0xC80  }
0x139: {  	[sflag:s6] =	ssyncset.done $0x0  }
0x13a: {  	[sflag:s6] =	ssyncadd.s32 $0xFFFFF380  }
0x13b: {  	[tilespmem:s7], [sflag:$0x1] =	stream.indirect.gather [hbm4b:s4+s8], $0x80, s14, s8, $0xb8;
	[tilespmem:$0x1D400] =	vst v63  }
0x13c: {  	s5 =	smov.u32 s3;
	s1 =	rddreg [dreg:$0x5]  }
0x13d: {  	[tilespmem:s11], [sflag:$0x2] =	stream.indirect.gather [hbm4b:s4+s8], $0x80, s1, s8, $0xb8;
	[tilespmem:$0x1D400] =	vst v63  }
0x13e: {  	s0 =	smov.u32 s5;
	s5 =	rddreg [dreg:$0x6]  }
0x13f: {  	[tilespmem:s10], [sflag:$0x3] =	stream.indirect.gather [hbm4b:s4+s8], $0x80, s5, s8, $0xb8;
	[tilespmem:$0x1D400] =	vst v63  }
0x140: {  	_ =	swait.ge [sflag:s9], $0x2800  }
0x141: {  	[sflag:s9] =	ssyncset.done $0x0  }
0x142: {  	[sflag:s9] =	ssyncadd.s32 $0xFFFFD800  }
0x143: {  	[spmem:s2] =	stream.indirect.scatter.add.f32 [tilespmem:s7], [sflag:$0x4], $0x80, s15, s8, $0xb8;
	[tilespmem:$0x1D400] =	vst v63  }
0x144: {  	_ =	swait.ge [sflag:s6], $0x2800  }
0x145: {  	[sflag:s6] =	ssyncset.done $0x0  }
0x146: {  	s5 =	rddreg [dreg:$0x7];
	[sflag:s6] =	ssyncadd.s32 $0xFFFFD800  }
0x147: {  	[tilespmem:s7], [sflag:$0x1] =	stream.indirect.gather [hbm4b:s4+s8], $0x80, s5, s8, $0xb8;
	[tilespmem:$0x1D400] =	vst v63  }
0x148: {  	_ =	swait.ge [sflag:s12], $0x2800  }
0x149: {  	[sflag:s12] =	ssyncset.done $0x0  }
0x14a: {  	s5 =	rddreg [dreg:$0x8];
	[sflag:s12] =	ssyncadd.s32 $0xFFFFD800  }
0x14b: {  	[spmem:s2] =	stream.indirect.scatter.add.f32 [tilespmem:s11], [sflag:$0x4], $0x80, s5, s8, $0xb8;
	[tilespmem:$0x1D400] =	vst v63  }
0x14c: {  	_ =	swait.ge [sflag:s6], $0x2800  }
0x14d: {  	[sflag:s6] =	ssyncset.done $0x0  }
0x14e: {  	s5 =	rddreg [dreg:$0x9];
	[sflag:s6] =	ssyncadd.s32 $0xFFFFD800  }
0x14f: {  	[tilespmem:s11], [sflag:$0x2] =	stream.indirect.gather [hbm4b:s4+s8], $0x80, s5, s8, $0xb8;
	[tilespmem:$0x1D400] =	vst v63  }
0x150: {  	_ =	swait.ge [sflag:s13], $0x2800  }
0x151: {  	[sflag:s13] =	ssyncset.done $0x0  }
0x152: {  	s5 =	rddreg [dreg:$0xa];
	[sflag:s13] =	ssyncadd.s32 $0xFFFFD800  }
0x153: {  	[spmem:s2] =	stream.indirect.scatter.add.f32 [tilespmem:s10], [sflag:$0x4], $0x80, s5, s8, $0xb8;
	[tilespmem:$0x1D400] =	vst v63  }
0x154: {  	_ =	swait.ge [sflag:s6], $0x2800  }
0x155: {  	[sflag:s6] =	ssyncset.done $0x0  }
0x156: {  	s5 =	rddreg [dreg:$0xb];
	[sflag:s6] =	ssyncadd.s32 $0xFFFFD800  }
0x157: {  	[tilespmem:s10], [sflag:$0x3] =	stream.indirect.gather [hbm4b:s4+s8], $0x80, s5, s8, $0xb8;
	[tilespmem:$0x1D400] =	vst v63  }
0x158: {  	_ =	swait.ge [sflag:s9], $0x2800  }
0x159: {  	[sflag:s9] =	ssyncset.done $0x0  }
0x15a: {  	s5 =	rddreg [dreg:$0xc];
	[sflag:s9] =	ssyncadd.s32 $0xFFFFD800  }
0x15b: {  	[spmem:s2] =	stream.indirect.scatter.add.f32 [tilespmem:s7], [sflag:$0x4], $0x80, s5, s8, $0xb8;
	[tilespmem:$0x1D400] =	vst v63  }
0x15c: {  	_ =	swait.ge [sflag:s6], $0x2800  }
0x15d: {  	[sflag:s6] =	ssyncset.done $0x0  }
0x15e: {  	s5 =	rddreg [dreg:$0xd];
	[sflag:s6] =	ssyncadd.s32 $0xFFFFD800  }
0x15f: {  	[tilespmem:s7], [sflag:$0x1] =	stream.indirect.gather [hbm4b:s4+s8], $0x80, s5, s8, $0xb8;
	[tilespmem:$0x1D400] =	vst v63  }
0x160: {  	_ =	swait.ge [sflag:s12], $0x2800  }
0x161: {  	[sflag:s12] =	ssyncset.done $0x0  }
0x162: {  	s5 =	rddreg [dreg:$0xe];
	[sflag:s12] =	ssyncadd.s32 $0xFFFFD800  }
0x163: {  	[spmem:s2] =	stream.indirect.scatter.add.f32 [tilespmem:s11], [sflag:$0x4], $0x80, s5, s8, $0xb8;
	[tilespmem:$0x1D400] =	vst v63  }
0x164: {  	_ =	swait.ge [sflag:s6], $0x2800  }
0x165: {  	[sflag:s6] =	ssyncset.done $0x0  }
0x166: {  	s5 =	rddreg [dreg:$0xf];
	[sflag:s6] =	ssyncadd.s32 $0xFFFFD800  }
0x167: {  	[tilespmem:s11], [sflag:$0x2] =	stream.indirect.gather [hbm4b:s4+s8], $0x80, s5, s8, $0xb8;
	[tilespmem:$0x1D400] =	vst v63  }
0x168: {  	_ =	swait.ge [sflag:s13], $0x2800  }
0x169: {  	[sflag:s13] =	ssyncset.done $0x0  }
0x16a: {  	s5 =	rddreg [dreg:$0x10];
	[sflag:s13] =	ssyncadd.s32 $0xFFFFD800  }
0x16b: {  	[spmem:s2] =	stream.indirect.scatter.add.f32 [tilespmem:s10], [sflag:$0x4], $0x80, s5, s8, $0xb8;
	[tilespmem:$0x1D400] =	vst v63  }
0x16c: {  	_ =	swait.ge [sflag:s6], $0x2800  }
0x16d: {  	[sflag:s6] =	ssyncset.done $0x0  }
0x16e: {  	s5 =	rddreg [dreg:$0x11];
	[sflag:s6] =	ssyncadd.s32 $0xFFFFD800  }
0x16f: {  	[tilespmem:s10], [sflag:$0x3] =	stream.indirect.gather [hbm4b:s4+s8], $0x80, s5, s8, $0xb8;
	[tilespmem:$0x1D400] =	vst v63  }
0x170: {  	_ =	swait.ge [sflag:s9], $0x2800  }
0x171: {  	[sflag:s9] =	ssyncset.done $0x0  }
0x172: {  	s5 =	rddreg [dreg:$0x12];
	[sflag:s9] =	ssyncadd.s32 $0xFFFFD800  }
0x173: {  	[spmem:s2] =	stream.indirect.scatter.add.f32 [tilespmem:s7], [sflag:$0x4], $0x80, s5, s8, $0xb8;
	[tilespmem:$0x1D400] =	vst v63  }
0x174: {  	_ =	swait.ge [sflag:s6], $0x2800  }
0x175: {  	[sflag:s6] =	ssyncset.done $0x0  }
0x176: {  	s5 =	rddreg [dreg:$0x13];
	[sflag:s6] =	ssyncadd.s32 $0xFFFFD800  }
0x177: {  	[tilespmem:s7], [sflag:$0x1] =	stream.indirect.gather [hbm4b:s4+s8], $0x80, s5, s8, $0xb8;
	[tilespmem:$0x1D400] =	vst v63  }
0x178: {  	_ =	swait.ge [sflag:s12], $0x2800  }
0x179: {  	[sflag:s12] =	ssyncset.done $0x0  }
0x17a: {  	s5 =	rddreg [dreg:$0x14];
	[sflag:s12] =	ssyncadd.s32 $0xFFFFD800  }
0x17b: {  	[spmem:s2] =	stream.indirect.scatter.add.f32 [tilespmem:s11], [sflag:$0x4], $0x80, s5, s8, $0xb8;
	[tilespmem:$0x1D400] =	vst v63  }
0x17c: {  	_ =	swait.ge [sflag:s6], $0x2800  }
0x17d: {  	[sflag:s6] =	ssyncset.done $0x0  }
0x17e: {  	s5 =	rddreg [dreg:$0x15];
	[sflag:s6] =	ssyncadd.s32 $0xFFFFD800  }
0x17f: {  	[tilespmem:s11], [sflag:$0x2] =	stream.indirect.gather [hbm4b:s4+s8], $0x80, s5, s8, $0xb8;
	[tilespmem:$0x1D400] =	vst v63  }
0x180: {  	_ =	swait.ge [sflag:s13], $0x2800  }
0x181: {  	[sflag:s13] =	ssyncset.done $0x0  }
0x182: {  	s5 =	rddreg [dreg:$0x16];
	[sflag:s13] =	ssyncadd.s32 $0xFFFFD800  }
0x183: {  	[spmem:s2] =	stream.indirect.scatter.add.f32 [tilespmem:s10], [sflag:$0x4], $0x80, s5, s8, $0xb8;
	[tilespmem:$0x1D400] =	vst v63  }
0x184: {  	_ =	swait.ge [sflag:s6], $0x2800  }
0x185: {  	[sflag:s6] =	ssyncset.done $0x0  }
0x186: {  	s5 =	rddreg [dreg:$0x17];
	[sflag:s6] =	ssyncadd.s32 $0xFFFFD800  }
0x187: {  	[tilespmem:s10], [sflag:$0x3] =	stream.indirect.gather [hbm4b:s4+s8], $0x80, s5, s8, $0xb8;
	[tilespmem:$0x1D400] =	vst v63  }
0x188: {  	_ =	swait.ge [sflag:s9], $0x2800  }
0x189: {  	[sflag:s9] =	ssyncset.done $0x0  }
0x18a: {  	s5 =	rddreg [dreg:$0x18];
	[sflag:s9] =	ssyncadd.s32 $0xFFFFD800  }
0x18b: {  	[spmem:s2] =	stream.indirect.scatter.add.f32 [tilespmem:s7], [sflag:$0x4], $0x80, s5, s8, $0xb8;
	[tilespmem:$0x1D400] =	vst v63  }
0x18c: {  	_ =	swait.ge [sflag:s6], $0x2800  }
0x18d: {  	[sflag:s6] =	ssyncset.done $0x0  }
0x18e: {  	s5 =	rddreg [dreg:$0x19];
	[sflag:s6] =	ssyncadd.s32 $0xFFFFD800  }
0x18f: {  	[tilespmem:s7], [sflag:$0x1] =	stream.indirect.gather [hbm4b:s4+s8], $0x80, s5, s8, $0xb8;
	[tilespmem:$0x1D400] =	vst v63  }
0x190: {  	_ =	swait.ge [sflag:s12], $0x2800  }
0x191: {  	[sflag:s12] =	ssyncset.done $0x0  }
0x192: {  	s5 =	rddreg [dreg:$0x1a];
	[sflag:s12] =	ssyncadd.s32 $0xFFFFD800  }
0x193: {  	[spmem:s2] =	stream.indirect.scatter.add.f32 [tilespmem:s11], [sflag:$0x4], $0x80, s5, s8, $0xb8;
	[tilespmem:$0x1D400] =	vst v63  }
0x194: {  	_ =	swait.ge [sflag:s6], $0x2800  }
0x195: {  	[sflag:s6] =	ssyncset.done $0x0  }
0x196: {  	s5 =	rddreg [dreg:$0x1b];
	[sflag:s6] =	ssyncadd.s32 $0xFFFFD800  }
0x197: {  	[tilespmem:s11], [sflag:$0x2] =	stream.indirect.gather [hbm4b:s4+s8], $0x80, s5, s8, $0xb8;
	[tilespmem:$0x1D400] =	vst v63  }
0x198: {  	_ =	swait.ge [sflag:s13], $0x2800  }
0x199: {  	[sflag:s13] =	ssyncset.done $0x0  }
0x19a: {  	s5 =	rddreg [dreg:$0x1c];
	[sflag:s13] =	ssyncadd.s32 $0xFFFFD800  }
0x19b: {  	[spmem:s2] =	stream.indirect.scatter.add.f32 [tilespmem:s10], [sflag:$0x4], $0x80, s5, s8, $0xb8;
	[tilespmem:$0x1D400] =	vst v63  }
0x19c: {  	_ =	swait.ge [sflag:s6], $0x2800  }
0x19d: {  	[sflag:s6] =	ssyncset.done $0x0  }
0x19e: {  	s5 =	rddreg [dreg:$0x1d];
	[sflag:s6] =	ssyncadd.s32 $0xFFFFD800  }
0x19f: {  	[tilespmem:s10], [sflag:$0x3] =	stream.indirect.gather [hbm4b:s4+s8], $0x80, s5, s8, $0xb8;
	[tilespmem:$0x1D400] =	vst v63  }
0x1a0: {  	_ =	swait.ge [sflag:s9], $0x2800  }
0x1a1: {  	[sflag:s9] =	ssyncset.done $0x0  }
0x1a2: {  	s5 =	rddreg [dreg:$0x1e];
	[sflag:s9] =	ssyncadd.s32 $0xFFFFD800  }
0x1a3: {  	[spmem:s2] =	stream.indirect.scatter.add.f32 [tilespmem:s7], [sflag:$0x4], $0x80, s5, s8, $0xb8;
	[tilespmem:$0x1D400] =	vst v63  }
0x1a4: {  	_ =	swait.ge [sflag:s6], $0x2800  }
0x1a5: {  	[sflag:s6] =	ssyncset.done $0x0  }
0x1a6: {  	s5 =	rddreg [dreg:$0x1f];
	[sflag:s6] =	ssyncadd.s32 $0xFFFFD800  }
0x1a7: {  	[tilespmem:s7], [sflag:$0x1] =	stream.indirect.gather [hbm4b:s4+s8], $0x80, s5, s8, $0xb8;
	[tilespmem:$0x1D400] =	vst v63  }
0x1a8: {  	_ =	swait.ge [sflag:s12], $0x2800  }
0x1a9: {  	s5 =	sld [smem:$0x7F7]  }
0x1aa: {  	[sflag:s12] =	ssyncset.done $0x0  }
0x1ab: {  	[sflag:s12] =	ssyncadd.s32 $0xFFFFD800  }
0x1ac: {  	[spmem:s2] =	stream.indirect.scatter.add.f32 [tilespmem:s11], [sflag:$0x4], $0x80, s5, s8, $0xb8;
	[tilespmem:$0x1D400] =	vst v63  }
0x1ad: {  	_ =	swait.ge [sflag:s6], $0x2800  }
0x1ae: {  	s5 =	sld [smem:$0x7F8]  }
0x1af: {  	[sflag:s6] =	ssyncset.done $0x0  }
0x1b0: {  	[sflag:s6] =	ssyncadd.s32 $0xFFFFD800  }
0x1b1: {  	[tilespmem:s11], [sflag:$0x2] =	stream.indirect.gather [hbm4b:s4+s8], $0x80, s5, s8, $0xb8;
	[tilespmem:$0x1D400] =	vst v63  }
0x1b2: {  	_ =	swait.ge [sflag:s13], $0x2800  }
0x1b3: {  	s5 =	sld [smem:$0x7F9]  }
0x1b4: {  	[sflag:s13] =	ssyncset.done $0x0  }
0x1b5: {  	[sflag:s13] =	ssyncadd.s32 $0xFFFFD800  }
0x1b6: {  	[spmem:s2] =	stream.indirect.scatter.add.f32 [tilespmem:s10], [sflag:$0x4], $0x80, s5, s8, $0xb8;
	[tilespmem:$0x1D400] =	vst v63  }
0x1b7: {  	_ =	swait.ge [sflag:s6], $0x2800  }
0x1b8: {  	s5 =	sld [smem:$0x7FA]  }
0x1b9: {  	[sflag:s6] =	ssyncset.done $0x0  }
0x1ba: {  	[sflag:s6] =	ssyncadd.s32 $0xFFFFD800  }
0x1bb: {  	[tilespmem:s10], [sflag:$0x3] =	stream.indirect.gather [hbm4b:s4+s8], $0x80, s5, s8, $0xb8;
	[tilespmem:$0x1D400] =	vst v63  }
0x1bc: {  	_ =	swait.ge [sflag:s9], $0x2800  }
0x1bd: {  	s5 =	sld [smem:$0x7FB]  }
0x1be: {  	[sflag:s9] =	ssyncset.done $0x0  }
0x1bf: {  	[sflag:s9] =	ssyncadd.s32 $0xFFFFD800  }
0x1c0: {  	[spmem:s2] =	stream.indirect.scatter.add.f32 [tilespmem:s7], [sflag:$0x4], $0x80, s5, s8, $0xb8;
	[tilespmem:$0x1D400] =	vst v63  }
0x1c1: {  	_ =	swait.ge [sflag:s6], $0x2800  }
0x1c2: {  	s5 =	sld [smem:$0x7FC]  }
0x1c3: {  	[sflag:s6] =	ssyncset.done $0x0  }
0x1c4: {  	[sflag:s6] =	ssyncadd.s32 $0xFFFFD800  }
0x1c5: {  	[tilespmem:s7], [sflag:$0x1] =	stream.indirect.gather [hbm4b:s4+s8], $0x80, s5, s8, $0xb8;
	[tilespmem:$0x1D400] =	vst v63  }
0x1c6: {  	_ =	swait.ge [sflag:s12], $0x2800  }
0x1c7: {  	[sflag:s12] =	ssyncset.done $0x0  }
0x1c8: {  	[sflag:s12] =	ssyncadd.s32 $0xFFFFD800  }
0x1c9: {  	[spmem:s2] =	stream.indirect.scatter.add.f32 [tilespmem:s11], [sflag:$0x4], $0x80, s16, s8, $0xb8;
	[tilespmem:$0x1D400] =	vst v63  }
0x1ca: {  	_ =	swait.ge [sflag:s6], $0x2800  }
0x1cb: {  	[sflag:s6] =	ssyncset.done $0x0  }
0x1cc: {  	[sflag:s6] =	ssyncadd.s32 $0xFFFFD800  }
0x1cd: {  	[tilespmem:s11], [sflag:$0x2] =	stream.indirect.gather [hbm4b:s4+s8], $0x80, s17, s8, $0xb8;
	[tilespmem:$0x1D400] =	vst v63  }
0x1ce: {  	_ =	swait.ge [sflag:s13], $0x2800  }
0x1cf: {  	[sflag:s13] =	ssyncset.done $0x0  }
0x1d0: {  	[sflag:s13] =	ssyncadd.s32 $0xFFFFD800  }
0x1d1: {  	[spmem:s2] =	stream.indirect.scatter.add.f32 [tilespmem:s10], [sflag:$0x4], $0x80, s18, s8, $0xb8;
	[tilespmem:$0x1D400] =	vst v63  }
0x1d2: {  	_ =	swait.ge [sflag:s6], $0x2800  }
0x1d3: {  	[sflag:s6] =	ssyncset.done $0x0  }
0x1d4: {  	[sflag:s6] =	ssyncadd.s32 $0xFFFFD800  }
0x1d5: {  	[tilespmem:s10], [sflag:$0x3] =	stream.indirect.gather [hbm4b:s4+s8], $0x80, s19, s8, $0xb8;
	[tilespmem:$0x1D400] =	vst v63  }
0x1d6: {  	_ =	swait.ge [sflag:s9], $0x2800  }
0x1d7: {  	[sflag:s9] =	ssyncset.done $0x0  }
0x1d8: {  	[sflag:s9] =	ssyncadd.s32 $0xFFFFD800  }
0x1d9: {  	[spmem:s2] =	stream.indirect.scatter.add.f32 [tilespmem:s7], [sflag:$0x4], $0x80, s20, s8, $0xb8;
	[tilespmem:$0x1D400] =	vst v63  }
0x1da: {  	_ =	swait.ge [sflag:s6], $0x2800  }
0x1db: {  	[sflag:s6] =	ssyncset.done $0x0  }
0x1dc: {  	[sflag:s6] =	ssyncadd.s32 $0xFFFFD800  }
0x1dd: {  	[tilespmem:s7], [sflag:$0x1] =	stream.indirect.gather [hbm4b:s4+s8], $0x80, s21, s8, $0xb8;
	[tilespmem:$0x1D400] =	vst v63  }
0x1de: {  	_ =	swait.ge [sflag:s12], $0x2800  }
0x1df: {  	[sflag:s12] =	ssyncset.done $0x0  }
0x1e0: {  	[sflag:s12] =	ssyncadd.s32 $0xFFFFD800  }
0x1e1: {  	[spmem:s2] =	stream.indirect.scatter.add.f32 [tilespmem:s11], [sflag:$0x4], $0x80, s22, s8, $0xb8;
	[tilespmem:$0x1D400] =	vst v63  }
0x1e2: {  	_ =	swait.ge [sflag:s6], $0x2800  }
0x1e3: {  	[sflag:s6] =	ssyncset.done $0x0  }
0x1e4: {  	[sflag:s6] =	ssyncadd.s32 $0xFFFFD800  }
0x1e5: {  	[tilespmem:s11], [sflag:$0x2] =	stream.indirect.gather [hbm4b:s4+s8], $0x80, s23, s8, $0xb8;
	[tilespmem:$0x1D400] =	vst v63  }
0x1e6: {  	_ =	swait.ge [sflag:s13], $0x2800  }
0x1e7: {  	[sflag:s13] =	ssyncset.done $0x0  }
0x1e8: {  	[sflag:s13] =	ssyncadd.s32 $0xFFFFD800  }
0x1e9: {  	[spmem:s2] =	stream.indirect.scatter.add.f32 [tilespmem:s10], [sflag:$0x4], $0x80, s24, s8, $0xb8;
	[tilespmem:$0x1D400] =	vst v63  }
0x1ea: {  	_ =	swait.ge [sflag:s6], $0x2800  }
0x1eb: {  	[sflag:s6] =	ssyncset.done $0x0  }
0x1ec: {  	[sflag:s6] =	ssyncadd.s32 $0xFFFFD800  }
0x1ed: {  	[tilespmem:s10], [sflag:$0x3] =	stream.indirect.gather [hbm4b:s4+s8], $0x80, s25, s8, $0xb8;
	[tilespmem:$0x1D400] =	vst v63  }
0x1ee: {  	_ =	swait.ge [sflag:s9], $0x2800  }
0x1ef: {  	[sflag:s9] =	ssyncset.done $0x0  }
0x1f0: {  	[sflag:s9] =	ssyncadd.s32 $0xFFFFD800  }
0x1f1: {  	[spmem:s2] =	stream.indirect.scatter.add.f32 [tilespmem:s7], [sflag:$0x4], $0x80, s26, s8, $0xb8;
	[tilespmem:$0x1D400] =	vst v63  }
0x1f2: {  	_ =	swait.ge [sflag:s6], $0x2800  }
0x1f3: {  	[sflag:s6] =	ssyncset.done $0x0  }
0x1f4: {  	[sflag:s6] =	ssyncadd.s32 $0xFFFFD800  }
0x1f5: {  	[tilespmem:s7], [sflag:$0x1] =	stream.indirect.gather [hbm4b:s4+s8], $0x80, s28, s8, $0xb8;
	[tilespmem:$0x1D400] =	vst v63  }
0x1f6: {  	_ =	swait.ge [sflag:s12], $0x2800  }
0x1f7: {  	[sflag:s12] =	ssyncset.done $0x0  }
0x1f8: {  	[sflag:s12] =	ssyncadd.s32 $0xFFFFD800  }
0x1f9: {  	[spmem:s2] =	stream.indirect.scatter.add.f32 [tilespmem:s11], [sflag:$0x4], $0x80, s29, s8, $0xb8;
	[tilespmem:$0x1D400] =	vst v63  }
0x1fa: {  	_ =	swait.ge [sflag:s6], $0x2800  }
0x1fb: {  	[sflag:s6] =	ssyncset.done $0x0  }
0x1fc: {  	[sflag:s6] =	ssyncadd.s32 $0xFFFFD800  }
0x1fd: {  	_ =	swait.ge [sflag:s13], $0x2800  }
0x1fe: {  	[sflag:s13] =	ssyncset.done $0x0  }
0x1ff: {  	[sflag:s13] =	ssyncadd.s32 $0xFFFFD800  }
0x200: {  	[spmem:s2] =	stream.indirect.scatter.add.f32 [tilespmem:s10], [sflag:$0x4], $0x80, s30, s8, $0xb8;
	[tilespmem:$0x1D400] =	vst v63  }
0x201: {  	_ =	swait.ge [sflag:s6], $0x2800  }
0x202: {  	[sflag:s6] =	ssyncset.done $0x0  }
0x203: {  	[sflag:s6] =	ssyncadd.s32 $0xFFFFD800  }
0x204: {  	p0 =	sne.s32 s3, $0x1200;
	_ =	swait.ge [sflag:s9], $0x2800  }
.Ltmp1:
0x205: {  	[sflag:s9] =	ssyncset.done $0x0;
	(pc) =	sbr.rel @p0 .LBB2_3-.Ltmp1, $4  }
0x206: {  	[sflag:s9] =	ssyncadd.s32 $0xFFFFD800  }
0x207: {  	[spmem:s2] =	stream.indirect.scatter.add.f32 [tilespmem:s7], [sflag:$0x4], $0x80, s31, s8, $0xb8;
	[tilespmem:$0x1D400] =	vst v63  }
0x208: {  	_ =	swait.ge [sflag:s6], $0x2800  }
0x209: {  	s3 =	sadd.s32 $0x200, s3;
	s1 =	rddreg [dreg:$0x4];
	[sflag:s6] =	ssyncset.done $0x0  }
0x20a: {  	[sflag:s6] =	ssyncadd.s32 $0xFFFFD800;
	s1 =	sadd.s32 s0, s1  }
0x20b: {  	[tilespmem:s14], [sflag:$0x4] =	stream.linear.gather [hbm4b:s1+s14], $0xC80, $0x38;
	[tilespmem:$0x1D400] =	vst v63  }
0x20c: {  	_ =	swait.ge [sflag:s6], $0xC80  }
0x20d: {  	s5 =	rddreg [dreg:$0x3];
	[sflag:s6] =	ssyncset.done $0x0  }
0x20e: {  	s3 =	sadd.s32 s0, s5;
	[sflag:s6] =	ssyncadd.s32 $0xFFFFF380  }
0x20f: {  	[tilespmem:s15], [sflag:$0x4] =	stream.linear.gather [hbm4b:s3+s14], $0xC80, $0x38;
	[tilespmem:$0x1D400] =	vst v63  }
0x210: {  	_ =	swait.ge [sflag:s6], $0xC80  }
0x211: {  	[sflag:s6] =	ssyncset.done $0x0  }
0x212: {  	[sflag:s6] =	ssyncadd.s32 $0xFFFFF380  }
0x213: {  	[tilespmem:s7], [sflag:$0x1] =	stream.indirect.gather [hbm4b:s4+s8], $0x80, s14, s8, $0xb8;
	[tilespmem:$0x1D400] =	vst v63  }
0x214: {  	s5 =	rddreg [dreg:$0x5]  }
0x215: {  	[tilespmem:s11], [sflag:$0x2] =	stream.indirect.gather [hbm4b:s4+s8], $0x80, s5, s8, $0xb8;
	[tilespmem:$0x1D400] =	vst v63  }
0x216: {  	s14 =	rddreg [dreg:$0x6]  }
0x217: {  	[tilespmem:s10], [sflag:$0x3] =	stream.indirect.gather [hbm4b:s4+s8], $0x80, s14, s8, $0xb8;
	[tilespmem:$0x1D400] =	vst v63  }
0x218: {  	_ =	swait.ge [sflag:s9], $0x2800  }
0x219: {  	[sflag:s9] =	ssyncset.done $0x0  }
0x21a: {  	[sflag:s9] =	ssyncadd.s32 $0xFFFFD800  }
0x21b: {  	[spmem:s2] =	stream.indirect.scatter.add.f32 [tilespmem:s7], [sflag:$0x4], $0x80, s15, s8, $0xb8;
	[tilespmem:$0x1D400] =	vst v63  }
0x21c: {  	_ =	swait.ge [sflag:s6], $0x2800  }
0x21d: {  	[sflag:s6] =	ssyncset.done $0x0  }
0x21e: {  	s15 =	rddreg [dreg:$0x7];
	[sflag:s6] =	ssyncadd.s32 $0xFFFFD800  }
0x21f: {  	[tilespmem:s7], [sflag:$0x1] =	stream.indirect.gather [hbm4b:s4+s8], $0x80, s15, s8, $0xb8;
	[tilespmem:$0x1D400] =	vst v63  }
0x220: {  	_ =	swait.ge [sflag:s12], $0x2800  }
0x221: {  	[sflag:s12] =	ssyncset.done $0x0  }
0x222: {  	s1 =	rddreg [dreg:$0x8];
	[sflag:s12] =	ssyncadd.s32 $0xFFFFD800  }
0x223: {  	[spmem:s2] =	stream.indirect.scatter.add.f32 [tilespmem:s11], [sflag:$0x4], $0x80, s1, s8, $0xb8;
	[tilespmem:$0x1D400] =	vst v63  }
0x224: {  	_ =	swait.ge [sflag:s6], $0x2800  }
0x225: {  	[sflag:s6] =	ssyncset.done $0x0  }
0x226: {  	s3 =	rddreg [dreg:$0x9];
	[sflag:s6] =	ssyncadd.s32 $0xFFFFD800  }
0x227: {  	[tilespmem:s11], [sflag:$0x2] =	stream.indirect.gather [hbm4b:s4+s8], $0x80, s3, s8, $0xb8;
	[tilespmem:$0x1D400] =	vst v63  }
0x228: {  	_ =	swait.ge [sflag:s13], $0x2800  }
0x229: {  	[sflag:s13] =	ssyncset.done $0x0  }
0x22a: {  	s5 =	rddreg [dreg:$0xa];
	[sflag:s13] =	ssyncadd.s32 $0xFFFFD800  }
0x22b: {  	[spmem:s2] =	stream.indirect.scatter.add.f32 [tilespmem:s10], [sflag:$0x4], $0x80, s5, s8, $0xb8;
	[tilespmem:$0x1D400] =	vst v63  }
0x22c: {  	_ =	swait.ge [sflag:s6], $0x2800  }
0x22d: {  	[sflag:s6] =	ssyncset.done $0x0  }
0x22e: {  	s14 =	rddreg [dreg:$0xb];
	[sflag:s6] =	ssyncadd.s32 $0xFFFFD800  }
0x22f: {  	[tilespmem:s10], [sflag:$0x3] =	stream.indirect.gather [hbm4b:s4+s8], $0x80, s14, s8, $0xb8;
	[tilespmem:$0x1D400] =	vst v63  }
0x230: {  	_ =	swait.ge [sflag:s9], $0x2800  }
0x231: {  	[sflag:s9] =	ssyncset.done $0x0  }
0x232: {  	s15 =	rddreg [dreg:$0xc];
	[sflag:s9] =	ssyncadd.s32 $0xFFFFD800  }
0x233: {  	[spmem:s2] =	stream.indirect.scatter.add.f32 [tilespmem:s7], [sflag:$0x4], $0x80, s15, s8, $0xb8;
	[tilespmem:$0x1D400] =	vst v63  }
0x234: {  	_ =	swait.ge [sflag:s6], $0x2800  }
0x235: {  	[sflag:s6] =	ssyncset.done $0x0  }
0x236: {  	s1 =	rddreg [dreg:$0xd];
	[sflag:s6] =	ssyncadd.s32 $0xFFFFD800  }
0x237: {  	[tilespmem:s7], [sflag:$0x1] =	stream.indirect.gather [hbm4b:s4+s8], $0x80, s1, s8, $0xb8;
	[tilespmem:$0x1D400] =	vst v63  }
0x238: {  	_ =	swait.ge [sflag:s12], $0x2800  }
0x239: {  	[sflag:s12] =	ssyncset.done $0x0  }
0x23a: {  	s3 =	rddreg [dreg:$0xe];
	[sflag:s12] =	ssyncadd.s32 $0xFFFFD800  }
0x23b: {  	[spmem:s2] =	stream.indirect.scatter.add.f32 [tilespmem:s11], [sflag:$0x4], $0x80, s3, s8, $0xb8;
	[tilespmem:$0x1D400] =	vst v63  }
0x23c: {  	_ =	swait.ge [sflag:s6], $0x2800  }
0x23d: {  	[sflag:s6] =	ssyncset.done $0x0  }
0x23e: {  	s5 =	rddreg [dreg:$0xf];
	[sflag:s6] =	ssyncadd.s32 $0xFFFFD800  }
0x23f: {  	[tilespmem:s11], [sflag:$0x2] =	stream.indirect.gather [hbm4b:s4+s8], $0x80, s5, s8, $0xb8;
	[tilespmem:$0x1D400] =	vst v63  }
0x240: {  	_ =	swait.ge [sflag:s13], $0x2800  }
0x241: {  	[sflag:s13] =	ssyncset.done $0x0  }
0x242: {  	s14 =	rddreg [dreg:$0x10];
	[sflag:s13] =	ssyncadd.s32 $0xFFFFD800  }
0x243: {  	[spmem:s2] =	stream.indirect.scatter.add.f32 [tilespmem:s10], [sflag:$0x4], $0x80, s14, s8, $0xb8;
	[tilespmem:$0x1D400] =	vst v63  }
0x244: {  	_ =	swait.ge [sflag:s6], $0x2800  }
0x245: {  	[sflag:s6] =	ssyncset.done $0x0  }
0x246: {  	s15 =	rddreg [dreg:$0x11];
	[sflag:s6] =	ssyncadd.s32 $0xFFFFD800  }
0x247: {  	[tilespmem:s10], [sflag:$0x3] =	stream.indirect.gather [hbm4b:s4+s8], $0x80, s15, s8, $0xb8;
	[tilespmem:$0x1D400] =	vst v63  }
0x248: {  	_ =	swait.ge [sflag:s9], $0x2800  }
0x249: {  	[sflag:s9] =	ssyncset.done $0x0  }
0x24a: {  	s1 =	rddreg [dreg:$0x12];
	[sflag:s9] =	ssyncadd.s32 $0xFFFFD800  }
0x24b: {  	[spmem:s2] =	stream.indirect.scatter.add.f32 [tilespmem:s7], [sflag:$0x4], $0x80, s1, s8, $0xb8;
	[tilespmem:$0x1D400] =	vst v63  }
0x24c: {  	_ =	swait.ge [sflag:s6], $0x2800  }
0x24d: {  	[sflag:s6] =	ssyncset.done $0x0  }
0x24e: {  	s3 =	rddreg [dreg:$0x13];
	[sflag:s6] =	ssyncadd.s32 $0xFFFFD800  }
0x24f: {  	[tilespmem:s7], [sflag:$0x1] =	stream.indirect.gather [hbm4b:s4+s8], $0x80, s3, s8, $0xb8;
	[tilespmem:$0x1D400] =	vst v63  }
0x250: {  	_ =	swait.ge [sflag:s12], $0x2800  }
0x251: {  	[sflag:s12] =	ssyncset.done $0x0  }
0x252: {  	s5 =	rddreg [dreg:$0x14];
	[sflag:s12] =	ssyncadd.s32 $0xFFFFD800  }
0x253: {  	[spmem:s2] =	stream.indirect.scatter.add.f32 [tilespmem:s11], [sflag:$0x4], $0x80, s5, s8, $0xb8;
	[tilespmem:$0x1D400] =	vst v63  }
0x254: {  	_ =	swait.ge [sflag:s6], $0x2800  }
0x255: {  	[sflag:s6] =	ssyncset.done $0x0  }
0x256: {  	s14 =	rddreg [dreg:$0x15];
	[sflag:s6] =	ssyncadd.s32 $0xFFFFD800  }
0x257: {  	[tilespmem:s11], [sflag:$0x2] =	stream.indirect.gather [hbm4b:s4+s8], $0x80, s14, s8, $0xb8;
	[tilespmem:$0x1D400] =	vst v63  }
0x258: {  	_ =	swait.ge [sflag:s13], $0x2800  }
0x259: {  	[sflag:s13] =	ssyncset.done $0x0  }
0x25a: {  	s15 =	rddreg [dreg:$0x16];
	[sflag:s13] =	ssyncadd.s32 $0xFFFFD800  }
0x25b: {  	[spmem:s2] =	stream.indirect.scatter.add.f32 [tilespmem:s10], [sflag:$0x4], $0x80, s15, s8, $0xb8;
	[tilespmem:$0x1D400] =	vst v63  }
0x25c: {  	_ =	swait.ge [sflag:s6], $0x2800  }
0x25d: {  	[sflag:s6] =	ssyncset.done $0x0  }
0x25e: {  	s1 =	rddreg [dreg:$0x17];
	[sflag:s6] =	ssyncadd.s32 $0xFFFFD800  }
0x25f: {  	[tilespmem:s10], [sflag:$0x3] =	stream.indirect.gather [hbm4b:s4+s8], $0x80, s1, s8, $0xb8;
	[tilespmem:$0x1D400] =	vst v63  }
0x260: {  	_ =	swait.ge [sflag:s9], $0x2800  }
0x261: {  	[sflag:s9] =	ssyncset.done $0x0  }
0x262: {  	s3 =	rddreg [dreg:$0x18];
	[sflag:s9] =	ssyncadd.s32 $0xFFFFD800  }
0x263: {  	[spmem:s2] =	stream.indirect.scatter.add.f32 [tilespmem:s7], [sflag:$0x4], $0x80, s3, s8, $0xb8;
	[tilespmem:$0x1D400] =	vst v63  }
0x264: {  	_ =	swait.ge [sflag:s6], $0x2800  }
0x265: {  	[sflag:s6] =	ssyncset.done $0x0  }
0x266: {  	s5 =	rddreg [dreg:$0x19];
	[sflag:s6] =	ssyncadd.s32 $0xFFFFD800  }
0x267: {  	[tilespmem:s7], [sflag:$0x1] =	stream.indirect.gather [hbm4b:s4+s8], $0x80, s5, s8, $0xb8;
	[tilespmem:$0x1D400] =	vst v63  }
0x268: {  	_ =	swait.ge [sflag:s12], $0x2800  }
0x269: {  	[sflag:s12] =	ssyncset.done $0x0  }
0x26a: {  	s14 =	rddreg [dreg:$0x1a];
	[sflag:s12] =	ssyncadd.s32 $0xFFFFD800  }
0x26b: {  	[spmem:s2] =	stream.indirect.scatter.add.f32 [tilespmem:s11], [sflag:$0x4], $0x80, s14, s8, $0xb8;
	[tilespmem:$0x1D400] =	vst v63  }
0x26c: {  	_ =	swait.ge [sflag:s6], $0x2800  }
0x26d: {  	[sflag:s6] =	ssyncset.done $0x0  }
0x26e: {  	s15 =	rddreg [dreg:$0x1b];
	[sflag:s6] =	ssyncadd.s32 $0xFFFFD800  }
0x26f: {  	[tilespmem:s11], [sflag:$0x2] =	stream.indirect.gather [hbm4b:s4+s8], $0x80, s15, s8, $0xb8;
	[tilespmem:$0x1D400] =	vst v63  }
0x270: {  	_ =	swait.ge [sflag:s13], $0x2800  }
0x271: {  	[sflag:s13] =	ssyncset.done $0x0  }
0x272: {  	s1 =	rddreg [dreg:$0x1c];
	[sflag:s13] =	ssyncadd.s32 $0xFFFFD800  }
0x273: {  	[spmem:s2] =	stream.indirect.scatter.add.f32 [tilespmem:s10], [sflag:$0x4], $0x80, s1, s8, $0xb8;
	[tilespmem:$0x1D400] =	vst v63  }
0x274: {  	_ =	swait.ge [sflag:s6], $0x2800  }
0x275: {  	[sflag:s6] =	ssyncset.done $0x0  }
0x276: {  	s3 =	rddreg [dreg:$0x1d];
	[sflag:s6] =	ssyncadd.s32 $0xFFFFD800  }
0x277: {  	[tilespmem:s10], [sflag:$0x3] =	stream.indirect.gather [hbm4b:s4+s8], $0x80, s3, s8, $0xb8;
	[tilespmem:$0x1D400] =	vst v63  }
0x278: {  	_ =	swait.ge [sflag:s9], $0x2800  }
0x279: {  	[sflag:s9] =	ssyncset.done $0x0  }
0x27a: {  	s5 =	rddreg [dreg:$0x1e];
	[sflag:s9] =	ssyncadd.s32 $0xFFFFD800  }
0x27b: {  	[spmem:s2] =	stream.indirect.scatter.add.f32 [tilespmem:s7], [sflag:$0x4], $0x80, s5, s8, $0xb8;
	[tilespmem:$0x1D400] =	vst v63  }
0x27c: {  	_ =	swait.ge [sflag:s6], $0x2800  }
0x27d: {  	[sflag:s6] =	ssyncset.done $0x0  }
0x27e: {  	s14 =	rddreg [dreg:$0x1f];
	[sflag:s6] =	ssyncadd.s32 $0xFFFFD800  }
0x27f: {  	[tilespmem:s7], [sflag:$0x1] =	stream.indirect.gather [hbm4b:s4+s8], $0x80, s14, s8, $0xb8;
	[tilespmem:$0x1D400] =	vst v63  }
0x280: {  	_ =	swait.ge [sflag:s12], $0x2800  }
0x281: {  	s15 =	sld [smem:$0x7F7]  }
0x282: {  	[sflag:s12] =	ssyncset.done $0x0  }
0x283: {  	[sflag:s12] =	ssyncadd.s32 $0xFFFFD800  }
0x284: {  	[spmem:s2] =	stream.indirect.scatter.add.f32 [tilespmem:s11], [sflag:$0x4], $0x80, s15, s8, $0xb8;
	[tilespmem:$0x1D400] =	vst v63  }
0x285: {  	_ =	swait.ge [sflag:s6], $0x2800  }
0x286: {  	s1 =	sld [smem:$0x7F8]  }
0x287: {  	[sflag:s6] =	ssyncset.done $0x0  }
0x288: {  	[sflag:s6] =	ssyncadd.s32 $0xFFFFD800  }
0x289: {  	[tilespmem:s11], [sflag:$0x2] =	stream.indirect.gather [hbm4b:s4+s8], $0x80, s1, s8, $0xb8;
	[tilespmem:$0x1D400] =	vst v63  }
0x28a: {  	_ =	swait.ge [sflag:s13], $0x2800  }
0x28b: {  	s3 =	sld [smem:$0x7F9]  }
0x28c: {  	[sflag:s13] =	ssyncset.done $0x0  }
0x28d: {  	[sflag:s13] =	ssyncadd.s32 $0xFFFFD800  }
0x28e: {  	[spmem:s2] =	stream.indirect.scatter.add.f32 [tilespmem:s10], [sflag:$0x4], $0x80, s3, s8, $0xb8;
	[tilespmem:$0x1D400] =	vst v63  }
0x28f: {  	_ =	swait.ge [sflag:s6], $0x2800  }
0x290: {  	s5 =	sld [smem:$0x7FA]  }
0x291: {  	[sflag:s6] =	ssyncset.done $0x0  }
0x292: {  	[sflag:s6] =	ssyncadd.s32 $0xFFFFD800  }
0x293: {  	[tilespmem:s10], [sflag:$0x3] =	stream.indirect.gather [hbm4b:s4+s8], $0x80, s5, s8, $0xb8;
	[tilespmem:$0x1D400] =	vst v63  }
0x294: {  	_ =	swait.ge [sflag:s9], $0x2800  }
0x295: {  	s14 =	sld [smem:$0x7FB]  }
0x296: {  	[sflag:s9] =	ssyncset.done $0x0  }
0x297: {  	[sflag:s9] =	ssyncadd.s32 $0xFFFFD800  }
0x298: {  	[spmem:s2] =	stream.indirect.scatter.add.f32 [tilespmem:s7], [sflag:$0x4], $0x80, s14, s8, $0xb8;
	[tilespmem:$0x1D400] =	vst v63  }
0x299: {  	_ =	swait.ge [sflag:s6], $0x2800  }
0x29a: {  	s15 =	sld [smem:$0x7FC]  }
0x29b: {  	[sflag:s6] =	ssyncset.done $0x0  }
0x29c: {  	[sflag:s6] =	ssyncadd.s32 $0xFFFFD800  }
0x29d: {  	[tilespmem:s7], [sflag:$0x1] =	stream.indirect.gather [hbm4b:s4+s8], $0x80, s15, s8, $0xb8;
	[tilespmem:$0x1D400] =	vst v63  }
0x29e: {  	_ =	swait.ge [sflag:s12], $0x2800  }
0x29f: {  	[sflag:s12] =	ssyncset.done $0x0  }
0x2a0: {  	[sflag:s12] =	ssyncadd.s32 $0xFFFFD800  }
0x2a1: {  	[spmem:s2] =	stream.indirect.scatter.add.f32 [tilespmem:s11], [sflag:$0x4], $0x80, s16, s8, $0xb8;
	[tilespmem:$0x1D400] =	vst v63  }
0x2a2: {  	_ =	swait.ge [sflag:s6], $0x2800  }
0x2a3: {  	[sflag:s6] =	ssyncset.done $0x0  }
0x2a4: {  	[sflag:s6] =	ssyncadd.s32 $0xFFFFD800  }
0x2a5: {  	[tilespmem:s11], [sflag:$0x2] =	stream.indirect.gather [hbm4b:s4+s8], $0x80, s17, s8, $0xb8;
	[tilespmem:$0x1D400] =	vst v63  }
0x2a6: {  	_ =	swait.ge [sflag:s13], $0x2800  }
0x2a7: {  	[sflag:s13] =	ssyncset.done $0x0  }
0x2a8: {  	[sflag:s13] =	ssyncadd.s32 $0xFFFFD800  }
0x2a9: {  	[spmem:s2] =	stream.indirect.scatter.add.f32 [tilespmem:s10], [sflag:$0x4], $0x80, s18, s8, $0xb8;
	[tilespmem:$0x1D400] =	vst v63  }
0x2aa: {  	_ =	swait.ge [sflag:s6], $0x2800  }
0x2ab: {  	[sflag:s6] =	ssyncset.done $0x0  }
0x2ac: {  	[sflag:s6] =	ssyncadd.s32 $0xFFFFD800  }
0x2ad: {  	[tilespmem:s10], [sflag:$0x3] =	stream.indirect.gather [hbm4b:s4+s8], $0x80, s19, s8, $0xb8;
	[tilespmem:$0x1D400] =	vst v63  }
0x2ae: {  	_ =	swait.ge [sflag:s9], $0x2800  }
0x2af: {  	[sflag:s9] =	ssyncset.done $0x0  }
0x2b0: {  	[sflag:s9] =	ssyncadd.s32 $0xFFFFD800  }
0x2b1: {  	[spmem:s2] =	stream.indirect.scatter.add.f32 [tilespmem:s7], [sflag:$0x4], $0x80, s20, s8, $0xb8;
	[tilespmem:$0x1D400] =	vst v63  }
0x2b2: {  	_ =	swait.ge [sflag:s6], $0x2800  }
0x2b3: {  	[sflag:s6] =	ssyncset.done $0x0  }
0x2b4: {  	[sflag:s6] =	ssyncadd.s32 $0xFFFFD800  }
0x2b5: {  	[tilespmem:s7], [sflag:$0x1] =	stream.indirect.gather [hbm4b:s4+s8], $0x80, s21, s8, $0xb8;
	[tilespmem:$0x1D400] =	vst v63  }
0x2b6: {  	_ =	swait.ge [sflag:s12], $0x2800  }
0x2b7: {  	[sflag:s12] =	ssyncset.done $0x0  }
0x2b8: {  	[sflag:s12] =	ssyncadd.s32 $0xFFFFD800  }
0x2b9: {  	[spmem:s2] =	stream.indirect.scatter.add.f32 [tilespmem:s11], [sflag:$0x4], $0x80, s22, s8, $0xb8;
	[tilespmem:$0x1D400] =	vst v63  }
0x2ba: {  	_ =	swait.ge [sflag:s6], $0x2800  }
0x2bb: {  	[sflag:s6] =	ssyncset.done $0x0  }
0x2bc: {  	[sflag:s6] =	ssyncadd.s32 $0xFFFFD800  }
0x2bd: {  	[tilespmem:s11], [sflag:$0x2] =	stream.indirect.gather [hbm4b:s4+s8], $0x80, s23, s8, $0xb8;
	[tilespmem:$0x1D400] =	vst v63  }
0x2be: {  	_ =	swait.ge [sflag:s13], $0x2800  }
0x2bf: {  	[sflag:s13] =	ssyncset.done $0x0  }
0x2c0: {  	[sflag:s13] =	ssyncadd.s32 $0xFFFFD800  }
0x2c1: {  	[spmem:s2] =	stream.indirect.scatter.add.f32 [tilespmem:s10], [sflag:$0x4], $0x80, s24, s8, $0xb8;
	[tilespmem:$0x1D400] =	vst v63  }
0x2c2: {  	_ =	swait.ge [sflag:s6], $0x2800  }
0x2c3: {  	[sflag:s6] =	ssyncset.done $0x0  }
0x2c4: {  	[sflag:s6] =	ssyncadd.s32 $0xFFFFD800  }
0x2c5: {  	[tilespmem:s10], [sflag:$0x3] =	stream.indirect.gather [hbm4b:s4+s8], $0x80, s25, s8, $0xb8;
	[tilespmem:$0x1D400] =	vst v63  }
0x2c6: {  	_ =	swait.ge [sflag:s9], $0x2800  }
0x2c7: {  	[sflag:s9] =	ssyncset.done $0x0  }
0x2c8: {  	[sflag:s9] =	ssyncadd.s32 $0xFFFFD800  }
0x2c9: {  	[spmem:s2] =	stream.indirect.scatter.add.f32 [tilespmem:s7], [sflag:$0x4], $0x80, s26, s8, $0xb8;
	[tilespmem:$0x1D400] =	vst v63  }
0x2ca: {  	_ =	swait.ge [sflag:s6], $0x2800  }
0x2cb: {  	[sflag:s6] =	ssyncset.done $0x0  }
0x2cc: {  	[sflag:s6] =	ssyncadd.s32 $0xFFFFD800  }
0x2cd: {  	[tilespmem:s7], [sflag:$0x1] =	stream.indirect.gather [hbm4b:s4+s8], $0x80, s28, s8, $0xb8;
	[tilespmem:$0x1D400] =	vst v63  }
0x2ce: {  	_ =	swait.ge [sflag:s12], $0x2800  }
0x2cf: {  	[sflag:s12] =	ssyncset.done $0x0  }
0x2d0: {  	[sflag:s12] =	ssyncadd.s32 $0xFFFFD800  }
0x2d1: {  	[spmem:s2] =	stream.indirect.scatter.add.f32 [tilespmem:s11], [sflag:$0x4], $0x80, s29, s8, $0xb8;
	[tilespmem:$0x1D400] =	vst v63  }
0x2d2: {  	_ =	swait.ge [sflag:s6], $0x2800  }
0x2d3: {  	[sflag:s6] =	ssyncset.done $0x0  }
0x2d4: {  	[sflag:s6] =	ssyncadd.s32 $0xFFFFD800  }
0x2d5: {  	_ =	swait.ge [sflag:s13], $0x2800  }
0x2d6: {  	[sflag:s13] =	ssyncset.done $0x0  }
0x2d7: {  	[sflag:s13] =	ssyncadd.s32 $0xFFFFD800  }
0x2d8: {  	[spmem:s2] =	stream.indirect.scatter.add.f32 [tilespmem:s10], [sflag:$0x4], $0x80, s30, s8, $0xb8;
	[tilespmem:$0x1D400] =	vst v63  }
0x2d9: {  	_ =	swait.ge [sflag:s6], $0x2800  }
0x2da: {  	[sflag:s6] =	ssyncset.done $0x0  }
0x2db: {  	[sflag:s6] =	ssyncadd.s32 $0xFFFFD800  }
0x2dc: {  	_ =	swait.ge [sflag:s9], $0x2800  }
0x2dd: {  	[sflag:s9] =	ssyncset.done $0x0  }
0x2de: {  	[sflag:s9] =	ssyncadd.s32 $0xFFFFD800  }
0x2df: {  	[spmem:s2] =	stream.indirect.scatter.add.f32 [tilespmem:s7], [sflag:$0x4], $0x80, s31, s8, $0xb8;
	[tilespmem:$0x1D400] =	vst v63  }
0x2e0: {  	_ =	swait.ge [sflag:s6], $0x2800  }
0x2e1: {  	[sflag:s6] =	ssyncset.done $0x0  }
0x2e2: {  	[sflag:s6] =	ssyncadd.s32 $0xFFFFD800  }
0x2e3: {  	s28 =	sld [smem:$0x7FD];
	[bflag:$0x0] =	sbarrier.arrive $0xFFFF  }
0x2e4: {  	s3 =	stileid.u32;
	s30 =	sld [smem:$0x7F6]  }
0x2e5: {  	s26 =	smul.u32 $0x2780, s3;
	s29 =	sshll.u32 s3, $0x6  }
0x2e6: {  	s1 =	sor.u32 $0x1C04, s29  }
0x2e7: {  	s31 =	simm.s32 $0x4;
	s0 =	sadd.s32 s28, s26;
	s2 =	sshrl.u32 s30, $0x3  }
0x2e8: {  	[hbm:s0], [sflag:s1] =	dma.local [spmem:s2], $0x2780  }
0x2e9: {  	_ =	swait.ge [sflag:s31], $0x2780  }
0x2ea: {  	[sflag:s31] =	ssyncset.done $0x0  }
0x2eb: {  	[sflag:s31] =	ssyncadd.s32 $0xFFFFD880  }
0x2ec: {  	_ =	sfence.sel $0x180000  }
0x2ed: {  	[bflag:$0x0] =	sbarrier.arrive $0xFFFF  }
0x2ee: {  	_ =	strace $0x9000004D  }
0x2ef: {  	[bflag:$0x2] =	sbarrier.arrive $0xFFFF  }
0x2f0: {  	p0 =	sne.s32 s3, $0x0;
	s0 =	rddreg [dreg:$0x2]  }
0x2f1: {  	s0 =	sadd.s32 @!p0 $0x100000, s0  }
0x2f2: {  	[sflag:s0] =	ssyncadd.tile.s32 @!p0 $0x1;
	_ =	shalt  }
.Lfunc_end2:
_tile_overlayer_lowered:
.L_overlay_start_2:
0x2f3: {  	(tag) =	ssettag $0x2  }
0x2f4: {  	s0 =	rddreg [dreg:$0x0];
	s2 =	stileid.u32  }
0x2f5: {  	s1 =	rddreg [dreg:$0x1];
	p0 =	sne.s32 s2, $0x0  }
0x2f6: {  	s3 =	rddreg [dreg:$0x2];
	[bflag:$0x3] =	sbarrier.arrive $0xFFFF;
	s2 =	simm.s32 @!p0 $0x1C04  }
0x2f7: {  	[timem:s3], [sflag:s2] =	dma.local @!p0 [hbm:s0], s1  }
0x2f8: {  	s0 =	simm.s32 @!p0 $0x4  }
0x2f9: {  	_ =	swait.ge @!p0 [sflag:s0], s1  }
0x2fa: {  	s1 =	ssub.s32 @!p0 $0x0, s1;
	[sflag:s0] =	ssyncset.done @!p0 $0x0  }
0x2fb: {  	[sflag:s0] =	ssyncadd.s32 @!p0 s1  }
0x2fc: {  	[bflag:$0x3] =	sbarrier.arrive $0xFFFF  }
0x2fd: {  	_ =	shalt  }

// kernel: kernel.8.cloned.1.call-start
scs
__scs_entry_jumppad:
0x0: {  	(pc) =	sbr.rel $0x88, $3  }
0x1: {  	(tag) =	ssettag $0x0;
	lr =	simm.s32 $0x1  }
0x2: {  	[smem:$0x3F88] =	sst lr;
	_ =	strace $0xD0000000  }
0x3: {  	_ = 	snop  }
0x4: {  	_ = 	snop  }
0x5: {  	_ = 	snop  }
0x6: {  	_ = 	snop  }
0x7: {  	_ = 	snop  }
__scs_overlays_trampoline_lowered:
0x8: {  	[smem:$0x3F97] =	sst s0  }
0x9: {  	[smem:$0x3F98] =	sst s1  }
0xa: {  	[smem:$0x3F99] =	sst s2  }
0xb: {  	[smem:$0x3F9A] =	sst s3  }
0xc: {  	[smem:$0x3F9B] =	sst s4  }
0xd: {  	[smem:$0x3F9C] =	sst s5  }
0xe: {  	[smem:$0x3F9D] =	sst s6  }
0xf: {  	[smem:$0x3F9E] =	sst s7  }
0x10: {  	[smem:$0x3F9F] =	sst s8  }
0x11: {  	[smem:$0x3FA0] =	sst s9;
	s0 =	simm.s32 @!p0 $0x0  }
0x12: {  	s1 =	sld [smem:$0x3F86];
	s0 =	simm.s32 @p0 $0x1  }
0x13: {  	[smem:$0x3FA1] =	sst s0;
	s0 =	simm.s32 @!p1 $0x0  }
0x14: {  	s2 =	sld [smem:$0x3F85];
	s0 =	simm.s32 @p1 $0x1  }
0x15: {  	[smem:$0x3FA2] =	sst s0;
	s0 =	simm.s32 @!p2 $0x0  }
0x16: {  	s3 =	sld [smem:$0x3FDB];
	s0 =	simm.s32 @p2 $0x1  }
0x17: {  	s4 =	simm.s32 $0x1BF5;
	[smem:$0x3FA4] =	sst s0  }
0x18: {  	s0 =	sld [smem:$0x3F87];
	_ =	swait.ge [sflag:s4], $0x0  }
0x19: {  	s7 =	sld [smem:$0x3F88]  }
0x1a: {  	s8 =	sadd.s32 $0xFFFFE003, lr  }
0x1b: {  	s9 =	sadd.s32 $0xFFFFFEF7, lr;
	s5 =	simm.s32 $0xFFFFFFFF;
	p2 =	slt.u32 s8, $0xFFFFF086  }
0x1c: {  	p1 =	slt.u32 s9, $0xF7A;
	s5 =	simm.s32 @!p2 $0x0  }
0x1d: {  	s5 =	simm.s32 @p1 $0x1;
	p0 =	seq.s32 s7, s2  }
0x1e: {  	s7 =	smul.u32 @!p0 $0xF7A, s2;
	p2 =	seq.s32 @!p0 s5, $0x0  }
0x1f: {  	s9 =	smul.u32 $0xF7A, s1;
	s8 =	simm.s32 @!p0 $0x1BF5;
	p2 =	por !p2, p0  }
0x20: {  	[sflag:s8] =	ssyncset.s32 @!p0 $0xFFFFF086;
	s6 =	sadd.s32 @!p0 s3, s7;
	s7 =	simm.s32 @!p0 $0x108  }
0x21: {  	s3 =	sadd.s32 s3, s9;
	s6 =	sadd.s32 @!p0 $0x88, s6;
	s7 =	simm.s32 @p2 $0x1082  }
0x22: {  	[simem:s7], [sflag:s8] =	dma.local @!p0 [hbm:s6], $0xF7A  }
0x23: {  	s9 =	sor.u32 $0xD0000000, s2;
	s6 =	simm.s32 $0x108;
	_ =	swait.ge @!p0 [sflag:s8], $0x0  }
0x24: {  	s3 =	sadd.s32 $0x88, s3;
	s6 =	simm.s32 @!p1 $0x1082;
	[sflag:s4] =	ssyncset.s32 $0xFFFFF086  }
0x25: {  	[simem:s6], [sflag:s4] =	dma.local [hbm:s3], $0xF7A  }
0x26: {  	[smem:$0x3F88] =	sst s1;
	(tag) =	ssettag s2;
	_ =	strace s9  }
0x27: {  	s1 =	sld [smem:$0x3F98]  }
0x28: {  	s2 =	sld [smem:$0x3F99]  }
0x29: {  	s4 =	sld [smem:$0x3F9B]  }
0x2a: {  	p0 =	seq.s32 s5, $0x0;
	s5 =	sld [smem:$0x3F9C]  }
0x2b: {  	s6 =	sld [smem:$0x3F9D]  }
0x2c: {  	s7 =	sld [smem:$0x3F9E]  }
0x2d: {  	s3 =	simm.s32 $0x108;
	s8 =	sld [smem:$0x3F9F]  }
0x2e: {  	s3 =	simm.s32 @!p0 $0x1082;
	s9 =	sld [smem:$0x3FA0]  }
0x2f: {  	lr =	sadd.s32 s0, s3;
	s0 =	sld [smem:$0x3F97]  }
0x30: {  	s3 =	sld [smem:$0x3F9A]  }
0x31: {  	[smem:$0x3FA3] =	sst s10  }
0x32: {  	s10 =	sld [smem:$0x3FA1];
	_ =	sdelay $0x3  }
0x33: {  	p0 =	seq.s32 s10, $0x1;
	s10 =	sld [smem:$0x3FA3];
	_ =	sdelay $0x3  }
0x34: {  	[smem:$0x3FA3] =	sst s10  }
0x35: {  	s10 =	sld [smem:$0x3FA2];
	_ =	sdelay $0x3  }
0x36: {  	p1 =	seq.s32 s10, $0x1;
	s10 =	sld [smem:$0x3FA3];
	_ =	sdelay $0x3  }
0x37: {  	[smem:$0x3FA3] =	sst s10  }
0x38: {  	s10 =	sld [smem:$0x3FA4]  }
0x39: {  	_ = 	snop;
	(pc) =	sbr.ind lr, $3  }
0x3a: {  	_ = 	snop  }
0x3b: {  	_ = 	snop  }
0x3c: {  	p2 =	seq.s32 s10, $0x1;
	s10 =	sld [smem:$0x3FA3]  }
0x3d: {  	_ =	shalt  }
0x3e: {  	_ =	shalt  }
0x3f: {  	_ =	shalt  }
0x40: {  	_ =	shalt  }
0x41: {  	_ =	shalt  }
0x42: {  	_ =	shalt  }
0x43: {  	_ =	shalt  }
0x44: {  	_ =	shalt  }
0x45: {  	_ =	shalt  }
0x46: {  	_ =	shalt  }
0x47: {  	_ =	shalt  }
0x48: {  	_ =	shalt  }
0x49: {  	_ =	shalt  }
0x4a: {  	_ =	shalt  }
0x4b: {  	_ =	shalt  }
0x4c: {  	_ =	shalt  }
0x4d: {  	_ =	shalt  }
0x4e: {  	_ =	shalt  }
0x4f: {  	_ =	shalt  }
0x50: {  	_ =	shalt  }
0x51: {  	_ =	shalt  }
0x52: {  	_ =	shalt  }
0x53: {  	_ =	shalt  }
0x54: {  	_ =	shalt  }
0x55: {  	_ =	shalt  }
0x56: {  	_ =	shalt  }
0x57: {  	_ =	shalt  }
0x58: {  	_ =	shalt  }
0x59: {  	_ =	shalt  }
0x5a: {  	_ =	shalt  }
0x5b: {  	_ =	shalt  }
0x5c: {  	_ =	shalt  }
0x5d: {  	_ =	shalt  }
0x5e: {  	_ =	shalt  }
0x5f: {  	_ =	shalt  }
0x60: {  	_ =	shalt  }
0x61: {  	_ =	shalt  }
0x62: {  	_ =	shalt  }
0x63: {  	_ =	shalt  }
0x64: {  	_ =	shalt  }
0x65: {  	_ =	shalt  }
0x66: {  	_ =	shalt  }
0x67: {  	_ =	shalt  }
0x68: {  	_ =	shalt  }
0x69: {  	_ =	shalt  }
0x6a: {  	_ =	shalt  }
0x6b: {  	_ =	shalt  }
0x6c: {  	_ =	shalt  }
0x6d: {  	_ =	shalt  }
0x6e: {  	_ =	shalt  }
0x6f: {  	_ =	shalt  }
0x70: {  	_ =	shalt  }
0x71: {  	_ =	shalt  }
0x72: {  	_ =	shalt  }
0x73: {  	_ =	shalt  }
0x74: {  	_ =	shalt  }
0x75: {  	_ =	shalt  }
0x76: {  	_ =	shalt  }
0x77: {  	_ =	shalt  }
0x78: {  	_ =	shalt  }
0x79: {  	_ =	shalt  }
0x7a: {  	_ =	shalt  }
0x7b: {  	_ =	shalt  }
0x7c: {  	_ =	shalt  }
0x7d: {  	_ =	shalt  }
0x7e: {  	_ =	shalt  }
0x7f: {  	_ =	shalt  }
0x80: {  	_ =	shalt  }
0x81: {  	_ =	shalt  }
0x82: {  	_ =	shalt  }
0x83: {  	_ =	shalt  }
0x84: {  	_ =	shalt  }
0x85: {  	_ =	shalt  }
0x86: {  	_ =	shalt  }
0x87: {  	_ =	shalt  }
.Lfunc_end0:
.L_simem_size_0:
called_computation_lowered:
.L_overlay_start_0:
0x88: {  	s0 =	sld [smem:$0x3FD9]  }
0x89: {  	s1 =	sld [smem:$0x3FFE];
	_ =	sdelay $0x3  }
0x8a: {  	s0 =	sadd.s32 s1, s0  }
0x8b: {  	[smem:$0x3FAF] =	sst s0  }
0x8c: {  	_ = 	snop  }
0x8d: {  	s0 =	sld [smem:$0x3FC9];
	(tm) =	ssettm $0x1  }
0x8e: {  	s16 =	sld [smem:$0x3FFB];
	_ =	sdelay $0x3  }
0x8f: {  	_ =	strace s16  }
0x90: {  	s1 =	sld [smem:$0x3FFC];
	_ =	sdelay $0x3  }
0x91: {  	_ =	strace s1  }
0x92: {  	s1 =	sld [smem:$0x3FFD];
	_ =	sdelay $0x3  }
0x93: {  	_ =	strace s1  }
0x94: {  	_ =	strace $0x8FFFFFFF  }
0x95: {  	s17 =	sld [smem:$0x3FDB];
	_ =	sdelay $0x1  }
0x96: {  	s2 =	simm.s32 $_scs_section_size  }
0x97: {  	s3 =	simm.s32 $_size__tile_overlayer_lowered;
	s4 =	simm.s32 $_tile_overlayer_lowered  }
0x98: {  	s20 =	simm.s32 $0x1BFF;
	s19 =	sshll.u32 s4, $0x1;
	s1 =	sadd.s32 s2, s17  }
0x99: {  	s5 =	simm.s32 $0x0;
	s18 =	sshll.u32 s3, $0x1;
	s3 =	sadd.s32 s19, s1  }
0x9a: {  	[timem:s5], [sflag:s20] =	dma.local [hbm:s3], s18  }
0x9b: {  	_ =	swait.ge [sflag:s20], s18  }
0x9c: {  	s2 =	ssub.s32 $0x0, s18;
	[sflag:s20] =	ssyncset.done $0x0  }
0x9d: {  	[sflag:s20] =	ssyncadd.s32 s2;
	_ =	sdelay $0x1  }
0x9e: {  	s21 =	simm.s32 $0x1B8B  }
0x9f: {  	_ =	swait.ge [sflag:s21], $0x1  }
0xa0: {  	[sflag:s21] =	ssyncset.done $0x0  }
0xa1: {  	s23 =	simm.s32 $0x1B8E;
	s22 =	sld [smem:$0x3FFE];
	[sflag:s21] =	ssyncadd.s32 $0xFFFFFFFF  }
0xa2: {  	s24 =	simm.s32 $execute0_lowered;
	[smem:$0x3FD2] =	sst s23  }
0xa3: {  	s3 =	sshll.u32 s24, $0x1;
	_ =	strace $0x80000046;
	[dreg:$0x1] =	wrdreg $0xFFFFFFFF  }
0xa4: {  	s25 =	simm.s32 $_size_execute0_lowered;
	s1 =	sadd.s32 s1, s3;
	[dreg:$0x0] =	wrdreg $0x0  }
0xa5: {  	s3 =	sshll.u32 s25, $0x1;
	[dreg:$0x2] =	wrdreg s1  }
0xa6: {  	[dreg:$0x3] =	wrdreg s3  }
0xa7: {  	[dreg:$0x4] =	wrdreg $0xC0  }
0xa8: {  	_ =	task [dreg:s5], $0x5FFFF  }
0xa9: {  	[dreg:$0x1] =	wrdreg $0xFFFFFFFF  }
0xaa: {  	[dreg:$0x0] =	wrdreg $0x60  }
0xab: {  	[dreg:$0x2] =	wrdreg s0  }
0xac: {  	[dreg:$0x3] =	wrdreg s22  }
0xad: {  	[dreg:$0x4] =	wrdreg $0x98000  }
0xae: {  	[dreg:$0x5] =	wrdreg $0x9  }
0xaf: {  	_ =	task.clear_ibuf [dreg:s5], $0x6FFFF;
	_ =	strace $0x90000046  }
0xb0: {  	s26 =	simm.s32 $0x9;
	_ =	strace $0x80000048  }
0xb1: {  	_ =	swait.ge [sflag:s26], $0x1  }
0xb2: {  	[sflag:s26] =	ssyncadd.s32 $0xFFFFFFFF  }
0xb3: {  	_ =	strace $0x90000048  }
0xb4: {  	_ =	sfence  }
0xb5: {  	s28 =	sld [smem:$0x0];
	_ =	sdelay $0x1  }
0xb6: {  	s29 =	srdreg.scid  }
0xb7: {  	s30 =	sshll.u32 s29, $0xD;
	s31 =	sshrl.u32 s29, $0x2  }
0xb8: {  	s2 =	sand.u32 $0x4000, s30;
	s1 =	sand.u32 $0x1, s29;
	s0 =	sadd.s32 s31, s28  }
0xb9: {  	s1 =	sor.u32 s2, s1;
	s0 =	sshll.u32 s0, $0x11  }
0xba: {  	s0 =	sor.u32 s0, s1  }
0xbb: {  	s0 =	sadd.s32 $0x8F2B, s0  }
0xbc: {  	[sflag:s0] =	ssyncadd.remote.s32 $0x1  }
0xbd: {  	_ =	sfence.sel $0xFFFF  }
0xbe: {  	[dreg:$0x0] =	wrdreg $0xFFFFFFFF;
	(pc) =	sbr.abs _section_cstart, $3  }
0xbf: {  	[dreg:$0x1] =	wrdreg $0xFFFFFFFF  }
0xc0: {  	_ =	task.clear_ibuf [dreg:s5], $0x2FFFF;
	_ =	strace $0x9FFFFFFF  }
0xc1: {  	(tm) =	ssettm $0x7FFFFFFF  }
tec
execute0_lowered:
.L_overlay_start_1:
0x0: {  	(tag) =	ssettag $0x1  }
0x1: {  	s4 =	rddreg [dreg:$0x0]  }
0x2: {  	s1 =	rddreg [dreg:$0x1]  }
0x3: {  	s2 =	rddreg [dreg:$0x2];
	s0 =	simm.s32 $0x0  }
0x4: {  	s8 =	stileid.u32;
	s5 =	simm.s32 $0x70;
	[smem:$0x7FF] =	sst s0  }
0x5: {  	s0 =	sadd.s32 $0x4800, s1;
	s3 =	sadd.s32 $0x18800, s1;
	s1 =	sadd.s32 $0x2C800, s1  }
0x6: {  	v0 =	vimm.f32 $0.0e+00;
	s6 =	simm.s32 $0x3C0;
	_ =	strace $0x80000047;
	[smem:$0x7FD] =	sst s1  }
.LBB2_1:
0x7: {  	p0 =	sne.s32 s6, $0x9FC0;
	[tilespmem:s5+$0x2000] =	vst v0  }
0x8: {  	[tilespmem:s5+$0x1F90] =	vst v0  }
0x9: {  	[tilespmem:s5+$0x1FA0] =	vst v0  }
.Ltmp0:
0xa: {  	[tilespmem:s5+$0x1FB0] =	vst v0;
	(pc) =	sbr.rel @p0 .LBB2_1-.Ltmp0, $4  }
0xb: {  	[tilespmem:s5+$0x1FC0] =	vst v0  }
0xc: {  	[tilespmem:s5+$0x1FD0] =	vst v0  }
0xd: {  	[tilespmem:s5+$0x1FE0] =	vst v0  }
0xe: {  	[tilespmem:s5+$0x1FF0] =	vst v0;
	s5 =	sshra.s32 s6, $0x2;
	s6 =	sadd.s32 $0x200, s6  }
0xf: {  	[tilespmem:s5+$0x2000] =	vst v0  }
0x10: {  	[tilespmem:s5+$0x1F90] =	vst v0  }
0x11: {  	[tilespmem:s5+$0x1FA0] =	vst v0  }
0x12: {  	[tilespmem:s5+$0x1FB0] =	vst v0  }
0x13: {  	[tilespmem:s5+$0x1FC0] =	vst v0;
	s1 =	smul.u32 $0x4F000, s8  }
0x14: {  	[tilespmem:s5+$0x1FD0] =	vst v0  }
0x15: {  	[tilespmem:s5+$0x1FE0] =	vst v0;
	s1 =	sshrl.u32 s1, $0x2  }
0x16: {  	[tilespmem:s5+$0x1FF0] =	vst v0;
	s7 =	simm.s32 $0x2000;
	s6 =	simm.s32 $0x4;
	s20 =	sadd.s32 s1, s2  }
0x17: {  	[spmem:s20] =	stream.linear.scatter [tilespmem:s7], [sflag:$0x4], $0x2800, $0x38;
	[tilespmem:$0x1D400] =	vst v63  }
0x18: {  	_ =	swait.ge [sflag:s6], $0x2800  }
0x19: {  	[sflag:s6] =	ssyncset.done $0x0  }
0x1a: {  	s1 =	sadd.s32 $0x2800, s20;
	[sflag:s6] =	ssyncadd.s32 $0xFFFFD800  }
0x1b: {  	[spmem:s1] =	stream.linear.scatter [tilespmem:s7], [sflag:$0x4], $0x2800, $0x38;
	[tilespmem:$0x1D400] =	vst v63  }
0x1c: {  	_ =	swait.ge [sflag:s6], $0x2800  }
0x1d: {  	[sflag:s6] =	ssyncset.done $0x0  }
0x1e: {  	s21 =	sadd.s32 $0x5000, s20;
	[sflag:s6] =	ssyncadd.s32 $0xFFFFD800  }
0x1f: {  	[spmem:s21] =	stream.linear.scatter [tilespmem:s7], [sflag:$0x4], $0x2800, $0x38;
	[tilespmem:$0x1D400] =	vst v63  }
0x20: {  	_ =	swait.ge [sflag:s6], $0x2800  }
0x21: {  	[sflag:s6] =	ssyncset.done $0x0  }
0x22: {  	s22 =	sadd.s32 $0x7800, s20;
	[sflag:s6] =	ssyncadd.s32 $0xFFFFD800  }
0x23: {  	[spmem:s22] =	stream.linear.scatter [tilespmem:s7], [sflag:$0x4], $0x2800, $0x38;
	[tilespmem:$0x1D400] =	vst v63  }
0x24: {  	_ =	swait.ge [sflag:s6], $0x2800  }
0x25: {  	[sflag:s6] =	ssyncset.done $0x0  }
0x26: {  	s23 =	sadd.s32 $0xA000, s20;
	[sflag:s6] =	ssyncadd.s32 $0xFFFFD800  }
0x27: {  	[spmem:s23] =	stream.linear.scatter [tilespmem:s7], [sflag:$0x4], $0x2800, $0x38;
	[tilespmem:$0x1D400] =	vst v63  }
0x28: {  	_ =	swait.ge [sflag:s6], $0x2800  }
0x29: {  	[sflag:s6] =	ssyncset.done $0x0  }
0x2a: {  	s24 =	sadd.s32 $0xC800, s20;
	[sflag:s6] =	ssyncadd.s32 $0xFFFFD800  }
0x2b: {  	[spmem:s24] =	stream.linear.scatter [tilespmem:s7], [sflag:$0x4], $0x2800, $0x38;
	[tilespmem:$0x1D400] =	vst v63  }
0x2c: {  	_ =	swait.ge [sflag:s6], $0x2800  }
0x2d: {  	[sflag:s6] =	ssyncset.done $0x0  }
0x2e: {  	s25 =	sadd.s32 $0xF000, s20;
	[sflag:s6] =	ssyncadd.s32 $0xFFFFD800  }
0x2f: {  	[spmem:s25] =	stream.linear.scatter [tilespmem:s7], [sflag:$0x4], $0x2800, $0x38;
	[tilespmem:$0x1D400] =	vst v63  }
0x30: {  	_ =	swait.ge [sflag:s6], $0x2800  }
0x31: {  	[sflag:s6] =	ssyncset.done $0x0  }
0x32: {  	s26 =	sadd.s32 $0x11800, s20;
	[smem:$0x7F5] =	sst s20;
	[sflag:s6] =	ssyncadd.s32 $0xFFFFD800  }
0x33: {  	[spmem:s26] =	stream.linear.scatter [tilespmem:s7], [sflag:$0x4], $0x2400, $0x38;
	[tilespmem:$0x1D400] =	vst v63  }
0x34: {  	_ =	swait.ge [sflag:s6], $0x2400  }
0x35: {  	s5 =	smul.u32 $0x1400, s8;
	[sflag:s6] =	ssyncset.done $0x0  }
0x36: {  	[sflag:s6] =	ssyncadd.s32 $0xFFFFDC00  }
0x37: {  	s3 =	sadd.s32 s5, s3;
	[bflag:$0x0] =	sbarrier.arrive $0xFFFF  }
0x38: {  	s0 =	sadd.s32 s5, s0;
	[dreg:$0x4] =	wrdreg s3  }
0x39: {  	s8 =	simm.s32 $0x80;
	[dreg:$0x5] =	wrdreg s0  }
0x3a: {  	s9 =	simm.s32 $0x100;
	[dreg:$0x6] =	wrdreg s8  }
0x3b: {  	s10 =	simm.s32 $0x180;
	[dreg:$0x7] =	wrdreg s9  }
0x3c: {  	s11 =	simm.s32 $0x1080;
	[dreg:$0x8] =	wrdreg s10  }
0x3d: {  	s12 =	simm.s32 $0x200;
	[dreg:$0x9] =	wrdreg s11  }
0x3e: {  	s13 =	simm.s32 $0x1100;
	[dreg:$0xa] =	wrdreg s12  }
0x3f: {  	s14 =	simm.s32 $0x280;
	[dreg:$0xb] =	wrdreg s13  }
0x40: {  	s15 =	simm.s32 $0x1180;
	[dreg:$0xc] =	wrdreg s14  }
0x41: {  	s16 =	simm.s32 $0x300;
	[dreg:$0xd] =	wrdreg s15  }
0x42: {  	s17 =	simm.s32 $0x1200;
	[dreg:$0xe] =	wrdreg s16  }
0x43: {  	s18 =	simm.s32 $0x380;
	[dreg:$0xf] =	wrdreg s17  }
0x44: {  	s19 =	simm.s32 $0x1280;
	[dreg:$0x10] =	wrdreg s18  }
0x45: {  	s20 =	simm.s32 $0x400;
	[dreg:$0x11] =	wrdreg s19  }
0x46: {  	s21 =	simm.s32 $0x1300;
	[dreg:$0x12] =	wrdreg s20  }
0x47: {  	s22 =	simm.s32 $0x480;
	[dreg:$0x13] =	wrdreg s21  }
0x48: {  	s23 =	simm.s32 $0x1380;
	[dreg:$0x14] =	wrdreg s22  }
0x49: {  	s24 =	simm.s32 $0x500;
	[dreg:$0x15] =	wrdreg s23  }
0x4a: {  	s25 =	simm.s32 $0x1400;
	[dreg:$0x16] =	wrdreg s24  }
0x4b: {  	s26 =	simm.s32 $0x580;
	[dreg:$0x17] =	wrdreg s25  }
0x4c: {  	s1 =	simm.s32 $0x1480;
	[dreg:$0x18] =	wrdreg s26  }
0x4d: {  	s5 =	simm.s32 $0x1500;
	[dreg:$0x19] =	wrdreg s1  }
0x4e: {  	s3 =	simm.s32 $0x600;
	[dreg:$0x1b] =	wrdreg s5  }
0x4f: {  	s8 =	simm.s32 $0x680;
	[dreg:$0x1a] =	wrdreg s3  }
0x50: {  	s9 =	simm.s32 $0x1580;
	[dreg:$0x1c] =	wrdreg s8  }
0x51: {  	s10 =	simm.s32 $0x700;
	[dreg:$0x1d] =	wrdreg s9  }
0x52: {  	s11 =	simm.s32 $0x1600;
	[dreg:$0x1e] =	wrdreg s10  }
0x53: {  	s12 =	simm.s32 $0x780;
	[dreg:$0x1f] =	wrdreg s11  }
0x54: {  	s13 =	simm.s32 $0x1680;
	[smem:$0x7F6] =	sst s12  }
0x55: {  	s14 =	simm.s32 $0x800;
	[smem:$0x7F7] =	sst s13  }
0x56: {  	s15 =	simm.s32 $0x1700;
	[smem:$0x7F8] =	sst s14  }
0x57: {  	[smem:$0x7F9] =	sst s15  }
0x58: {  	s16 =	simm.s32 $0x880;
	s17 =	rddreg [dreg:$0x5]  }
0x59: {  	s18 =	simm.s32 $0x1780;
	[smem:$0x7FA] =	sst s16  }
0x5a: {  	s19 =	simm.s32 $0x900;
	[smem:$0x7FB] =	sst s18  }
0x5b: {  	s14 =	simm.s32 $0x0;
	[smem:$0x7FC] =	sst s19;
	s20 =	sadd.s32 $0x0, s17  }
0x5c: {  	[tilespmem:s14], [sflag:$0x4] =	stream.linear.gather [hbm4b:s20+s14], $0xC80, $0x38;
	[tilespmem:$0x1D400] =	vst v63  }
0x5d: {  	_ =	swait.ge [sflag:s6], $0xC80  }
0x5e: {  	s21 =	rddreg [dreg:$0x4];
	[sflag:s6] =	ssyncset.done $0x0  }
0x5f: {  	s15 =	simm.s32 $0x1000;
	[sflag:s6] =	ssyncadd.s32 $0xFFFFF380;
	s0 =	sadd.s32 $0x0, s21  }
0x60: {  	[tilespmem:s15], [sflag:$0x4] =	stream.linear.gather [hbm4b:s0+s14], $0xC80, $0x38;
	[tilespmem:$0x1D400] =	vst v63  }
0x61: {  	_ =	swait.ge [sflag:s6], $0xC80  }
0x62: {  	[sflag:s6] =	ssyncset.done $0x0  }
0x63: {  	s8 =	simm.s32 $0x50;
	[sflag:s6] =	ssyncadd.s32 $0xFFFFF380  }
0x64: {  	[tilespmem:s7], [sflag:$0x1] =	stream.indirect.gather [hbm4b:s4+s8], $0x80, s14, s8, $0xb8;
	[tilespmem:$0x1D400] =	vst v63  }
0x65: {  	s11 =	simm.s32 $0x4800;
	s22 =	rddreg [dreg:$0x6]  }
0x66: {  	[tilespmem:s11], [sflag:$0x2] =	stream.indirect.gather [hbm4b:s4+s8], $0x80, s22, s8, $0xb8;
	[tilespmem:$0x1D400] =	vst v63  }
0x67: {  	s10 =	simm.s32 $0x7000;
	s9 =	simm.s32 $0x1;
	s23 =	rddreg [dreg:$0x7]  }
0x68: {  	[tilespmem:s10], [sflag:$0x3] =	stream.indirect.gather [hbm4b:s4+s8], $0x80, s23, s8, $0xb8;
	[tilespmem:$0x1D400] =	vst v63  }
0x69: {  	_ =	swait.ge [sflag:s9], $0x2800  }
0x6a: {  	[sflag:s9] =	ssyncset.done $0x0  }
0x6b: {  	[sflag:s9] =	ssyncadd.s32 $0xFFFFD800  }
0x6c: {  	[spmem:s2] =	stream.indirect.scatter.add.f32 [tilespmem:s7], [sflag:$0x4], $0x80, s15, s8, $0xb8;
	[tilespmem:$0x1D400] =	vst v63  }
0x6d: {  	_ =	swait.ge [sflag:s6], $0x2800  }
0x6e: {  	[sflag:s6] =	ssyncset.done $0x0  }
0x6f: {  	s12 =	simm.s32 $0x2;
	s24 =	rddreg [dreg:$0x8];
	[sflag:s6] =	ssyncadd.s32 $0xFFFFD800  }
0x70: {  	[tilespmem:s7], [sflag:$0x1] =	stream.indirect.gather [hbm4b:s4+s8], $0x80, s24, s8, $0xb8;
	[tilespmem:$0x1D400] =	vst v63  }
0x71: {  	_ =	swait.ge [sflag:s12], $0x2800  }
0x72: {  	[sflag:s12] =	ssyncset.done $0x0  }
0x73: {  	s25 =	rddreg [dreg:$0x9];
	[sflag:s12] =	ssyncadd.s32 $0xFFFFD800  }
0x74: {  	[spmem:s2] =	stream.indirect.scatter.add.f32 [tilespmem:s11], [sflag:$0x4], $0x80, s25, s8, $0xb8;
	[tilespmem:$0x1D400] =	vst v63  }
0x75: {  	_ =	swait.ge [sflag:s6], $0x2800  }
0x76: {  	[sflag:s6] =	ssyncset.done $0x0  }
0x77: {  	s13 =	simm.s32 $0x3;
	s26 =	rddreg [dreg:$0xa];
	[sflag:s6] =	ssyncadd.s32 $0xFFFFD800  }
0x78: {  	[tilespmem:s11], [sflag:$0x2] =	stream.indirect.gather [hbm4b:s4+s8], $0x80, s26, s8, $0xb8;
	[tilespmem:$0x1D400] =	vst v63  }
0x79: {  	_ =	swait.ge [sflag:s13], $0x2800  }
0x7a: {  	[sflag:s13] =	ssyncset.done $0x0  }
0x7b: {  	s1 =	rddreg [dreg:$0xb];
	[sflag:s13] =	ssyncadd.s32 $0xFFFFD800  }
0x7c: {  	[spmem:s2] =	stream.indirect.scatter.add.f32 [tilespmem:s10], [sflag:$0x4], $0x80, s1, s8, $0xb8;
	[tilespmem:$0x1D400] =	vst v63  }
0x7d: {  	_ =	swait.ge [sflag:s6], $0x2800  }
0x7e: {  	[sflag:s6] =	ssyncset.done $0x0  }
0x7f: {  	s3 =	rddreg [dreg:$0xc];
	[sflag:s6] =	ssyncadd.s32 $0xFFFFD800  }
0x80: {  	[tilespmem:s10], [sflag:$0x3] =	stream.indirect.gather [hbm4b:s4+s8], $0x80, s3, s8, $0xb8;
	[tilespmem:$0x1D400] =	vst v63  }
0x81: {  	_ =	swait.ge [sflag:s9], $0x2800  }
0x82: {  	[sflag:s9] =	ssyncset.done $0x0  }
0x83: {  	s5 =	rddreg [dreg:$0xd];
	[sflag:s9] =	ssyncadd.s32 $0xFFFFD800  }
0x84: {  	[spmem:s2] =	stream.indirect.scatter.add.f32 [tilespmem:s7], [sflag:$0x4], $0x80, s5, s8, $0xb8;
	[tilespmem:$0x1D400] =	vst v63  }
0x85: {  	_ =	swait.ge [sflag:s6], $0x2800  }
0x86: {  	[sflag:s6] =	ssyncset.done $0x0  }
0x87: {  	s16 =	rddreg [dreg:$0xe];
	[sflag:s6] =	ssyncadd.s32 $0xFFFFD800  }
0x88: {  	[tilespmem:s7], [sflag:$0x1] =	stream.indirect.gather [hbm4b:s4+s8], $0x80, s16, s8, $0xb8;
	[tilespmem:$0x1D400] =	vst v63  }
0x89: {  	_ =	swait.ge [sflag:s12], $0x2800  }
0x8a: {  	[sflag:s12] =	ssyncset.done $0x0  }
0x8b: {  	s17 =	rddreg [dreg:$0xf];
	[sflag:s12] =	ssyncadd.s32 $0xFFFFD800  }
0x8c: {  	[spmem:s2] =	stream.indirect.scatter.add.f32 [tilespmem:s11], [sflag:$0x4], $0x80, s17, s8, $0xb8;
	[tilespmem:$0x1D400] =	vst v63  }
0x8d: {  	_ =	swait.ge [sflag:s6], $0x2800  }
0x8e: {  	[sflag:s6] =	ssyncset.done $0x0  }
0x8f: {  	s18 =	rddreg [dreg:$0x10];
	[sflag:s6] =	ssyncadd.s32 $0xFFFFD800  }
0x90: {  	[tilespmem:s11], [sflag:$0x2] =	stream.indirect.gather [hbm4b:s4+s8], $0x80, s18, s8, $0xb8;
	[tilespmem:$0x1D400] =	vst v63  }
0x91: {  	_ =	swait.ge [sflag:s13], $0x2800  }
0x92: {  	[sflag:s13] =	ssyncset.done $0x0  }
0x93: {  	s19 =	rddreg [dreg:$0x11];
	[sflag:s13] =	ssyncadd.s32 $0xFFFFD800  }
0x94: {  	[spmem:s2] =	stream.indirect.scatter.add.f32 [tilespmem:s10], [sflag:$0x4], $0x80, s19, s8, $0xb8;
	[tilespmem:$0x1D400] =	vst v63  }
0x95: {  	_ =	swait.ge [sflag:s6], $0x2800  }
0x96: {  	[sflag:s6] =	ssyncset.done $0x0  }
0x97: {  	s20 =	rddreg [dreg:$0x12];
	[sflag:s6] =	ssyncadd.s32 $0xFFFFD800  }
0x98: {  	[tilespmem:s10], [sflag:$0x3] =	stream.indirect.gather [hbm4b:s4+s8], $0x80, s20, s8, $0xb8;
	[tilespmem:$0x1D400] =	vst v63  }
0x99: {  	_ =	swait.ge [sflag:s9], $0x2800  }
0x9a: {  	[sflag:s9] =	ssyncset.done $0x0  }
0x9b: {  	s21 =	rddreg [dreg:$0x13];
	[sflag:s9] =	ssyncadd.s32 $0xFFFFD800  }
0x9c: {  	[spmem:s2] =	stream.indirect.scatter.add.f32 [tilespmem:s7], [sflag:$0x4], $0x80, s21, s8, $0xb8;
	[tilespmem:$0x1D400] =	vst v63  }
0x9d: {  	_ =	swait.ge [sflag:s6], $0x2800  }
0x9e: {  	[sflag:s6] =	ssyncset.done $0x0  }
0x9f: {  	s22 =	rddreg [dreg:$0x14];
	[sflag:s6] =	ssyncadd.s32 $0xFFFFD800  }
0xa0: {  	[tilespmem:s7], [sflag:$0x1] =	stream.indirect.gather [hbm4b:s4+s8], $0x80, s22, s8, $0xb8;
	[tilespmem:$0x1D400] =	vst v63  }
0xa1: {  	_ =	swait.ge [sflag:s12], $0x2800  }
0xa2: {  	[sflag:s12] =	ssyncset.done $0x0  }
0xa3: {  	s23 =	rddreg [dreg:$0x15];
	[sflag:s12] =	ssyncadd.s32 $0xFFFFD800  }
0xa4: {  	[spmem:s2] =	stream.indirect.scatter.add.f32 [tilespmem:s11], [sflag:$0x4], $0x80, s23, s8, $0xb8;
	[tilespmem:$0x1D400] =	vst v63  }
0xa5: {  	_ =	swait.ge [sflag:s6], $0x2800  }
0xa6: {  	[sflag:s6] =	ssyncset.done $0x0  }
0xa7: {  	s24 =	rddreg [dreg:$0x16];
	[sflag:s6] =	ssyncadd.s32 $0xFFFFD800  }
0xa8: {  	[tilespmem:s11], [sflag:$0x2] =	stream.indirect.gather [hbm4b:s4+s8], $0x80, s24, s8, $0xb8;
	[tilespmem:$0x1D400] =	vst v63  }
0xa9: {  	_ =	swait.ge [sflag:s13], $0x2800  }
0xaa: {  	[sflag:s13] =	ssyncset.done $0x0  }
0xab: {  	s25 =	rddreg [dreg:$0x17];
	[sflag:s13] =	ssyncadd.s32 $0xFFFFD800  }
0xac: {  	[spmem:s2] =	stream.indirect.scatter.add.f32 [tilespmem:s10], [sflag:$0x4], $0x80, s25, s8, $0xb8;
	[tilespmem:$0x1D400] =	vst v63  }
0xad: {  	_ =	swait.ge [sflag:s6], $0x2800  }
0xae: {  	[sflag:s6] =	ssyncset.done $0x0  }
0xaf: {  	s26 =	rddreg [dreg:$0x18];
	[sflag:s6] =	ssyncadd.s32 $0xFFFFD800  }
0xb0: {  	[tilespmem:s10], [sflag:$0x3] =	stream.indirect.gather [hbm4b:s4+s8], $0x80, s26, s8, $0xb8;
	[tilespmem:$0x1D400] =	vst v63  }
0xb1: {  	_ =	swait.ge [sflag:s9], $0x2800  }
0xb2: {  	[sflag:s9] =	ssyncset.done $0x0  }
0xb3: {  	s1 =	rddreg [dreg:$0x19];
	[sflag:s9] =	ssyncadd.s32 $0xFFFFD800  }
0xb4: {  	[spmem:s2] =	stream.indirect.scatter.add.f32 [tilespmem:s7], [sflag:$0x4], $0x80, s1, s8, $0xb8;
	[tilespmem:$0x1D400] =	vst v63  }
0xb5: {  	_ =	swait.ge [sflag:s6], $0x2800  }
0xb6: {  	[sflag:s6] =	ssyncset.done $0x0  }
0xb7: {  	s3 =	rddreg [dreg:$0x1a];
	[sflag:s6] =	ssyncadd.s32 $0xFFFFD800  }
0xb8: {  	[tilespmem:s7], [sflag:$0x1] =	stream.indirect.gather [hbm4b:s4+s8], $0x80, s3, s8, $0xb8;
	[tilespmem:$0x1D400] =	vst v63  }
0xb9: {  	_ =	swait.ge [sflag:s12], $0x2800  }
0xba: {  	[sflag:s12] =	ssyncset.done $0x0  }
0xbb: {  	s5 =	rddreg [dreg:$0x1b];
	[sflag:s12] =	ssyncadd.s32 $0xFFFFD800  }
0xbc: {  	[spmem:s2] =	stream.indirect.scatter.add.f32 [tilespmem:s11], [sflag:$0x4], $0x80, s5, s8, $0xb8;
	[tilespmem:$0x1D400] =	vst v63  }
0xbd: {  	_ =	swait.ge [sflag:s6], $0x2800  }
0xbe: {  	[sflag:s6] =	ssyncset.done $0x0  }
0xbf: {  	s16 =	rddreg [dreg:$0x1c];
	[sflag:s6] =	ssyncadd.s32 $0xFFFFD800  }
0xc0: {  	[tilespmem:s11], [sflag:$0x2] =	stream.indirect.gather [hbm4b:s4+s8], $0x80, s16, s8, $0xb8;
	[tilespmem:$0x1D400] =	vst v63  }
0xc1: {  	_ =	swait.ge [sflag:s13], $0x2800  }
0xc2: {  	[sflag:s13] =	ssyncset.done $0x0  }
0xc3: {  	s17 =	rddreg [dreg:$0x1d];
	[sflag:s13] =	ssyncadd.s32 $0xFFFFD800  }
0xc4: {  	[spmem:s2] =	stream.indirect.scatter.add.f32 [tilespmem:s10], [sflag:$0x4], $0x80, s17, s8, $0xb8;
	[tilespmem:$0x1D400] =	vst v63  }
0xc5: {  	_ =	swait.ge [sflag:s6], $0x2800  }
0xc6: {  	[sflag:s6] =	ssyncset.done $0x0  }
0xc7: {  	s18 =	rddreg [dreg:$0x1e];
	[sflag:s6] =	ssyncadd.s32 $0xFFFFD800  }
0xc8: {  	[tilespmem:s10], [sflag:$0x3] =	stream.indirect.gather [hbm4b:s4+s8], $0x80, s18, s8, $0xb8;
	[tilespmem:$0x1D400] =	vst v63  }
0xc9: {  	_ =	swait.ge [sflag:s9], $0x2800  }
0xca: {  	[sflag:s9] =	ssyncset.done $0x0  }
0xcb: {  	s19 =	rddreg [dreg:$0x1f];
	[sflag:s9] =	ssyncadd.s32 $0xFFFFD800  }
0xcc: {  	[spmem:s2] =	stream.indirect.scatter.add.f32 [tilespmem:s7], [sflag:$0x4], $0x80, s19, s8, $0xb8;
	[tilespmem:$0x1D400] =	vst v63  }
0xcd: {  	_ =	swait.ge [sflag:s6], $0x2800  }
0xce: {  	s20 =	sld [smem:$0x7F6]  }
0xcf: {  	[sflag:s6] =	ssyncset.done $0x0  }
0xd0: {  	[sflag:s6] =	ssyncadd.s32 $0xFFFFD800  }
0xd1: {  	[tilespmem:s7], [sflag:$0x1] =	stream.indirect.gather [hbm4b:s4+s8], $0x80, s20, s8, $0xb8;
	[tilespmem:$0x1D400] =	vst v63  }
0xd2: {  	_ =	swait.ge [sflag:s12], $0x2800  }
0xd3: {  	s21 =	sld [smem:$0x7F7]  }
0xd4: {  	[sflag:s12] =	ssyncset.done $0x0  }
0xd5: {  	[sflag:s12] =	ssyncadd.s32 $0xFFFFD800  }
0xd6: {  	[spmem:s2] =	stream.indirect.scatter.add.f32 [tilespmem:s11], [sflag:$0x4], $0x80, s21, s8, $0xb8;
	[tilespmem:$0x1D400] =	vst v63  }
0xd7: {  	_ =	swait.ge [sflag:s6], $0x2800  }
0xd8: {  	s22 =	sld [smem:$0x7F8]  }
0xd9: {  	[sflag:s6] =	ssyncset.done $0x0  }
0xda: {  	[sflag:s6] =	ssyncadd.s32 $0xFFFFD800  }
0xdb: {  	[tilespmem:s11], [sflag:$0x2] =	stream.indirect.gather [hbm4b:s4+s8], $0x80, s22, s8, $0xb8;
	[tilespmem:$0x1D400] =	vst v63  }
0xdc: {  	_ =	swait.ge [sflag:s13], $0x2800  }
0xdd: {  	s23 =	sld [smem:$0x7F9]  }
0xde: {  	[sflag:s13] =	ssyncset.done $0x0  }
0xdf: {  	[sflag:s13] =	ssyncadd.s32 $0xFFFFD800  }
0xe0: {  	[spmem:s2] =	stream.indirect.scatter.add.f32 [tilespmem:s10], [sflag:$0x4], $0x80, s23, s8, $0xb8;
	[tilespmem:$0x1D400] =	vst v63  }
0xe1: {  	_ =	swait.ge [sflag:s6], $0x2800  }
0xe2: {  	s24 =	sld [smem:$0x7FA]  }
0xe3: {  	[sflag:s6] =	ssyncset.done $0x0  }
0xe4: {  	[sflag:s6] =	ssyncadd.s32 $0xFFFFD800  }
0xe5: {  	[tilespmem:s10], [sflag:$0x3] =	stream.indirect.gather [hbm4b:s4+s8], $0x80, s24, s8, $0xb8;
	[tilespmem:$0x1D400] =	vst v63  }
0xe6: {  	_ =	swait.ge [sflag:s9], $0x2800  }
0xe7: {  	s25 =	sld [smem:$0x7FB]  }
0xe8: {  	[sflag:s9] =	ssyncset.done $0x0  }
0xe9: {  	[sflag:s9] =	ssyncadd.s32 $0xFFFFD800  }
0xea: {  	[spmem:s2] =	stream.indirect.scatter.add.f32 [tilespmem:s7], [sflag:$0x4], $0x80, s25, s8, $0xb8;
	[tilespmem:$0x1D400] =	vst v63  }
0xeb: {  	_ =	swait.ge [sflag:s6], $0x2800  }
0xec: {  	s26 =	sld [smem:$0x7FC]  }
0xed: {  	[sflag:s6] =	ssyncset.done $0x0  }
0xee: {  	[sflag:s6] =	ssyncadd.s32 $0xFFFFD800  }
0xef: {  	[tilespmem:s7], [sflag:$0x1] =	stream.indirect.gather [hbm4b:s4+s8], $0x80, s26, s8, $0xb8;
	[tilespmem:$0x1D400] =	vst v63  }
0xf0: {  	_ =	swait.ge [sflag:s12], $0x2800  }
0xf1: {  	[sflag:s12] =	ssyncset.done $0x0  }
0xf2: {  	s16 =	simm.s32 $0x1800;
	[sflag:s12] =	ssyncadd.s32 $0xFFFFD800  }
0xf3: {  	[spmem:s2] =	stream.indirect.scatter.add.f32 [tilespmem:s11], [sflag:$0x4], $0x80, s16, s8, $0xb8;
	[tilespmem:$0x1D400] =	vst v63  }
0xf4: {  	_ =	swait.ge [sflag:s6], $0x2800  }
0xf5: {  	[sflag:s6] =	ssyncset.done $0x0  }
0xf6: {  	s17 =	simm.s32 $0x980;
	[sflag:s6] =	ssyncadd.s32 $0xFFFFD800  }
0xf7: {  	[tilespmem:s11], [sflag:$0x2] =	stream.indirect.gather [hbm4b:s4+s8], $0x80, s17, s8, $0xb8;
	[tilespmem:$0x1D400] =	vst v63  }
0xf8: {  	_ =	swait.ge [sflag:s13], $0x2800  }
0xf9: {  	[sflag:s13] =	ssyncset.done $0x0  }
0xfa: {  	s18 =	simm.s32 $0x1880;
	[sflag:s13] =	ssyncadd.s32 $0xFFFFD800  }
0xfb: {  	[spmem:s2] =	stream.indirect.scatter.add.f32 [tilespmem:s10], [sflag:$0x4], $0x80, s18, s8, $0xb8;
	[tilespmem:$0x1D400] =	vst v63  }
0xfc: {  	_ =	swait.ge [sflag:s6], $0x2800  }
0xfd: {  	[sflag:s6] =	ssyncset.done $0x0  }
0xfe: {  	s19 =	simm.s32 $0xA00;
	[sflag:s6] =	ssyncadd.s32 $0xFFFFD800  }
0xff: {  	[tilespmem:s10], [sflag:$0x3] =	stream.indirect.gather [hbm4b:s4+s8], $0x80, s19, s8, $0xb8;
	[tilespmem:$0x1D400] =	vst v63  }
0x100: {  	_ =	swait.ge [sflag:s9], $0x2800  }
0x101: {  	[sflag:s9] =	ssyncset.done $0x0  }
0x102: {  	s20 =	simm.s32 $0x1900;
	[sflag:s9] =	ssyncadd.s32 $0xFFFFD800  }
0x103: {  	[spmem:s2] =	stream.indirect.scatter.add.f32 [tilespmem:s7], [sflag:$0x4], $0x80, s20, s8, $0xb8;
	[tilespmem:$0x1D400] =	vst v63  }
0x104: {  	_ =	swait.ge [sflag:s6], $0x2800  }
0x105: {  	[sflag:s6] =	ssyncset.done $0x0  }
0x106: {  	s21 =	simm.s32 $0xA80;
	[sflag:s6] =	ssyncadd.s32 $0xFFFFD800  }
0x107: {  	[tilespmem:s7], [sflag:$0x1] =	stream.indirect.gather [hbm4b:s4+s8], $0x80, s21, s8, $0xb8;
	[tilespmem:$0x1D400] =	vst v63  }
0x108: {  	_ =	swait.ge [sflag:s12], $0x2800  }
0x109: {  	[sflag:s12] =	ssyncset.done $0x0  }
0x10a: {  	s22 =	simm.s32 $0x1980;
	[sflag:s12] =	ssyncadd.s32 $0xFFFFD800  }
0x10b: {  	[spmem:s2] =	stream.indirect.scatter.add.f32 [tilespmem:s11], [sflag:$0x4], $0x80, s22, s8, $0xb8;
	[tilespmem:$0x1D400] =	vst v63  }
0x10c: {  	_ =	swait.ge [sflag:s6], $0x2800  }
0x10d: {  	[sflag:s6] =	ssyncset.done $0x0  }
0x10e: {  	s23 =	simm.s32 $0xB00;
	[sflag:s6] =	ssyncadd.s32 $0xFFFFD800  }
0x10f: {  	[tilespmem:s11], [sflag:$0x2] =	stream.indirect.gather [hbm4b:s4+s8], $0x80, s23, s8, $0xb8;
	[tilespmem:$0x1D400] =	vst v63  }
0x110: {  	_ =	swait.ge [sflag:s13], $0x2800  }
0x111: {  	[sflag:s13] =	ssyncset.done $0x0  }
0x112: {  	s24 =	simm.s32 $0x1A00;
	[sflag:s13] =	ssyncadd.s32 $0xFFFFD800  }
0x113: {  	[spmem:s2] =	stream.indirect.scatter.add.f32 [tilespmem:s10], [sflag:$0x4], $0x80, s24, s8, $0xb8;
	[tilespmem:$0x1D400] =	vst v63  }
0x114: {  	_ =	swait.ge [sflag:s6], $0x2800  }
0x115: {  	[sflag:s6] =	ssyncset.done $0x0  }
0x116: {  	s25 =	simm.s32 $0xB80;
	[sflag:s6] =	ssyncadd.s32 $0xFFFFD800  }
0x117: {  	[tilespmem:s10], [sflag:$0x3] =	stream.indirect.gather [hbm4b:s4+s8], $0x80, s25, s8, $0xb8;
	[tilespmem:$0x1D400] =	vst v63  }
0x118: {  	_ =	swait.ge [sflag:s9], $0x2800  }
0x119: {  	[sflag:s9] =	ssyncset.done $0x0  }
0x11a: {  	s26 =	simm.s32 $0x1A80;
	[sflag:s9] =	ssyncadd.s32 $0xFFFFD800  }
0x11b: {  	[spmem:s2] =	stream.indirect.scatter.add.f32 [tilespmem:s7], [sflag:$0x4], $0x80, s26, s8, $0xb8;
	[tilespmem:$0x1D400] =	vst v63  }
0x11c: {  	_ =	swait.ge [sflag:s6], $0x2800  }
0x11d: {  	[sflag:s6] =	ssyncset.done $0x0  }
0x11e: {  	s28 =	simm.s32 $0xC00;
	[sflag:s6] =	ssyncadd.s32 $0xFFFFD800  }
0x11f: {  	[tilespmem:s7], [sflag:$0x1] =	stream.indirect.gather [hbm4b:s4+s8], $0x80, s28, s8, $0xb8;
	[tilespmem:$0x1D400] =	vst v63  }
0x120: {  	_ =	swait.ge [sflag:s12], $0x2800  }
0x121: {  	[sflag:s12] =	ssyncset.done $0x0  }
0x122: {  	s29 =	simm.s32 $0x1B00;
	[sflag:s12] =	ssyncadd.s32 $0xFFFFD800  }
0x123: {  	[spmem:s2] =	stream.indirect.scatter.add.f32 [tilespmem:s11], [sflag:$0x4], $0x80, s29, s8, $0xb8;
	[tilespmem:$0x1D400] =	vst v63  }
0x124: {  	_ =	swait.ge [sflag:s6], $0x2800  }
0x125: {  	[sflag:s6] =	ssyncset.done $0x0  }
0x126: {  	[sflag:s6] =	ssyncadd.s32 $0xFFFFD800  }
0x127: {  	_ =	swait.ge [sflag:s13], $0x2800  }
0x128: {  	[sflag:s13] =	ssyncset.done $0x0  }
0x129: {  	s30 =	simm.s32 $0x1B80;
	[sflag:s13] =	ssyncadd.s32 $0xFFFFD800  }
0x12a: {  	[spmem:s2] =	stream.indirect.scatter.add.f32 [tilespmem:s10], [sflag:$0x4], $0x80, s30, s8, $0xb8;
	[tilespmem:$0x1D400] =	vst v63  }
0x12b: {  	_ =	swait.ge [sflag:s6], $0x2800  }
0x12c: {  	[sflag:s6] =	ssyncset.done $0x0  }
0x12d: {  	[sflag:s6] =	ssyncadd.s32 $0xFFFFD800  }
0x12e: {  	_ =	swait.ge [sflag:s9], $0x2800  }
0x12f: {  	[sflag:s9] =	ssyncset.done $0x0  }
0x130: {  	s31 =	simm.s32 $0x1C00;
	[sflag:s9] =	ssyncadd.s32 $0xFFFFD800  }
0x131: {  	[spmem:s2] =	stream.indirect.scatter.add.f32 [tilespmem:s7], [sflag:$0x4], $0x80, s31, s8, $0xb8;
	[tilespmem:$0x1D400] =	vst v63  }
0x132: {  	s0 =	simm.s32 $0x200;
	_ =	swait.ge [sflag:s6], $0x2800  }
0x133: {  	s3 =	simm.s32 $0x400;
	[sflag:s6] =	ssyncset.done $0x0;
	s1 =	rddreg [dreg:$0x5]  }
.LBB2_3:
0x134: {  	[sflag:s6] =	ssyncadd.s32 $0xFFFFD800;
	s1 =	sadd.s32 s0, s1  }
0x135: {  	[tilespmem:s14], [sflag:$0x4] =	stream.linear.gather [hbm4b:s1+s14], $0xC80, $0x38;
	[tilespmem:$0x1D400] =	vst v63  }
0x136: {  	_ =	swait.ge [sflag:s6], $0xC80  }
0x137: {  	s1 =	rddreg [dreg:$0x4];
	[sflag:s6] =	ssyncset.done $0x0  }
0x138: {  	[sflag:s6] =	ssyncadd.s32 $0xFFFFF380;
	s1 =	sadd.s32 s0, s1  }
0x139: {  	[tilespmem:s15], [sflag:$0x4] =	stream.linear.gather [hbm4b:s1+s14], $0xC80, $0x38;
	[tilespmem:$0x1D400] =	vst v63  }
0x13a: {  	_ =	swait.ge [sflag:s6], $0xC80  }
0x13b: {  	[sflag:s6] =	ssyncset.done $0x0  }
0x13c: {  	[sflag:s6] =	ssyncadd.s32 $0xFFFFF380  }
0x13d: {  	[tilespmem:s7], [sflag:$0x1] =	stream.indirect.gather [hbm4b:s4+s8], $0x80, s14, s8, $0xb8;
	[tilespmem:$0x1D400] =	vst v63  }
0x13e: {  	s5 =	smov.u32 s3;
	s1 =	rddreg [dreg:$0x6]  }
0x13f: {  	[tilespmem:s11], [sflag:$0x2] =	stream.indirect.gather [hbm4b:s4+s8], $0x80, s1, s8, $0xb8;
	[tilespmem:$0x1D400] =	vst v63  }
0x140: {  	s0 =	smov.u32 s5;
	s5 =	rddreg [dreg:$0x7]  }
0x141: {  	[tilespmem:s10], [sflag:$0x3] =	stream.indirect.gather [hbm4b:s4+s8], $0x80, s5, s8, $0xb8;
	[tilespmem:$0x1D400] =	vst v63  }
0x142: {  	_ =	swait.ge [sflag:s9], $0x2800  }
0x143: {  	[sflag:s9] =	ssyncset.done $0x0  }
0x144: {  	[sflag:s9] =	ssyncadd.s32 $0xFFFFD800  }
0x145: {  	[spmem:s2] =	stream.indirect.scatter.add.f32 [tilespmem:s7], [sflag:$0x4], $0x80, s15, s8, $0xb8;
	[tilespmem:$0x1D400] =	vst v63  }
0x146: {  	_ =	swait.ge [sflag:s6], $0x2800  }
0x147: {  	[sflag:s6] =	ssyncset.done $0x0  }
0x148: {  	s5 =	rddreg [dreg:$0x8];
	[sflag:s6] =	ssyncadd.s32 $0xFFFFD800  }
0x149: {  	[tilespmem:s7], [sflag:$0x1] =	stream.indirect.gather [hbm4b:s4+s8], $0x80, s5, s8, $0xb8;
	[tilespmem:$0x1D400] =	vst v63  }
0x14a: {  	_ =	swait.ge [sflag:s12], $0x2800  }
0x14b: {  	[sflag:s12] =	ssyncset.done $0x0  }
0x14c: {  	s5 =	rddreg [dreg:$0x9];
	[sflag:s12] =	ssyncadd.s32 $0xFFFFD800  }
0x14d: {  	[spmem:s2] =	stream.indirect.scatter.add.f32 [tilespmem:s11], [sflag:$0x4], $0x80, s5, s8, $0xb8;
	[tilespmem:$0x1D400] =	vst v63  }
0x14e: {  	_ =	swait.ge [sflag:s6], $0x2800  }
0x14f: {  	[sflag:s6] =	ssyncset.done $0x0  }
0x150: {  	s5 =	rddreg [dreg:$0xa];
	[sflag:s6] =	ssyncadd.s32 $0xFFFFD800  }
0x151: {  	[tilespmem:s11], [sflag:$0x2] =	stream.indirect.gather [hbm4b:s4+s8], $0x80, s5, s8, $0xb8;
	[tilespmem:$0x1D400] =	vst v63  }
0x152: {  	_ =	swait.ge [sflag:s13], $0x2800  }
0x153: {  	[sflag:s13] =	ssyncset.done $0x0  }
0x154: {  	s5 =	rddreg [dreg:$0xb];
	[sflag:s13] =	ssyncadd.s32 $0xFFFFD800  }
0x155: {  	[spmem:s2] =	stream.indirect.scatter.add.f32 [tilespmem:s10], [sflag:$0x4], $0x80, s5, s8, $0xb8;
	[tilespmem:$0x1D400] =	vst v63  }
0x156: {  	_ =	swait.ge [sflag:s6], $0x2800  }
0x157: {  	[sflag:s6] =	ssyncset.done $0x0  }
0x158: {  	s5 =	rddreg [dreg:$0xc];
	[sflag:s6] =	ssyncadd.s32 $0xFFFFD800  }
0x159: {  	[tilespmem:s10], [sflag:$0x3] =	stream.indirect.gather [hbm4b:s4+s8], $0x80, s5, s8, $0xb8;
	[tilespmem:$0x1D400] =	vst v63  }
0x15a: {  	_ =	swait.ge [sflag:s9], $0x2800  }
0x15b: {  	[sflag:s9] =	ssyncset.done $0x0  }
0x15c: {  	s5 =	rddreg [dreg:$0xd];
	[sflag:s9] =	ssyncadd.s32 $0xFFFFD800  }
0x15d: {  	[spmem:s2] =	stream.indirect.scatter.add.f32 [tilespmem:s7], [sflag:$0x4], $0x80, s5, s8, $0xb8;
	[tilespmem:$0x1D400] =	vst v63  }
0x15e: {  	_ =	swait.ge [sflag:s6], $0x2800  }
0x15f: {  	[sflag:s6] =	ssyncset.done $0x0  }
0x160: {  	s5 =	rddreg [dreg:$0xe];
	[sflag:s6] =	ssyncadd.s32 $0xFFFFD800  }
0x161: {  	[tilespmem:s7], [sflag:$0x1] =	stream.indirect.gather [hbm4b:s4+s8], $0x80, s5, s8, $0xb8;
	[tilespmem:$0x1D400] =	vst v63  }
0x162: {  	_ =	swait.ge [sflag:s12], $0x2800  }
0x163: {  	[sflag:s12] =	ssyncset.done $0x0  }
0x164: {  	s5 =	rddreg [dreg:$0xf];
	[sflag:s12] =	ssyncadd.s32 $0xFFFFD800  }
0x165: {  	[spmem:s2] =	stream.indirect.scatter.add.f32 [tilespmem:s11], [sflag:$0x4], $0x80, s5, s8, $0xb8;
	[tilespmem:$0x1D400] =	vst v63  }
0x166: {  	_ =	swait.ge [sflag:s6], $0x2800  }
0x167: {  	[sflag:s6] =	ssyncset.done $0x0  }
0x168: {  	s5 =	rddreg [dreg:$0x10];
	[sflag:s6] =	ssyncadd.s32 $0xFFFFD800  }
0x169: {  	[tilespmem:s11], [sflag:$0x2] =	stream.indirect.gather [hbm4b:s4+s8], $0x80, s5, s8, $0xb8;
	[tilespmem:$0x1D400] =	vst v63  }
0x16a: {  	_ =	swait.ge [sflag:s13], $0x2800  }
0x16b: {  	[sflag:s13] =	ssyncset.done $0x0  }
0x16c: {  	s5 =	rddreg [dreg:$0x11];
	[sflag:s13] =	ssyncadd.s32 $0xFFFFD800  }
0x16d: {  	[spmem:s2] =	stream.indirect.scatter.add.f32 [tilespmem:s10], [sflag:$0x4], $0x80, s5, s8, $0xb8;
	[tilespmem:$0x1D400] =	vst v63  }
0x16e: {  	_ =	swait.ge [sflag:s6], $0x2800  }
0x16f: {  	[sflag:s6] =	ssyncset.done $0x0  }
0x170: {  	s5 =	rddreg [dreg:$0x12];
	[sflag:s6] =	ssyncadd.s32 $0xFFFFD800  }
0x171: {  	[tilespmem:s10], [sflag:$0x3] =	stream.indirect.gather [hbm4b:s4+s8], $0x80, s5, s8, $0xb8;
	[tilespmem:$0x1D400] =	vst v63  }
0x172: {  	_ =	swait.ge [sflag:s9], $0x2800  }
0x173: {  	[sflag:s9] =	ssyncset.done $0x0  }
0x174: {  	s5 =	rddreg [dreg:$0x13];
	[sflag:s9] =	ssyncadd.s32 $0xFFFFD800  }
0x175: {  	[spmem:s2] =	stream.indirect.scatter.add.f32 [tilespmem:s7], [sflag:$0x4], $0x80, s5, s8, $0xb8;
	[tilespmem:$0x1D400] =	vst v63  }
0x176: {  	_ =	swait.ge [sflag:s6], $0x2800  }
0x177: {  	[sflag:s6] =	ssyncset.done $0x0  }
0x178: {  	s5 =	rddreg [dreg:$0x14];
	[sflag:s6] =	ssyncadd.s32 $0xFFFFD800  }
0x179: {  	[tilespmem:s7], [sflag:$0x1] =	stream.indirect.gather [hbm4b:s4+s8], $0x80, s5, s8, $0xb8;
	[tilespmem:$0x1D400] =	vst v63  }
0x17a: {  	_ =	swait.ge [sflag:s12], $0x2800  }
0x17b: {  	[sflag:s12] =	ssyncset.done $0x0  }
0x17c: {  	s5 =	rddreg [dreg:$0x15];
	[sflag:s12] =	ssyncadd.s32 $0xFFFFD800  }
0x17d: {  	[spmem:s2] =	stream.indirect.scatter.add.f32 [tilespmem:s11], [sflag:$0x4], $0x80, s5, s8, $0xb8;
	[tilespmem:$0x1D400] =	vst v63  }
0x17e: {  	_ =	swait.ge [sflag:s6], $0x2800  }
0x17f: {  	[sflag:s6] =	ssyncset.done $0x0  }
0x180: {  	s5 =	rddreg [dreg:$0x16];
	[sflag:s6] =	ssyncadd.s32 $0xFFFFD800  }
0x181: {  	[tilespmem:s11], [sflag:$0x2] =	stream.indirect.gather [hbm4b:s4+s8], $0x80, s5, s8, $0xb8;
	[tilespmem:$0x1D400] =	vst v63  }
0x182: {  	_ =	swait.ge [sflag:s13], $0x2800  }
0x183: {  	[sflag:s13] =	ssyncset.done $0x0  }
0x184: {  	s5 =	rddreg [dreg:$0x17];
	[sflag:s13] =	ssyncadd.s32 $0xFFFFD800  }
0x185: {  	[spmem:s2] =	stream.indirect.scatter.add.f32 [tilespmem:s10], [sflag:$0x4], $0x80, s5, s8, $0xb8;
	[tilespmem:$0x1D400] =	vst v63  }
0x186: {  	_ =	swait.ge [sflag:s6], $0x2800  }
0x187: {  	[sflag:s6] =	ssyncset.done $0x0  }
0x188: {  	s5 =	rddreg [dreg:$0x18];
	[sflag:s6] =	ssyncadd.s32 $0xFFFFD800  }
0x189: {  	[tilespmem:s10], [sflag:$0x3] =	stream.indirect.gather [hbm4b:s4+s8], $0x80, s5, s8, $0xb8;
	[tilespmem:$0x1D400] =	vst v63  }
0x18a: {  	_ =	swait.ge [sflag:s9], $0x2800  }
0x18b: {  	[sflag:s9] =	ssyncset.done $0x0  }
0x18c: {  	s5 =	rddreg [dreg:$0x19];
	[sflag:s9] =	ssyncadd.s32 $0xFFFFD800  }
0x18d: {  	[spmem:s2] =	stream.indirect.scatter.add.f32 [tilespmem:s7], [sflag:$0x4], $0x80, s5, s8, $0xb8;
	[tilespmem:$0x1D400] =	vst v63  }
0x18e: {  	_ =	swait.ge [sflag:s6], $0x2800  }
0x18f: {  	[sflag:s6] =	ssyncset.done $0x0  }
0x190: {  	s5 =	rddreg [dreg:$0x1a];
	[sflag:s6] =	ssyncadd.s32 $0xFFFFD800  }
0x191: {  	[tilespmem:s7], [sflag:$0x1] =	stream.indirect.gather [hbm4b:s4+s8], $0x80, s5, s8, $0xb8;
	[tilespmem:$0x1D400] =	vst v63  }
0x192: {  	_ =	swait.ge [sflag:s12], $0x2800  }
0x193: {  	[sflag:s12] =	ssyncset.done $0x0  }
0x194: {  	s5 =	rddreg [dreg:$0x1b];
	[sflag:s12] =	ssyncadd.s32 $0xFFFFD800  }
0x195: {  	[spmem:s2] =	stream.indirect.scatter.add.f32 [tilespmem:s11], [sflag:$0x4], $0x80, s5, s8, $0xb8;
	[tilespmem:$0x1D400] =	vst v63  }
0x196: {  	_ =	swait.ge [sflag:s6], $0x2800  }
0x197: {  	[sflag:s6] =	ssyncset.done $0x0  }
0x198: {  	s5 =	rddreg [dreg:$0x1c];
	[sflag:s6] =	ssyncadd.s32 $0xFFFFD800  }
0x199: {  	[tilespmem:s11], [sflag:$0x2] =	stream.indirect.gather [hbm4b:s4+s8], $0x80, s5, s8, $0xb8;
	[tilespmem:$0x1D400] =	vst v63  }
0x19a: {  	_ =	swait.ge [sflag:s13], $0x2800  }
0x19b: {  	[sflag:s13] =	ssyncset.done $0x0  }
0x19c: {  	s5 =	rddreg [dreg:$0x1d];
	[sflag:s13] =	ssyncadd.s32 $0xFFFFD800  }
0x19d: {  	[spmem:s2] =	stream.indirect.scatter.add.f32 [tilespmem:s10], [sflag:$0x4], $0x80, s5, s8, $0xb8;
	[tilespmem:$0x1D400] =	vst v63  }
0x19e: {  	_ =	swait.ge [sflag:s6], $0x2800  }
0x19f: {  	[sflag:s6] =	ssyncset.done $0x0  }
0x1a0: {  	s5 =	rddreg [dreg:$0x1e];
	[sflag:s6] =	ssyncadd.s32 $0xFFFFD800  }
0x1a1: {  	[tilespmem:s10], [sflag:$0x3] =	stream.indirect.gather [hbm4b:s4+s8], $0x80, s5, s8, $0xb8;
	[tilespmem:$0x1D400] =	vst v63  }
0x1a2: {  	_ =	swait.ge [sflag:s9], $0x2800  }
0x1a3: {  	[sflag:s9] =	ssyncset.done $0x0  }
0x1a4: {  	s5 =	rddreg [dreg:$0x1f];
	[sflag:s9] =	ssyncadd.s32 $0xFFFFD800  }
0x1a5: {  	[spmem:s2] =	stream.indirect.scatter.add.f32 [tilespmem:s7], [sflag:$0x4], $0x80, s5, s8, $0xb8;
	[tilespmem:$0x1D400] =	vst v63  }
0x1a6: {  	_ =	swait.ge [sflag:s6], $0x2800  }
0x1a7: {  	s5 =	sld [smem:$0x7F6]  }
0x1a8: {  	[sflag:s6] =	ssyncset.done $0x0  }
0x1a9: {  	[sflag:s6] =	ssyncadd.s32 $0xFFFFD800  }
0x1aa: {  	[tilespmem:s7], [sflag:$0x1] =	stream.indirect.gather [hbm4b:s4+s8], $0x80, s5, s8, $0xb8;
	[tilespmem:$0x1D400] =	vst v63  }
0x1ab: {  	_ =	swait.ge [sflag:s12], $0x2800  }
0x1ac: {  	s5 =	sld [smem:$0x7F7]  }
0x1ad: {  	[sflag:s12] =	ssyncset.done $0x0  }
0x1ae: {  	[sflag:s12] =	ssyncadd.s32 $0xFFFFD800  }
0x1af: {  	[spmem:s2] =	stream.indirect.scatter.add.f32 [tilespmem:s11], [sflag:$0x4], $0x80, s5, s8, $0xb8;
	[tilespmem:$0x1D400] =	vst v63  }
0x1b0: {  	_ =	swait.ge [sflag:s6], $0x2800  }
0x1b1: {  	s5 =	sld [smem:$0x7F8]  }
0x1b2: {  	[sflag:s6] =	ssyncset.done $0x0  }
0x1b3: {  	[sflag:s6] =	ssyncadd.s32 $0xFFFFD800  }
0x1b4: {  	[tilespmem:s11], [sflag:$0x2] =	stream.indirect.gather [hbm4b:s4+s8], $0x80, s5, s8, $0xb8;
	[tilespmem:$0x1D400] =	vst v63  }
0x1b5: {  	_ =	swait.ge [sflag:s13], $0x2800  }
0x1b6: {  	s5 =	sld [smem:$0x7F9]  }
0x1b7: {  	[sflag:s13] =	ssyncset.done $0x0  }
0x1b8: {  	[sflag:s13] =	ssyncadd.s32 $0xFFFFD800  }
0x1b9: {  	[spmem:s2] =	stream.indirect.scatter.add.f32 [tilespmem:s10], [sflag:$0x4], $0x80, s5, s8, $0xb8;
	[tilespmem:$0x1D400] =	vst v63  }
0x1ba: {  	_ =	swait.ge [sflag:s6], $0x2800  }
0x1bb: {  	s5 =	sld [smem:$0x7FA]  }
0x1bc: {  	[sflag:s6] =	ssyncset.done $0x0  }
0x1bd: {  	[sflag:s6] =	ssyncadd.s32 $0xFFFFD800  }
0x1be: {  	[tilespmem:s10], [sflag:$0x3] =	stream.indirect.gather [hbm4b:s4+s8], $0x80, s5, s8, $0xb8;
	[tilespmem:$0x1D400] =	vst v63  }
0x1bf: {  	_ =	swait.ge [sflag:s9], $0x2800  }
0x1c0: {  	s5 =	sld [smem:$0x7FB]  }
0x1c1: {  	[sflag:s9] =	ssyncset.done $0x0  }
0x1c2: {  	[sflag:s9] =	ssyncadd.s32 $0xFFFFD800  }
0x1c3: {  	[spmem:s2] =	stream.indirect.scatter.add.f32 [tilespmem:s7], [sflag:$0x4], $0x80, s5, s8, $0xb8;
	[tilespmem:$0x1D400] =	vst v63  }
0x1c4: {  	_ =	swait.ge [sflag:s6], $0x2800  }
0x1c5: {  	s5 =	sld [smem:$0x7FC]  }
0x1c6: {  	[sflag:s6] =	ssyncset.done $0x0  }
0x1c7: {  	[sflag:s6] =	ssyncadd.s32 $0xFFFFD800  }
0x1c8: {  	[tilespmem:s7], [sflag:$0x1] =	stream.indirect.gather [hbm4b:s4+s8], $0x80, s5, s8, $0xb8;
	[tilespmem:$0x1D400] =	vst v63  }
0x1c9: {  	_ =	swait.ge [sflag:s12], $0x2800  }
0x1ca: {  	[sflag:s12] =	ssyncset.done $0x0  }
0x1cb: {  	[sflag:s12] =	ssyncadd.s32 $0xFFFFD800  }
0x1cc: {  	[spmem:s2] =	stream.indirect.scatter.add.f32 [tilespmem:s11], [sflag:$0x4], $0x80, s16, s8, $0xb8;
	[tilespmem:$0x1D400] =	vst v63  }
0x1cd: {  	_ =	swait.ge [sflag:s6], $0x2800  }
0x1ce: {  	[sflag:s6] =	ssyncset.done $0x0  }
0x1cf: {  	[sflag:s6] =	ssyncadd.s32 $0xFFFFD800  }
0x1d0: {  	[tilespmem:s11], [sflag:$0x2] =	stream.indirect.gather [hbm4b:s4+s8], $0x80, s17, s8, $0xb8;
	[tilespmem:$0x1D400] =	vst v63  }
0x1d1: {  	_ =	swait.ge [sflag:s13], $0x2800  }
0x1d2: {  	[sflag:s13] =	ssyncset.done $0x0  }
0x1d3: {  	[sflag:s13] =	ssyncadd.s32 $0xFFFFD800  }
0x1d4: {  	[spmem:s2] =	stream.indirect.scatter.add.f32 [tilespmem:s10], [sflag:$0x4], $0x80, s18, s8, $0xb8;
	[tilespmem:$0x1D400] =	vst v63  }
0x1d5: {  	_ =	swait.ge [sflag:s6], $0x2800  }
0x1d6: {  	[sflag:s6] =	ssyncset.done $0x0  }
0x1d7: {  	[sflag:s6] =	ssyncadd.s32 $0xFFFFD800  }
0x1d8: {  	[tilespmem:s10], [sflag:$0x3] =	stream.indirect.gather [hbm4b:s4+s8], $0x80, s19, s8, $0xb8;
	[tilespmem:$0x1D400] =	vst v63  }
0x1d9: {  	_ =	swait.ge [sflag:s9], $0x2800  }
0x1da: {  	[sflag:s9] =	ssyncset.done $0x0  }
0x1db: {  	[sflag:s9] =	ssyncadd.s32 $0xFFFFD800  }
0x1dc: {  	[spmem:s2] =	stream.indirect.scatter.add.f32 [tilespmem:s7], [sflag:$0x4], $0x80, s20, s8, $0xb8;
	[tilespmem:$0x1D400] =	vst v63  }
0x1dd: {  	_ =	swait.ge [sflag:s6], $0x2800  }
0x1de: {  	[sflag:s6] =	ssyncset.done $0x0  }
0x1df: {  	[sflag:s6] =	ssyncadd.s32 $0xFFFFD800  }
0x1e0: {  	[tilespmem:s7], [sflag:$0x1] =	stream.indirect.gather [hbm4b:s4+s8], $0x80, s21, s8, $0xb8;
	[tilespmem:$0x1D400] =	vst v63  }
0x1e1: {  	_ =	swait.ge [sflag:s12], $0x2800  }
0x1e2: {  	[sflag:s12] =	ssyncset.done $0x0  }
0x1e3: {  	[sflag:s12] =	ssyncadd.s32 $0xFFFFD800  }
0x1e4: {  	[spmem:s2] =	stream.indirect.scatter.add.f32 [tilespmem:s11], [sflag:$0x4], $0x80, s22, s8, $0xb8;
	[tilespmem:$0x1D400] =	vst v63  }
0x1e5: {  	_ =	swait.ge [sflag:s6], $0x2800  }
0x1e6: {  	[sflag:s6] =	ssyncset.done $0x0  }
0x1e7: {  	[sflag:s6] =	ssyncadd.s32 $0xFFFFD800  }
0x1e8: {  	[tilespmem:s11], [sflag:$0x2] =	stream.indirect.gather [hbm4b:s4+s8], $0x80, s23, s8, $0xb8;
	[tilespmem:$0x1D400] =	vst v63  }
0x1e9: {  	_ =	swait.ge [sflag:s13], $0x2800  }
0x1ea: {  	[sflag:s13] =	ssyncset.done $0x0  }
0x1eb: {  	[sflag:s13] =	ssyncadd.s32 $0xFFFFD800  }
0x1ec: {  	[spmem:s2] =	stream.indirect.scatter.add.f32 [tilespmem:s10], [sflag:$0x4], $0x80, s24, s8, $0xb8;
	[tilespmem:$0x1D400] =	vst v63  }
0x1ed: {  	_ =	swait.ge [sflag:s6], $0x2800  }
0x1ee: {  	[sflag:s6] =	ssyncset.done $0x0  }
0x1ef: {  	[sflag:s6] =	ssyncadd.s32 $0xFFFFD800  }
0x1f0: {  	[tilespmem:s10], [sflag:$0x3] =	stream.indirect.gather [hbm4b:s4+s8], $0x80, s25, s8, $0xb8;
	[tilespmem:$0x1D400] =	vst v63  }
0x1f1: {  	_ =	swait.ge [sflag:s9], $0x2800  }
0x1f2: {  	[sflag:s9] =	ssyncset.done $0x0  }
0x1f3: {  	[sflag:s9] =	ssyncadd.s32 $0xFFFFD800  }
0x1f4: {  	[spmem:s2] =	stream.indirect.scatter.add.f32 [tilespmem:s7], [sflag:$0x4], $0x80, s26, s8, $0xb8;
	[tilespmem:$0x1D400] =	vst v63  }
0x1f5: {  	_ =	swait.ge [sflag:s6], $0x2800  }
0x1f6: {  	[sflag:s6] =	ssyncset.done $0x0  }
0x1f7: {  	[sflag:s6] =	ssyncadd.s32 $0xFFFFD800  }
0x1f8: {  	[tilespmem:s7], [sflag:$0x1] =	stream.indirect.gather [hbm4b:s4+s8], $0x80, s28, s8, $0xb8;
	[tilespmem:$0x1D400] =	vst v63  }
0x1f9: {  	_ =	swait.ge [sflag:s12], $0x2800  }
0x1fa: {  	[sflag:s12] =	ssyncset.done $0x0  }
0x1fb: {  	[sflag:s12] =	ssyncadd.s32 $0xFFFFD800  }
0x1fc: {  	[spmem:s2] =	stream.indirect.scatter.add.f32 [tilespmem:s11], [sflag:$0x4], $0x80, s29, s8, $0xb8;
	[tilespmem:$0x1D400] =	vst v63  }
0x1fd: {  	_ =	swait.ge [sflag:s6], $0x2800  }
0x1fe: {  	[sflag:s6] =	ssyncset.done $0x0  }
0x1ff: {  	[sflag:s6] =	ssyncadd.s32 $0xFFFFD800  }
0x200: {  	_ =	swait.ge [sflag:s13], $0x2800  }
0x201: {  	[sflag:s13] =	ssyncset.done $0x0  }
0x202: {  	[sflag:s13] =	ssyncadd.s32 $0xFFFFD800  }
0x203: {  	[spmem:s2] =	stream.indirect.scatter.add.f32 [tilespmem:s10], [sflag:$0x4], $0x80, s30, s8, $0xb8;
	[tilespmem:$0x1D400] =	vst v63  }
0x204: {  	_ =	swait.ge [sflag:s6], $0x2800  }
0x205: {  	[sflag:s6] =	ssyncset.done $0x0  }
0x206: {  	[sflag:s6] =	ssyncadd.s32 $0xFFFFD800  }
0x207: {  	p0 =	sne.s32 s3, $0x1200;
	_ =	swait.ge [sflag:s9], $0x2800  }
.Ltmp1:
0x208: {  	[sflag:s9] =	ssyncset.done $0x0;
	(pc) =	sbr.rel @p0 .LBB2_3-.Ltmp1, $4  }
0x209: {  	[sflag:s9] =	ssyncadd.s32 $0xFFFFD800  }
0x20a: {  	[spmem:s2] =	stream.indirect.scatter.add.f32 [tilespmem:s7], [sflag:$0x4], $0x80, s31, s8, $0xb8;
	[tilespmem:$0x1D400] =	vst v63  }
0x20b: {  	_ =	swait.ge [sflag:s6], $0x2800  }
0x20c: {  	s3 =	sadd.s32 $0x200, s3;
	s1 =	rddreg [dreg:$0x5];
	[sflag:s6] =	ssyncset.done $0x0  }
0x20d: {  	[sflag:s6] =	ssyncadd.s32 $0xFFFFD800;
	s1 =	sadd.s32 s0, s1  }
0x20e: {  	[tilespmem:s14], [sflag:$0x4] =	stream.linear.gather [hbm4b:s1+s14], $0xC80, $0x38;
	[tilespmem:$0x1D400] =	vst v63  }
0x20f: {  	_ =	swait.ge [sflag:s6], $0xC80  }
0x210: {  	s5 =	rddreg [dreg:$0x4];
	[sflag:s6] =	ssyncset.done $0x0  }
0x211: {  	s3 =	sadd.s32 s0, s5;
	[sflag:s6] =	ssyncadd.s32 $0xFFFFF380  }
0x212: {  	[tilespmem:s15], [sflag:$0x4] =	stream.linear.gather [hbm4b:s3+s14], $0xC80, $0x38;
	[tilespmem:$0x1D400] =	vst v63  }
0x213: {  	_ =	swait.ge [sflag:s6], $0xC80  }
0x214: {  	[sflag:s6] =	ssyncset.done $0x0  }
0x215: {  	[sflag:s6] =	ssyncadd.s32 $0xFFFFF380  }
0x216: {  	[tilespmem:s7], [sflag:$0x1] =	stream.indirect.gather [hbm4b:s4+s8], $0x80, s14, s8, $0xb8;
	[tilespmem:$0x1D400] =	vst v63  }
0x217: {  	s5 =	rddreg [dreg:$0x6]  }
0x218: {  	[tilespmem:s11], [sflag:$0x2] =	stream.indirect.gather [hbm4b:s4+s8], $0x80, s5, s8, $0xb8;
	[tilespmem:$0x1D400] =	vst v63  }
0x219: {  	s14 =	rddreg [dreg:$0x7]  }
0x21a: {  	[tilespmem:s10], [sflag:$0x3] =	stream.indirect.gather [hbm4b:s4+s8], $0x80, s14, s8, $0xb8;
	[tilespmem:$0x1D400] =	vst v63  }
0x21b: {  	_ =	swait.ge [sflag:s9], $0x2800  }
0x21c: {  	[sflag:s9] =	ssyncset.done $0x0  }
0x21d: {  	[sflag:s9] =	ssyncadd.s32 $0xFFFFD800  }
0x21e: {  	[spmem:s2] =	stream.indirect.scatter.add.f32 [tilespmem:s7], [sflag:$0x4], $0x80, s15, s8, $0xb8;
	[tilespmem:$0x1D400] =	vst v63  }
0x21f: {  	_ =	swait.ge [sflag:s6], $0x2800  }
0x220: {  	[sflag:s6] =	ssyncset.done $0x0  }
0x221: {  	s15 =	rddreg [dreg:$0x8];
	[sflag:s6] =	ssyncadd.s32 $0xFFFFD800  }
0x222: {  	[tilespmem:s7], [sflag:$0x1] =	stream.indirect.gather [hbm4b:s4+s8], $0x80, s15, s8, $0xb8;
	[tilespmem:$0x1D400] =	vst v63  }
0x223: {  	_ =	swait.ge [sflag:s12], $0x2800  }
0x224: {  	[sflag:s12] =	ssyncset.done $0x0  }
0x225: {  	s1 =	rddreg [dreg:$0x9];
	[sflag:s12] =	ssyncadd.s32 $0xFFFFD800  }
0x226: {  	[spmem:s2] =	stream.indirect.scatter.add.f32 [tilespmem:s11], [sflag:$0x4], $0x80, s1, s8, $0xb8;
	[tilespmem:$0x1D400] =	vst v63  }
0x227: {  	_ =	swait.ge [sflag:s6], $0x2800  }
0x228: {  	[sflag:s6] =	ssyncset.done $0x0  }
0x229: {  	s3 =	rddreg [dreg:$0xa];
	[sflag:s6] =	ssyncadd.s32 $0xFFFFD800  }
0x22a: {  	[tilespmem:s11], [sflag:$0x2] =	stream.indirect.gather [hbm4b:s4+s8], $0x80, s3, s8, $0xb8;
	[tilespmem:$0x1D400] =	vst v63  }
0x22b: {  	_ =	swait.ge [sflag:s13], $0x2800  }
0x22c: {  	[sflag:s13] =	ssyncset.done $0x0  }
0x22d: {  	s5 =	rddreg [dreg:$0xb];
	[sflag:s13] =	ssyncadd.s32 $0xFFFFD800  }
0x22e: {  	[spmem:s2] =	stream.indirect.scatter.add.f32 [tilespmem:s10], [sflag:$0x4], $0x80, s5, s8, $0xb8;
	[tilespmem:$0x1D400] =	vst v63  }
0x22f: {  	_ =	swait.ge [sflag:s6], $0x2800  }
0x230: {  	[sflag:s6] =	ssyncset.done $0x0  }
0x231: {  	s14 =	rddreg [dreg:$0xc];
	[sflag:s6] =	ssyncadd.s32 $0xFFFFD800  }
0x232: {  	[tilespmem:s10], [sflag:$0x3] =	stream.indirect.gather [hbm4b:s4+s8], $0x80, s14, s8, $0xb8;
	[tilespmem:$0x1D400] =	vst v63  }
0x233: {  	_ =	swait.ge [sflag:s9], $0x2800  }
0x234: {  	[sflag:s9] =	ssyncset.done $0x0  }
0x235: {  	s15 =	rddreg [dreg:$0xd];
	[sflag:s9] =	ssyncadd.s32 $0xFFFFD800  }
0x236: {  	[spmem:s2] =	stream.indirect.scatter.add.f32 [tilespmem:s7], [sflag:$0x4], $0x80, s15, s8, $0xb8;
	[tilespmem:$0x1D400] =	vst v63  }
0x237: {  	_ =	swait.ge [sflag:s6], $0x2800  }
0x238: {  	[sflag:s6] =	ssyncset.done $0x0  }
0x239: {  	s1 =	rddreg [dreg:$0xe];
	[sflag:s6] =	ssyncadd.s32 $0xFFFFD800  }
0x23a: {  	[tilespmem:s7], [sflag:$0x1] =	stream.indirect.gather [hbm4b:s4+s8], $0x80, s1, s8, $0xb8;
	[tilespmem:$0x1D400] =	vst v63  }
0x23b: {  	_ =	swait.ge [sflag:s12], $0x2800  }
0x23c: {  	[sflag:s12] =	ssyncset.done $0x0  }
0x23d: {  	s3 =	rddreg [dreg:$0xf];
	[sflag:s12] =	ssyncadd.s32 $0xFFFFD800  }
0x23e: {  	[spmem:s2] =	stream.indirect.scatter.add.f32 [tilespmem:s11], [sflag:$0x4], $0x80, s3, s8, $0xb8;
	[tilespmem:$0x1D400] =	vst v63  }
0x23f: {  	_ =	swait.ge [sflag:s6], $0x2800  }
0x240: {  	[sflag:s6] =	ssyncset.done $0x0  }
0x241: {  	s5 =	rddreg [dreg:$0x10];
	[sflag:s6] =	ssyncadd.s32 $0xFFFFD800  }
0x242: {  	[tilespmem:s11], [sflag:$0x2] =	stream.indirect.gather [hbm4b:s4+s8], $0x80, s5, s8, $0xb8;
	[tilespmem:$0x1D400] =	vst v63  }
0x243: {  	_ =	swait.ge [sflag:s13], $0x2800  }
0x244: {  	[sflag:s13] =	ssyncset.done $0x0  }
0x245: {  	s14 =	rddreg [dreg:$0x11];
	[sflag:s13] =	ssyncadd.s32 $0xFFFFD800  }
0x246: {  	[spmem:s2] =	stream.indirect.scatter.add.f32 [tilespmem:s10], [sflag:$0x4], $0x80, s14, s8, $0xb8;
	[tilespmem:$0x1D400] =	vst v63  }
0x247: {  	_ =	swait.ge [sflag:s6], $0x2800  }
0x248: {  	[sflag:s6] =	ssyncset.done $0x0  }
0x249: {  	s15 =	rddreg [dreg:$0x12];
	[sflag:s6] =	ssyncadd.s32 $0xFFFFD800  }
0x24a: {  	[tilespmem:s10], [sflag:$0x3] =	stream.indirect.gather [hbm4b:s4+s8], $0x80, s15, s8, $0xb8;
	[tilespmem:$0x1D400] =	vst v63  }
0x24b: {  	_ =	swait.ge [sflag:s9], $0x2800  }
0x24c: {  	[sflag:s9] =	ssyncset.done $0x0  }
0x24d: {  	s1 =	rddreg [dreg:$0x13];
	[sflag:s9] =	ssyncadd.s32 $0xFFFFD800  }
0x24e: {  	[spmem:s2] =	stream.indirect.scatter.add.f32 [tilespmem:s7], [sflag:$0x4], $0x80, s1, s8, $0xb8;
	[tilespmem:$0x1D400] =	vst v63  }
0x24f: {  	_ =	swait.ge [sflag:s6], $0x2800  }
0x250: {  	[sflag:s6] =	ssyncset.done $0x0  }
0x251: {  	s3 =	rddreg [dreg:$0x14];
	[sflag:s6] =	ssyncadd.s32 $0xFFFFD800  }
0x252: {  	[tilespmem:s7], [sflag:$0x1] =	stream.indirect.gather [hbm4b:s4+s8], $0x80, s3, s8, $0xb8;
	[tilespmem:$0x1D400] =	vst v63  }
0x253: {  	_ =	swait.ge [sflag:s12], $0x2800  }
0x254: {  	[sflag:s12] =	ssyncset.done $0x0  }
0x255: {  	s5 =	rddreg [dreg:$0x15];
	[sflag:s12] =	ssyncadd.s32 $0xFFFFD800  }
0x256: {  	[spmem:s2] =	stream.indirect.scatter.add.f32 [tilespmem:s11], [sflag:$0x4], $0x80, s5, s8, $0xb8;
	[tilespmem:$0x1D400] =	vst v63  }
0x257: {  	_ =	swait.ge [sflag:s6], $0x2800  }
0x258: {  	[sflag:s6] =	ssyncset.done $0x0  }
0x259: {  	s14 =	rddreg [dreg:$0x16];
	[sflag:s6] =	ssyncadd.s32 $0xFFFFD800  }
0x25a: {  	[tilespmem:s11], [sflag:$0x2] =	stream.indirect.gather [hbm4b:s4+s8], $0x80, s14, s8, $0xb8;
	[tilespmem:$0x1D400] =	vst v63  }
0x25b: {  	_ =	swait.ge [sflag:s13], $0x2800  }
0x25c: {  	[sflag:s13] =	ssyncset.done $0x0  }
0x25d: {  	s15 =	rddreg [dreg:$0x17];
	[sflag:s13] =	ssyncadd.s32 $0xFFFFD800  }
0x25e: {  	[spmem:s2] =	stream.indirect.scatter.add.f32 [tilespmem:s10], [sflag:$0x4], $0x80, s15, s8, $0xb8;
	[tilespmem:$0x1D400] =	vst v63  }
0x25f: {  	_ =	swait.ge [sflag:s6], $0x2800  }
0x260: {  	[sflag:s6] =	ssyncset.done $0x0  }
0x261: {  	s1 =	rddreg [dreg:$0x18];
	[sflag:s6] =	ssyncadd.s32 $0xFFFFD800  }
0x262: {  	[tilespmem:s10], [sflag:$0x3] =	stream.indirect.gather [hbm4b:s4+s8], $0x80, s1, s8, $0xb8;
	[tilespmem:$0x1D400] =	vst v63  }
0x263: {  	_ =	swait.ge [sflag:s9], $0x2800  }
0x264: {  	[sflag:s9] =	ssyncset.done $0x0  }
0x265: {  	s3 =	rddreg [dreg:$0x19];
	[sflag:s9] =	ssyncadd.s32 $0xFFFFD800  }
0x266: {  	[spmem:s2] =	stream.indirect.scatter.add.f32 [tilespmem:s7], [sflag:$0x4], $0x80, s3, s8, $0xb8;
	[tilespmem:$0x1D400] =	vst v63  }
0x267: {  	_ =	swait.ge [sflag:s6], $0x2800  }
0x268: {  	[sflag:s6] =	ssyncset.done $0x0  }
0x269: {  	s5 =	rddreg [dreg:$0x1a];
	[sflag:s6] =	ssyncadd.s32 $0xFFFFD800  }
0x26a: {  	[tilespmem:s7], [sflag:$0x1] =	stream.indirect.gather [hbm4b:s4+s8], $0x80, s5, s8, $0xb8;
	[tilespmem:$0x1D400] =	vst v63  }
0x26b: {  	_ =	swait.ge [sflag:s12], $0x2800  }
0x26c: {  	[sflag:s12] =	ssyncset.done $0x0  }
0x26d: {  	s14 =	rddreg [dreg:$0x1b];
	[sflag:s12] =	ssyncadd.s32 $0xFFFFD800  }
0x26e: {  	[spmem:s2] =	stream.indirect.scatter.add.f32 [tilespmem:s11], [sflag:$0x4], $0x80, s14, s8, $0xb8;
	[tilespmem:$0x1D400] =	vst v63  }
0x26f: {  	_ =	swait.ge [sflag:s6], $0x2800  }
0x270: {  	[sflag:s6] =	ssyncset.done $0x0  }
0x271: {  	s15 =	rddreg [dreg:$0x1c];
	[sflag:s6] =	ssyncadd.s32 $0xFFFFD800  }
0x272: {  	[tilespmem:s11], [sflag:$0x2] =	stream.indirect.gather [hbm4b:s4+s8], $0x80, s15, s8, $0xb8;
	[tilespmem:$0x1D400] =	vst v63  }
0x273: {  	_ =	swait.ge [sflag:s13], $0x2800  }
0x274: {  	[sflag:s13] =	ssyncset.done $0x0  }
0x275: {  	s1 =	rddreg [dreg:$0x1d];
	[sflag:s13] =	ssyncadd.s32 $0xFFFFD800  }
0x276: {  	[spmem:s2] =	stream.indirect.scatter.add.f32 [tilespmem:s10], [sflag:$0x4], $0x80, s1, s8, $0xb8;
	[tilespmem:$0x1D400] =	vst v63  }
0x277: {  	_ =	swait.ge [sflag:s6], $0x2800  }
0x278: {  	[sflag:s6] =	ssyncset.done $0x0  }
0x279: {  	s3 =	rddreg [dreg:$0x1e];
	[sflag:s6] =	ssyncadd.s32 $0xFFFFD800  }
0x27a: {  	[tilespmem:s10], [sflag:$0x3] =	stream.indirect.gather [hbm4b:s4+s8], $0x80, s3, s8, $0xb8;
	[tilespmem:$0x1D400] =	vst v63  }
0x27b: {  	_ =	swait.ge [sflag:s9], $0x2800  }
0x27c: {  	[sflag:s9] =	ssyncset.done $0x0  }
0x27d: {  	s5 =	rddreg [dreg:$0x1f];
	[sflag:s9] =	ssyncadd.s32 $0xFFFFD800  }
0x27e: {  	[spmem:s2] =	stream.indirect.scatter.add.f32 [tilespmem:s7], [sflag:$0x4], $0x80, s5, s8, $0xb8;
	[tilespmem:$0x1D400] =	vst v63  }
0x27f: {  	_ =	swait.ge [sflag:s6], $0x2800  }
0x280: {  	s14 =	sld [smem:$0x7F6]  }
0x281: {  	[sflag:s6] =	ssyncset.done $0x0  }
0x282: {  	[sflag:s6] =	ssyncadd.s32 $0xFFFFD800  }
0x283: {  	[tilespmem:s7], [sflag:$0x1] =	stream.indirect.gather [hbm4b:s4+s8], $0x80, s14, s8, $0xb8;
	[tilespmem:$0x1D400] =	vst v63  }
0x284: {  	_ =	swait.ge [sflag:s12], $0x2800  }
0x285: {  	s15 =	sld [smem:$0x7F7]  }
0x286: {  	[sflag:s12] =	ssyncset.done $0x0  }
0x287: {  	[sflag:s12] =	ssyncadd.s32 $0xFFFFD800  }
0x288: {  	[spmem:s2] =	stream.indirect.scatter.add.f32 [tilespmem:s11], [sflag:$0x4], $0x80, s15, s8, $0xb8;
	[tilespmem:$0x1D400] =	vst v63  }
0x289: {  	_ =	swait.ge [sflag:s6], $0x2800  }
0x28a: {  	s1 =	sld [smem:$0x7F8]  }
0x28b: {  	[sflag:s6] =	ssyncset.done $0x0  }
0x28c: {  	[sflag:s6] =	ssyncadd.s32 $0xFFFFD800  }
0x28d: {  	[tilespmem:s11], [sflag:$0x2] =	stream.indirect.gather [hbm4b:s4+s8], $0x80, s1, s8, $0xb8;
	[tilespmem:$0x1D400] =	vst v63  }
0x28e: {  	_ =	swait.ge [sflag:s13], $0x2800  }
0x28f: {  	s3 =	sld [smem:$0x7F9]  }
0x290: {  	[sflag:s13] =	ssyncset.done $0x0  }
0x291: {  	[sflag:s13] =	ssyncadd.s32 $0xFFFFD800  }
0x292: {  	[spmem:s2] =	stream.indirect.scatter.add.f32 [tilespmem:s10], [sflag:$0x4], $0x80, s3, s8, $0xb8;
	[tilespmem:$0x1D400] =	vst v63  }
0x293: {  	_ =	swait.ge [sflag:s6], $0x2800  }
0x294: {  	s5 =	sld [smem:$0x7FA]  }
0x295: {  	[sflag:s6] =	ssyncset.done $0x0  }
0x296: {  	[sflag:s6] =	ssyncadd.s32 $0xFFFFD800  }
0x297: {  	[tilespmem:s10], [sflag:$0x3] =	stream.indirect.gather [hbm4b:s4+s8], $0x80, s5, s8, $0xb8;
	[tilespmem:$0x1D400] =	vst v63  }
0x298: {  	_ =	swait.ge [sflag:s9], $0x2800  }
0x299: {  	s14 =	sld [smem:$0x7FB]  }
0x29a: {  	[sflag:s9] =	ssyncset.done $0x0  }
0x29b: {  	[sflag:s9] =	ssyncadd.s32 $0xFFFFD800  }
0x29c: {  	[spmem:s2] =	stream.indirect.scatter.add.f32 [tilespmem:s7], [sflag:$0x4], $0x80, s14, s8, $0xb8;
	[tilespmem:$0x1D400] =	vst v63  }
0x29d: {  	_ =	swait.ge [sflag:s6], $0x2800  }
0x29e: {  	s15 =	sld [smem:$0x7FC]  }
0x29f: {  	[sflag:s6] =	ssyncset.done $0x0  }
0x2a0: {  	[sflag:s6] =	ssyncadd.s32 $0xFFFFD800  }
0x2a1: {  	[tilespmem:s7], [sflag:$0x1] =	stream.indirect.gather [hbm4b:s4+s8], $0x80, s15, s8, $0xb8;
	[tilespmem:$0x1D400] =	vst v63  }
0x2a2: {  	_ =	swait.ge [sflag:s12], $0x2800  }
0x2a3: {  	[sflag:s12] =	ssyncset.done $0x0  }
0x2a4: {  	[sflag:s12] =	ssyncadd.s32 $0xFFFFD800  }
0x2a5: {  	[spmem:s2] =	stream.indirect.scatter.add.f32 [tilespmem:s11], [sflag:$0x4], $0x80, s16, s8, $0xb8;
	[tilespmem:$0x1D400] =	vst v63  }
0x2a6: {  	_ =	swait.ge [sflag:s6], $0x2800  }
0x2a7: {  	[sflag:s6] =	ssyncset.done $0x0  }
0x2a8: {  	[sflag:s6] =	ssyncadd.s32 $0xFFFFD800  }
0x2a9: {  	[tilespmem:s11], [sflag:$0x2] =	stream.indirect.gather [hbm4b:s4+s8], $0x80, s17, s8, $0xb8;
	[tilespmem:$0x1D400] =	vst v63  }
0x2aa: {  	_ =	swait.ge [sflag:s13], $0x2800  }
0x2ab: {  	[sflag:s13] =	ssyncset.done $0x0  }
0x2ac: {  	[sflag:s13] =	ssyncadd.s32 $0xFFFFD800  }
0x2ad: {  	[spmem:s2] =	stream.indirect.scatter.add.f32 [tilespmem:s10], [sflag:$0x4], $0x80, s18, s8, $0xb8;
	[tilespmem:$0x1D400] =	vst v63  }
0x2ae: {  	_ =	swait.ge [sflag:s6], $0x2800  }
0x2af: {  	[sflag:s6] =	ssyncset.done $0x0  }
0x2b0: {  	[sflag:s6] =	ssyncadd.s32 $0xFFFFD800  }
0x2b1: {  	[tilespmem:s10], [sflag:$0x3] =	stream.indirect.gather [hbm4b:s4+s8], $0x80, s19, s8, $0xb8;
	[tilespmem:$0x1D400] =	vst v63  }
0x2b2: {  	_ =	swait.ge [sflag:s9], $0x2800  }
0x2b3: {  	[sflag:s9] =	ssyncset.done $0x0  }
0x2b4: {  	[sflag:s9] =	ssyncadd.s32 $0xFFFFD800  }
0x2b5: {  	[spmem:s2] =	stream.indirect.scatter.add.f32 [tilespmem:s7], [sflag:$0x4], $0x80, s20, s8, $0xb8;
	[tilespmem:$0x1D400] =	vst v63  }
0x2b6: {  	_ =	swait.ge [sflag:s6], $0x2800  }
0x2b7: {  	[sflag:s6] =	ssyncset.done $0x0  }
0x2b8: {  	[sflag:s6] =	ssyncadd.s32 $0xFFFFD800  }
0x2b9: {  	[tilespmem:s7], [sflag:$0x1] =	stream.indirect.gather [hbm4b:s4+s8], $0x80, s21, s8, $0xb8;
	[tilespmem:$0x1D400] =	vst v63  }
0x2ba: {  	_ =	swait.ge [sflag:s12], $0x2800  }
0x2bb: {  	[sflag:s12] =	ssyncset.done $0x0  }
0x2bc: {  	[sflag:s12] =	ssyncadd.s32 $0xFFFFD800  }
0x2bd: {  	[spmem:s2] =	stream.indirect.scatter.add.f32 [tilespmem:s11], [sflag:$0x4], $0x80, s22, s8, $0xb8;
	[tilespmem:$0x1D400] =	vst v63  }
0x2be: {  	_ =	swait.ge [sflag:s6], $0x2800  }
0x2bf: {  	[sflag:s6] =	ssyncset.done $0x0  }
0x2c0: {  	[sflag:s6] =	ssyncadd.s32 $0xFFFFD800  }
0x2c1: {  	[tilespmem:s11], [sflag:$0x2] =	stream.indirect.gather [hbm4b:s4+s8], $0x80, s23, s8, $0xb8;
	[tilespmem:$0x1D400] =	vst v63  }
0x2c2: {  	_ =	swait.ge [sflag:s13], $0x2800  }
0x2c3: {  	[sflag:s13] =	ssyncset.done $0x0  }
0x2c4: {  	[sflag:s13] =	ssyncadd.s32 $0xFFFFD800  }
0x2c5: {  	[spmem:s2] =	stream.indirect.scatter.add.f32 [tilespmem:s10], [sflag:$0x4], $0x80, s24, s8, $0xb8;
	[tilespmem:$0x1D400] =	vst v63  }
0x2c6: {  	_ =	swait.ge [sflag:s6], $0x2800  }
0x2c7: {  	[sflag:s6] =	ssyncset.done $0x0  }
0x2c8: {  	[sflag:s6] =	ssyncadd.s32 $0xFFFFD800  }
0x2c9: {  	[tilespmem:s10], [sflag:$0x3] =	stream.indirect.gather [hbm4b:s4+s8], $0x80, s25, s8, $0xb8;
	[tilespmem:$0x1D400] =	vst v63  }
0x2ca: {  	_ =	swait.ge [sflag:s9], $0x2800  }
0x2cb: {  	[sflag:s9] =	ssyncset.done $0x0  }
0x2cc: {  	[sflag:s9] =	ssyncadd.s32 $0xFFFFD800  }
0x2cd: {  	[spmem:s2] =	stream.indirect.scatter.add.f32 [tilespmem:s7], [sflag:$0x4], $0x80, s26, s8, $0xb8;
	[tilespmem:$0x1D400] =	vst v63  }
0x2ce: {  	_ =	swait.ge [sflag:s6], $0x2800  }
0x2cf: {  	[sflag:s6] =	ssyncset.done $0x0  }
0x2d0: {  	[sflag:s6] =	ssyncadd.s32 $0xFFFFD800  }
0x2d1: {  	[tilespmem:s7], [sflag:$0x1] =	stream.indirect.gather [hbm4b:s4+s8], $0x80, s28, s8, $0xb8;
	[tilespmem:$0x1D400] =	vst v63  }
0x2d2: {  	_ =	swait.ge [sflag:s12], $0x2800  }
0x2d3: {  	[sflag:s12] =	ssyncset.done $0x0  }
0x2d4: {  	[sflag:s12] =	ssyncadd.s32 $0xFFFFD800  }
0x2d5: {  	[spmem:s2] =	stream.indirect.scatter.add.f32 [tilespmem:s11], [sflag:$0x4], $0x80, s29, s8, $0xb8;
	[tilespmem:$0x1D400] =	vst v63  }
0x2d6: {  	_ =	swait.ge [sflag:s6], $0x2800  }
0x2d7: {  	[sflag:s6] =	ssyncset.done $0x0  }
0x2d8: {  	[sflag:s6] =	ssyncadd.s32 $0xFFFFD800  }
0x2d9: {  	_ =	swait.ge [sflag:s13], $0x2800  }
0x2da: {  	[sflag:s13] =	ssyncset.done $0x0  }
0x2db: {  	[sflag:s13] =	ssyncadd.s32 $0xFFFFD800  }
0x2dc: {  	[spmem:s2] =	stream.indirect.scatter.add.f32 [tilespmem:s10], [sflag:$0x4], $0x80, s30, s8, $0xb8;
	[tilespmem:$0x1D400] =	vst v63  }
0x2dd: {  	_ =	swait.ge [sflag:s6], $0x2800  }
0x2de: {  	[sflag:s6] =	ssyncset.done $0x0  }
0x2df: {  	[sflag:s6] =	ssyncadd.s32 $0xFFFFD800  }
0x2e0: {  	_ =	swait.ge [sflag:s9], $0x2800  }
0x2e1: {  	[sflag:s9] =	ssyncset.done $0x0  }
0x2e2: {  	[sflag:s9] =	ssyncadd.s32 $0xFFFFD800  }
0x2e3: {  	[spmem:s2] =	stream.indirect.scatter.add.f32 [tilespmem:s7], [sflag:$0x4], $0x80, s31, s8, $0xb8;
	[tilespmem:$0x1D400] =	vst v63  }
0x2e4: {  	_ =	swait.ge [sflag:s6], $0x2800  }
0x2e5: {  	[sflag:s6] =	ssyncset.done $0x0  }
0x2e6: {  	[sflag:s6] =	ssyncadd.s32 $0xFFFFD800  }
0x2e7: {  	s28 =	sld [smem:$0x7FD];
	[bflag:$0x0] =	sbarrier.arrive $0xFFFF  }
0x2e8: {  	s3 =	stileid.u32;
	s30 =	sld [smem:$0x7F5]  }
0x2e9: {  	s26 =	smul.u32 $0x2780, s3;
	s29 =	sshll.u32 s3, $0x6  }
0x2ea: {  	s1 =	sor.u32 $0x1C04, s29  }
0x2eb: {  	s31 =	simm.s32 $0x4;
	s0 =	sadd.s32 s28, s26;
	s2 =	sshrl.u32 s30, $0x3  }
0x2ec: {  	[hbm:s0], [sflag:s1] =	dma.local [spmem:s2], $0x2780  }
0x2ed: {  	_ =	swait.ge [sflag:s31], $0x2780  }
0x2ee: {  	[sflag:s31] =	ssyncset.done $0x0  }
0x2ef: {  	[sflag:s31] =	ssyncadd.s32 $0xFFFFD880  }
0x2f0: {  	_ =	sfence.sel $0x180000  }
0x2f1: {  	[bflag:$0x0] =	sbarrier.arrive $0xFFFF  }
0x2f2: {  	_ =	strace $0x90000047  }
0x2f3: {  	[bflag:$0x2] =	sbarrier.arrive $0xFFFF  }
0x2f4: {  	p0 =	sne.s32 s3, $0x0;
	s0 =	rddreg [dreg:$0x3]  }
0x2f5: {  	s0 =	sadd.s32 @!p0 $0x100000, s0  }
0x2f6: {  	[sflag:s0] =	ssyncadd.tile.s32 @!p0 $0x1;
	_ =	shalt  }
.Lfunc_end2:
_tile_overlayer_lowered:
.L_overlay_start_2:
0x2f7: {  	(tag) =	ssettag $0x2  }
0x2f8: {  	s0 =	rddreg [dreg:$0x0];
	s2 =	stileid.u32  }
0x2f9: {  	s1 =	rddreg [dreg:$0x1];
	p0 =	sne.s32 s2, $0x0  }
0x2fa: {  	s3 =	rddreg [dreg:$0x2];
	[bflag:$0x3] =	sbarrier.arrive $0xFFFF;
	s2 =	simm.s32 @!p0 $0x1C04  }
0x2fb: {  	[timem:s3], [sflag:s2] =	dma.local @!p0 [hbm:s0], s1  }
0x2fc: {  	s0 =	simm.s32 @!p0 $0x4  }
0x2fd: {  	_ =	swait.ge @!p0 [sflag:s0], s1  }
0x2fe: {  	s1 =	ssub.s32 @!p0 $0x0, s1;
	[sflag:s0] =	ssyncset.done @!p0 $0x0  }
0x2ff: {  	[sflag:s0] =	ssyncadd.s32 @!p0 s1  }
0x300: {  	[bflag:$0x3] =	sbarrier.arrive $0xFFFF  }
0x301: {  	_ =	shalt  }

</sc_bundles>
